<compile_context>
chip_gen: v7x
topology: tpu7x:2x2x1
jax: 0.10.2.dev20260603
libtpu: 0.0.44.dev20260713+nightly
codegen_flags: <defaults>
</compile_context>

<pallas_src>
import functools
import math

import jax
import jax.numpy as jnp
from jax import lax
from jax.experimental import pallas as pl
from jax.experimental.pallas import tpu as pltpu
from jax.experimental.pallas import tpu_sc as plsc

D = 64
SCALE = math.sqrt(D)
NBUF = 2
ROWS = 128
VBLK = 128


def _make_relayout(V: int):
  info = plsc.get_sparse_core_info()
  NC, NS, L = info.num_cores, info.num_subcores, info.num_lanes
  NW = NC * NS
  n_full = V // VBLK
  n_iter = (n_full + NW - 1) // NW

  mesh = plsc.VectorSubcoreMesh(core_axis_name="c", subcore_axis_name="s")

  @functools.partial(
      pl.kernel,
      out_type=jax.ShapeDtypeStruct((V * D,), jnp.float32),
      mesh=mesh,
      scratch_types=[
          pltpu.VMEM((D, VBLK), jnp.float32),
          pltpu.VMEM((D, VBLK), jnp.float32),
          pltpu.VMEM((8576,), jnp.float32),
          pltpu.VMEM((8576,), jnp.float32),
          pltpu.VMEM((D * VBLK,), jnp.float32),
          pltpu.VMEM((D * VBLK,), jnp.float32),
          pltpu.SemaphoreType.DMA,
          pltpu.SemaphoreType.DMA,
          pltpu.SemaphoreType.DMA,
          pltpu.SemaphoreType.DMA,
      ],
      compiler_params=pltpu.CompilerParams(
          use_tc_tiling_on_sc=True, needs_layout_passes=False),
  )
  def relayout(tt_hbm, out_hbm, tiles0, tiles1, tflat0, tflat1,
               cb0, cb1, g0, g1, s0, s1):
    tiles_b = (tiles0, tiles1)
    tflat_b = (tflat0, tflat1)
    cb_b = (cb0, cb1)
    gsem = (g0, g1)
    ssem = (s0, s1)
    wid = lax.axis_index("s") * NC + lax.axis_index("c")

    def load(c, b):
      return pltpu.make_async_copy(
          tt_hbm.at[:, pl.ds(c * VBLK, VBLK)], tiles_b[b], gsem[b])

    def store(c, b):
      return pltpu.make_async_copy(
          cb_b[b], out_hbm.at[pl.ds(c * (VBLK * D), VBLK * D)], ssem[b])

    lane = lax.iota(jnp.int32, L)
    f133 = [(lane + fg * L) * 133 for fg in range(D // L)]

    for b in range(NBUF):
      @pl.when(wid + b * NW < n_full)
      def _():
        load(wid + b * NW, b).start()

    @pl.loop(0, n_iter, step=NBUF)
    def _(t):
      for b in range(NBUF):
        c = wid + (t + b) * NW

        @pl.when(c < n_full)
        def _():
          load(c, b).wait()
          tf = tflat_b[b]
          tv = tiles_b[b]

          @plsc.parallel_loop(0, D, unroll=2)
          def _(f):
            for vg in range(VBLK // L):
              tf[pl.ds(f * 133 + vg * L, L)] = tv[f, pl.ds(vg * L, L)]

          nc = c + NW * NBUF

          @pl.when(nc < n_full)
          def _():
            load(nc, b).start()

          @pl.when(c >= NW * NBUF)
          def _():
            store(c - NW * NBUF, b).wait()

          cb = cb_b[b]

          @plsc.parallel_loop(0, VBLK, unroll=2)
          def _(v):
            for fg in range(D // L):
              vals = plsc.load_gather(tf, [f133[fg] + v])
              cb[pl.ds(v * D + fg * L, L)] = vals

          store(c, b).start()

    for b in range(NBUF):
      store(0, b).wait()

  return relayout


def _make_lookup(S0: int, S1: int, V2: int):
  info = plsc.get_sparse_core_info()
  NC, NS, L = info.num_cores, info.num_subcores, info.num_lanes
  NW = NC * NS
  n_mblk = S0 // ROWS
  n_groups = S1 * n_mblk
  assert n_groups % NW == 0
  g_per_w = n_groups // NW
  assert g_per_w % NBUF == 0
  d_blk = D // 8

  mesh = plsc.VectorSubcoreMesh(core_axis_name="c", subcore_axis_name="s")

  @functools.partial(
      pl.kernel,
      out_type=jax.ShapeDtypeStruct((S1, d_blk, n_mblk, 8, L * 8), jnp.float32),
      mesh=mesh,
      scratch_types=[
          pltpu.VMEM((g_per_w * ROWS,), jnp.int32),
          pltpu.VMEM((NBUF, 2 * ROWS, D // 2), jnp.float32),
          pltpu.VMEM((NBUF, 2 * ROWS), jnp.int32),
          pltpu.VMEM((NBUF, D, L * 8 + 1), jnp.float32),
          pltpu.SemaphoreType.DMA,
          pltpu.SemaphoreType.DMA,
          pltpu.SemaphoreType.DMA,
          pltpu.SemaphoreType.DMA,
      ],
      compiler_params=pltpu.CompilerParams(
          use_tc_tiling_on_sc=False, needs_layout_passes=False),
  )
  def lookup(idx_hbm, t32_hbm, out_hbm, idx_v, rows_v, iv, tbuf,
             g0, g1, s0, s1):
    gsem = (g0, g1)
    ssem = (s0, s1)
    wid = lax.axis_index("s") * NC + lax.axis_index("c")
    base = wid * g_per_w
    pltpu.sync_copy(idx_hbm.at[pl.ds(base * ROWS, g_per_w * ROWS)], idx_v)

    def fill_iv(gl, b):
      for icg in range(ROWS // L):
        a = idx_v[pl.ds(gl * ROWS + icg * L, L)]
        a2 = a + a
        iv[b, pl.ds(icg * L, L)] = a2
        iv[b, pl.ds(ROWS + icg * L, L)] = a2 + 1

    def gathers(b):
      return [
          pltpu.make_async_copy(
              t32_hbm.at[iv.at[b, pl.ds(h * ROWS, ROWS)]],
              rows_v.at[b, pl.ds(h * ROWS, ROWS)], gsem[b])
          for h in range(2)
      ]

    def stores(gl, b):
      gid = base + gl
      j = gid >> 5
      m = gid & (n_mblk - 1)
      return [
          pltpu.make_async_copy(
              tbuf.at[b, pl.ds(8 * k, 8), pl.ds(0, L * 8)],
              out_hbm.at[j, k, m], ssem[b])
          for k in range(d_blk)
      ]

    lane = lax.iota(jnp.int32, L)
    f_ids = [lane + (fg * L) for fg in range(D // L)]

    for b in range(NBUF):
      fill_iv(b, b)
      for d in gathers(b):
        d.start()

    @pl.loop(0, g_per_w, step=NBUF)
    def _(g):
      for b in range(NBUF):
        gl = g + b
        for d in gathers(b):
          d.wait()

        @pl.when(gl >= NBUF)
        def _():
          for d in stores(gl - NBUF, b):
            d.wait()

        tb = tbuf.at[b]

        @plsc.parallel_loop(0, ROWS, unroll=4)
        def _(ic):
          col = jnp.full((L,), ic, jnp.int32)
          for fg in range(D // L):
            v = rows_v[b, ic + (fg // 2) * ROWS, pl.ds((fg % 2) * L, L)]
            plsc.store_scatter(tb, [f_ids[fg], col], v * SCALE)

        nxt = gl + NBUF

        @pl.when(nxt < g_per_w)
        def _():
          fill_iv(nxt, b)
          for d in gathers(b):
            d.start()

        for d in stores(gl, b):
          d.start()

    for b in range(NBUF):
      for d in stores(g_per_w - NBUF + b, b):
        d.wait()

  return lookup


def kernel(x, table):
  S0, S1 = x.shape
  V, _ = table.shape
  n_full = V // VBLK
  lin = _make_relayout(V)(table.T)
  tail = table[n_full * VBLK:].reshape(-1)
  lin = lax.dynamic_update_slice(lin, tail, (n_full * VBLK * D,))
  t32 = lin.reshape(V * 2, D // 2)
  idx = x.T.reshape(S0 * S1).astype(jnp.int32)
  arr = _make_lookup(S0, S1, V * 2)(idx, t32)
  return arr.transpose((2, 4, 0, 1, 3)).reshape(S0, S1, D)

# --- scband reference (transcript-rebuilt; emitter-appended) ---
"""Pipeline reference for scband-embeddings-45904610459959 (READ-ONLY COPY).

The authoritative reference and input builder live on the scoring server;
editing this copy changes nothing except your own understanding.
"""

import jax, jax.numpy as jnp
import numpy as np
import math

VOCAB = 1000000
D_MODEL = 64

def setup_inputs(seed: int = 0) -> dict:
    key = jax.random.key(seed)
    k1, k2 = jax.random.split(key)
    x = jax.random.randint(k1, (4096, 200), 0, VOCAB, dtype=jnp.int64 if jax.config.jax_enable_x64 else jnp.int32)
    table = jax.random.normal(k2, (VOCAB, D_MODEL), dtype=jnp.float32)
    return {"x": x, "table": table}

def reference(x, table):
    # nn.Embedding lookup followed by scaling by sqrt(d_model)
    emb = jnp.take(table, x, axis=0)
    return emb * math.sqrt(D_MODEL)

if __name__ == "__main__":
    import jax
    _d = setup_inputs()
    print(jax.jit(kernel)(*tuple(_d.values())))

</pallas_src>

<mosaic_0001>
#map = affine_map<(d0, d1) -> (0, 0)>
#map1 = affine_map<(d0, d1) -> (0)>
module attributes {stable_mosaic.version = 14 : i64} {
  func.func @relayout(%arg0: i32, %arg1: i32, %arg2: memref<64x1000000xf32, #tpu.memory_space<hbm>>, %arg3: memref<64000000xf32, #tpu.memory_space<hbm>>, %arg4: memref<64x128xf32, #tpu.memory_space<vmem>>, %arg5: memref<64x128xf32, #tpu.memory_space<vmem>>, %arg6: memref<8576xf32, #tpu.memory_space<vmem>>, %arg7: memref<8576xf32, #tpu.memory_space<vmem>>, %arg8: memref<8192xf32, #tpu.memory_space<vmem>>, %arg9: memref<8192xf32, #tpu.memory_space<vmem>>, %arg10: memref<!tpu.dma_semaphore, #tpu.memory_space<semaphore_mem>>, %arg11: memref<!tpu.dma_semaphore, #tpu.memory_space<semaphore_mem>>, %arg12: memref<!tpu.dma_semaphore, #tpu.memory_space<semaphore_mem>>, %arg13: memref<!tpu.dma_semaphore, #tpu.memory_space<semaphore_mem>>) attributes {dimension_semantics = [#tpu.dimension_semantics<core_parallel>, #tpu.dimension_semantics<subcore_parallel>], iteration_bounds = array<i64: 2, 16>, scalar_prefetch = 0 : i64, scratch_operands = 10 : i64, tpu.core_type = #tpu.core_type<sc_vector_subcore>, window_params = [{transform_indices = #map}, {transform_indices = #map1}]} {
    %mul3A = arith.constant 2 : i32
    %mul3A_0 = arith.muli %arg1, %mul3A : i32
    %add3A = arith.addi %mul3A_0, %arg0 : i32
    %iota3A = tpu.iota {dimensions = array<i32: 0>} : vector<16xi32>
    %add3A_1 = arith.constant 0 : i32
    %add3A_2 = vector.broadcast %add3A_1 : i32 to vector<16xi32>
    %add3A_3 = arith.addi %iota3A, %add3A_2 : vector<16xi32>
    %mul3A_4 = arith.constant 133 : i32
    %mul3A_5 = vector.broadcast %mul3A_4 : i32 to vector<16xi32>
    %mul3A_6 = arith.muli %add3A_3, %mul3A_5 : vector<16xi32>
    %add3A_7 = arith.constant 16 : i32
    %add3A_8 = vector.broadcast %add3A_7 : i32 to vector<16xi32>
    %add3A_9 = arith.addi %iota3A, %add3A_8 : vector<16xi32>
    %mul3A_10 = arith.constant 133 : i32
    %mul3A_11 = vector.broadcast %mul3A_10 : i32 to vector<16xi32>
    %mul3A_12 = arith.muli %add3A_9, %mul3A_11 : vector<16xi32>
    %add3A_13 = arith.constant 32 : i32
    %add3A_14 = vector.broadcast %add3A_13 : i32 to vector<16xi32>
    %add3A_15 = arith.addi %iota3A, %add3A_14 : vector<16xi32>
    %mul3A_16 = arith.constant 133 : i32
    %mul3A_17 = vector.broadcast %mul3A_16 : i32 to vector<16xi32>
    %mul3A_18 = arith.muli %add3A_15, %mul3A_17 : vector<16xi32>
    %add3A_19 = arith.constant 48 : i32
    %add3A_20 = vector.broadcast %add3A_19 : i32 to vector<16xi32>
    %add3A_21 = arith.addi %iota3A, %add3A_20 : vector<16xi32>
    %mul3A_22 = arith.constant 133 : i32
    %mul3A_23 = vector.broadcast %mul3A_22 : i32 to vector<16xi32>
    %mul3A_24 = arith.muli %add3A_21, %mul3A_23 : vector<16xi32>
    %add3A_25 = arith.constant 0 : i32
    %add3A_26 = arith.addi %add3A, %add3A_25 : i32
    %lt3A = arith.constant 7812 : i32
    %lt3A_27 = arith.cmpi slt, %add3A_26, %lt3A : i32
    %convert_element_type3A = arith.extui %lt3A_27 : i1 to i32
    %cond3A = arith.constant 0 : i32
    %cond3A_28 = arith.cmpi ne, %convert_element_type3A, %cond3A : i32
    scf.if %cond3A_28 {
      %add3A_47 = arith.constant 0 : i32
      %add3A_48 = arith.addi %add3A, %add3A_47 : i32
      %mul3A_49 = arith.constant 128 : i32
      %mul3A_50 = arith.muli %add3A_48, %mul3A_49 : i32
      %dma_start3A = arith.constant 0 : i32
      %dma_start3A_51 = tpu.memref_slice %arg2[%dma_start3A, %mul3A_50] : memref<64x1000000xf32, #tpu.memory_space<hbm>> -> memref<64x128xf32, #tpu.memory_space<hbm>>
      %dma_start3A_52 = arith.constant 0 : i32
      %dma_start3A_53 = tpu.memref_slice %arg2[%dma_start3A_52, %mul3A_50] : memref<64x1000000xf32, #tpu.memory_space<hbm>> -> memref<64x128xf32, #tpu.memory_space<hbm>>
      tpu.enqueue_dma source(%dma_start3A_53 : memref<64x128xf32, #tpu.memory_space<hbm>>) target(%arg4 : memref<64x128xf32, #tpu.memory_space<vmem>>) target_semaphore(%arg10 : memref<!tpu.dma_semaphore, #tpu.memory_space<semaphore_mem>>)
    } else {
    }
    %add3A_29 = arith.constant 32 : i32
    %add3A_30 = arith.addi %add3A, %add3A_29 : i32
    %lt3A_31 = arith.constant 7812 : i32
    %lt3A_32 = arith.cmpi slt, %add3A_30, %lt3A_31 : i32
    %convert_element_type3A_33 = arith.extui %lt3A_32 : i1 to i32
    %cond3A_34 = arith.constant 0 : i32
    %cond3A_35 = arith.cmpi ne, %convert_element_type3A_33, %cond3A_34 : i32
    scf.if %cond3A_35 {
      %add3A_47 = arith.constant 32 : i32
      %add3A_48 = arith.addi %add3A, %add3A_47 : i32
      %mul3A_49 = arith.constant 128 : i32
      %mul3A_50 = arith.muli %add3A_48, %mul3A_49 : i32
      %dma_start3A = arith.constant 0 : i32
      %dma_start3A_51 = tpu.memref_slice %arg2[%dma_start3A, %mul3A_50] : memref<64x1000000xf32, #tpu.memory_space<hbm>> -> memref<64x128xf32, #tpu.memory_space<hbm>>
      %dma_start3A_52 = arith.constant 0 : i32
      %dma_start3A_53 = tpu.memref_slice %arg2[%dma_start3A_52, %mul3A_50] : memref<64x1000000xf32, #tpu.memory_space<hbm>> -> memref<64x128xf32, #tpu.memory_space<hbm>>
      tpu.enqueue_dma source(%dma_start3A_53 : memref<64x128xf32, #tpu.memory_space<hbm>>) target(%arg5 : memref<64x128xf32, #tpu.memory_space<vmem>>) target_semaphore(%arg11 : memref<!tpu.dma_semaphore, #tpu.memory_space<semaphore_mem>>)
    } else {
    }
    %scan3A = arith.constant 0 : i32
    %scan3A_36 = arith.constant 123 : i32
    %scan3A_37 = arith.addi %scan3A, %scan3A_36 : i32
    %scan3A_38 = arith.constant 1 : i32
    scf.for %scan3A_47 = %scan3A to %scan3A_37 step %scan3A_38  : i32 {
      %mul3A_48 = arith.constant 2 : i32
      %mul3A_49 = arith.muli %scan3A_47, %mul3A_48 : i32
      %add3A_50 = arith.constant 0 : i32
      %add3A_51 = arith.addi %add3A_50, %mul3A_49 : i32
      %add3A_52 = arith.constant 0 : i32
      %add3A_53 = arith.addi %add3A_51, %add3A_52 : i32
      %mul3A_54 = arith.constant 32 : i32
      %mul3A_55 = arith.muli %add3A_53, %mul3A_54 : i32
      %add3A_56 = arith.addi %add3A, %mul3A_55 : i32
      %lt3A_57 = arith.constant 7812 : i32
      %lt3A_58 = arith.cmpi slt, %add3A_56, %lt3A_57 : i32
      %convert_element_type3A_59 = arith.extui %lt3A_58 : i1 to i32
      %cond3A_60 = arith.constant 0 : i32
      %cond3A_61 = arith.cmpi ne, %convert_element_type3A_59, %cond3A_60 : i32
      scf.if %cond3A_61 {
        %mul3A_72 = arith.constant 128 : i32
        %mul3A_73 = arith.muli %add3A_56, %mul3A_72 : i32
        %dma_wait3A_74 = arith.constant 0 : i32
        %dma_wait3A_75 = tpu.memref_slice %arg2[%dma_wait3A_74, %mul3A_73] : memref<64x1000000xf32, #tpu.memory_space<hbm>> -> memref<64x128xf32, #tpu.memory_space<hbm>>
        %dma_wait3A_76 = arith.constant 0 : i32
        %dma_wait3A_77 = tpu.memref_slice %arg2[%dma_wait3A_76, %mul3A_73] : memref<64x1000000xf32, #tpu.memory_space<hbm>> -> memref<64x128xf32, #tpu.memory_space<hbm>>
        tpu.wait_dma2 semaphore(%arg10 : memref<!tpu.dma_semaphore, #tpu.memory_space<semaphore_mem>>) src(%dma_wait3A_77 : memref<64x128xf32, #tpu.memory_space<hbm>>) dst(%arg4 : memref<64x128xf32, #tpu.memory_space<vmem>>)
        %parallel_loop3A = arith.constant 0 : i32
        %parallel_loop3A_78 = arith.constant 64 : i32
        %parallel_loop3A_79 = arith.constant 1 : i32
        scf.for %parallel_loop3A_97 = %parallel_loop3A to %parallel_loop3A_78 step %parallel_loop3A_79  : i32 {
          %parallel_loop3A_98 = arith.index_cast %parallel_loop3A_97 : i32 to index
          %parallel_loop3A_99 = arith.constant 0 : index
          %parallel_loop3A_100 = tpu.vector_load %arg4[%parallel_loop3A_98, %parallel_loop3A_99] {strides = array<i32>} : memref<64x128xf32, #tpu.memory_space<vmem>>, vector<16xf32>,
          %parallel_loop3A_101 = arith.constant 133 : i32
          %parallel_loop3A_102 = arith.muli %parallel_loop3A_97, %parallel_loop3A_101 : i32
          %parallel_loop3A_103 = arith.constant 0 : i32
          %parallel_loop3A_104 = arith.addi %parallel_loop3A_102, %parallel_loop3A_103 : i32
          %parallel_loop3A_105 = arith.index_cast %parallel_loop3A_104 : i32 to index
          %parallel_loop3A_106 = tpu.vector_load %arg6[%parallel_loop3A_105] {strides = array<i32>} : memref<8576xf32, #tpu.memory_space<vmem>>, vector<16xf32>,
          tpu.vector_store %arg6[%parallel_loop3A_105], %parallel_loop3A_100 {strides = array<i32>} : memref<8576xf32, #tpu.memory_space<vmem>>, vector<16xf32>,
          %parallel_loop3A_107 = arith.index_cast %parallel_loop3A_97 : i32 to index
          %parallel_loop3A_108 = arith.constant 16 : index
          %parallel_loop3A_109 = tpu.vector_load %arg4[%parallel_loop3A_107, %parallel_loop3A_108] {strides = array<i32>} : memref<64x128xf32, #tpu.memory_space<vmem>>, vector<16xf32>,
          %parallel_loop3A_110 = arith.constant 133 : i32
          %parallel_loop3A_111 = arith.muli %parallel_loop3A_97, %parallel_loop3A_110 : i32
          %parallel_loop3A_112 = arith.constant 16 : i32
          %parallel_loop3A_113 = arith.addi %parallel_loop3A_111, %parallel_loop3A_112 : i32
          %parallel_loop3A_114 = arith.index_cast %parallel_loop3A_113 : i32 to index
          %parallel_loop3A_115 = tpu.vector_load %arg6[%parallel_loop3A_114] {strides = array<i32>} : memref<8576xf32, #tpu.memory_space<vmem>>, vector<16xf32>,
          tpu.vector_store %arg6[%parallel_loop3A_114], %parallel_loop3A_109 {strides = array<i32>} : memref<8576xf32, #tpu.memory_space<vmem>>, vector<16xf32>,
          %parallel_loop3A_116 = arith.index_cast %parallel_loop3A_97 : i32 to index
          %parallel_loop3A_117 = arith.constant 32 : index
          %parallel_loop3A_118 = tpu.vector_load %arg4[%parallel_loop3A_116, %parallel_loop3A_117] {strides = array<i32>} : memref<64x128xf32, #tpu.memory_space<vmem>>, vector<16xf32>,
          %parallel_loop3A_119 = arith.constant 133 : i32
          %parallel_loop3A_120 = arith.muli %parallel_loop3A_97, %parallel_loop3A_119 : i32
          %parallel_loop3A_121 = arith.constant 32 : i32
          %parallel_loop3A_122 = arith.addi %parallel_loop3A_120, %parallel_loop3A_121 : i32
          %parallel_loop3A_123 = arith.index_cast %parallel_loop3A_122 : i32 to index
          %parallel_loop3A_124 = tpu.vector_load %arg6[%parallel_loop3A_123] {strides = array<i32>} : memref<8576xf32, #tpu.memory_space<vmem>>, vector<16xf32>,
          tpu.vector_store %arg6[%parallel_loop3A_123], %parallel_loop3A_118 {strides = array<i32>} : memref<8576xf32, #tpu.memory_space<vmem>>, vector<16xf32>,
          %parallel_loop3A_125 = arith.index_cast %parallel_loop3A_97 : i32 to index
          %parallel_loop3A_126 = arith.constant 48 : index
          %parallel_loop3A_127 = tpu.vector_load %arg4[%parallel_loop3A_125, %parallel_loop3A_126] {strides = array<i32>} : memref<64x128xf32, #tpu.memory_space<vmem>>, vector<16xf32>,
          %parallel_loop3A_128 = arith.constant 133 : i32
          %parallel_loop3A_129 = arith.muli %parallel_loop3A_97, %parallel_loop3A_128 : i32
          %parallel_loop3A_130 = arith.constant 48 : i32
          %parallel_loop3A_131 = arith.addi %parallel_loop3A_129, %parallel_loop3A_130 : i32
          %parallel_loop3A_132 = arith.index_cast %parallel_loop3A_131 : i32 to index
          %parallel_loop3A_133 = tpu.vector_load %arg6[%parallel_loop3A_132] {strides = array<i32>} : memref<8576xf32, #tpu.memory_space<vmem>>, vector<16xf32>,
          tpu.vector_store %arg6[%parallel_loop3A_132], %parallel_loop3A_127 {strides = array<i32>} : memref<8576xf32, #tpu.memory_space<vmem>>, vector<16xf32>,
          %parallel_loop3A_134 = arith.index_cast %parallel_loop3A_97 : i32 to index
          %parallel_loop3A_135 = arith.constant 64 : index
          %parallel_loop3A_136 = tpu.vector_load %arg4[%parallel_loop3A_134, %parallel_loop3A_135] {strides = array<i32>} : memref<64x128xf32, #tpu.memory_space<vmem>>, vector<16xf32>,
          %parallel_loop3A_137 = arith.constant 133 : i32
          %parallel_loop3A_138 = arith.muli %parallel_loop3A_97, %parallel_loop3A_137 : i32
          %parallel_loop3A_139 = arith.constant 64 : i32
          %parallel_loop3A_140 = arith.addi %parallel_loop3A_138, %parallel_loop3A_139 : i32
          %parallel_loop3A_141 = arith.index_cast %parallel_loop3A_140 : i32 to index
          %parallel_loop3A_142 = tpu.vector_load %arg6[%parallel_loop3A_141] {strides = array<i32>} : memref<8576xf32, #tpu.memory_space<vmem>>, vector<16xf32>,
          tpu.vector_store %arg6[%parallel_loop3A_141], %parallel_loop3A_136 {strides = array<i32>} : memref<8576xf32, #tpu.memory_space<vmem>>, vector<16xf32>,
          %parallel_loop3A_143 = arith.index_cast %parallel_loop3A_97 : i32 to index
          %parallel_loop3A_144 = arith.constant 80 : index
          %parallel_loop3A_145 = tpu.vector_load %arg4[%parallel_loop3A_143, %parallel_loop3A_144] {strides = array<i32>} : memref<64x128xf32, #tpu.memory_space<vmem>>, vector<16xf32>,
          %parallel_loop3A_146 = arith.constant 133 : i32
          %parallel_loop3A_147 = arith.muli %parallel_loop3A_97, %parallel_loop3A_146 : i32
          %parallel_loop3A_148 = arith.constant 80 : i32
          %parallel_loop3A_149 = arith.addi %parallel_loop3A_147, %parallel_loop3A_148 : i32
          %parallel_loop3A_150 = arith.index_cast %parallel_loop3A_149 : i32 to index
          %parallel_loop3A_151 = tpu.vector_load %arg6[%parallel_loop3A_150] {strides = array<i32>} : memref<8576xf32, #tpu.memory_space<vmem>>, vector<16xf32>,
          tpu.vector_store %arg6[%parallel_loop3A_150], %parallel_loop3A_145 {strides = array<i32>} : memref<8576xf32, #tpu.memory_space<vmem>>, vector<16xf32>,
          %parallel_loop3A_152 = arith.index_cast %parallel_loop3A_97 : i32 to index
          %parallel_loop3A_153 = arith.constant 96 : index
          %parallel_loop3A_154 = tpu.vector_load %arg4[%parallel_loop3A_152, %parallel_loop3A_153] {strides = array<i32>} : memref<64x128xf32, #tpu.memory_space<vmem>>, vector<16xf32>,
          %parallel_loop3A_155 = arith.constant 133 : i32
          %parallel_loop3A_156 = arith.muli %parallel_loop3A_97, %parallel_loop3A_155 : i32
          %parallel_loop3A_157 = arith.constant 96 : i32
          %parallel_loop3A_158 = arith.addi %parallel_loop3A_156, %parallel_loop3A_157 : i32
          %parallel_loop3A_159 = arith.index_cast %parallel_loop3A_158 : i32 to index
          %parallel_loop3A_160 = tpu.vector_load %arg6[%parallel_loop3A_159] {strides = array<i32>} : memref<8576xf32, #tpu.memory_space<vmem>>, vector<16xf32>,
          tpu.vector_store %arg6[%parallel_loop3A_159], %parallel_loop3A_154 {strides = array<i32>} : memref<8576xf32, #tpu.memory_space<vmem>>, vector<16xf32>,
          %parallel_loop3A_161 = arith.index_cast %parallel_loop3A_97 : i32 to index
          %parallel_loop3A_162 = arith.constant 112 : index
          %parallel_loop3A_163 = tpu.vector_load %arg4[%parallel_loop3A_161, %parallel_loop3A_162] {strides = array<i32>} : memref<64x128xf32, #tpu.memory_space<vmem>>, vector<16xf32>,
          %parallel_loop3A_164 = arith.constant 133 : i32
          %parallel_loop3A_165 = arith.muli %parallel_loop3A_97, %parallel_loop3A_164 : i32
          %parallel_loop3A_166 = arith.constant 112 : i32
          %parallel_loop3A_167 = arith.addi %parallel_loop3A_165, %parallel_loop3A_166 : i32
          %parallel_loop3A_168 = arith.index_cast %parallel_loop3A_167 : i32 to index
          %parallel_loop3A_169 = tpu.vector_load %arg6[%parallel_loop3A_168] {strides = array<i32>} : memref<8576xf32, #tpu.memory_space<vmem>>, vector<16xf32>,
          tpu.vector_store %arg6[%parallel_loop3A_168], %parallel_loop3A_163 {strides = array<i32>} : memref<8576xf32, #tpu.memory_space<vmem>>, vector<16xf32>,
        } {sc.loop_unroll_factor = 2 : i64, sc.parallel_access}
        %add3A_80 = arith.constant 64 : i32
        %add3A_81 = arith.addi %add3A_56, %add3A_80 : i32
        %lt3A_82 = arith.constant 7812 : i32
        %lt3A_83 = arith.cmpi slt, %add3A_81, %lt3A_82 : i32
        %convert_element_type3A_84 = arith.extui %lt3A_83 : i1 to i32
        %cond3A_85 = arith.constant 0 : i32
        %cond3A_86 = arith.cmpi ne, %convert_element_type3A_84, %cond3A_85 : i32
        scf.if %cond3A_86 {
          %mul3A_97 = arith.constant 128 : i32
          %mul3A_98 = arith.muli %add3A_81, %mul3A_97 : i32
          %dma_start3A_99 = arith.constant 0 : i32
          %dma_start3A_100 = tpu.memref_slice %arg2[%dma_start3A_99, %mul3A_98] : memref<64x1000000xf32, #tpu.memory_space<hbm>> -> memref<64x128xf32, #tpu.memory_space<hbm>>
          %dma_start3A_101 = arith.constant 0 : i32
          %dma_start3A_102 = tpu.memref_slice %arg2[%dma_start3A_101, %mul3A_98] : memref<64x1000000xf32, #tpu.memory_space<hbm>> -> memref<64x128xf32, #tpu.memory_space<hbm>>
          tpu.enqueue_dma source(%dma_start3A_102 : memref<64x128xf32, #tpu.memory_space<hbm>>) target(%arg4 : memref<64x128xf32, #tpu.memory_space<vmem>>) target_semaphore(%arg10 : memref<!tpu.dma_semaphore, #tpu.memory_space<semaphore_mem>>)
        } else {
        }
        %ge3A = arith.constant 64 : i32
        %ge3A_87 = arith.cmpi sge, %add3A_56, %ge3A : i32
        %convert_element_type3A_88 = arith.extui %ge3A_87 : i1 to i32
        %cond3A_89 = arith.constant 0 : i32
        %cond3A_90 = arith.cmpi ne, %convert_element_type3A_88, %cond3A_89 : i32
        scf.if %cond3A_90 {
          %sub3A = arith.constant 64 : i32
          %sub3A_97 = arith.subi %add3A_56, %sub3A : i32
          %mul3A_98 = arith.constant 8192 : i32
          %mul3A_99 = arith.muli %sub3A_97, %mul3A_98 : i32
          %dma_wait3A_100 = tpu.memref_slice %arg3[%mul3A_99] : memref<64000000xf32, #tpu.memory_space<hbm>> -> memref<8192xf32, #tpu.memory_space<hbm>>
          %dma_wait3A_101 = tpu.memref_slice %arg3[%mul3A_99] : memref<64000000xf32, #tpu.memory_space<hbm>> -> memref<8192xf32, #tpu.memory_space<hbm>>
          tpu.wait_dma2 semaphore(%arg12 : memref<!tpu.dma_semaphore, #tpu.memory_space<semaphore_mem>>) src(%arg8 : memref<8192xf32, #tpu.memory_space<vmem>>) dst(%dma_wait3A_101 : memref<8192xf32, #tpu.memory_space<hbm>>)
        } else {
        }
        %parallel_loop3A_91 = arith.constant 0 : i32
        %parallel_loop3A_92 = arith.constant 128 : i32
        %parallel_loop3A_93 = arith.constant 1 : i32
        scf.for %parallel_loop3A_97 = %parallel_loop3A_91 to %parallel_loop3A_92 step %parallel_loop3A_93  : i32 {
          %parallel_loop3A_98 = vector.broadcast %parallel_loop3A_97 : i32 to vector<16xi32>
          %parallel_loop3A_99 = arith.addi %mul3A_6, %parallel_loop3A_98 : vector<16xi32>
          %parallel_loop3A_100 = tpu.vector_load_idx %arg6[%parallel_loop3A_99] : memref<8576xf32, #tpu.memory_space<vmem>>[vector<16xi32>], vector<16xf32>,
          %parallel_loop3A_101 = arith.constant 64 : i32
          %parallel_loop3A_102 = arith.muli %parallel_loop3A_97, %parallel_loop3A_101 : i32
          %parallel_loop3A_103 = arith.constant 0 : i32
          %parallel_loop3A_104 = arith.addi %parallel_loop3A_102, %parallel_loop3A_103 : i32
          %parallel_loop3A_105 = arith.index_cast %parallel_loop3A_104 : i32 to index
          %parallel_loop3A_106 = tpu.vector_load %arg8[%parallel_loop3A_105] {strides = array<i32>} : memref<8192xf32, #tpu.memory_space<vmem>>, vector<16xf32>,
          tpu.vector_store %arg8[%parallel_loop3A_105], %parallel_loop3A_100 {strides = array<i32>} : memref<8192xf32, #tpu.memory_space<vmem>>, vector<16xf32>,
          %parallel_loop3A_107 = vector.broadcast %parallel_loop3A_97 : i32 to vector<16xi32>
          %parallel_loop3A_108 = arith.addi %mul3A_12, %parallel_loop3A_107 : vector<16xi32>
          %parallel_loop3A_109 = tpu.vector_load_idx %arg6[%parallel_loop3A_108] : memref<8576xf32, #tpu.memory_space<vmem>>[vector<16xi32>], vector<16xf32>,
          %parallel_loop3A_110 = arith.constant 64 : i32
          %parallel_loop3A_111 = arith.muli %parallel_loop3A_97, %parallel_loop3A_110 : i32
          %parallel_loop3A_112 = arith.constant 16 : i32
          %parallel_loop3A_113 = arith.addi %parallel_loop3A_111, %parallel_loop3A_112 : i32
          %parallel_loop3A_114 = arith.index_cast %parallel_loop3A_113 : i32 to index
          %parallel_loop3A_115 = tpu.vector_load %arg8[%parallel_loop3A_114] {strides = array<i32>} : memref<8192xf32, #tpu.memory_space<vmem>>, vector<16xf32>,
          tpu.vector_store %arg8[%parallel_loop3A_114], %parallel_loop3A_109 {strides = array<i32>} : memref<8192xf32, #tpu.memory_space<vmem>>, vector<16xf32>,
          %parallel_loop3A_116 = vector.broadcast %parallel_loop3A_97 : i32 to vector<16xi32>
          %parallel_loop3A_117 = arith.addi %mul3A_18, %parallel_loop3A_116 : vector<16xi32>
          %parallel_loop3A_118 = tpu.vector_load_idx %arg6[%parallel_loop3A_117] : memref<8576xf32, #tpu.memory_space<vmem>>[vector<16xi32>], vector<16xf32>,
          %parallel_loop3A_119 = arith.constant 64 : i32
          %parallel_loop3A_120 = arith.muli %parallel_loop3A_97, %parallel_loop3A_119 : i32
          %parallel_loop3A_121 = arith.constant 32 : i32
          %parallel_loop3A_122 = arith.addi %parallel_loop3A_120, %parallel_loop3A_121 : i32
          %parallel_loop3A_123 = arith.index_cast %parallel_loop3A_122 : i32 to index
          %parallel_loop3A_124 = tpu.vector_load %arg8[%parallel_loop3A_123] {strides = array<i32>} : memref<8192xf32, #tpu.memory_space<vmem>>, vector<16xf32>,
          tpu.vector_store %arg8[%parallel_loop3A_123], %parallel_loop3A_118 {strides = array<i32>} : memref<8192xf32, #tpu.memory_space<vmem>>, vector<16xf32>,
          %parallel_loop3A_125 = vector.broadcast %parallel_loop3A_97 : i32 to vector<16xi32>
          %parallel_loop3A_126 = arith.addi %mul3A_24, %parallel_loop3A_125 : vector<16xi32>
          %parallel_loop3A_127 = tpu.vector_load_idx %arg6[%parallel_loop3A_126] : memref<8576xf32, #tpu.memory_space<vmem>>[vector<16xi32>], vector<16xf32>,
          %parallel_loop3A_128 = arith.constant 64 : i32
          %parallel_loop3A_129 = arith.muli %parallel_loop3A_97, %parallel_loop3A_128 : i32
          %parallel_loop3A_130 = arith.constant 48 : i32
          %parallel_loop3A_131 = arith.addi %parallel_loop3A_129, %parallel_loop3A_130 : i32
          %parallel_loop3A_132 = arith.index_cast %parallel_loop3A_131 : i32 to index
          %parallel_loop3A_133 = tpu.vector_load %arg8[%parallel_loop3A_132] {strides = array<i32>} : memref<8192xf32, #tpu.memory_space<vmem>>, vector<16xf32>,
          tpu.vector_store %arg8[%parallel_loop3A_132], %parallel_loop3A_127 {strides = array<i32>} : memref<8192xf32, #tpu.memory_space<vmem>>, vector<16xf32>,
        } {sc.loop_unroll_factor = 2 : i64, sc.parallel_access}
        %mul3A_94 = arith.constant 8192 : i32
        %mul3A_95 = arith.muli %add3A_56, %mul3A_94 : i32
        %dma_start3A = tpu.memref_slice %arg3[%mul3A_95] : memref<64000000xf32, #tpu.memory_space<hbm>> -> memref<8192xf32, #tpu.memory_space<hbm>>
        %dma_start3A_96 = tpu.memref_slice %arg3[%mul3A_95] : memref<64000000xf32, #tpu.memory_space<hbm>> -> memref<8192xf32, #tpu.memory_space<hbm>>
        tpu.enqueue_dma source(%arg8 : memref<8192xf32, #tpu.memory_space<vmem>>) target(%dma_start3A_96 : memref<8192xf32, #tpu.memory_space<hbm>>) target_semaphore(%arg12 : memref<!tpu.dma_semaphore, #tpu.memory_space<semaphore_mem>>)
      } else {
      }
      %add3A_62 = arith.constant 1 : i32
      %add3A_63 = arith.addi %add3A_51, %add3A_62 : i32
      %mul3A_64 = arith.constant 32 : i32
      %mul3A_65 = arith.muli %add3A_63, %mul3A_64 : i32
      %add3A_66 = arith.addi %add3A, %mul3A_65 : i32
      %lt3A_67 = arith.constant 7812 : i32
      %lt3A_68 = arith.cmpi slt, %add3A_66, %lt3A_67 : i32
      %convert_element_type3A_69 = arith.extui %lt3A_68 : i1 to i32
      %cond3A_70 = arith.constant 0 : i32
      %cond3A_71 = arith.cmpi ne, %convert_element_type3A_69, %cond3A_70 : i32
      scf.if %cond3A_71 {
        %mul3A_72 = arith.constant 128 : i32
        %mul3A_73 = arith.muli %add3A_66, %mul3A_72 : i32
        %dma_wait3A_74 = arith.constant 0 : i32
        %dma_wait3A_75 = tpu.memref_slice %arg2[%dma_wait3A_74, %mul3A_73] : memref<64x1000000xf32, #tpu.memory_space<hbm>> -> memref<64x128xf32, #tpu.memory_space<hbm>>
        %dma_wait3A_76 = arith.constant 0 : i32
        %dma_wait3A_77 = tpu.memref_slice %arg2[%dma_wait3A_76, %mul3A_73] : memref<64x1000000xf32, #tpu.memory_space<hbm>> -> memref<64x128xf32, #tpu.memory_space<hbm>>
        tpu.wait_dma2 semaphore(%arg11 : memref<!tpu.dma_semaphore, #tpu.memory_space<semaphore_mem>>) src(%dma_wait3A_77 : memref<64x128xf32, #tpu.memory_space<hbm>>) dst(%arg5 : memref<64x128xf32, #tpu.memory_space<vmem>>)
        %parallel_loop3A = arith.constant 0 : i32
        %parallel_loop3A_78 = arith.constant 64 : i32
        %parallel_loop3A_79 = arith.constant 1 : i32
        scf.for %parallel_loop3A_97 = %parallel_loop3A to %parallel_loop3A_78 step %parallel_loop3A_79  : i32 {
          %parallel_loop3A_98 = arith.index_cast %parallel_loop3A_97 : i32 to index
          %parallel_loop3A_99 = arith.constant 0 : index
          %parallel_loop3A_100 = tpu.vector_load %arg5[%parallel_loop3A_98, %parallel_loop3A_99] {strides = array<i32>} : memref<64x128xf32, #tpu.memory_space<vmem>>, vector<16xf32>,
          %parallel_loop3A_101 = arith.constant 133 : i32
          %parallel_loop3A_102 = arith.muli %parallel_loop3A_97, %parallel_loop3A_101 : i32
          %parallel_loop3A_103 = arith.constant 0 : i32
          %parallel_loop3A_104 = arith.addi %parallel_loop3A_102, %parallel_loop3A_103 : i32
          %parallel_loop3A_105 = arith.index_cast %parallel_loop3A_104 : i32 to index
          %parallel_loop3A_106 = tpu.vector_load %arg7[%parallel_loop3A_105] {strides = array<i32>} : memref<8576xf32, #tpu.memory_space<vmem>>, vector<16xf32>,
          tpu.vector_store %arg7[%parallel_loop3A_105], %parallel_loop3A_100 {strides = array<i32>} : memref<8576xf32, #tpu.memory_space<vmem>>, vector<16xf32>,
          %parallel_loop3A_107 = arith.index_cast %parallel_loop3A_97 : i32 to index
          %parallel_loop3A_108 = arith.constant 16 : index
          %parallel_loop3A_109 = tpu.vector_load %arg5[%parallel_loop3A_107, %parallel_loop3A_108] {strides = array<i32>} : memref<64x128xf32, #tpu.memory_space<vmem>>, vector<16xf32>,
          %parallel_loop3A_110 = arith.constant 133 : i32
          %parallel_loop3A_111 = arith.muli %parallel_loop3A_97, %parallel_loop3A_110 : i32
          %parallel_loop3A_112 = arith.constant 16 : i32
          %parallel_loop3A_113 = arith.addi %parallel_loop3A_111, %parallel_loop3A_112 : i32
          %parallel_loop3A_114 = arith.index_cast %parallel_loop3A_113 : i32 to index
          %parallel_loop3A_115 = tpu.vector_load %arg7[%parallel_loop3A_114] {strides = array<i32>} : memref<8576xf32, #tpu.memory_space<vmem>>, vector<16xf32>,
          tpu.vector_store %arg7[%parallel_loop3A_114], %parallel_loop3A_109 {strides = array<i32>} : memref<8576xf32, #tpu.memory_space<vmem>>, vector<16xf32>,
          %parallel_loop3A_116 = arith.index_cast %parallel_loop3A_97 : i32 to index
          %parallel_loop3A_117 = arith.constant 32 : index
          %parallel_loop3A_118 = tpu.vector_load %arg5[%parallel_loop3A_116, %parallel_loop3A_117] {strides = array<i32>} : memref<64x128xf32, #tpu.memory_space<vmem>>, vector<16xf32>,
          %parallel_loop3A_119 = arith.constant 133 : i32
          %parallel_loop3A_120 = arith.muli %parallel_loop3A_97, %parallel_loop3A_119 : i32
          %parallel_loop3A_121 = arith.constant 32 : i32
          %parallel_loop3A_122 = arith.addi %parallel_loop3A_120, %parallel_loop3A_121 : i32
          %parallel_loop3A_123 = arith.index_cast %parallel_loop3A_122 : i32 to index
          %parallel_loop3A_124 = tpu.vector_load %arg7[%parallel_loop3A_123] {strides = array<i32>} : memref<8576xf32, #tpu.memory_space<vmem>>, vector<16xf32>,
          tpu.vector_store %arg7[%parallel_loop3A_123], %parallel_loop3A_118 {strides = array<i32>} : memref<8576xf32, #tpu.memory_space<vmem>>, vector<16xf32>,
          %parallel_loop3A_125 = arith.index_cast %parallel_loop3A_97 : i32 to index
          %parallel_loop3A_126 = arith.constant 48 : index
          %parallel_loop3A_127 = tpu.vector_load %arg5[%parallel_loop3A_125, %parallel_loop3A_126] {strides = array<i32>} : memref<64x128xf32, #tpu.memory_space<vmem>>, vector<16xf32>,
          %parallel_loop3A_128 = arith.constant 133 : i32
          %parallel_loop3A_129 = arith.muli %parallel_loop3A_97, %parallel_loop3A_128 : i32
          %parallel_loop3A_130 = arith.constant 48 : i32
          %parallel_loop3A_131 = arith.addi %parallel_loop3A_129, %parallel_loop3A_130 : i32
          %parallel_loop3A_132 = arith.index_cast %parallel_loop3A_131 : i32 to index
          %parallel_loop3A_133 = tpu.vector_load %arg7[%parallel_loop3A_132] {strides = array<i32>} : memref<8576xf32, #tpu.memory_space<vmem>>, vector<16xf32>,
          tpu.vector_store %arg7[%parallel_loop3A_132], %parallel_loop3A_127 {strides = array<i32>} : memref<8576xf32, #tpu.memory_space<vmem>>, vector<16xf32>,
          %parallel_loop3A_134 = arith.index_cast %parallel_loop3A_97 : i32 to index
          %parallel_loop3A_135 = arith.constant 64 : index
          %parallel_loop3A_136 = tpu.vector_load %arg5[%parallel_loop3A_134, %parallel_loop3A_135] {strides = array<i32>} : memref<64x128xf32, #tpu.memory_space<vmem>>, vector<16xf32>,
          %parallel_loop3A_137 = arith.constant 133 : i32
          %parallel_loop3A_138 = arith.muli %parallel_loop3A_97, %parallel_loop3A_137 : i32
          %parallel_loop3A_139 = arith.constant 64 : i32
          %parallel_loop3A_140 = arith.addi %parallel_loop3A_138, %parallel_loop3A_139 : i32
          %parallel_loop3A_141 = arith.index_cast %parallel_loop3A_140 : i32 to index
          %parallel_loop3A_142 = tpu.vector_load %arg7[%parallel_loop3A_141] {strides = array<i32>} : memref<8576xf32, #tpu.memory_space<vmem>>, vector<16xf32>,
          tpu.vector_store %arg7[%parallel_loop3A_141], %parallel_loop3A_136 {strides = array<i32>} : memref<8576xf32, #tpu.memory_space<vmem>>, vector<16xf32>,
          %parallel_loop3A_143 = arith.index_cast %parallel_loop3A_97 : i32 to index
          %parallel_loop3A_144 = arith.constant 80 : index
          %parallel_loop3A_145 = tpu.vector_load %arg5[%parallel_loop3A_143, %parallel_loop3A_144] {strides = array<i32>} : memref<64x128xf32, #tpu.memory_space<vmem>>, vector<16xf32>,
          %parallel_loop3A_146 = arith.constant 133 : i32
          %parallel_loop3A_147 = arith.muli %parallel_loop3A_97, %parallel_loop3A_146 : i32
          %parallel_loop3A_148 = arith.constant 80 : i32
          %parallel_loop3A_149 = arith.addi %parallel_loop3A_147, %parallel_loop3A_148 : i32
          %parallel_loop3A_150 = arith.index_cast %parallel_loop3A_149 : i32 to index
          %parallel_loop3A_151 = tpu.vector_load %arg7[%parallel_loop3A_150] {strides = array<i32>} : memref<8576xf32, #tpu.memory_space<vmem>>, vector<16xf32>,
          tpu.vector_store %arg7[%parallel_loop3A_150], %parallel_loop3A_145 {strides = array<i32>} : memref<8576xf32, #tpu.memory_space<vmem>>, vector<16xf32>,
          %parallel_loop3A_152 = arith.index_cast %parallel_loop3A_97 : i32 to index
          %parallel_loop3A_153 = arith.constant 96 : index
          %parallel_loop3A_154 = tpu.vector_load %arg5[%parallel_loop3A_152, %parallel_loop3A_153] {strides = array<i32>} : memref<64x128xf32, #tpu.memory_space<vmem>>, vector<16xf32>,
          %parallel_loop3A_155 = arith.constant 133 : i32
          %parallel_loop3A_156 = arith.muli %parallel_loop3A_97, %parallel_loop3A_155 : i32
          %parallel_loop3A_157 = arith.constant 96 : i32
          %parallel_loop3A_158 = arith.addi %parallel_loop3A_156, %parallel_loop3A_157 : i32
          %parallel_loop3A_159 = arith.index_cast %parallel_loop3A_158 : i32 to index
          %parallel_loop3A_160 = tpu.vector_load %arg7[%parallel_loop3A_159] {strides = array<i32>} : memref<8576xf32, #tpu.memory_space<vmem>>, vector<16xf32>,
          tpu.vector_store %arg7[%parallel_loop3A_159], %parallel_loop3A_154 {strides = array<i32>} : memref<8576xf32, #tpu.memory_space<vmem>>, vector<16xf32>,
          %parallel_loop3A_161 = arith.index_cast %parallel_loop3A_97 : i32 to index
          %parallel_loop3A_162 = arith.constant 112 : index
          %parallel_loop3A_163 = tpu.vector_load %arg5[%parallel_loop3A_161, %parallel_loop3A_162] {strides = array<i32>} : memref<64x128xf32, #tpu.memory_space<vmem>>, vector<16xf32>,
          %parallel_loop3A_164 = arith.constant 133 : i32
          %parallel_loop3A_165 = arith.muli %parallel_loop3A_97, %parallel_loop3A_164 : i32
          %parallel_loop3A_166 = arith.constant 112 : i32
          %parallel_loop3A_167 = arith.addi %parallel_loop3A_165, %parallel_loop3A_166 : i32
          %parallel_loop3A_168 = arith.index_cast %parallel_loop3A_167 : i32 to index
          %parallel_loop3A_169 = tpu.vector_load %arg7[%parallel_loop3A_168] {strides = array<i32>} : memref<8576xf32, #tpu.memory_space<vmem>>, vector<16xf32>,
          tpu.vector_store %arg7[%parallel_loop3A_168], %parallel_loop3A_163 {strides = array<i32>} : memref<8576xf32, #tpu.memory_space<vmem>>, vector<16xf32>,
        } {sc.loop_unroll_factor = 2 : i64, sc.parallel_access}
        %add3A_80 = arith.constant 64 : i32
        %add3A_81 = arith.addi %add3A_66, %add3A_80 : i32
        %lt3A_82 = arith.constant 7812 : i32
        %lt3A_83 = arith.cmpi slt, %add3A_81, %lt3A_82 : i32
        %convert_element_type3A_84 = arith.extui %lt3A_83 : i1 to i32
        %cond3A_85 = arith.constant 0 : i32
        %cond3A_86 = arith.cmpi ne, %convert_element_type3A_84, %cond3A_85 : i32
        scf.if %cond3A_86 {
          %mul3A_97 = arith.constant 128 : i32
          %mul3A_98 = arith.muli %add3A_81, %mul3A_97 : i32
          %dma_start3A_99 = arith.constant 0 : i32
          %dma_start3A_100 = tpu.memref_slice %arg2[%dma_start3A_99, %mul3A_98] : memref<64x1000000xf32, #tpu.memory_space<hbm>> -> memref<64x128xf32, #tpu.memory_space<hbm>>
          %dma_start3A_101 = arith.constant 0 : i32
          %dma_start3A_102 = tpu.memref_slice %arg2[%dma_start3A_101, %mul3A_98] : memref<64x1000000xf32, #tpu.memory_space<hbm>> -> memref<64x128xf32, #tpu.memory_space<hbm>>
          tpu.enqueue_dma source(%dma_start3A_102 : memref<64x128xf32, #tpu.memory_space<hbm>>) target(%arg5 : memref<64x128xf32, #tpu.memory_space<vmem>>) target_semaphore(%arg11 : memref<!tpu.dma_semaphore, #tpu.memory_space<semaphore_mem>>)
        } else {
        }
        %ge3A = arith.constant 64 : i32
        %ge3A_87 = arith.cmpi sge, %add3A_66, %ge3A : i32
        %convert_element_type3A_88 = arith.extui %ge3A_87 : i1 to i32
        %cond3A_89 = arith.constant 0 : i32
        %cond3A_90 = arith.cmpi ne, %convert_element_type3A_88, %cond3A_89 : i32
        scf.if %cond3A_90 {
          %sub3A = arith.constant 64 : i32
          %sub3A_97 = arith.subi %add3A_66, %sub3A : i32
          %mul3A_98 = arith.constant 8192 : i32
          %mul3A_99 = arith.muli %sub3A_97, %mul3A_98 : i32
          %dma_wait3A_100 = tpu.memref_slice %arg3[%mul3A_99] : memref<64000000xf32, #tpu.memory_space<hbm>> -> memref<8192xf32, #tpu.memory_space<hbm>>
          %dma_wait3A_101 = tpu.memref_slice %arg3[%mul3A_99] : memref<64000000xf32, #tpu.memory_space<hbm>> -> memref<8192xf32, #tpu.memory_space<hbm>>
          tpu.wait_dma2 semaphore(%arg13 : memref<!tpu.dma_semaphore, #tpu.memory_space<semaphore_mem>>) src(%arg9 : memref<8192xf32, #tpu.memory_space<vmem>>) dst(%dma_wait3A_101 : memref<8192xf32, #tpu.memory_space<hbm>>)
        } else {
        }
        %parallel_loop3A_91 = arith.constant 0 : i32
        %parallel_loop3A_92 = arith.constant 128 : i32
        %parallel_loop3A_93 = arith.constant 1 : i32
        scf.for %parallel_loop3A_97 = %parallel_loop3A_91 to %parallel_loop3A_92 step %parallel_loop3A_93  : i32 {
          %parallel_loop3A_98 = vector.broadcast %parallel_loop3A_97 : i32 to vector<16xi32>
          %parallel_loop3A_99 = arith.addi %mul3A_6, %parallel_loop3A_98 : vector<16xi32>
          %parallel_loop3A_100 = tpu.vector_load_idx %arg7[%parallel_loop3A_99] : memref<8576xf32, #tpu.memory_space<vmem>>[vector<16xi32>], vector<16xf32>,
          %parallel_loop3A_101 = arith.constant 64 : i32
          %parallel_loop3A_102 = arith.muli %parallel_loop3A_97, %parallel_loop3A_101 : i32
          %parallel_loop3A_103 = arith.constant 0 : i32
          %parallel_loop3A_104 = arith.addi %parallel_loop3A_102, %parallel_loop3A_103 : i32
          %parallel_loop3A_105 = arith.index_cast %parallel_loop3A_104 : i32 to index
          %parallel_loop3A_106 = tpu.vector_load %arg9[%parallel_loop3A_105] {strides = array<i32>} : memref<8192xf32, #tpu.memory_space<vmem>>, vector<16xf32>,
          tpu.vector_store %arg9[%parallel_loop3A_105], %parallel_loop3A_100 {strides = array<i32>} : memref<8192xf32, #tpu.memory_space<vmem>>, vector<16xf32>,
          %parallel_loop3A_107 = vector.broadcast %parallel_loop3A_97 : i32 to vector<16xi32>
          %parallel_loop3A_108 = arith.addi %mul3A_12, %parallel_loop3A_107 : vector<16xi32>
          %parallel_loop3A_109 = tpu.vector_load_idx %arg7[%parallel_loop3A_108] : memref<8576xf32, #tpu.memory_space<vmem>>[vector<16xi32>], vector<16xf32>,
          %parallel_loop3A_110 = arith.constant 64 : i32
          %parallel_loop3A_111 = arith.muli %parallel_loop3A_97, %parallel_loop3A_110 : i32
          %parallel_loop3A_112 = arith.constant 16 : i32
          %parallel_loop3A_113 = arith.addi %parallel_loop3A_111, %parallel_loop3A_112 : i32
          %parallel_loop3A_114 = arith.index_cast %parallel_loop3A_113 : i32 to index
          %parallel_loop3A_115 = tpu.vector_load %arg9[%parallel_loop3A_114] {strides = array<i32>} : memref<8192xf32, #tpu.memory_space<vmem>>, vector<16xf32>,
          tpu.vector_store %arg9[%parallel_loop3A_114], %parallel_loop3A_109 {strides = array<i32>} : memref<8192xf32, #tpu.memory_space<vmem>>, vector<16xf32>,
          %parallel_loop3A_116 = vector.broadcast %parallel_loop3A_97 : i32 to vector<16xi32>
          %parallel_loop3A_117 = arith.addi %mul3A_18, %parallel_loop3A_116 : vector<16xi32>
          %parallel_loop3A_118 = tpu.vector_load_idx %arg7[%parallel_loop3A_117] : memref<8576xf32, #tpu.memory_space<vmem>>[vector<16xi32>], vector<16xf32>,
          %parallel_loop3A_119 = arith.constant 64 : i32
          %parallel_loop3A_120 = arith.muli %parallel_loop3A_97, %parallel_loop3A_119 : i32
          %parallel_loop3A_121 = arith.constant 32 : i32
          %parallel_loop3A_122 = arith.addi %parallel_loop3A_120, %parallel_loop3A_121 : i32
          %parallel_loop3A_123 = arith.index_cast %parallel_loop3A_122 : i32 to index
          %parallel_loop3A_124 = tpu.vector_load %arg9[%parallel_loop3A_123] {strides = array<i32>} : memref<8192xf32, #tpu.memory_space<vmem>>, vector<16xf32>,
          tpu.vector_store %arg9[%parallel_loop3A_123], %parallel_loop3A_118 {strides = array<i32>} : memref<8192xf32, #tpu.memory_space<vmem>>, vector<16xf32>,
          %parallel_loop3A_125 = vector.broadcast %parallel_loop3A_97 : i32 to vector<16xi32>
          %parallel_loop3A_126 = arith.addi %mul3A_24, %parallel_loop3A_125 : vector<16xi32>
          %parallel_loop3A_127 = tpu.vector_load_idx %arg7[%parallel_loop3A_126] : memref<8576xf32, #tpu.memory_space<vmem>>[vector<16xi32>], vector<16xf32>,
          %parallel_loop3A_128 = arith.constant 64 : i32
          %parallel_loop3A_129 = arith.muli %parallel_loop3A_97, %parallel_loop3A_128 : i32
          %parallel_loop3A_130 = arith.constant 48 : i32
          %parallel_loop3A_131 = arith.addi %parallel_loop3A_129, %parallel_loop3A_130 : i32
          %parallel_loop3A_132 = arith.index_cast %parallel_loop3A_131 : i32 to index
          %parallel_loop3A_133 = tpu.vector_load %arg9[%parallel_loop3A_132] {strides = array<i32>} : memref<8192xf32, #tpu.memory_space<vmem>>, vector<16xf32>,
          tpu.vector_store %arg9[%parallel_loop3A_132], %parallel_loop3A_127 {strides = array<i32>} : memref<8192xf32, #tpu.memory_space<vmem>>, vector<16xf32>,
        } {sc.loop_unroll_factor = 2 : i64, sc.parallel_access}
        %mul3A_94 = arith.constant 8192 : i32
        %mul3A_95 = arith.muli %add3A_66, %mul3A_94 : i32
        %dma_start3A = tpu.memref_slice %arg3[%mul3A_95] : memref<64000000xf32, #tpu.memory_space<hbm>> -> memref<8192xf32, #tpu.memory_space<hbm>>
        %dma_start3A_96 = tpu.memref_slice %arg3[%mul3A_95] : memref<64000000xf32, #tpu.memory_space<hbm>> -> memref<8192xf32, #tpu.memory_space<hbm>>
        tpu.enqueue_dma source(%arg9 : memref<8192xf32, #tpu.memory_space<vmem>>) target(%dma_start3A_96 : memref<8192xf32, #tpu.memory_space<hbm>>) target_semaphore(%arg13 : memref<!tpu.dma_semaphore, #tpu.memory_space<semaphore_mem>>)
      } else {
      }
    }
    %scan3A_39 = arith.constant 123 : i32
    %dma_wait3A = arith.constant 0 : i32
    %dma_wait3A_40 = tpu.memref_slice %arg3[%dma_wait3A] : memref<64000000xf32, #tpu.memory_space<hbm>> -> memref<8192xf32, #tpu.memory_space<hbm>>
    %dma_wait3A_41 = arith.constant 0 : i32
    %dma_wait3A_42 = tpu.memref_slice %arg3[%dma_wait3A_41] : memref<64000000xf32, #tpu.memory_space<hbm>> -> memref<8192xf32, #tpu.memory_space<hbm>>
    tpu.wait_dma2 semaphore(%arg12 : memref<!tpu.dma_semaphore, #tpu.memory_space<semaphore_mem>>) src(%arg8 : memref<8192xf32, #tpu.memory_space<vmem>>) dst(%dma_wait3A_42 : memref<8192xf32, #tpu.memory_space<hbm>>)
    %dma_wait3A_43 = arith.constant 0 : i32
    %dma_wait3A_44 = tpu.memref_slice %arg3[%dma_wait3A_43] : memref<64000000xf32, #tpu.memory_space<hbm>> -> memref<8192xf32, #tpu.memory_space<hbm>>
    %dma_wait3A_45 = arith.constant 0 : i32
    %dma_wait3A_46 = tpu.memref_slice %arg3[%dma_wait3A_45] : memref<64000000xf32, #tpu.memory_space<hbm>> -> memref<8192xf32, #tpu.memory_space<hbm>>
    tpu.wait_dma2 semaphore(%arg13 : memref<!tpu.dma_semaphore, #tpu.memory_space<semaphore_mem>>) src(%arg9 : memref<8192xf32, #tpu.memory_space<vmem>>) dst(%dma_wait3A_46 : memref<8192xf32, #tpu.memory_space<hbm>>)
    return
  }
}

#map = affine_map<(d0, d1) -> (0)>
#map1 = affine_map<(d0, d1) -> (0, 0)>
#map2 = affine_map<(d0, d1) -> (0, 0, 0, 0, 0)>
module attributes {stable_mosaic.version = 14 : i64} {
  func.func @lookup(%arg0: i32, %arg1: i32, %arg2: memref<819200xi32, #tpu.memory_space<hbm>>, %arg3: memref<2000000x32xf32, #tpu.memory_space<hbm>>, %arg4: memref<200x8x32x8x128xf32, #tpu.memory_space<hbm>>, %arg5: memref<25600xi32, #tpu.memory_space<vmem>>, %arg6: memref<2x256x32xf32, #tpu.memory_space<vmem>>, %arg7: memref<2x256xi32, #tpu.memory_space<vmem>>, %arg8: memref<2x64x129xf32, #tpu.memory_space<vmem>>, %arg9: memref<!tpu.dma_semaphore, #tpu.memory_space<semaphore_mem>>, %arg10: memref<!tpu.dma_semaphore, #tpu.memory_space<semaphore_mem>>, %arg11: memref<!tpu.dma_semaphore, #tpu.memory_space<semaphore_mem>>, %arg12: memref<!tpu.dma_semaphore, #tpu.memory_space<semaphore_mem>>) attributes {dimension_semantics = [#tpu.dimension_semantics<core_parallel>, #tpu.dimension_semantics<subcore_parallel>], iteration_bounds = array<i64: 2, 16>, scalar_prefetch = 0 : i64, scratch_operands = 8 : i64, tpu.core_type = #tpu.core_type<sc_vector_subcore>, window_params = [{transform_indices = #map}, {transform_indices = #map1}, {transform_indices = #map2}]} {
    %mul3A = arith.constant 2 : i32
    %mul3A_0 = arith.muli %arg1, %mul3A : i32
    %add3A = arith.addi %mul3A_0, %arg0 : i32
    %mul3A_1 = arith.constant 200 : i32
    %mul3A_2 = arith.muli %add3A, %mul3A_1 : i32
    %mul3A_3 = arith.constant 128 : i32
    %mul3A_4 = arith.muli %mul3A_2, %mul3A_3 : i32
    "tpu.region"() ({
      %run_scoped3A = tpu.sem_alloc : memref<!tpu.dma_semaphore, #tpu.memory_space<semaphore_mem>>
      %dma_start3A_587 = tpu.memref_slice %arg2[%mul3A_4] : memref<819200xi32, #tpu.memory_space<hbm>> -> memref<25600xi32, #tpu.memory_space<hbm>>
      %dma_start3A_588 = tpu.memref_slice %arg2[%mul3A_4] : memref<819200xi32, #tpu.memory_space<hbm>> -> memref<25600xi32, #tpu.memory_space<hbm>>
      tpu.enqueue_dma source(%dma_start3A_588 : memref<25600xi32, #tpu.memory_space<hbm>>) target(%arg5 : memref<25600xi32, #tpu.memory_space<vmem>>) target_semaphore(%run_scoped3A : memref<!tpu.dma_semaphore, #tpu.memory_space<semaphore_mem>>)
      %dma_wait3A_589 = tpu.memref_slice %arg2[%mul3A_4] : memref<819200xi32, #tpu.memory_space<hbm>> -> memref<25600xi32, #tpu.memory_space<hbm>>
      %dma_wait3A_590 = tpu.memref_slice %arg2[%mul3A_4] : memref<819200xi32, #tpu.memory_space<hbm>> -> memref<25600xi32, #tpu.memory_space<hbm>>
      tpu.wait_dma2 semaphore(%run_scoped3A : memref<!tpu.dma_semaphore, #tpu.memory_space<semaphore_mem>>) src(%dma_wait3A_590 : memref<25600xi32, #tpu.memory_space<hbm>>) dst(%arg5 : memref<25600xi32, #tpu.memory_space<vmem>>)
      tpu.yield
    }) : () -> ()
    %iota3A = tpu.iota {dimensions = array<i32: 0>} : vector<16xi32>
    %add3A_5 = arith.constant 0 : i32
    %add3A_6 = vector.broadcast %add3A_5 : i32 to vector<16xi32>
    %add3A_7 = arith.addi %iota3A, %add3A_6 : vector<16xi32>
    %add3A_8 = arith.constant 16 : i32
    %add3A_9 = vector.broadcast %add3A_8 : i32 to vector<16xi32>
    %add3A_10 = arith.addi %iota3A, %add3A_9 : vector<16xi32>
    %add3A_11 = arith.constant 32 : i32
    %add3A_12 = vector.broadcast %add3A_11 : i32 to vector<16xi32>
    %add3A_13 = arith.addi %iota3A, %add3A_12 : vector<16xi32>
    %add3A_14 = arith.constant 48 : i32
    %add3A_15 = vector.broadcast %add3A_14 : i32 to vector<16xi32>
    %add3A_16 = arith.addi %iota3A, %add3A_15 : vector<16xi32>
    %get3A = arith.constant 0 : index
    %get3A_17 = tpu.vector_load %arg5[%get3A] {strides = array<i32>} : memref<25600xi32, #tpu.memory_space<vmem>>, vector<16xi32>,
    %add3A_18 = arith.addi %get3A_17, %get3A_17 : vector<16xi32>
    %swap3A = arith.constant 0 : i32
    %swap3A_19 = arith.index_cast %swap3A : i32 to index
    %swap3A_20 = arith.constant 0 : index
    %swap3A_21 = tpu.vector_load %arg7[%swap3A_19, %swap3A_20] {strides = array<i32>} : memref<2x256xi32, #tpu.memory_space<vmem>>, vector<16xi32>,
    tpu.vector_store %arg7[%swap3A_19, %swap3A_20], %add3A_18 {strides = array<i32>} : memref<2x256xi32, #tpu.memory_space<vmem>>, vector<16xi32>,
    %add3A_22 = arith.constant 1 : i32
    %add3A_23 = vector.broadcast %add3A_22 : i32 to vector<16xi32>
    %add3A_24 = arith.addi %add3A_18, %add3A_23 : vector<16xi32>
    %swap3A_25 = arith.constant 0 : i32
    %swap3A_26 = arith.index_cast %swap3A_25 : i32 to index
    %swap3A_27 = arith.constant 128 : index
    %swap3A_28 = tpu.vector_load %arg7[%swap3A_26, %swap3A_27] {strides = array<i32>} : memref<2x256xi32, #tpu.memory_space<vmem>>, vector<16xi32>,
    tpu.vector_store %arg7[%swap3A_26, %swap3A_27], %add3A_24 {strides = array<i32>} : memref<2x256xi32, #tpu.memory_space<vmem>>, vector<16xi32>,
    %get3A_29 = arith.constant 16 : index
    %get3A_30 = tpu.vector_load %arg5[%get3A_29] {strides = array<i32>} : memref<25600xi32, #tpu.memory_space<vmem>>, vector<16xi32>,
    %add3A_31 = arith.addi %get3A_30, %get3A_30 : vector<16xi32>
    %swap3A_32 = arith.constant 0 : i32
    %swap3A_33 = arith.index_cast %swap3A_32 : i32 to index
    %swap3A_34 = arith.constant 16 : index
    %swap3A_35 = tpu.vector_load %arg7[%swap3A_33, %swap3A_34] {strides = array<i32>} : memref<2x256xi32, #tpu.memory_space<vmem>>, vector<16xi32>,
    tpu.vector_store %arg7[%swap3A_33, %swap3A_34], %add3A_31 {strides = array<i32>} : memref<2x256xi32, #tpu.memory_space<vmem>>, vector<16xi32>,
    %add3A_36 = arith.constant 1 : i32
    %add3A_37 = vector.broadcast %add3A_36 : i32 to vector<16xi32>
    %add3A_38 = arith.addi %add3A_31, %add3A_37 : vector<16xi32>
    %swap3A_39 = arith.constant 0 : i32
    %swap3A_40 = arith.index_cast %swap3A_39 : i32 to index
    %swap3A_41 = arith.constant 144 : index
    %swap3A_42 = tpu.vector_load %arg7[%swap3A_40, %swap3A_41] {strides = array<i32>} : memref<2x256xi32, #tpu.memory_space<vmem>>, vector<16xi32>,
    tpu.vector_store %arg7[%swap3A_40, %swap3A_41], %add3A_38 {strides = array<i32>} : memref<2x256xi32, #tpu.memory_space<vmem>>, vector<16xi32>,
    %get3A_43 = arith.constant 32 : index
    %get3A_44 = tpu.vector_load %arg5[%get3A_43] {strides = array<i32>} : memref<25600xi32, #tpu.memory_space<vmem>>, vector<16xi32>,
    %add3A_45 = arith.addi %get3A_44, %get3A_44 : vector<16xi32>
    %swap3A_46 = arith.constant 0 : i32
    %swap3A_47 = arith.index_cast %swap3A_46 : i32 to index
    %swap3A_48 = arith.constant 32 : index
    %swap3A_49 = tpu.vector_load %arg7[%swap3A_47, %swap3A_48] {strides = array<i32>} : memref<2x256xi32, #tpu.memory_space<vmem>>, vector<16xi32>,
    tpu.vector_store %arg7[%swap3A_47, %swap3A_48], %add3A_45 {strides = array<i32>} : memref<2x256xi32, #tpu.memory_space<vmem>>, vector<16xi32>,
    %add3A_50 = arith.constant 1 : i32
    %add3A_51 = vector.broadcast %add3A_50 : i32 to vector<16xi32>
    %add3A_52 = arith.addi %add3A_45, %add3A_51 : vector<16xi32>
    %swap3A_53 = arith.constant 0 : i32
    %swap3A_54 = arith.index_cast %swap3A_53 : i32 to index
    %swap3A_55 = arith.constant 160 : index
    %swap3A_56 = tpu.vector_load %arg7[%swap3A_54, %swap3A_55] {strides = array<i32>} : memref<2x256xi32, #tpu.memory_space<vmem>>, vector<16xi32>,
    tpu.vector_store %arg7[%swap3A_54, %swap3A_55], %add3A_52 {strides = array<i32>} : memref<2x256xi32, #tpu.memory_space<vmem>>, vector<16xi32>,
    %get3A_57 = arith.constant 48 : index
    %get3A_58 = tpu.vector_load %arg5[%get3A_57] {strides = array<i32>} : memref<25600xi32, #tpu.memory_space<vmem>>, vector<16xi32>,
    %add3A_59 = arith.addi %get3A_58, %get3A_58 : vector<16xi32>
    %swap3A_60 = arith.constant 0 : i32
    %swap3A_61 = arith.index_cast %swap3A_60 : i32 to index
    %swap3A_62 = arith.constant 48 : index
    %swap3A_63 = tpu.vector_load %arg7[%swap3A_61, %swap3A_62] {strides = array<i32>} : memref<2x256xi32, #tpu.memory_space<vmem>>, vector<16xi32>,
    tpu.vector_store %arg7[%swap3A_61, %swap3A_62], %add3A_59 {strides = array<i32>} : memref<2x256xi32, #tpu.memory_space<vmem>>, vector<16xi32>,
    %add3A_64 = arith.constant 1 : i32
    %add3A_65 = vector.broadcast %add3A_64 : i32 to vector<16xi32>
    %add3A_66 = arith.addi %add3A_59, %add3A_65 : vector<16xi32>
    %swap3A_67 = arith.constant 0 : i32
    %swap3A_68 = arith.index_cast %swap3A_67 : i32 to index
    %swap3A_69 = arith.constant 176 : index
    %swap3A_70 = tpu.vector_load %arg7[%swap3A_68, %swap3A_69] {strides = array<i32>} : memref<2x256xi32, #tpu.memory_space<vmem>>, vector<16xi32>,
    tpu.vector_store %arg7[%swap3A_68, %swap3A_69], %add3A_66 {strides = array<i32>} : memref<2x256xi32, #tpu.memory_space<vmem>>, vector<16xi32>,
    %get3A_71 = arith.constant 64 : index
    %get3A_72 = tpu.vector_load %arg5[%get3A_71] {strides = array<i32>} : memref<25600xi32, #tpu.memory_space<vmem>>, vector<16xi32>,
    %add3A_73 = arith.addi %get3A_72, %get3A_72 : vector<16xi32>
    %swap3A_74 = arith.constant 0 : i32
    %swap3A_75 = arith.index_cast %swap3A_74 : i32 to index
    %swap3A_76 = arith.constant 64 : index
    %swap3A_77 = tpu.vector_load %arg7[%swap3A_75, %swap3A_76] {strides = array<i32>} : memref<2x256xi32, #tpu.memory_space<vmem>>, vector<16xi32>,
    tpu.vector_store %arg7[%swap3A_75, %swap3A_76], %add3A_73 {strides = array<i32>} : memref<2x256xi32, #tpu.memory_space<vmem>>, vector<16xi32>,
    %add3A_78 = arith.constant 1 : i32
    %add3A_79 = vector.broadcast %add3A_78 : i32 to vector<16xi32>
    %add3A_80 = arith.addi %add3A_73, %add3A_79 : vector<16xi32>
    %swap3A_81 = arith.constant 0 : i32
    %swap3A_82 = arith.index_cast %swap3A_81 : i32 to index
    %swap3A_83 = arith.constant 192 : index
    %swap3A_84 = tpu.vector_load %arg7[%swap3A_82, %swap3A_83] {strides = array<i32>} : memref<2x256xi32, #tpu.memory_space<vmem>>, vector<16xi32>,
    tpu.vector_store %arg7[%swap3A_82, %swap3A_83], %add3A_80 {strides = array<i32>} : memref<2x256xi32, #tpu.memory_space<vmem>>, vector<16xi32>,
    %get3A_85 = arith.constant 80 : index
    %get3A_86 = tpu.vector_load %arg5[%get3A_85] {strides = array<i32>} : memref<25600xi32, #tpu.memory_space<vmem>>, vector<16xi32>,
    %add3A_87 = arith.addi %get3A_86, %get3A_86 : vector<16xi32>
    %swap3A_88 = arith.constant 0 : i32
    %swap3A_89 = arith.index_cast %swap3A_88 : i32 to index
    %swap3A_90 = arith.constant 80 : index
    %swap3A_91 = tpu.vector_load %arg7[%swap3A_89, %swap3A_90] {strides = array<i32>} : memref<2x256xi32, #tpu.memory_space<vmem>>, vector<16xi32>,
    tpu.vector_store %arg7[%swap3A_89, %swap3A_90], %add3A_87 {strides = array<i32>} : memref<2x256xi32, #tpu.memory_space<vmem>>, vector<16xi32>,
    %add3A_92 = arith.constant 1 : i32
    %add3A_93 = vector.broadcast %add3A_92 : i32 to vector<16xi32>
    %add3A_94 = arith.addi %add3A_87, %add3A_93 : vector<16xi32>
    %swap3A_95 = arith.constant 0 : i32
    %swap3A_96 = arith.index_cast %swap3A_95 : i32 to index
    %swap3A_97 = arith.constant 208 : index
    %swap3A_98 = tpu.vector_load %arg7[%swap3A_96, %swap3A_97] {strides = array<i32>} : memref<2x256xi32, #tpu.memory_space<vmem>>, vector<16xi32>,
    tpu.vector_store %arg7[%swap3A_96, %swap3A_97], %add3A_94 {strides = array<i32>} : memref<2x256xi32, #tpu.memory_space<vmem>>, vector<16xi32>,
    %get3A_99 = arith.constant 96 : index
    %get3A_100 = tpu.vector_load %arg5[%get3A_99] {strides = array<i32>} : memref<25600xi32, #tpu.memory_space<vmem>>, vector<16xi32>,
    %add3A_101 = arith.addi %get3A_100, %get3A_100 : vector<16xi32>
    %swap3A_102 = arith.constant 0 : i32
    %swap3A_103 = arith.index_cast %swap3A_102 : i32 to index
    %swap3A_104 = arith.constant 96 : index
    %swap3A_105 = tpu.vector_load %arg7[%swap3A_103, %swap3A_104] {strides = array<i32>} : memref<2x256xi32, #tpu.memory_space<vmem>>, vector<16xi32>,
    tpu.vector_store %arg7[%swap3A_103, %swap3A_104], %add3A_101 {strides = array<i32>} : memref<2x256xi32, #tpu.memory_space<vmem>>, vector<16xi32>,
    %add3A_106 = arith.constant 1 : i32
    %add3A_107 = vector.broadcast %add3A_106 : i32 to vector<16xi32>
    %add3A_108 = arith.addi %add3A_101, %add3A_107 : vector<16xi32>
    %swap3A_109 = arith.constant 0 : i32
    %swap3A_110 = arith.index_cast %swap3A_109 : i32 to index
    %swap3A_111 = arith.constant 224 : index
    %swap3A_112 = tpu.vector_load %arg7[%swap3A_110, %swap3A_111] {strides = array<i32>} : memref<2x256xi32, #tpu.memory_space<vmem>>, vector<16xi32>,
    tpu.vector_store %arg7[%swap3A_110, %swap3A_111], %add3A_108 {strides = array<i32>} : memref<2x256xi32, #tpu.memory_space<vmem>>, vector<16xi32>,
    %get3A_113 = arith.constant 112 : index
    %get3A_114 = tpu.vector_load %arg5[%get3A_113] {strides = array<i32>} : memref<25600xi32, #tpu.memory_space<vmem>>, vector<16xi32>,
    %add3A_115 = arith.addi %get3A_114, %get3A_114 : vector<16xi32>
    %swap3A_116 = arith.constant 0 : i32
    %swap3A_117 = arith.index_cast %swap3A_116 : i32 to index
    %swap3A_118 = arith.constant 112 : index
    %swap3A_119 = tpu.vector_load %arg7[%swap3A_117, %swap3A_118] {strides = array<i32>} : memref<2x256xi32, #tpu.memory_space<vmem>>, vector<16xi32>,
    tpu.vector_store %arg7[%swap3A_117, %swap3A_118], %add3A_115 {strides = array<i32>} : memref<2x256xi32, #tpu.memory_space<vmem>>, vector<16xi32>,
    %add3A_120 = arith.constant 1 : i32
    %add3A_121 = vector.broadcast %add3A_120 : i32 to vector<16xi32>
    %add3A_122 = arith.addi %add3A_115, %add3A_121 : vector<16xi32>
    %swap3A_123 = arith.constant 0 : i32
    %swap3A_124 = arith.index_cast %swap3A_123 : i32 to index
    %swap3A_125 = arith.constant 240 : index
    %swap3A_126 = tpu.vector_load %arg7[%swap3A_124, %swap3A_125] {strides = array<i32>} : memref<2x256xi32, #tpu.memory_space<vmem>>, vector<16xi32>,
    tpu.vector_store %arg7[%swap3A_124, %swap3A_125], %add3A_122 {strides = array<i32>} : memref<2x256xi32, #tpu.memory_space<vmem>>, vector<16xi32>,
    %dma_start3A = arith.constant 0 : i32
    %dma_start3A_127 = arith.constant 0 : i32
    %dma_start3A_128 = arith.constant 0 : i32
    %dma_start3A_129 = arith.constant 0 : i32
    %dma_start3A_130 = tpu.memref_slice %arg6[%dma_start3A_127, %dma_start3A_128, %dma_start3A_129] : memref<2x256x32xf32, #tpu.memory_space<vmem>> -> memref<1x128x32xf32, #tpu.memory_space<vmem>>
    %dma_start3A_131 = tpu.memref_squeeze %dma_start3A_130 : memref<1x128x32xf32, #tpu.memory_space<vmem>> -> memref<128x32xf32, #tpu.memory_space<vmem>>
    %dma_start3A_132 = arith.constant 0 : i32
    %dma_start3A_133 = tpu.memref_slice %arg7[%dma_start3A, %dma_start3A_132] : memref<2x256xi32, #tpu.memory_space<vmem>> -> memref<1x128xi32, #tpu.memory_space<vmem>>
    %dma_start3A_134 = tpu.memref_squeeze %dma_start3A_133 : memref<1x128xi32, #tpu.memory_space<vmem>> -> memref<128xi32, #tpu.memory_space<vmem>>
    %dma_start3A_135 = arith.constant 0 : i32
    %dma_start3A_136 = arith.constant 0 : i32
    %dma_start3A_137 = tpu.memref_slice %arg3[%dma_start3A_135, %dma_start3A_136] : memref<2000000x32xf32, #tpu.memory_space<hbm>> -> memref<2000000x32xf32, #tpu.memory_space<hbm>>
    tpu.enqueue_indirect_dma source(%dma_start3A_137 : memref<2000000x32xf32, #tpu.memory_space<hbm>>) target(%dma_start3A_131 : memref<128x32xf32, #tpu.memory_space<vmem>>) offsets(%dma_start3A_134 : memref<128xi32, #tpu.memory_space<vmem>>) semaphore(%arg9 : memref<!tpu.dma_semaphore, #tpu.memory_space<semaphore_mem>>)
    %dma_start3A_138 = arith.constant 0 : i32
    %dma_start3A_139 = arith.constant 0 : i32
    %dma_start3A_140 = arith.constant 128 : i32
    %dma_start3A_141 = arith.constant 0 : i32
    %dma_start3A_142 = tpu.memref_slice %arg6[%dma_start3A_139, %dma_start3A_140, %dma_start3A_141] : memref<2x256x32xf32, #tpu.memory_space<vmem>> -> memref<1x128x32xf32, #tpu.memory_space<vmem>>
    %dma_start3A_143 = tpu.memref_squeeze %dma_start3A_142 : memref<1x128x32xf32, #tpu.memory_space<vmem>> -> memref<128x32xf32, #tpu.memory_space<vmem>>
    %dma_start3A_144 = arith.constant 128 : i32
    %dma_start3A_145 = tpu.memref_slice %arg7[%dma_start3A_138, %dma_start3A_144] : memref<2x256xi32, #tpu.memory_space<vmem>> -> memref<1x128xi32, #tpu.memory_space<vmem>>
    %dma_start3A_146 = tpu.memref_squeeze %dma_start3A_145 : memref<1x128xi32, #tpu.memory_space<vmem>> -> memref<128xi32, #tpu.memory_space<vmem>>
    %dma_start3A_147 = arith.constant 0 : i32
    %dma_start3A_148 = arith.constant 0 : i32
    %dma_start3A_149 = tpu.memref_slice %arg3[%dma_start3A_147, %dma_start3A_148] : memref<2000000x32xf32, #tpu.memory_space<hbm>> -> memref<2000000x32xf32, #tpu.memory_space<hbm>>
    tpu.enqueue_indirect_dma source(%dma_start3A_149 : memref<2000000x32xf32, #tpu.memory_space<hbm>>) target(%dma_start3A_143 : memref<128x32xf32, #tpu.memory_space<vmem>>) offsets(%dma_start3A_146 : memref<128xi32, #tpu.memory_space<vmem>>) semaphore(%arg9 : memref<!tpu.dma_semaphore, #tpu.memory_space<semaphore_mem>>)
    %get3A_150 = arith.constant 128 : index
    %get3A_151 = tpu.vector_load %arg5[%get3A_150] {strides = array<i32>} : memref<25600xi32, #tpu.memory_space<vmem>>, vector<16xi32>,
    %add3A_152 = arith.addi %get3A_151, %get3A_151 : vector<16xi32>
    %swap3A_153 = arith.constant 1 : i32
    %swap3A_154 = arith.index_cast %swap3A_153 : i32 to index
    %swap3A_155 = arith.constant 0 : index
    %swap3A_156 = tpu.vector_load %arg7[%swap3A_154, %swap3A_155] {strides = array<i32>} : memref<2x256xi32, #tpu.memory_space<vmem>>, vector<16xi32>,
    tpu.vector_store %arg7[%swap3A_154, %swap3A_155], %add3A_152 {strides = array<i32>} : memref<2x256xi32, #tpu.memory_space<vmem>>, vector<16xi32>,
    %add3A_157 = arith.constant 1 : i32
    %add3A_158 = vector.broadcast %add3A_157 : i32 to vector<16xi32>
    %add3A_159 = arith.addi %add3A_152, %add3A_158 : vector<16xi32>
    %swap3A_160 = arith.constant 1 : i32
    %swap3A_161 = arith.index_cast %swap3A_160 : i32 to index
    %swap3A_162 = arith.constant 128 : index
    %swap3A_163 = tpu.vector_load %arg7[%swap3A_161, %swap3A_162] {strides = array<i32>} : memref<2x256xi32, #tpu.memory_space<vmem>>, vector<16xi32>,
    tpu.vector_store %arg7[%swap3A_161, %swap3A_162], %add3A_159 {strides = array<i32>} : memref<2x256xi32, #tpu.memory_space<vmem>>, vector<16xi32>,
    %get3A_164 = arith.constant 144 : index
    %get3A_165 = tpu.vector_load %arg5[%get3A_164] {strides = array<i32>} : memref<25600xi32, #tpu.memory_space<vmem>>, vector<16xi32>,
    %add3A_166 = arith.addi %get3A_165, %get3A_165 : vector<16xi32>
    %swap3A_167 = arith.constant 1 : i32
    %swap3A_168 = arith.index_cast %swap3A_167 : i32 to index
    %swap3A_169 = arith.constant 16 : index
    %swap3A_170 = tpu.vector_load %arg7[%swap3A_168, %swap3A_169] {strides = array<i32>} : memref<2x256xi32, #tpu.memory_space<vmem>>, vector<16xi32>,
    tpu.vector_store %arg7[%swap3A_168, %swap3A_169], %add3A_166 {strides = array<i32>} : memref<2x256xi32, #tpu.memory_space<vmem>>, vector<16xi32>,
    %add3A_171 = arith.constant 1 : i32
    %add3A_172 = vector.broadcast %add3A_171 : i32 to vector<16xi32>
    %add3A_173 = arith.addi %add3A_166, %add3A_172 : vector<16xi32>
    %swap3A_174 = arith.constant 1 : i32
    %swap3A_175 = arith.index_cast %swap3A_174 : i32 to index
    %swap3A_176 = arith.constant 144 : index
    %swap3A_177 = tpu.vector_load %arg7[%swap3A_175, %swap3A_176] {strides = array<i32>} : memref<2x256xi32, #tpu.memory_space<vmem>>, vector<16xi32>,
    tpu.vector_store %arg7[%swap3A_175, %swap3A_176], %add3A_173 {strides = array<i32>} : memref<2x256xi32, #tpu.memory_space<vmem>>, vector<16xi32>,
    %get3A_178 = arith.constant 160 : index
    %get3A_179 = tpu.vector_load %arg5[%get3A_178] {strides = array<i32>} : memref<25600xi32, #tpu.memory_space<vmem>>, vector<16xi32>,
    %add3A_180 = arith.addi %get3A_179, %get3A_179 : vector<16xi32>
    %swap3A_181 = arith.constant 1 : i32
    %swap3A_182 = arith.index_cast %swap3A_181 : i32 to index
    %swap3A_183 = arith.constant 32 : index
    %swap3A_184 = tpu.vector_load %arg7[%swap3A_182, %swap3A_183] {strides = array<i32>} : memref<2x256xi32, #tpu.memory_space<vmem>>, vector<16xi32>,
    tpu.vector_store %arg7[%swap3A_182, %swap3A_183], %add3A_180 {strides = array<i32>} : memref<2x256xi32, #tpu.memory_space<vmem>>, vector<16xi32>,
    %add3A_185 = arith.constant 1 : i32
    %add3A_186 = vector.broadcast %add3A_185 : i32 to vector<16xi32>
    %add3A_187 = arith.addi %add3A_180, %add3A_186 : vector<16xi32>
    %swap3A_188 = arith.constant 1 : i32
    %swap3A_189 = arith.index_cast %swap3A_188 : i32 to index
    %swap3A_190 = arith.constant 160 : index
    %swap3A_191 = tpu.vector_load %arg7[%swap3A_189, %swap3A_190] {strides = array<i32>} : memref<2x256xi32, #tpu.memory_space<vmem>>, vector<16xi32>,
    tpu.vector_store %arg7[%swap3A_189, %swap3A_190], %add3A_187 {strides = array<i32>} : memref<2x256xi32, #tpu.memory_space<vmem>>, vector<16xi32>,
    %get3A_192 = arith.constant 176 : index
    %get3A_193 = tpu.vector_load %arg5[%get3A_192] {strides = array<i32>} : memref<25600xi32, #tpu.memory_space<vmem>>, vector<16xi32>,
    %add3A_194 = arith.addi %get3A_193, %get3A_193 : vector<16xi32>
    %swap3A_195 = arith.constant 1 : i32
    %swap3A_196 = arith.index_cast %swap3A_195 : i32 to index
    %swap3A_197 = arith.constant 48 : index
    %swap3A_198 = tpu.vector_load %arg7[%swap3A_196, %swap3A_197] {strides = array<i32>} : memref<2x256xi32, #tpu.memory_space<vmem>>, vector<16xi32>,
    tpu.vector_store %arg7[%swap3A_196, %swap3A_197], %add3A_194 {strides = array<i32>} : memref<2x256xi32, #tpu.memory_space<vmem>>, vector<16xi32>,
    %add3A_199 = arith.constant 1 : i32
    %add3A_200 = vector.broadcast %add3A_199 : i32 to vector<16xi32>
    %add3A_201 = arith.addi %add3A_194, %add3A_200 : vector<16xi32>
    %swap3A_202 = arith.constant 1 : i32
    %swap3A_203 = arith.index_cast %swap3A_202 : i32 to index
    %swap3A_204 = arith.constant 176 : index
    %swap3A_205 = tpu.vector_load %arg7[%swap3A_203, %swap3A_204] {strides = array<i32>} : memref<2x256xi32, #tpu.memory_space<vmem>>, vector<16xi32>,
    tpu.vector_store %arg7[%swap3A_203, %swap3A_204], %add3A_201 {strides = array<i32>} : memref<2x256xi32, #tpu.memory_space<vmem>>, vector<16xi32>,
    %get3A_206 = arith.constant 192 : index
    %get3A_207 = tpu.vector_load %arg5[%get3A_206] {strides = array<i32>} : memref<25600xi32, #tpu.memory_space<vmem>>, vector<16xi32>,
    %add3A_208 = arith.addi %get3A_207, %get3A_207 : vector<16xi32>
    %swap3A_209 = arith.constant 1 : i32
    %swap3A_210 = arith.index_cast %swap3A_209 : i32 to index
    %swap3A_211 = arith.constant 64 : index
    %swap3A_212 = tpu.vector_load %arg7[%swap3A_210, %swap3A_211] {strides = array<i32>} : memref<2x256xi32, #tpu.memory_space<vmem>>, vector<16xi32>,
    tpu.vector_store %arg7[%swap3A_210, %swap3A_211], %add3A_208 {strides = array<i32>} : memref<2x256xi32, #tpu.memory_space<vmem>>, vector<16xi32>,
    %add3A_213 = arith.constant 1 : i32
    %add3A_214 = vector.broadcast %add3A_213 : i32 to vector<16xi32>
    %add3A_215 = arith.addi %add3A_208, %add3A_214 : vector<16xi32>
    %swap3A_216 = arith.constant 1 : i32
    %swap3A_217 = arith.index_cast %swap3A_216 : i32 to index
    %swap3A_218 = arith.constant 192 : index
    %swap3A_219 = tpu.vector_load %arg7[%swap3A_217, %swap3A_218] {strides = array<i32>} : memref<2x256xi32, #tpu.memory_space<vmem>>, vector<16xi32>,
    tpu.vector_store %arg7[%swap3A_217, %swap3A_218], %add3A_215 {strides = array<i32>} : memref<2x256xi32, #tpu.memory_space<vmem>>, vector<16xi32>,
    %get3A_220 = arith.constant 208 : index
    %get3A_221 = tpu.vector_load %arg5[%get3A_220] {strides = array<i32>} : memref<25600xi32, #tpu.memory_space<vmem>>, vector<16xi32>,
    %add3A_222 = arith.addi %get3A_221, %get3A_221 : vector<16xi32>
    %swap3A_223 = arith.constant 1 : i32
    %swap3A_224 = arith.index_cast %swap3A_223 : i32 to index
    %swap3A_225 = arith.constant 80 : index
    %swap3A_226 = tpu.vector_load %arg7[%swap3A_224, %swap3A_225] {strides = array<i32>} : memref<2x256xi32, #tpu.memory_space<vmem>>, vector<16xi32>,
    tpu.vector_store %arg7[%swap3A_224, %swap3A_225], %add3A_222 {strides = array<i32>} : memref<2x256xi32, #tpu.memory_space<vmem>>, vector<16xi32>,
    %add3A_227 = arith.constant 1 : i32
    %add3A_228 = vector.broadcast %add3A_227 : i32 to vector<16xi32>
    %add3A_229 = arith.addi %add3A_222, %add3A_228 : vector<16xi32>
    %swap3A_230 = arith.constant 1 : i32
    %swap3A_231 = arith.index_cast %swap3A_230 : i32 to index
    %swap3A_232 = arith.constant 208 : index
    %swap3A_233 = tpu.vector_load %arg7[%swap3A_231, %swap3A_232] {strides = array<i32>} : memref<2x256xi32, #tpu.memory_space<vmem>>, vector<16xi32>,
    tpu.vector_store %arg7[%swap3A_231, %swap3A_232], %add3A_229 {strides = array<i32>} : memref<2x256xi32, #tpu.memory_space<vmem>>, vector<16xi32>,
    %get3A_234 = arith.constant 224 : index
    %get3A_235 = tpu.vector_load %arg5[%get3A_234] {strides = array<i32>} : memref<25600xi32, #tpu.memory_space<vmem>>, vector<16xi32>,
    %add3A_236 = arith.addi %get3A_235, %get3A_235 : vector<16xi32>
    %swap3A_237 = arith.constant 1 : i32
    %swap3A_238 = arith.index_cast %swap3A_237 : i32 to index
    %swap3A_239 = arith.constant 96 : index
    %swap3A_240 = tpu.vector_load %arg7[%swap3A_238, %swap3A_239] {strides = array<i32>} : memref<2x256xi32, #tpu.memory_space<vmem>>, vector<16xi32>,
    tpu.vector_store %arg7[%swap3A_238, %swap3A_239], %add3A_236 {strides = array<i32>} : memref<2x256xi32, #tpu.memory_space<vmem>>, vector<16xi32>,
    %add3A_241 = arith.constant 1 : i32
    %add3A_242 = vector.broadcast %add3A_241 : i32 to vector<16xi32>
    %add3A_243 = arith.addi %add3A_236, %add3A_242 : vector<16xi32>
    %swap3A_244 = arith.constant 1 : i32
    %swap3A_245 = arith.index_cast %swap3A_244 : i32 to index
    %swap3A_246 = arith.constant 224 : index
    %swap3A_247 = tpu.vector_load %arg7[%swap3A_245, %swap3A_246] {strides = array<i32>} : memref<2x256xi32, #tpu.memory_space<vmem>>, vector<16xi32>,
    tpu.vector_store %arg7[%swap3A_245, %swap3A_246], %add3A_243 {strides = array<i32>} : memref<2x256xi32, #tpu.memory_space<vmem>>, vector<16xi32>,
    %get3A_248 = arith.constant 240 : index
    %get3A_249 = tpu.vector_load %arg5[%get3A_248] {strides = array<i32>} : memref<25600xi32, #tpu.memory_space<vmem>>, vector<16xi32>,
    %add3A_250 = arith.addi %get3A_249, %get3A_249 : vector<16xi32>
    %swap3A_251 = arith.constant 1 : i32
    %swap3A_252 = arith.index_cast %swap3A_251 : i32 to index
    %swap3A_253 = arith.constant 112 : index
    %swap3A_254 = tpu.vector_load %arg7[%swap3A_252, %swap3A_253] {strides = array<i32>} : memref<2x256xi32, #tpu.memory_space<vmem>>, vector<16xi32>,
    tpu.vector_store %arg7[%swap3A_252, %swap3A_253], %add3A_250 {strides = array<i32>} : memref<2x256xi32, #tpu.memory_space<vmem>>, vector<16xi32>,
    %add3A_255 = arith.constant 1 : i32
    %add3A_256 = vector.broadcast %add3A_255 : i32 to vector<16xi32>
    %add3A_257 = arith.addi %add3A_250, %add3A_256 : vector<16xi32>
    %swap3A_258 = arith.constant 1 : i32
    %swap3A_259 = arith.index_cast %swap3A_258 : i32 to index
    %swap3A_260 = arith.constant 240 : index
    %swap3A_261 = tpu.vector_load %arg7[%swap3A_259, %swap3A_260] {strides = array<i32>} : memref<2x256xi32, #tpu.memory_space<vmem>>, vector<16xi32>,
    tpu.vector_store %arg7[%swap3A_259, %swap3A_260], %add3A_257 {strides = array<i32>} : memref<2x256xi32, #tpu.memory_space<vmem>>, vector<16xi32>,
    %dma_start3A_262 = arith.constant 1 : i32
    %dma_start3A_263 = arith.constant 1 : i32
    %dma_start3A_264 = arith.constant 0 : i32
    %dma_start3A_265 = arith.constant 0 : i32
    %dma_start3A_266 = tpu.memref_slice %arg6[%dma_start3A_263, %dma_start3A_264, %dma_start3A_265] : memref<2x256x32xf32, #tpu.memory_space<vmem>> -> memref<1x128x32xf32, #tpu.memory_space<vmem>>
    %dma_start3A_267 = tpu.memref_squeeze %dma_start3A_266 : memref<1x128x32xf32, #tpu.memory_space<vmem>> -> memref<128x32xf32, #tpu.memory_space<vmem>>
    %dma_start3A_268 = arith.constant 0 : i32
    %dma_start3A_269 = tpu.memref_slice %arg7[%dma_start3A_262, %dma_start3A_268] : memref<2x256xi32, #tpu.memory_space<vmem>> -> memref<1x128xi32, #tpu.memory_space<vmem>>
    %dma_start3A_270 = tpu.memref_squeeze %dma_start3A_269 : memref<1x128xi32, #tpu.memory_space<vmem>> -> memref<128xi32, #tpu.memory_space<vmem>>
    %dma_start3A_271 = arith.constant 0 : i32
    %dma_start3A_272 = arith.constant 0 : i32
    %dma_start3A_273 = tpu.memref_slice %arg3[%dma_start3A_271, %dma_start3A_272] : memref<2000000x32xf32, #tpu.memory_space<hbm>> -> memref<2000000x32xf32, #tpu.memory_space<hbm>>
    tpu.enqueue_indirect_dma source(%dma_start3A_273 : memref<2000000x32xf32, #tpu.memory_space<hbm>>) target(%dma_start3A_267 : memref<128x32xf32, #tpu.memory_space<vmem>>) offsets(%dma_start3A_270 : memref<128xi32, #tpu.memory_space<vmem>>) semaphore(%arg10 : memref<!tpu.dma_semaphore, #tpu.memory_space<semaphore_mem>>)
    %dma_start3A_274 = arith.constant 1 : i32
    %dma_start3A_275 = arith.constant 1 : i32
    %dma_start3A_276 = arith.constant 128 : i32
    %dma_start3A_277 = arith.constant 0 : i32
    %dma_start3A_278 = tpu.memref_slice %arg6[%dma_start3A_275, %dma_start3A_276, %dma_start3A_277] : memref<2x256x32xf32, #tpu.memory_space<vmem>> -> memref<1x128x32xf32, #tpu.memory_space<vmem>>
    %dma_start3A_279 = tpu.memref_squeeze %dma_start3A_278 : memref<1x128x32xf32, #tpu.memory_space<vmem>> -> memref<128x32xf32, #tpu.memory_space<vmem>>
    %dma_start3A_280 = arith.constant 128 : i32
    %dma_start3A_281 = tpu.memref_slice %arg7[%dma_start3A_274, %dma_start3A_280] : memref<2x256xi32, #tpu.memory_space<vmem>> -> memref<1x128xi32, #tpu.memory_space<vmem>>
    %dma_start3A_282 = tpu.memref_squeeze %dma_start3A_281 : memref<1x128xi32, #tpu.memory_space<vmem>> -> memref<128xi32, #tpu.memory_space<vmem>>
    %dma_start3A_283 = arith.constant 0 : i32
    %dma_start3A_284 = arith.constant 0 : i32
    %dma_start3A_285 = tpu.memref_slice %arg3[%dma_start3A_283, %dma_start3A_284] : memref<2000000x32xf32, #tpu.memory_space<hbm>> -> memref<2000000x32xf32, #tpu.memory_space<hbm>>
    tpu.enqueue_indirect_dma source(%dma_start3A_285 : memref<2000000x32xf32, #tpu.memory_space<hbm>>) target(%dma_start3A_279 : memref<128x32xf32, #tpu.memory_space<vmem>>) offsets(%dma_start3A_282 : memref<128xi32, #tpu.memory_space<vmem>>) semaphore(%arg10 : memref<!tpu.dma_semaphore, #tpu.memory_space<semaphore_mem>>)
    %scan3A = arith.constant 0 : i32
    %scan3A_286 = arith.constant 100 : i32
    %scan3A_287 = arith.addi %scan3A, %scan3A_286 : i32
    %scan3A_288 = arith.constant 1 : i32
    scf.for %scan3A_587 = %scan3A to %scan3A_287 step %scan3A_288  : i32 {
      %mul3A_588 = arith.constant 2 : i32
      %mul3A_589 = arith.muli %scan3A_587, %mul3A_588 : i32
      %add3A_590 = arith.constant 0 : i32
      %add3A_591 = arith.addi %add3A_590, %mul3A_589 : i32
      %add3A_592 = arith.constant 0 : i32
      %add3A_593 = arith.addi %add3A_591, %add3A_592 : i32
      %dma_wait3A_594 = arith.constant 0 : i32
      %dma_wait3A_595 = arith.constant 0 : i32
      %dma_wait3A_596 = arith.constant 0 : i32
      %dma_wait3A_597 = arith.constant 0 : i32
      %dma_wait3A_598 = tpu.memref_slice %arg6[%dma_wait3A_595, %dma_wait3A_596, %dma_wait3A_597] : memref<2x256x32xf32, #tpu.memory_space<vmem>> -> memref<1x128x32xf32, #tpu.memory_space<vmem>>
      %dma_wait3A_599 = tpu.memref_squeeze %dma_wait3A_598 : memref<1x128x32xf32, #tpu.memory_space<vmem>> -> memref<128x32xf32, #tpu.memory_space<vmem>>
      %dma_wait3A_600 = arith.constant 0 : i32
      %dma_wait3A_601 = tpu.memref_slice %arg7[%dma_wait3A_594, %dma_wait3A_600] : memref<2x256xi32, #tpu.memory_space<vmem>> -> memref<1x128xi32, #tpu.memory_space<vmem>>
      %dma_wait3A_602 = tpu.memref_squeeze %dma_wait3A_601 : memref<1x128xi32, #tpu.memory_space<vmem>> -> memref<128xi32, #tpu.memory_space<vmem>>
      %dma_wait3A_603 = arith.constant 0 : i32
      %dma_wait3A_604 = arith.constant 0 : i32
      %dma_wait3A_605 = tpu.memref_slice %arg3[%dma_wait3A_603, %dma_wait3A_604] : memref<2000000x32xf32, #tpu.memory_space<hbm>> -> memref<2000000x32xf32, #tpu.memory_space<hbm>>
      tpu.wait_indirect_dma semaphore(%arg9 : memref<!tpu.dma_semaphore, #tpu.memory_space<semaphore_mem>>) src(%dma_wait3A_605 : memref<2000000x32xf32, #tpu.memory_space<hbm>>) dst(%dma_wait3A_599 : memref<128x32xf32, #tpu.memory_space<vmem>>)
      %dma_wait3A_606 = arith.constant 0 : i32
      %dma_wait3A_607 = arith.constant 0 : i32
      %dma_wait3A_608 = arith.constant 128 : i32
      %dma_wait3A_609 = arith.constant 0 : i32
      %dma_wait3A_610 = tpu.memref_slice %arg6[%dma_wait3A_607, %dma_wait3A_608, %dma_wait3A_609] : memref<2x256x32xf32, #tpu.memory_space<vmem>> -> memref<1x128x32xf32, #tpu.memory_space<vmem>>
      %dma_wait3A_611 = tpu.memref_squeeze %dma_wait3A_610 : memref<1x128x32xf32, #tpu.memory_space<vmem>> -> memref<128x32xf32, #tpu.memory_space<vmem>>
      %dma_wait3A_612 = arith.constant 128 : i32
      %dma_wait3A_613 = tpu.memref_slice %arg7[%dma_wait3A_606, %dma_wait3A_612] : memref<2x256xi32, #tpu.memory_space<vmem>> -> memref<1x128xi32, #tpu.memory_space<vmem>>
      %dma_wait3A_614 = tpu.memref_squeeze %dma_wait3A_613 : memref<1x128xi32, #tpu.memory_space<vmem>> -> memref<128xi32, #tpu.memory_space<vmem>>
      %dma_wait3A_615 = arith.constant 0 : i32
      %dma_wait3A_616 = arith.constant 0 : i32
      %dma_wait3A_617 = tpu.memref_slice %arg3[%dma_wait3A_615, %dma_wait3A_616] : memref<2000000x32xf32, #tpu.memory_space<hbm>> -> memref<2000000x32xf32, #tpu.memory_space<hbm>>
      tpu.wait_indirect_dma semaphore(%arg9 : memref<!tpu.dma_semaphore, #tpu.memory_space<semaphore_mem>>) src(%dma_wait3A_617 : memref<2000000x32xf32, #tpu.memory_space<hbm>>) dst(%dma_wait3A_611 : memref<128x32xf32, #tpu.memory_space<vmem>>)
      %ge3A = arith.constant 2 : i32
      %ge3A_618 = arith.cmpi sge, %add3A_593, %ge3A : i32
      %convert_element_type3A = arith.extui %ge3A_618 : i1 to i32
      %cond3A = arith.constant 0 : i32
      %cond3A_619 = arith.cmpi ne, %convert_element_type3A, %cond3A : i32
      scf.if %cond3A_619 {
        %sub3A = arith.constant 2 : i32
        %sub3A_969 = arith.subi %add3A_593, %sub3A : i32
        %add3A_970 = arith.addi %mul3A_2, %sub3A_969 : i32
        %shift_right_arithmetic3A_971 = arith.constant 5 : i32
        %shift_right_arithmetic3A_972 = arith.shrsi %add3A_970, %shift_right_arithmetic3A_971 : i32
        %and3A_973 = arith.constant 31 : i32
        %and3A_974 = arith.andi %add3A_970, %and3A_973 : i32
        %dma_wait3A_975 = arith.constant 0 : i32
        %dma_wait3A_976 = arith.constant 0 : i32
        %dma_wait3A_977 = arith.constant 0 : i32
        %dma_wait3A_978 = arith.constant 0 : i32
        %dma_wait3A_979 = tpu.memref_slice %arg8[%dma_wait3A_975, %dma_wait3A_977, %dma_wait3A_978] : memref<2x64x129xf32, #tpu.memory_space<vmem>> -> memref<1x8x128xf32, #tpu.memory_space<vmem>>
        %dma_wait3A_980 = tpu.memref_squeeze %dma_wait3A_979 : memref<1x8x128xf32, #tpu.memory_space<vmem>> -> memref<8x128xf32, #tpu.memory_space<vmem>>
        %dma_wait3A_981 = arith.constant 0 : i32
        %dma_wait3A_982 = arith.constant 0 : i32
        %dma_wait3A_983 = tpu.memref_slice %arg4[%shift_right_arithmetic3A_972, %dma_wait3A_976, %and3A_974, %dma_wait3A_981, %dma_wait3A_982] : memref<200x8x32x8x128xf32, #tpu.memory_space<hbm>> -> memref<1x1x1x8x128xf32, #tpu.memory_space<hbm>>
        %dma_wait3A_984 = tpu.memref_squeeze %dma_wait3A_983 : memref<1x1x1x8x128xf32, #tpu.memory_space<hbm>> -> memref<8x128xf32, #tpu.memory_space<hbm>>
        %dma_wait3A_985 = arith.constant 0 : i32
        %dma_wait3A_986 = arith.constant 0 : i32
        %dma_wait3A_987 = tpu.memref_slice %arg4[%shift_right_arithmetic3A_972, %dma_wait3A_976, %and3A_974, %dma_wait3A_985, %dma_wait3A_986] : memref<200x8x32x8x128xf32, #tpu.memory_space<hbm>> -> memref<1x1x1x8x128xf32, #tpu.memory_space<hbm>>
        %dma_wait3A_988 = tpu.memref_squeeze %dma_wait3A_987 : memref<1x1x1x8x128xf32, #tpu.memory_space<hbm>> -> memref<8x128xf32, #tpu.memory_space<hbm>>
        %dma_wait3A_989 = arith.constant 0 : i32
        %dma_wait3A_990 = arith.constant 0 : i32
        %dma_wait3A_991 = tpu.memref_slice %arg8[%dma_wait3A_975, %dma_wait3A_989, %dma_wait3A_990] : memref<2x64x129xf32, #tpu.memory_space<vmem>> -> memref<1x8x128xf32, #tpu.memory_space<vmem>>
        %dma_wait3A_992 = tpu.memref_squeeze %dma_wait3A_991 : memref<1x8x128xf32, #tpu.memory_space<vmem>> -> memref<8x128xf32, #tpu.memory_space<vmem>>
        tpu.wait_dma2 semaphore(%arg11 : memref<!tpu.dma_semaphore, #tpu.memory_space<semaphore_mem>>) src(%dma_wait3A_992 : memref<8x128xf32, #tpu.memory_space<vmem>>) dst(%dma_wait3A_988 : memref<8x128xf32, #tpu.memory_space<hbm>>)
        %dma_wait3A_993 = arith.constant 0 : i32
        %dma_wait3A_994 = arith.constant 1 : i32
        %dma_wait3A_995 = arith.constant 8 : i32
        %dma_wait3A_996 = arith.constant 0 : i32
        %dma_wait3A_997 = tpu.memref_slice %arg8[%dma_wait3A_993, %dma_wait3A_995, %dma_wait3A_996] : memref<2x64x129xf32, #tpu.memory_space<vmem>> -> memref<1x8x128xf32, #tpu.memory_space<vmem>>
        %dma_wait3A_998 = tpu.memref_squeeze %dma_wait3A_997 : memref<1x8x128xf32, #tpu.memory_space<vmem>> -> memref<8x128xf32, #tpu.memory_space<vmem>>
        %dma_wait3A_999 = arith.constant 0 : i32
        %dma_wait3A_1000 = arith.constant 0 : i32
        %dma_wait3A_1001 = tpu.memref_slice %arg4[%shift_right_arithmetic3A_972, %dma_wait3A_994, %and3A_974, %dma_wait3A_999, %dma_wait3A_1000] : memref<200x8x32x8x128xf32, #tpu.memory_space<hbm>> -> memref<1x1x1x8x128xf32, #tpu.memory_space<hbm>>
        %dma_wait3A_1002 = tpu.memref_squeeze %dma_wait3A_1001 : memref<1x1x1x8x128xf32, #tpu.memory_space<hbm>> -> memref<8x128xf32, #tpu.memory_space<hbm>>
        %dma_wait3A_1003 = arith.constant 0 : i32
        %dma_wait3A_1004 = arith.constant 0 : i32
        %dma_wait3A_1005 = tpu.memref_slice %arg4[%shift_right_arithmetic3A_972, %dma_wait3A_994, %and3A_974, %dma_wait3A_1003, %dma_wait3A_1004] : memref<200x8x32x8x128xf32, #tpu.memory_space<hbm>> -> memref<1x1x1x8x128xf32, #tpu.memory_space<hbm>>
        %dma_wait3A_1006 = tpu.memref_squeeze %dma_wait3A_1005 : memref<1x1x1x8x128xf32, #tpu.memory_space<hbm>> -> memref<8x128xf32, #tpu.memory_space<hbm>>
        %dma_wait3A_1007 = arith.constant 8 : i32
        %dma_wait3A_1008 = arith.constant 0 : i32
        %dma_wait3A_1009 = tpu.memref_slice %arg8[%dma_wait3A_993, %dma_wait3A_1007, %dma_wait3A_1008] : memref<2x64x129xf32, #tpu.memory_space<vmem>> -> memref<1x8x128xf32, #tpu.memory_space<vmem>>
        %dma_wait3A_1010 = tpu.memref_squeeze %dma_wait3A_1009 : memref<1x8x128xf32, #tpu.memory_space<vmem>> -> memref<8x128xf32, #tpu.memory_space<vmem>>
        tpu.wait_dma2 semaphore(%arg11 : memref<!tpu.dma_semaphore, #tpu.memory_space<semaphore_mem>>) src(%dma_wait3A_1010 : memref<8x128xf32, #tpu.memory_space<vmem>>) dst(%dma_wait3A_1006 : memref<8x128xf32, #tpu.memory_space<hbm>>)
        %dma_wait3A_1011 = arith.constant 0 : i32
        %dma_wait3A_1012 = arith.constant 2 : i32
        %dma_wait3A_1013 = arith.constant 16 : i32
        %dma_wait3A_1014 = arith.constant 0 : i32
        %dma_wait3A_1015 = tpu.memref_slice %arg8[%dma_wait3A_1011, %dma_wait3A_1013, %dma_wait3A_1014] : memref<2x64x129xf32, #tpu.memory_space<vmem>> -> memref<1x8x128xf32, #tpu.memory_space<vmem>>
        %dma_wait3A_1016 = tpu.memref_squeeze %dma_wait3A_1015 : memref<1x8x128xf32, #tpu.memory_space<vmem>> -> memref<8x128xf32, #tpu.memory_space<vmem>>
        %dma_wait3A_1017 = arith.constant 0 : i32
        %dma_wait3A_1018 = arith.constant 0 : i32
        %dma_wait3A_1019 = tpu.memref_slice %arg4[%shift_right_arithmetic3A_972, %dma_wait3A_1012, %and3A_974, %dma_wait3A_1017, %dma_wait3A_1018] : memref<200x8x32x8x128xf32, #tpu.memory_space<hbm>> -> memref<1x1x1x8x128xf32, #tpu.memory_space<hbm>>
        %dma_wait3A_1020 = tpu.memref_squeeze %dma_wait3A_1019 : memref<1x1x1x8x128xf32, #tpu.memory_space<hbm>> -> memref<8x128xf32, #tpu.memory_space<hbm>>
        %dma_wait3A_1021 = arith.constant 0 : i32
        %dma_wait3A_1022 = arith.constant 0 : i32
        %dma_wait3A_1023 = tpu.memref_slice %arg4[%shift_right_arithmetic3A_972, %dma_wait3A_1012, %and3A_974, %dma_wait3A_1021, %dma_wait3A_1022] : memref<200x8x32x8x128xf32, #tpu.memory_space<hbm>> -> memref<1x1x1x8x128xf32, #tpu.memory_space<hbm>>
        %dma_wait3A_1024 = tpu.memref_squeeze %dma_wait3A_1023 : memref<1x1x1x8x128xf32, #tpu.memory_space<hbm>> -> memref<8x128xf32, #tpu.memory_space<hbm>>
        %dma_wait3A_1025 = arith.constant 16 : i32
        %dma_wait3A_1026 = arith.constant 0 : i32
        %dma_wait3A_1027 = tpu.memref_slice %arg8[%dma_wait3A_1011, %dma_wait3A_1025, %dma_wait3A_1026] : memref<2x64x129xf32, #tpu.memory_space<vmem>> -> memref<1x8x128xf32, #tpu.memory_space<vmem>>
        %dma_wait3A_1028 = tpu.memref_squeeze %dma_wait3A_1027 : memref<1x8x128xf32, #tpu.memory_space<vmem>> -> memref<8x128xf32, #tpu.memory_space<vmem>>
        tpu.wait_dma2 semaphore(%arg11 : memref<!tpu.dma_semaphore, #tpu.memory_space<semaphore_mem>>) src(%dma_wait3A_1028 : memref<8x128xf32, #tpu.memory_space<vmem>>) dst(%dma_wait3A_1024 : memref<8x128xf32, #tpu.memory_space<hbm>>)
        %dma_wait3A_1029 = arith.constant 0 : i32
        %dma_wait3A_1030 = arith.constant 3 : i32
        %dma_wait3A_1031 = arith.constant 24 : i32
        %dma_wait3A_1032 = arith.constant 0 : i32
        %dma_wait3A_1033 = tpu.memref_slice %arg8[%dma_wait3A_1029, %dma_wait3A_1031, %dma_wait3A_1032] : memref<2x64x129xf32, #tpu.memory_space<vmem>> -> memref<1x8x128xf32, #tpu.memory_space<vmem>>
        %dma_wait3A_1034 = tpu.memref_squeeze %dma_wait3A_1033 : memref<1x8x128xf32, #tpu.memory_space<vmem>> -> memref<8x128xf32, #tpu.memory_space<vmem>>
        %dma_wait3A_1035 = arith.constant 0 : i32
        %dma_wait3A_1036 = arith.constant 0 : i32
        %dma_wait3A_1037 = tpu.memref_slice %arg4[%shift_right_arithmetic3A_972, %dma_wait3A_1030, %and3A_974, %dma_wait3A_1035, %dma_wait3A_1036] : memref<200x8x32x8x128xf32, #tpu.memory_space<hbm>> -> memref<1x1x1x8x128xf32, #tpu.memory_space<hbm>>
        %dma_wait3A_1038 = tpu.memref_squeeze %dma_wait3A_1037 : memref<1x1x1x8x128xf32, #tpu.memory_space<hbm>> -> memref<8x128xf32, #tpu.memory_space<hbm>>
        %dma_wait3A_1039 = arith.constant 0 : i32
        %dma_wait3A_1040 = arith.constant 0 : i32
        %dma_wait3A_1041 = tpu.memref_slice %arg4[%shift_right_arithmetic3A_972, %dma_wait3A_1030, %and3A_974, %dma_wait3A_1039, %dma_wait3A_1040] : memref<200x8x32x8x128xf32, #tpu.memory_space<hbm>> -> memref<1x1x1x8x128xf32, #tpu.memory_space<hbm>>
        %dma_wait3A_1042 = tpu.memref_squeeze %dma_wait3A_1041 : memref<1x1x1x8x128xf32, #tpu.memory_space<hbm>> -> memref<8x128xf32, #tpu.memory_space<hbm>>
        %dma_wait3A_1043 = arith.constant 24 : i32
        %dma_wait3A_1044 = arith.constant 0 : i32
        %dma_wait3A_1045 = tpu.memref_slice %arg8[%dma_wait3A_1029, %dma_wait3A_1043, %dma_wait3A_1044] : memref<2x64x129xf32, #tpu.memory_space<vmem>> -> memref<1x8x128xf32, #tpu.memory_space<vmem>>
        %dma_wait3A_1046 = tpu.memref_squeeze %dma_wait3A_1045 : memref<1x8x128xf32, #tpu.memory_space<vmem>> -> memref<8x128xf32, #tpu.memory_space<vmem>>
        tpu.wait_dma2 semaphore(%arg11 : memref<!tpu.dma_semaphore, #tpu.memory_space<semaphore_mem>>) src(%dma_wait3A_1046 : memref<8x128xf32, #tpu.memory_space<vmem>>) dst(%dma_wait3A_1042 : memref<8x128xf32, #tpu.memory_space<hbm>>)
        %dma_wait3A_1047 = arith.constant 0 : i32
        %dma_wait3A_1048 = arith.constant 4 : i32
        %dma_wait3A_1049 = arith.constant 32 : i32
        %dma_wait3A_1050 = arith.constant 0 : i32
        %dma_wait3A_1051 = tpu.memref_slice %arg8[%dma_wait3A_1047, %dma_wait3A_1049, %dma_wait3A_1050] : memref<2x64x129xf32, #tpu.memory_space<vmem>> -> memref<1x8x128xf32, #tpu.memory_space<vmem>>
        %dma_wait3A_1052 = tpu.memref_squeeze %dma_wait3A_1051 : memref<1x8x128xf32, #tpu.memory_space<vmem>> -> memref<8x128xf32, #tpu.memory_space<vmem>>
        %dma_wait3A_1053 = arith.constant 0 : i32
        %dma_wait3A_1054 = arith.constant 0 : i32
        %dma_wait3A_1055 = tpu.memref_slice %arg4[%shift_right_arithmetic3A_972, %dma_wait3A_1048, %and3A_974, %dma_wait3A_1053, %dma_wait3A_1054] : memref<200x8x32x8x128xf32, #tpu.memory_space<hbm>> -> memref<1x1x1x8x128xf32, #tpu.memory_space<hbm>>
        %dma_wait3A_1056 = tpu.memref_squeeze %dma_wait3A_1055 : memref<1x1x1x8x128xf32, #tpu.memory_space<hbm>> -> memref<8x128xf32, #tpu.memory_space<hbm>>
        %dma_wait3A_1057 = arith.constant 0 : i32
        %dma_wait3A_1058 = arith.constant 0 : i32
        %dma_wait3A_1059 = tpu.memref_slice %arg4[%shift_right_arithmetic3A_972, %dma_wait3A_1048, %and3A_974, %dma_wait3A_1057, %dma_wait3A_1058] : memref<200x8x32x8x128xf32, #tpu.memory_space<hbm>> -> memref<1x1x1x8x128xf32, #tpu.memory_space<hbm>>
        %dma_wait3A_1060 = tpu.memref_squeeze %dma_wait3A_1059 : memref<1x1x1x8x128xf32, #tpu.memory_space<hbm>> -> memref<8x128xf32, #tpu.memory_space<hbm>>
        %dma_wait3A_1061 = arith.constant 32 : i32
        %dma_wait3A_1062 = arith.constant 0 : i32
        %dma_wait3A_1063 = tpu.memref_slice %arg8[%dma_wait3A_1047, %dma_wait3A_1061, %dma_wait3A_1062] : memref<2x64x129xf32, #tpu.memory_space<vmem>> -> memref<1x8x128xf32, #tpu.memory_space<vmem>>
        %dma_wait3A_1064 = tpu.memref_squeeze %dma_wait3A_1063 : memref<1x8x128xf32, #tpu.memory_space<vmem>> -> memref<8x128xf32, #tpu.memory_space<vmem>>
        tpu.wait_dma2 semaphore(%arg11 : memref<!tpu.dma_semaphore, #tpu.memory_space<semaphore_mem>>) src(%dma_wait3A_1064 : memref<8x128xf32, #tpu.memory_space<vmem>>) dst(%dma_wait3A_1060 : memref<8x128xf32, #tpu.memory_space<hbm>>)
        %dma_wait3A_1065 = arith.constant 0 : i32
        %dma_wait3A_1066 = arith.constant 5 : i32
        %dma_wait3A_1067 = arith.constant 40 : i32
        %dma_wait3A_1068 = arith.constant 0 : i32
        %dma_wait3A_1069 = tpu.memref_slice %arg8[%dma_wait3A_1065, %dma_wait3A_1067, %dma_wait3A_1068] : memref<2x64x129xf32, #tpu.memory_space<vmem>> -> memref<1x8x128xf32, #tpu.memory_space<vmem>>
        %dma_wait3A_1070 = tpu.memref_squeeze %dma_wait3A_1069 : memref<1x8x128xf32, #tpu.memory_space<vmem>> -> memref<8x128xf32, #tpu.memory_space<vmem>>
        %dma_wait3A_1071 = arith.constant 0 : i32
        %dma_wait3A_1072 = arith.constant 0 : i32
        %dma_wait3A_1073 = tpu.memref_slice %arg4[%shift_right_arithmetic3A_972, %dma_wait3A_1066, %and3A_974, %dma_wait3A_1071, %dma_wait3A_1072] : memref<200x8x32x8x128xf32, #tpu.memory_space<hbm>> -> memref<1x1x1x8x128xf32, #tpu.memory_space<hbm>>
        %dma_wait3A_1074 = tpu.memref_squeeze %dma_wait3A_1073 : memref<1x1x1x8x128xf32, #tpu.memory_space<hbm>> -> memref<8x128xf32, #tpu.memory_space<hbm>>
        %dma_wait3A_1075 = arith.constant 0 : i32
        %dma_wait3A_1076 = arith.constant 0 : i32
        %dma_wait3A_1077 = tpu.memref_slice %arg4[%shift_right_arithmetic3A_972, %dma_wait3A_1066, %and3A_974, %dma_wait3A_1075, %dma_wait3A_1076] : memref<200x8x32x8x128xf32, #tpu.memory_space<hbm>> -> memref<1x1x1x8x128xf32, #tpu.memory_space<hbm>>
        %dma_wait3A_1078 = tpu.memref_squeeze %dma_wait3A_1077 : memref<1x1x1x8x128xf32, #tpu.memory_space<hbm>> -> memref<8x128xf32, #tpu.memory_space<hbm>>
        %dma_wait3A_1079 = arith.constant 40 : i32
        %dma_wait3A_1080 = arith.constant 0 : i32
        %dma_wait3A_1081 = tpu.memref_slice %arg8[%dma_wait3A_1065, %dma_wait3A_1079, %dma_wait3A_1080] : memref<2x64x129xf32, #tpu.memory_space<vmem>> -> memref<1x8x128xf32, #tpu.memory_space<vmem>>
        %dma_wait3A_1082 = tpu.memref_squeeze %dma_wait3A_1081 : memref<1x8x128xf32, #tpu.memory_space<vmem>> -> memref<8x128xf32, #tpu.memory_space<vmem>>
        tpu.wait_dma2 semaphore(%arg11 : memref<!tpu.dma_semaphore, #tpu.memory_space<semaphore_mem>>) src(%dma_wait3A_1082 : memref<8x128xf32, #tpu.memory_space<vmem>>) dst(%dma_wait3A_1078 : memref<8x128xf32, #tpu.memory_space<hbm>>)
        %dma_wait3A_1083 = arith.constant 0 : i32
        %dma_wait3A_1084 = arith.constant 6 : i32
        %dma_wait3A_1085 = arith.constant 48 : i32
        %dma_wait3A_1086 = arith.constant 0 : i32
        %dma_wait3A_1087 = tpu.memref_slice %arg8[%dma_wait3A_1083, %dma_wait3A_1085, %dma_wait3A_1086] : memref<2x64x129xf32, #tpu.memory_space<vmem>> -> memref<1x8x128xf32, #tpu.memory_space<vmem>>
        %dma_wait3A_1088 = tpu.memref_squeeze %dma_wait3A_1087 : memref<1x8x128xf32, #tpu.memory_space<vmem>> -> memref<8x128xf32, #tpu.memory_space<vmem>>
        %dma_wait3A_1089 = arith.constant 0 : i32
        %dma_wait3A_1090 = arith.constant 0 : i32
        %dma_wait3A_1091 = tpu.memref_slice %arg4[%shift_right_arithmetic3A_972, %dma_wait3A_1084, %and3A_974, %dma_wait3A_1089, %dma_wait3A_1090] : memref<200x8x32x8x128xf32, #tpu.memory_space<hbm>> -> memref<1x1x1x8x128xf32, #tpu.memory_space<hbm>>
        %dma_wait3A_1092 = tpu.memref_squeeze %dma_wait3A_1091 : memref<1x1x1x8x128xf32, #tpu.memory_space<hbm>> -> memref<8x128xf32, #tpu.memory_space<hbm>>
        %dma_wait3A_1093 = arith.constant 0 : i32
        %dma_wait3A_1094 = arith.constant 0 : i32
        %dma_wait3A_1095 = tpu.memref_slice %arg4[%shift_right_arithmetic3A_972, %dma_wait3A_1084, %and3A_974, %dma_wait3A_1093, %dma_wait3A_1094] : memref<200x8x32x8x128xf32, #tpu.memory_space<hbm>> -> memref<1x1x1x8x128xf32, #tpu.memory_space<hbm>>
        %dma_wait3A_1096 = tpu.memref_squeeze %dma_wait3A_1095 : memref<1x1x1x8x128xf32, #tpu.memory_space<hbm>> -> memref<8x128xf32, #tpu.memory_space<hbm>>
        %dma_wait3A_1097 = arith.constant 48 : i32
        %dma_wait3A_1098 = arith.constant 0 : i32
        %dma_wait3A_1099 = tpu.memref_slice %arg8[%dma_wait3A_1083, %dma_wait3A_1097, %dma_wait3A_1098] : memref<2x64x129xf32, #tpu.memory_space<vmem>> -> memref<1x8x128xf32, #tpu.memory_space<vmem>>
        %dma_wait3A_1100 = tpu.memref_squeeze %dma_wait3A_1099 : memref<1x8x128xf32, #tpu.memory_space<vmem>> -> memref<8x128xf32, #tpu.memory_space<vmem>>
        tpu.wait_dma2 semaphore(%arg11 : memref<!tpu.dma_semaphore, #tpu.memory_space<semaphore_mem>>) src(%dma_wait3A_1100 : memref<8x128xf32, #tpu.memory_space<vmem>>) dst(%dma_wait3A_1096 : memref<8x128xf32, #tpu.memory_space<hbm>>)
        %dma_wait3A_1101 = arith.constant 0 : i32
        %dma_wait3A_1102 = arith.constant 7 : i32
        %dma_wait3A_1103 = arith.constant 56 : i32
        %dma_wait3A_1104 = arith.constant 0 : i32
        %dma_wait3A_1105 = tpu.memref_slice %arg8[%dma_wait3A_1101, %dma_wait3A_1103, %dma_wait3A_1104] : memref<2x64x129xf32, #tpu.memory_space<vmem>> -> memref<1x8x128xf32, #tpu.memory_space<vmem>>
        %dma_wait3A_1106 = tpu.memref_squeeze %dma_wait3A_1105 : memref<1x8x128xf32, #tpu.memory_space<vmem>> -> memref<8x128xf32, #tpu.memory_space<vmem>>
        %dma_wait3A_1107 = arith.constant 0 : i32
        %dma_wait3A_1108 = arith.constant 0 : i32
        %dma_wait3A_1109 = tpu.memref_slice %arg4[%shift_right_arithmetic3A_972, %dma_wait3A_1102, %and3A_974, %dma_wait3A_1107, %dma_wait3A_1108] : memref<200x8x32x8x128xf32, #tpu.memory_space<hbm>> -> memref<1x1x1x8x128xf32, #tpu.memory_space<hbm>>
        %dma_wait3A_1110 = tpu.memref_squeeze %dma_wait3A_1109 : memref<1x1x1x8x128xf32, #tpu.memory_space<hbm>> -> memref<8x128xf32, #tpu.memory_space<hbm>>
        %dma_wait3A_1111 = arith.constant 0 : i32
        %dma_wait3A_1112 = arith.constant 0 : i32
        %dma_wait3A_1113 = tpu.memref_slice %arg4[%shift_right_arithmetic3A_972, %dma_wait3A_1102, %and3A_974, %dma_wait3A_1111, %dma_wait3A_1112] : memref<200x8x32x8x128xf32, #tpu.memory_space<hbm>> -> memref<1x1x1x8x128xf32, #tpu.memory_space<hbm>>
        %dma_wait3A_1114 = tpu.memref_squeeze %dma_wait3A_1113 : memref<1x1x1x8x128xf32, #tpu.memory_space<hbm>> -> memref<8x128xf32, #tpu.memory_space<hbm>>
        %dma_wait3A_1115 = arith.constant 56 : i32
        %dma_wait3A_1116 = arith.constant 0 : i32
        %dma_wait3A_1117 = tpu.memref_slice %arg8[%dma_wait3A_1101, %dma_wait3A_1115, %dma_wait3A_1116] : memref<2x64x129xf32, #tpu.memory_space<vmem>> -> memref<1x8x128xf32, #tpu.memory_space<vmem>>
        %dma_wait3A_1118 = tpu.memref_squeeze %dma_wait3A_1117 : memref<1x8x128xf32, #tpu.memory_space<vmem>> -> memref<8x128xf32, #tpu.memory_space<vmem>>
        tpu.wait_dma2 semaphore(%arg11 : memref<!tpu.dma_semaphore, #tpu.memory_space<semaphore_mem>>) src(%dma_wait3A_1118 : memref<8x128xf32, #tpu.memory_space<vmem>>) dst(%dma_wait3A_1114 : memref<8x128xf32, #tpu.memory_space<hbm>>)
      } else {
      }
      %parallel_loop3A = arith.constant 0 : i32
      %parallel_loop3A_620 = arith.constant 128 : i32
      %parallel_loop3A_621 = arith.constant 1 : i32
      %parallel_loop3A_622 = arith.constant 0 : i32
      scf.for %parallel_loop3A_969 = %parallel_loop3A to %parallel_loop3A_620 step %parallel_loop3A_621  : i32 {
        %parallel_loop3A_970 = vector.broadcast %parallel_loop3A_969 : i32 to vector<16xi32>
        %parallel_loop3A_971 = arith.constant 0 : i32
        %parallel_loop3A_972 = arith.addi %parallel_loop3A_969, %parallel_loop3A_971 : i32
        %parallel_loop3A_973 = arith.constant 0 : i32
        %parallel_loop3A_974 = arith.index_cast %parallel_loop3A_973 : i32 to index
        %parallel_loop3A_975 = arith.index_cast %parallel_loop3A_972 : i32 to index
        %parallel_loop3A_976 = arith.constant 0 : index
        %parallel_loop3A_977 = tpu.vector_load %arg6[%parallel_loop3A_974, %parallel_loop3A_975, %parallel_loop3A_976] {strides = array<i32>} : memref<2x256x32xf32, #tpu.memory_space<vmem>>, vector<16xf32>,
        %parallel_loop3A_978 = arith.constant 8.000000e+00 : f32
        %parallel_loop3A_979 = vector.broadcast %parallel_loop3A_978 : f32 to vector<16xf32>
        %parallel_loop3A_980 = arith.mulf %parallel_loop3A_977, %parallel_loop3A_979 : vector<16xf32>
        %parallel_loop3A_981 = arith.constant 0 : i32
        %parallel_loop3A_982 = arith.constant 0 : i32
        %parallel_loop3A_983 = tpu.memref_slice %arg8[%parallel_loop3A_622, %parallel_loop3A_981, %parallel_loop3A_982] : memref<2x64x129xf32, #tpu.memory_space<vmem>> -> memref<1x64x129xf32, #tpu.memory_space<vmem>>
        %parallel_loop3A_984 = tpu.memref_squeeze %parallel_loop3A_983 : memref<1x64x129xf32, #tpu.memory_space<vmem>> -> memref<64x129xf32, #tpu.memory_space<vmem>>
        tpu.vector_store_idx %parallel_loop3A_984[%add3A_7, %parallel_loop3A_970], %parallel_loop3A_980 : memref<64x129xf32, #tpu.memory_space<vmem>>[vector<16xi32>, vector<16xi32>], vector<16xf32>,
        %parallel_loop3A_985 = arith.constant 0 : i32
        %parallel_loop3A_986 = arith.addi %parallel_loop3A_969, %parallel_loop3A_985 : i32
        %parallel_loop3A_987 = arith.constant 0 : i32
        %parallel_loop3A_988 = arith.index_cast %parallel_loop3A_987 : i32 to index
        %parallel_loop3A_989 = arith.index_cast %parallel_loop3A_986 : i32 to index
        %parallel_loop3A_990 = arith.constant 16 : index
        %parallel_loop3A_991 = tpu.vector_load %arg6[%parallel_loop3A_988, %parallel_loop3A_989, %parallel_loop3A_990] {strides = array<i32>} : memref<2x256x32xf32, #tpu.memory_space<vmem>>, vector<16xf32>,
        %parallel_loop3A_992 = arith.constant 8.000000e+00 : f32
        %parallel_loop3A_993 = vector.broadcast %parallel_loop3A_992 : f32 to vector<16xf32>
        %parallel_loop3A_994 = arith.mulf %parallel_loop3A_991, %parallel_loop3A_993 : vector<16xf32>
        %parallel_loop3A_995 = arith.constant 0 : i32
        %parallel_loop3A_996 = arith.constant 0 : i32
        %parallel_loop3A_997 = tpu.memref_slice %arg8[%parallel_loop3A_622, %parallel_loop3A_995, %parallel_loop3A_996] : memref<2x64x129xf32, #tpu.memory_space<vmem>> -> memref<1x64x129xf32, #tpu.memory_space<vmem>>
        %parallel_loop3A_998 = tpu.memref_squeeze %parallel_loop3A_997 : memref<1x64x129xf32, #tpu.memory_space<vmem>> -> memref<64x129xf32, #tpu.memory_space<vmem>>
        tpu.vector_store_idx %parallel_loop3A_998[%add3A_10, %parallel_loop3A_970], %parallel_loop3A_994 : memref<64x129xf32, #tpu.memory_space<vmem>>[vector<16xi32>, vector<16xi32>], vector<16xf32>,
        %parallel_loop3A_999 = arith.constant 128 : i32
        %parallel_loop3A_1000 = arith.addi %parallel_loop3A_969, %parallel_loop3A_999 : i32
        %parallel_loop3A_1001 = arith.constant 0 : i32
        %parallel_loop3A_1002 = arith.index_cast %parallel_loop3A_1001 : i32 to index
        %parallel_loop3A_1003 = arith.index_cast %parallel_loop3A_1000 : i32 to index
        %parallel_loop3A_1004 = arith.constant 0 : index
        %parallel_loop3A_1005 = tpu.vector_load %arg6[%parallel_loop3A_1002, %parallel_loop3A_1003, %parallel_loop3A_1004] {strides = array<i32>} : memref<2x256x32xf32, #tpu.memory_space<vmem>>, vector<16xf32>,
        %parallel_loop3A_1006 = arith.constant 8.000000e+00 : f32
        %parallel_loop3A_1007 = vector.broadcast %parallel_loop3A_1006 : f32 to vector<16xf32>
        %parallel_loop3A_1008 = arith.mulf %parallel_loop3A_1005, %parallel_loop3A_1007 : vector<16xf32>
        %parallel_loop3A_1009 = arith.constant 0 : i32
        %parallel_loop3A_1010 = arith.constant 0 : i32
        %parallel_loop3A_1011 = tpu.memref_slice %arg8[%parallel_loop3A_622, %parallel_loop3A_1009, %parallel_loop3A_1010] : memref<2x64x129xf32, #tpu.memory_space<vmem>> -> memref<1x64x129xf32, #tpu.memory_space<vmem>>
        %parallel_loop3A_1012 = tpu.memref_squeeze %parallel_loop3A_1011 : memref<1x64x129xf32, #tpu.memory_space<vmem>> -> memref<64x129xf32, #tpu.memory_space<vmem>>
        tpu.vector_store_idx %parallel_loop3A_1012[%add3A_13, %parallel_loop3A_970], %parallel_loop3A_1008 : memref<64x129xf32, #tpu.memory_space<vmem>>[vector<16xi32>, vector<16xi32>], vector<16xf32>,
        %parallel_loop3A_1013 = arith.constant 128 : i32
        %parallel_loop3A_1014 = arith.addi %parallel_loop3A_969, %parallel_loop3A_1013 : i32
        %parallel_loop3A_1015 = arith.constant 0 : i32
        %parallel_loop3A_1016 = arith.index_cast %parallel_loop3A_1015 : i32 to index
        %parallel_loop3A_1017 = arith.index_cast %parallel_loop3A_1014 : i32 to index
        %parallel_loop3A_1018 = arith.constant 16 : index
        %parallel_loop3A_1019 = tpu.vector_load %arg6[%parallel_loop3A_1016, %parallel_loop3A_1017, %parallel_loop3A_1018] {strides = array<i32>} : memref<2x256x32xf32, #tpu.memory_space<vmem>>, vector<16xf32>,
        %parallel_loop3A_1020 = arith.constant 8.000000e+00 : f32
        %parallel_loop3A_1021 = vector.broadcast %parallel_loop3A_1020 : f32 to vector<16xf32>
        %parallel_loop3A_1022 = arith.mulf %parallel_loop3A_1019, %parallel_loop3A_1021 : vector<16xf32>
        %parallel_loop3A_1023 = arith.constant 0 : i32
        %parallel_loop3A_1024 = arith.constant 0 : i32
        %parallel_loop3A_1025 = tpu.memref_slice %arg8[%parallel_loop3A_622, %parallel_loop3A_1023, %parallel_loop3A_1024] : memref<2x64x129xf32, #tpu.memory_space<vmem>> -> memref<1x64x129xf32, #tpu.memory_space<vmem>>
        %parallel_loop3A_1026 = tpu.memref_squeeze %parallel_loop3A_1025 : memref<1x64x129xf32, #tpu.memory_space<vmem>> -> memref<64x129xf32, #tpu.memory_space<vmem>>
        tpu.vector_store_idx %parallel_loop3A_1026[%add3A_16, %parallel_loop3A_970], %parallel_loop3A_1022 : memref<64x129xf32, #tpu.memory_space<vmem>>[vector<16xi32>, vector<16xi32>], vector<16xf32>,
      } {sc.loop_unroll_factor = 4 : i64, sc.parallel_access}
      %add3A_623 = arith.constant 2 : i32
      %add3A_624 = arith.addi %add3A_593, %add3A_623 : i32
      %lt3A = arith.constant 200 : i32
      %lt3A_625 = arith.cmpi slt, %add3A_624, %lt3A : i32
      %convert_element_type3A_626 = arith.extui %lt3A_625 : i1 to i32
      %cond3A_627 = arith.constant 0 : i32
      %cond3A_628 = arith.cmpi ne, %convert_element_type3A_626, %cond3A_627 : i32
      scf.if %cond3A_628 {
        %mul3A_969 = arith.constant 128 : i32
        %mul3A_970 = arith.muli %add3A_624, %mul3A_969 : i32
        %add3A_971 = arith.constant 0 : i32
        %add3A_972 = arith.addi %mul3A_970, %add3A_971 : i32
        %get3A_973 = arith.index_cast %add3A_972 : i32 to index
        %get3A_974 = tpu.vector_load %arg5[%get3A_973] {strides = array<i32>} : memref<25600xi32, #tpu.memory_space<vmem>>, vector<16xi32>,
        %add3A_975 = arith.addi %get3A_974, %get3A_974 : vector<16xi32>
        %swap3A_976 = arith.constant 0 : i32
        %swap3A_977 = arith.index_cast %swap3A_976 : i32 to index
        %swap3A_978 = arith.constant 0 : index
        %swap3A_979 = tpu.vector_load %arg7[%swap3A_977, %swap3A_978] {strides = array<i32>} : memref<2x256xi32, #tpu.memory_space<vmem>>, vector<16xi32>,
        tpu.vector_store %arg7[%swap3A_977, %swap3A_978], %add3A_975 {strides = array<i32>} : memref<2x256xi32, #tpu.memory_space<vmem>>, vector<16xi32>,
        %add3A_980 = arith.constant 1 : i32
        %add3A_981 = vector.broadcast %add3A_980 : i32 to vector<16xi32>
        %add3A_982 = arith.addi %add3A_975, %add3A_981 : vector<16xi32>
        %swap3A_983 = arith.constant 0 : i32
        %swap3A_984 = arith.index_cast %swap3A_983 : i32 to index
        %swap3A_985 = arith.constant 128 : index
        %swap3A_986 = tpu.vector_load %arg7[%swap3A_984, %swap3A_985] {strides = array<i32>} : memref<2x256xi32, #tpu.memory_space<vmem>>, vector<16xi32>,
        tpu.vector_store %arg7[%swap3A_984, %swap3A_985], %add3A_982 {strides = array<i32>} : memref<2x256xi32, #tpu.memory_space<vmem>>, vector<16xi32>,
        %mul3A_987 = arith.constant 128 : i32
        %mul3A_988 = arith.muli %add3A_624, %mul3A_987 : i32
        %add3A_989 = arith.constant 16 : i32
        %add3A_990 = arith.addi %mul3A_988, %add3A_989 : i32
        %get3A_991 = arith.index_cast %add3A_990 : i32 to index
        %get3A_992 = tpu.vector_load %arg5[%get3A_991] {strides = array<i32>} : memref<25600xi32, #tpu.memory_space<vmem>>, vector<16xi32>,
        %add3A_993 = arith.addi %get3A_992, %get3A_992 : vector<16xi32>
        %swap3A_994 = arith.constant 0 : i32
        %swap3A_995 = arith.index_cast %swap3A_994 : i32 to index
        %swap3A_996 = arith.constant 16 : index
        %swap3A_997 = tpu.vector_load %arg7[%swap3A_995, %swap3A_996] {strides = array<i32>} : memref<2x256xi32, #tpu.memory_space<vmem>>, vector<16xi32>,
        tpu.vector_store %arg7[%swap3A_995, %swap3A_996], %add3A_993 {strides = array<i32>} : memref<2x256xi32, #tpu.memory_space<vmem>>, vector<16xi32>,
        %add3A_998 = arith.constant 1 : i32
        %add3A_999 = vector.broadcast %add3A_998 : i32 to vector<16xi32>
        %add3A_1000 = arith.addi %add3A_993, %add3A_999 : vector<16xi32>
        %swap3A_1001 = arith.constant 0 : i32
        %swap3A_1002 = arith.index_cast %swap3A_1001 : i32 to index
        %swap3A_1003 = arith.constant 144 : index
        %swap3A_1004 = tpu.vector_load %arg7[%swap3A_1002, %swap3A_1003] {strides = array<i32>} : memref<2x256xi32, #tpu.memory_space<vmem>>, vector<16xi32>,
        tpu.vector_store %arg7[%swap3A_1002, %swap3A_1003], %add3A_1000 {strides = array<i32>} : memref<2x256xi32, #tpu.memory_space<vmem>>, vector<16xi32>,
        %mul3A_1005 = arith.constant 128 : i32
        %mul3A_1006 = arith.muli %add3A_624, %mul3A_1005 : i32
        %add3A_1007 = arith.constant 32 : i32
        %add3A_1008 = arith.addi %mul3A_1006, %add3A_1007 : i32
        %get3A_1009 = arith.index_cast %add3A_1008 : i32 to index
        %get3A_1010 = tpu.vector_load %arg5[%get3A_1009] {strides = array<i32>} : memref<25600xi32, #tpu.memory_space<vmem>>, vector<16xi32>,
        %add3A_1011 = arith.addi %get3A_1010, %get3A_1010 : vector<16xi32>
        %swap3A_1012 = arith.constant 0 : i32
        %swap3A_1013 = arith.index_cast %swap3A_1012 : i32 to index
        %swap3A_1014 = arith.constant 32 : index
        %swap3A_1015 = tpu.vector_load %arg7[%swap3A_1013, %swap3A_1014] {strides = array<i32>} : memref<2x256xi32, #tpu.memory_space<vmem>>, vector<16xi32>,
        tpu.vector_store %arg7[%swap3A_1013, %swap3A_1014], %add3A_1011 {strides = array<i32>} : memref<2x256xi32, #tpu.memory_space<vmem>>, vector<16xi32>,
        %add3A_1016 = arith.constant 1 : i32
        %add3A_1017 = vector.broadcast %add3A_1016 : i32 to vector<16xi32>
        %add3A_1018 = arith.addi %add3A_1011, %add3A_1017 : vector<16xi32>
        %swap3A_1019 = arith.constant 0 : i32
        %swap3A_1020 = arith.index_cast %swap3A_1019 : i32 to index
        %swap3A_1021 = arith.constant 160 : index
        %swap3A_1022 = tpu.vector_load %arg7[%swap3A_1020, %swap3A_1021] {strides = array<i32>} : memref<2x256xi32, #tpu.memory_space<vmem>>, vector<16xi32>,
        tpu.vector_store %arg7[%swap3A_1020, %swap3A_1021], %add3A_1018 {strides = array<i32>} : memref<2x256xi32, #tpu.memory_space<vmem>>, vector<16xi32>,
        %mul3A_1023 = arith.constant 128 : i32
        %mul3A_1024 = arith.muli %add3A_624, %mul3A_1023 : i32
        %add3A_1025 = arith.constant 48 : i32
        %add3A_1026 = arith.addi %mul3A_1024, %add3A_1025 : i32
        %get3A_1027 = arith.index_cast %add3A_1026 : i32 to index
        %get3A_1028 = tpu.vector_load %arg5[%get3A_1027] {strides = array<i32>} : memref<25600xi32, #tpu.memory_space<vmem>>, vector<16xi32>,
        %add3A_1029 = arith.addi %get3A_1028, %get3A_1028 : vector<16xi32>
        %swap3A_1030 = arith.constant 0 : i32
        %swap3A_1031 = arith.index_cast %swap3A_1030 : i32 to index
        %swap3A_1032 = arith.constant 48 : index
        %swap3A_1033 = tpu.vector_load %arg7[%swap3A_1031, %swap3A_1032] {strides = array<i32>} : memref<2x256xi32, #tpu.memory_space<vmem>>, vector<16xi32>,
        tpu.vector_store %arg7[%swap3A_1031, %swap3A_1032], %add3A_1029 {strides = array<i32>} : memref<2x256xi32, #tpu.memory_space<vmem>>, vector<16xi32>,
        %add3A_1034 = arith.constant 1 : i32
        %add3A_1035 = vector.broadcast %add3A_1034 : i32 to vector<16xi32>
        %add3A_1036 = arith.addi %add3A_1029, %add3A_1035 : vector<16xi32>
        %swap3A_1037 = arith.constant 0 : i32
        %swap3A_1038 = arith.index_cast %swap3A_1037 : i32 to index
        %swap3A_1039 = arith.constant 176 : index
        %swap3A_1040 = tpu.vector_load %arg7[%swap3A_1038, %swap3A_1039] {strides = array<i32>} : memref<2x256xi32, #tpu.memory_space<vmem>>, vector<16xi32>,
        tpu.vector_store %arg7[%swap3A_1038, %swap3A_1039], %add3A_1036 {strides = array<i32>} : memref<2x256xi32, #tpu.memory_space<vmem>>, vector<16xi32>,
        %mul3A_1041 = arith.constant 128 : i32
        %mul3A_1042 = arith.muli %add3A_624, %mul3A_1041 : i32
        %add3A_1043 = arith.constant 64 : i32
        %add3A_1044 = arith.addi %mul3A_1042, %add3A_1043 : i32
        %get3A_1045 = arith.index_cast %add3A_1044 : i32 to index
        %get3A_1046 = tpu.vector_load %arg5[%get3A_1045] {strides = array<i32>} : memref<25600xi32, #tpu.memory_space<vmem>>, vector<16xi32>,
        %add3A_1047 = arith.addi %get3A_1046, %get3A_1046 : vector<16xi32>
        %swap3A_1048 = arith.constant 0 : i32
        %swap3A_1049 = arith.index_cast %swap3A_1048 : i32 to index
        %swap3A_1050 = arith.constant 64 : index
        %swap3A_1051 = tpu.vector_load %arg7[%swap3A_1049, %swap3A_1050] {strides = array<i32>} : memref<2x256xi32, #tpu.memory_space<vmem>>, vector<16xi32>,
        tpu.vector_store %arg7[%swap3A_1049, %swap3A_1050], %add3A_1047 {strides = array<i32>} : memref<2x256xi32, #tpu.memory_space<vmem>>, vector<16xi32>,
        %add3A_1052 = arith.constant 1 : i32
        %add3A_1053 = vector.broadcast %add3A_1052 : i32 to vector<16xi32>
        %add3A_1054 = arith.addi %add3A_1047, %add3A_1053 : vector<16xi32>
        %swap3A_1055 = arith.constant 0 : i32
        %swap3A_1056 = arith.index_cast %swap3A_1055 : i32 to index
        %swap3A_1057 = arith.constant 192 : index
        %swap3A_1058 = tpu.vector_load %arg7[%swap3A_1056, %swap3A_1057] {strides = array<i32>} : memref<2x256xi32, #tpu.memory_space<vmem>>, vector<16xi32>,
        tpu.vector_store %arg7[%swap3A_1056, %swap3A_1057], %add3A_1054 {strides = array<i32>} : memref<2x256xi32, #tpu.memory_space<vmem>>, vector<16xi32>,
        %mul3A_1059 = arith.constant 128 : i32
        %mul3A_1060 = arith.muli %add3A_624, %mul3A_1059 : i32
        %add3A_1061 = arith.constant 80 : i32
        %add3A_1062 = arith.addi %mul3A_1060, %add3A_1061 : i32
        %get3A_1063 = arith.index_cast %add3A_1062 : i32 to index
        %get3A_1064 = tpu.vector_load %arg5[%get3A_1063] {strides = array<i32>} : memref<25600xi32, #tpu.memory_space<vmem>>, vector<16xi32>,
        %add3A_1065 = arith.addi %get3A_1064, %get3A_1064 : vector<16xi32>
        %swap3A_1066 = arith.constant 0 : i32
        %swap3A_1067 = arith.index_cast %swap3A_1066 : i32 to index
        %swap3A_1068 = arith.constant 80 : index
        %swap3A_1069 = tpu.vector_load %arg7[%swap3A_1067, %swap3A_1068] {strides = array<i32>} : memref<2x256xi32, #tpu.memory_space<vmem>>, vector<16xi32>,
        tpu.vector_store %arg7[%swap3A_1067, %swap3A_1068], %add3A_1065 {strides = array<i32>} : memref<2x256xi32, #tpu.memory_space<vmem>>, vector<16xi32>,
        %add3A_1070 = arith.constant 1 : i32
        %add3A_1071 = vector.broadcast %add3A_1070 : i32 to vector<16xi32>
        %add3A_1072 = arith.addi %add3A_1065, %add3A_1071 : vector<16xi32>
        %swap3A_1073 = arith.constant 0 : i32
        %swap3A_1074 = arith.index_cast %swap3A_1073 : i32 to index
        %swap3A_1075 = arith.constant 208 : index
        %swap3A_1076 = tpu.vector_load %arg7[%swap3A_1074, %swap3A_1075] {strides = array<i32>} : memref<2x256xi32, #tpu.memory_space<vmem>>, vector<16xi32>,
        tpu.vector_store %arg7[%swap3A_1074, %swap3A_1075], %add3A_1072 {strides = array<i32>} : memref<2x256xi32, #tpu.memory_space<vmem>>, vector<16xi32>,
        %mul3A_1077 = arith.constant 128 : i32
        %mul3A_1078 = arith.muli %add3A_624, %mul3A_1077 : i32
        %add3A_1079 = arith.constant 96 : i32
        %add3A_1080 = arith.addi %mul3A_1078, %add3A_1079 : i32
        %get3A_1081 = arith.index_cast %add3A_1080 : i32 to index
        %get3A_1082 = tpu.vector_load %arg5[%get3A_1081] {strides = array<i32>} : memref<25600xi32, #tpu.memory_space<vmem>>, vector<16xi32>,
        %add3A_1083 = arith.addi %get3A_1082, %get3A_1082 : vector<16xi32>
        %swap3A_1084 = arith.constant 0 : i32
        %swap3A_1085 = arith.index_cast %swap3A_1084 : i32 to index
        %swap3A_1086 = arith.constant 96 : index
        %swap3A_1087 = tpu.vector_load %arg7[%swap3A_1085, %swap3A_1086] {strides = array<i32>} : memref<2x256xi32, #tpu.memory_space<vmem>>, vector<16xi32>,
        tpu.vector_store %arg7[%swap3A_1085, %swap3A_1086], %add3A_1083 {strides = array<i32>} : memref<2x256xi32, #tpu.memory_space<vmem>>, vector<16xi32>,
        %add3A_1088 = arith.constant 1 : i32
        %add3A_1089 = vector.broadcast %add3A_1088 : i32 to vector<16xi32>
        %add3A_1090 = arith.addi %add3A_1083, %add3A_1089 : vector<16xi32>
        %swap3A_1091 = arith.constant 0 : i32
        %swap3A_1092 = arith.index_cast %swap3A_1091 : i32 to index
        %swap3A_1093 = arith.constant 224 : index
        %swap3A_1094 = tpu.vector_load %arg7[%swap3A_1092, %swap3A_1093] {strides = array<i32>} : memref<2x256xi32, #tpu.memory_space<vmem>>, vector<16xi32>,
        tpu.vector_store %arg7[%swap3A_1092, %swap3A_1093], %add3A_1090 {strides = array<i32>} : memref<2x256xi32, #tpu.memory_space<vmem>>, vector<16xi32>,
        %mul3A_1095 = arith.constant 128 : i32
        %mul3A_1096 = arith.muli %add3A_624, %mul3A_1095 : i32
        %add3A_1097 = arith.constant 112 : i32
        %add3A_1098 = arith.addi %mul3A_1096, %add3A_1097 : i32
        %get3A_1099 = arith.index_cast %add3A_1098 : i32 to index
        %get3A_1100 = tpu.vector_load %arg5[%get3A_1099] {strides = array<i32>} : memref<25600xi32, #tpu.memory_space<vmem>>, vector<16xi32>,
        %add3A_1101 = arith.addi %get3A_1100, %get3A_1100 : vector<16xi32>
        %swap3A_1102 = arith.constant 0 : i32
        %swap3A_1103 = arith.index_cast %swap3A_1102 : i32 to index
        %swap3A_1104 = arith.constant 112 : index
        %swap3A_1105 = tpu.vector_load %arg7[%swap3A_1103, %swap3A_1104] {strides = array<i32>} : memref<2x256xi32, #tpu.memory_space<vmem>>, vector<16xi32>,
        tpu.vector_store %arg7[%swap3A_1103, %swap3A_1104], %add3A_1101 {strides = array<i32>} : memref<2x256xi32, #tpu.memory_space<vmem>>, vector<16xi32>,
        %add3A_1106 = arith.constant 1 : i32
        %add3A_1107 = vector.broadcast %add3A_1106 : i32 to vector<16xi32>
        %add3A_1108 = arith.addi %add3A_1101, %add3A_1107 : vector<16xi32>
        %swap3A_1109 = arith.constant 0 : i32
        %swap3A_1110 = arith.index_cast %swap3A_1109 : i32 to index
        %swap3A_1111 = arith.constant 240 : index
        %swap3A_1112 = tpu.vector_load %arg7[%swap3A_1110, %swap3A_1111] {strides = array<i32>} : memref<2x256xi32, #tpu.memory_space<vmem>>, vector<16xi32>,
        tpu.vector_store %arg7[%swap3A_1110, %swap3A_1111], %add3A_1108 {strides = array<i32>} : memref<2x256xi32, #tpu.memory_space<vmem>>, vector<16xi32>,
        %dma_start3A_1113 = arith.constant 0 : i32
        %dma_start3A_1114 = arith.constant 0 : i32
        %dma_start3A_1115 = arith.constant 0 : i32
        %dma_start3A_1116 = arith.constant 0 : i32
        %dma_start3A_1117 = tpu.memref_slice %arg6[%dma_start3A_1114, %dma_start3A_1115, %dma_start3A_1116] : memref<2x256x32xf32, #tpu.memory_space<vmem>> -> memref<1x128x32xf32, #tpu.memory_space<vmem>>
        %dma_start3A_1118 = tpu.memref_squeeze %dma_start3A_1117 : memref<1x128x32xf32, #tpu.memory_space<vmem>> -> memref<128x32xf32, #tpu.memory_space<vmem>>
        %dma_start3A_1119 = arith.constant 0 : i32
        %dma_start3A_1120 = tpu.memref_slice %arg7[%dma_start3A_1113, %dma_start3A_1119] : memref<2x256xi32, #tpu.memory_space<vmem>> -> memref<1x128xi32, #tpu.memory_space<vmem>>
        %dma_start3A_1121 = tpu.memref_squeeze %dma_start3A_1120 : memref<1x128xi32, #tpu.memory_space<vmem>> -> memref<128xi32, #tpu.memory_space<vmem>>
        %dma_start3A_1122 = arith.constant 0 : i32
        %dma_start3A_1123 = arith.constant 0 : i32
        %dma_start3A_1124 = tpu.memref_slice %arg3[%dma_start3A_1122, %dma_start3A_1123] : memref<2000000x32xf32, #tpu.memory_space<hbm>> -> memref<2000000x32xf32, #tpu.memory_space<hbm>>
        tpu.enqueue_indirect_dma source(%dma_start3A_1124 : memref<2000000x32xf32, #tpu.memory_space<hbm>>) target(%dma_start3A_1118 : memref<128x32xf32, #tpu.memory_space<vmem>>) offsets(%dma_start3A_1121 : memref<128xi32, #tpu.memory_space<vmem>>) semaphore(%arg9 : memref<!tpu.dma_semaphore, #tpu.memory_space<semaphore_mem>>)
        %dma_start3A_1125 = arith.constant 0 : i32
        %dma_start3A_1126 = arith.constant 0 : i32
        %dma_start3A_1127 = arith.constant 128 : i32
        %dma_start3A_1128 = arith.constant 0 : i32
        %dma_start3A_1129 = tpu.memref_slice %arg6[%dma_start3A_1126, %dma_start3A_1127, %dma_start3A_1128] : memref<2x256x32xf32, #tpu.memory_space<vmem>> -> memref<1x128x32xf32, #tpu.memory_space<vmem>>
        %dma_start3A_1130 = tpu.memref_squeeze %dma_start3A_1129 : memref<1x128x32xf32, #tpu.memory_space<vmem>> -> memref<128x32xf32, #tpu.memory_space<vmem>>
        %dma_start3A_1131 = arith.constant 128 : i32
        %dma_start3A_1132 = tpu.memref_slice %arg7[%dma_start3A_1125, %dma_start3A_1131] : memref<2x256xi32, #tpu.memory_space<vmem>> -> memref<1x128xi32, #tpu.memory_space<vmem>>
        %dma_start3A_1133 = tpu.memref_squeeze %dma_start3A_1132 : memref<1x128xi32, #tpu.memory_space<vmem>> -> memref<128xi32, #tpu.memory_space<vmem>>
        %dma_start3A_1134 = arith.constant 0 : i32
        %dma_start3A_1135 = arith.constant 0 : i32
        %dma_start3A_1136 = tpu.memref_slice %arg3[%dma_start3A_1134, %dma_start3A_1135] : memref<2000000x32xf32, #tpu.memory_space<hbm>> -> memref<2000000x32xf32, #tpu.memory_space<hbm>>
        tpu.enqueue_indirect_dma source(%dma_start3A_1136 : memref<2000000x32xf32, #tpu.memory_space<hbm>>) target(%dma_start3A_1130 : memref<128x32xf32, #tpu.memory_space<vmem>>) offsets(%dma_start3A_1133 : memref<128xi32, #tpu.memory_space<vmem>>) semaphore(%arg9 : memref<!tpu.dma_semaphore, #tpu.memory_space<semaphore_mem>>)
      } else {
      }
      %add3A_629 = arith.addi %mul3A_2, %add3A_593 : i32
      %shift_right_arithmetic3A_630 = arith.constant 5 : i32
      %shift_right_arithmetic3A_631 = arith.shrsi %add3A_629, %shift_right_arithmetic3A_630 : i32
      %and3A_632 = arith.constant 31 : i32
      %and3A_633 = arith.andi %add3A_629, %and3A_632 : i32
      %dma_start3A_634 = arith.constant 0 : i32
      %dma_start3A_635 = arith.constant 0 : i32
      %dma_start3A_636 = arith.constant 0 : i32
      %dma_start3A_637 = arith.constant 0 : i32
      %dma_start3A_638 = tpu.memref_slice %arg8[%dma_start3A_634, %dma_start3A_636, %dma_start3A_637] : memref<2x64x129xf32, #tpu.memory_space<vmem>> -> memref<1x8x128xf32, #tpu.memory_space<vmem>>
      %dma_start3A_639 = tpu.memref_squeeze %dma_start3A_638 : memref<1x8x128xf32, #tpu.memory_space<vmem>> -> memref<8x128xf32, #tpu.memory_space<vmem>>
      %dma_start3A_640 = arith.constant 0 : i32
      %dma_start3A_641 = arith.constant 0 : i32
      %dma_start3A_642 = tpu.memref_slice %arg4[%shift_right_arithmetic3A_631, %dma_start3A_635, %and3A_633, %dma_start3A_640, %dma_start3A_641] : memref<200x8x32x8x128xf32, #tpu.memory_space<hbm>> -> memref<1x1x1x8x128xf32, #tpu.memory_space<hbm>>
      %dma_start3A_643 = tpu.memref_squeeze %dma_start3A_642 : memref<1x1x1x8x128xf32, #tpu.memory_space<hbm>> -> memref<8x128xf32, #tpu.memory_space<hbm>>
      %dma_start3A_644 = arith.constant 0 : i32
      %dma_start3A_645 = arith.constant 0 : i32
      %dma_start3A_646 = tpu.memref_slice %arg4[%shift_right_arithmetic3A_631, %dma_start3A_635, %and3A_633, %dma_start3A_644, %dma_start3A_645] : memref<200x8x32x8x128xf32, #tpu.memory_space<hbm>> -> memref<1x1x1x8x128xf32, #tpu.memory_space<hbm>>
      %dma_start3A_647 = tpu.memref_squeeze %dma_start3A_646 : memref<1x1x1x8x128xf32, #tpu.memory_space<hbm>> -> memref<8x128xf32, #tpu.memory_space<hbm>>
      %dma_start3A_648 = arith.constant 0 : i32
      %dma_start3A_649 = arith.constant 0 : i32
      %dma_start3A_650 = tpu.memref_slice %arg8[%dma_start3A_634, %dma_start3A_648, %dma_start3A_649] : memref<2x64x129xf32, #tpu.memory_space<vmem>> -> memref<1x8x128xf32, #tpu.memory_space<vmem>>
      %dma_start3A_651 = tpu.memref_squeeze %dma_start3A_650 : memref<1x8x128xf32, #tpu.memory_space<vmem>> -> memref<8x128xf32, #tpu.memory_space<vmem>>
      tpu.enqueue_dma source(%dma_start3A_651 : memref<8x128xf32, #tpu.memory_space<vmem>>) target(%dma_start3A_647 : memref<8x128xf32, #tpu.memory_space<hbm>>) target_semaphore(%arg11 : memref<!tpu.dma_semaphore, #tpu.memory_space<semaphore_mem>>)
      %dma_start3A_652 = arith.constant 0 : i32
      %dma_start3A_653 = arith.constant 1 : i32
      %dma_start3A_654 = arith.constant 8 : i32
      %dma_start3A_655 = arith.constant 0 : i32
      %dma_start3A_656 = tpu.memref_slice %arg8[%dma_start3A_652, %dma_start3A_654, %dma_start3A_655] : memref<2x64x129xf32, #tpu.memory_space<vmem>> -> memref<1x8x128xf32, #tpu.memory_space<vmem>>
      %dma_start3A_657 = tpu.memref_squeeze %dma_start3A_656 : memref<1x8x128xf32, #tpu.memory_space<vmem>> -> memref<8x128xf32, #tpu.memory_space<vmem>>
      %dma_start3A_658 = arith.constant 0 : i32
      %dma_start3A_659 = arith.constant 0 : i32
      %dma_start3A_660 = tpu.memref_slice %arg4[%shift_right_arithmetic3A_631, %dma_start3A_653, %and3A_633, %dma_start3A_658, %dma_start3A_659] : memref<200x8x32x8x128xf32, #tpu.memory_space<hbm>> -> memref<1x1x1x8x128xf32, #tpu.memory_space<hbm>>
      %dma_start3A_661 = tpu.memref_squeeze %dma_start3A_660 : memref<1x1x1x8x128xf32, #tpu.memory_space<hbm>> -> memref<8x128xf32, #tpu.memory_space<hbm>>
      %dma_start3A_662 = arith.constant 0 : i32
      %dma_start3A_663 = arith.constant 0 : i32
      %dma_start3A_664 = tpu.memref_slice %arg4[%shift_right_arithmetic3A_631, %dma_start3A_653, %and3A_633, %dma_start3A_662, %dma_start3A_663] : memref<200x8x32x8x128xf32, #tpu.memory_space<hbm>> -> memref<1x1x1x8x128xf32, #tpu.memory_space<hbm>>
      %dma_start3A_665 = tpu.memref_squeeze %dma_start3A_664 : memref<1x1x1x8x128xf32, #tpu.memory_space<hbm>> -> memref<8x128xf32, #tpu.memory_space<hbm>>
      %dma_start3A_666 = arith.constant 8 : i32
      %dma_start3A_667 = arith.constant 0 : i32
      %dma_start3A_668 = tpu.memref_slice %arg8[%dma_start3A_652, %dma_start3A_666, %dma_start3A_667] : memref<2x64x129xf32, #tpu.memory_space<vmem>> -> memref<1x8x128xf32, #tpu.memory_space<vmem>>
      %dma_start3A_669 = tpu.memref_squeeze %dma_start3A_668 : memref<1x8x128xf32, #tpu.memory_space<vmem>> -> memref<8x128xf32, #tpu.memory_space<vmem>>
      tpu.enqueue_dma source(%dma_start3A_669 : memref<8x128xf32, #tpu.memory_space<vmem>>) target(%dma_start3A_665 : memref<8x128xf32, #tpu.memory_space<hbm>>) target_semaphore(%arg11 : memref<!tpu.dma_semaphore, #tpu.memory_space<semaphore_mem>>)
      %dma_start3A_670 = arith.constant 0 : i32
      %dma_start3A_671 = arith.constant 2 : i32
      %dma_start3A_672 = arith.constant 16 : i32
      %dma_start3A_673 = arith.constant 0 : i32
      %dma_start3A_674 = tpu.memref_slice %arg8[%dma_start3A_670, %dma_start3A_672, %dma_start3A_673] : memref<2x64x129xf32, #tpu.memory_space<vmem>> -> memref<1x8x128xf32, #tpu.memory_space<vmem>>
      %dma_start3A_675 = tpu.memref_squeeze %dma_start3A_674 : memref<1x8x128xf32, #tpu.memory_space<vmem>> -> memref<8x128xf32, #tpu.memory_space<vmem>>
      %dma_start3A_676 = arith.constant 0 : i32
      %dma_start3A_677 = arith.constant 0 : i32
      %dma_start3A_678 = tpu.memref_slice %arg4[%shift_right_arithmetic3A_631, %dma_start3A_671, %and3A_633, %dma_start3A_676, %dma_start3A_677] : memref<200x8x32x8x128xf32, #tpu.memory_space<hbm>> -> memref<1x1x1x8x128xf32, #tpu.memory_space<hbm>>
      %dma_start3A_679 = tpu.memref_squeeze %dma_start3A_678 : memref<1x1x1x8x128xf32, #tpu.memory_space<hbm>> -> memref<8x128xf32, #tpu.memory_space<hbm>>
      %dma_start3A_680 = arith.constant 0 : i32
      %dma_start3A_681 = arith.constant 0 : i32
      %dma_start3A_682 = tpu.memref_slice %arg4[%shift_right_arithmetic3A_631, %dma_start3A_671, %and3A_633, %dma_start3A_680, %dma_start3A_681] : memref<200x8x32x8x128xf32, #tpu.memory_space<hbm>> -> memref<1x1x1x8x128xf32, #tpu.memory_space<hbm>>
      %dma_start3A_683 = tpu.memref_squeeze %dma_start3A_682 : memref<1x1x1x8x128xf32, #tpu.memory_space<hbm>> -> memref<8x128xf32, #tpu.memory_space<hbm>>
      %dma_start3A_684 = arith.constant 16 : i32
      %dma_start3A_685 = arith.constant 0 : i32
      %dma_start3A_686 = tpu.memref_slice %arg8[%dma_start3A_670, %dma_start3A_684, %dma_start3A_685] : memref<2x64x129xf32, #tpu.memory_space<vmem>> -> memref<1x8x128xf32, #tpu.memory_space<vmem>>
      %dma_start3A_687 = tpu.memref_squeeze %dma_start3A_686 : memref<1x8x128xf32, #tpu.memory_space<vmem>> -> memref<8x128xf32, #tpu.memory_space<vmem>>
      tpu.enqueue_dma source(%dma_start3A_687 : memref<8x128xf32, #tpu.memory_space<vmem>>) target(%dma_start3A_683 : memref<8x128xf32, #tpu.memory_space<hbm>>) target_semaphore(%arg11 : memref<!tpu.dma_semaphore, #tpu.memory_space<semaphore_mem>>)
      %dma_start3A_688 = arith.constant 0 : i32
      %dma_start3A_689 = arith.constant 3 : i32
      %dma_start3A_690 = arith.constant 24 : i32
      %dma_start3A_691 = arith.constant 0 : i32
      %dma_start3A_692 = tpu.memref_slice %arg8[%dma_start3A_688, %dma_start3A_690, %dma_start3A_691] : memref<2x64x129xf32, #tpu.memory_space<vmem>> -> memref<1x8x128xf32, #tpu.memory_space<vmem>>
      %dma_start3A_693 = tpu.memref_squeeze %dma_start3A_692 : memref<1x8x128xf32, #tpu.memory_space<vmem>> -> memref<8x128xf32, #tpu.memory_space<vmem>>
      %dma_start3A_694 = arith.constant 0 : i32
      %dma_start3A_695 = arith.constant 0 : i32
      %dma_start3A_696 = tpu.memref_slice %arg4[%shift_right_arithmetic3A_631, %dma_start3A_689, %and3A_633, %dma_start3A_694, %dma_start3A_695] : memref<200x8x32x8x128xf32, #tpu.memory_space<hbm>> -> memref<1x1x1x8x128xf32, #tpu.memory_space<hbm>>
      %dma_start3A_697 = tpu.memref_squeeze %dma_start3A_696 : memref<1x1x1x8x128xf32, #tpu.memory_space<hbm>> -> memref<8x128xf32, #tpu.memory_space<hbm>>
      %dma_start3A_698 = arith.constant 0 : i32
      %dma_start3A_699 = arith.constant 0 : i32
      %dma_start3A_700 = tpu.memref_slice %arg4[%shift_right_arithmetic3A_631, %dma_start3A_689, %and3A_633, %dma_start3A_698, %dma_start3A_699] : memref<200x8x32x8x128xf32, #tpu.memory_space<hbm>> -> memref<1x1x1x8x128xf32, #tpu.memory_space<hbm>>
      %dma_start3A_701 = tpu.memref_squeeze %dma_start3A_700 : memref<1x1x1x8x128xf32, #tpu.memory_space<hbm>> -> memref<8x128xf32, #tpu.memory_space<hbm>>
      %dma_start3A_702 = arith.constant 24 : i32
      %dma_start3A_703 = arith.constant 0 : i32
      %dma_start3A_704 = tpu.memref_slice %arg8[%dma_start3A_688, %dma_start3A_702, %dma_start3A_703] : memref<2x64x129xf32, #tpu.memory_space<vmem>> -> memref<1x8x128xf32, #tpu.memory_space<vmem>>
      %dma_start3A_705 = tpu.memref_squeeze %dma_start3A_704 : memref<1x8x128xf32, #tpu.memory_space<vmem>> -> memref<8x128xf32, #tpu.memory_space<vmem>>
      tpu.enqueue_dma source(%dma_start3A_705 : memref<8x128xf32, #tpu.memory_space<vmem>>) target(%dma_start3A_701 : memref<8x128xf32, #tpu.memory_space<hbm>>) target_semaphore(%arg11 : memref<!tpu.dma_semaphore, #tpu.memory_space<semaphore_mem>>)
      %dma_start3A_706 = arith.constant 0 : i32
      %dma_start3A_707 = arith.constant 4 : i32
      %dma_start3A_708 = arith.constant 32 : i32
      %dma_start3A_709 = arith.constant 0 : i32
      %dma_start3A_710 = tpu.memref_slice %arg8[%dma_start3A_706, %dma_start3A_708, %dma_start3A_709] : memref<2x64x129xf32, #tpu.memory_space<vmem>> -> memref<1x8x128xf32, #tpu.memory_space<vmem>>
      %dma_start3A_711 = tpu.memref_squeeze %dma_start3A_710 : memref<1x8x128xf32, #tpu.memory_space<vmem>> -> memref<8x128xf32, #tpu.memory_space<vmem>>
      %dma_start3A_712 = arith.constant 0 : i32
      %dma_start3A_713 = arith.constant 0 : i32
      %dma_start3A_714 = tpu.memref_slice %arg4[%shift_right_arithmetic3A_631, %dma_start3A_707, %and3A_633, %dma_start3A_712, %dma_start3A_713] : memref<200x8x32x8x128xf32, #tpu.memory_space<hbm>> -> memref<1x1x1x8x128xf32, #tpu.memory_space<hbm>>
      %dma_start3A_715 = tpu.memref_squeeze %dma_start3A_714 : memref<1x1x1x8x128xf32, #tpu.memory_space<hbm>> -> memref<8x128xf32, #tpu.memory_space<hbm>>
      %dma_start3A_716 = arith.constant 0 : i32
      %dma_start3A_717 = arith.constant 0 : i32
      %dma_start3A_718 = tpu.memref_slice %arg4[%shift_right_arithmetic3A_631, %dma_start3A_707, %and3A_633, %dma_start3A_716, %dma_start3A_717] : memref<200x8x32x8x128xf32, #tpu.memory_space<hbm>> -> memref<1x1x1x8x128xf32, #tpu.memory_space<hbm>>
      %dma_start3A_719 = tpu.memref_squeeze %dma_start3A_718 : memref<1x1x1x8x128xf32, #tpu.memory_space<hbm>> -> memref<8x128xf32, #tpu.memory_space<hbm>>
      %dma_start3A_720 = arith.constant 32 : i32
      %dma_start3A_721 = arith.constant 0 : i32
      %dma_start3A_722 = tpu.memref_slice %arg8[%dma_start3A_706, %dma_start3A_720, %dma_start3A_721] : memref<2x64x129xf32, #tpu.memory_space<vmem>> -> memref<1x8x128xf32, #tpu.memory_space<vmem>>
      %dma_start3A_723 = tpu.memref_squeeze %dma_start3A_722 : memref<1x8x128xf32, #tpu.memory_space<vmem>> -> memref<8x128xf32, #tpu.memory_space<vmem>>
      tpu.enqueue_dma source(%dma_start3A_723 : memref<8x128xf32, #tpu.memory_space<vmem>>) target(%dma_start3A_719 : memref<8x128xf32, #tpu.memory_space<hbm>>) target_semaphore(%arg11 : memref<!tpu.dma_semaphore, #tpu.memory_space<semaphore_mem>>)
      %dma_start3A_724 = arith.constant 0 : i32
      %dma_start3A_725 = arith.constant 5 : i32
      %dma_start3A_726 = arith.constant 40 : i32
      %dma_start3A_727 = arith.constant 0 : i32
      %dma_start3A_728 = tpu.memref_slice %arg8[%dma_start3A_724, %dma_start3A_726, %dma_start3A_727] : memref<2x64x129xf32, #tpu.memory_space<vmem>> -> memref<1x8x128xf32, #tpu.memory_space<vmem>>
      %dma_start3A_729 = tpu.memref_squeeze %dma_start3A_728 : memref<1x8x128xf32, #tpu.memory_space<vmem>> -> memref<8x128xf32, #tpu.memory_space<vmem>>
      %dma_start3A_730 = arith.constant 0 : i32
      %dma_start3A_731 = arith.constant 0 : i32
      %dma_start3A_732 = tpu.memref_slice %arg4[%shift_right_arithmetic3A_631, %dma_start3A_725, %and3A_633, %dma_start3A_730, %dma_start3A_731] : memref<200x8x32x8x128xf32, #tpu.memory_space<hbm>> -> memref<1x1x1x8x128xf32, #tpu.memory_space<hbm>>
      %dma_start3A_733 = tpu.memref_squeeze %dma_start3A_732 : memref<1x1x1x8x128xf32, #tpu.memory_space<hbm>> -> memref<8x128xf32, #tpu.memory_space<hbm>>
      %dma_start3A_734 = arith.constant 0 : i32
      %dma_start3A_735 = arith.constant 0 : i32
      %dma_start3A_736 = tpu.memref_slice %arg4[%shift_right_arithmetic3A_631, %dma_start3A_725, %and3A_633, %dma_start3A_734, %dma_start3A_735] : memref<200x8x32x8x128xf32, #tpu.memory_space<hbm>> -> memref<1x1x1x8x128xf32, #tpu.memory_space<hbm>>
      %dma_start3A_737 = tpu.memref_squeeze %dma_start3A_736 : memref<1x1x1x8x128xf32, #tpu.memory_space<hbm>> -> memref<8x128xf32, #tpu.memory_space<hbm>>
      %dma_start3A_738 = arith.constant 40 : i32
      %dma_start3A_739 = arith.constant 0 : i32
      %dma_start3A_740 = tpu.memref_slice %arg8[%dma_start3A_724, %dma_start3A_738, %dma_start3A_739] : memref<2x64x129xf32, #tpu.memory_space<vmem>> -> memref<1x8x128xf32, #tpu.memory_space<vmem>>
      %dma_start3A_741 = tpu.memref_squeeze %dma_start3A_740 : memref<1x8x128xf32, #tpu.memory_space<vmem>> -> memref<8x128xf32, #tpu.memory_space<vmem>>
      tpu.enqueue_dma source(%dma_start3A_741 : memref<8x128xf32, #tpu.memory_space<vmem>>) target(%dma_start3A_737 : memref<8x128xf32, #tpu.memory_space<hbm>>) target_semaphore(%arg11 : memref<!tpu.dma_semaphore, #tpu.memory_space<semaphore_mem>>)
      %dma_start3A_742 = arith.constant 0 : i32
      %dma_start3A_743 = arith.constant 6 : i32
      %dma_start3A_744 = arith.constant 48 : i32
      %dma_start3A_745 = arith.constant 0 : i32
      %dma_start3A_746 = tpu.memref_slice %arg8[%dma_start3A_742, %dma_start3A_744, %dma_start3A_745] : memref<2x64x129xf32, #tpu.memory_space<vmem>> -> memref<1x8x128xf32, #tpu.memory_space<vmem>>
      %dma_start3A_747 = tpu.memref_squeeze %dma_start3A_746 : memref<1x8x128xf32, #tpu.memory_space<vmem>> -> memref<8x128xf32, #tpu.memory_space<vmem>>
      %dma_start3A_748 = arith.constant 0 : i32
      %dma_start3A_749 = arith.constant 0 : i32
      %dma_start3A_750 = tpu.memref_slice %arg4[%shift_right_arithmetic3A_631, %dma_start3A_743, %and3A_633, %dma_start3A_748, %dma_start3A_749] : memref<200x8x32x8x128xf32, #tpu.memory_space<hbm>> -> memref<1x1x1x8x128xf32, #tpu.memory_space<hbm>>
      %dma_start3A_751 = tpu.memref_squeeze %dma_start3A_750 : memref<1x1x1x8x128xf32, #tpu.memory_space<hbm>> -> memref<8x128xf32, #tpu.memory_space<hbm>>
      %dma_start3A_752 = arith.constant 0 : i32
      %dma_start3A_753 = arith.constant 0 : i32
      %dma_start3A_754 = tpu.memref_slice %arg4[%shift_right_arithmetic3A_631, %dma_start3A_743, %and3A_633, %dma_start3A_752, %dma_start3A_753] : memref<200x8x32x8x128xf32, #tpu.memory_space<hbm>> -> memref<1x1x1x8x128xf32, #tpu.memory_space<hbm>>
      %dma_start3A_755 = tpu.memref_squeeze %dma_start3A_754 : memref<1x1x1x8x128xf32, #tpu.memory_space<hbm>> -> memref<8x128xf32, #tpu.memory_space<hbm>>
      %dma_start3A_756 = arith.constant 48 : i32
      %dma_start3A_757 = arith.constant 0 : i32
      %dma_start3A_758 = tpu.memref_slice %arg8[%dma_start3A_742, %dma_start3A_756, %dma_start3A_757] : memref<2x64x129xf32, #tpu.memory_space<vmem>> -> memref<1x8x128xf32, #tpu.memory_space<vmem>>
      %dma_start3A_759 = tpu.memref_squeeze %dma_start3A_758 : memref<1x8x128xf32, #tpu.memory_space<vmem>> -> memref<8x128xf32, #tpu.memory_space<vmem>>
      tpu.enqueue_dma source(%dma_start3A_759 : memref<8x128xf32, #tpu.memory_space<vmem>>) target(%dma_start3A_755 : memref<8x128xf32, #tpu.memory_space<hbm>>) target_semaphore(%arg11 : memref<!tpu.dma_semaphore, #tpu.memory_space<semaphore_mem>>)
      %dma_start3A_760 = arith.constant 0 : i32
      %dma_start3A_761 = arith.constant 7 : i32
      %dma_start3A_762 = arith.constant 56 : i32
      %dma_start3A_763 = arith.constant 0 : i32
      %dma_start3A_764 = tpu.memref_slice %arg8[%dma_start3A_760, %dma_start3A_762, %dma_start3A_763] : memref<2x64x129xf32, #tpu.memory_space<vmem>> -> memref<1x8x128xf32, #tpu.memory_space<vmem>>
      %dma_start3A_765 = tpu.memref_squeeze %dma_start3A_764 : memref<1x8x128xf32, #tpu.memory_space<vmem>> -> memref<8x128xf32, #tpu.memory_space<vmem>>
      %dma_start3A_766 = arith.constant 0 : i32
      %dma_start3A_767 = arith.constant 0 : i32
      %dma_start3A_768 = tpu.memref_slice %arg4[%shift_right_arithmetic3A_631, %dma_start3A_761, %and3A_633, %dma_start3A_766, %dma_start3A_767] : memref<200x8x32x8x128xf32, #tpu.memory_space<hbm>> -> memref<1x1x1x8x128xf32, #tpu.memory_space<hbm>>
      %dma_start3A_769 = tpu.memref_squeeze %dma_start3A_768 : memref<1x1x1x8x128xf32, #tpu.memory_space<hbm>> -> memref<8x128xf32, #tpu.memory_space<hbm>>
      %dma_start3A_770 = arith.constant 0 : i32
      %dma_start3A_771 = arith.constant 0 : i32
      %dma_start3A_772 = tpu.memref_slice %arg4[%shift_right_arithmetic3A_631, %dma_start3A_761, %and3A_633, %dma_start3A_770, %dma_start3A_771] : memref<200x8x32x8x128xf32, #tpu.memory_space<hbm>> -> memref<1x1x1x8x128xf32, #tpu.memory_space<hbm>>
      %dma_start3A_773 = tpu.memref_squeeze %dma_start3A_772 : memref<1x1x1x8x128xf32, #tpu.memory_space<hbm>> -> memref<8x128xf32, #tpu.memory_space<hbm>>
      %dma_start3A_774 = arith.constant 56 : i32
      %dma_start3A_775 = arith.constant 0 : i32
      %dma_start3A_776 = tpu.memref_slice %arg8[%dma_start3A_760, %dma_start3A_774, %dma_start3A_775] : memref<2x64x129xf32, #tpu.memory_space<vmem>> -> memref<1x8x128xf32, #tpu.memory_space<vmem>>
      %dma_start3A_777 = tpu.memref_squeeze %dma_start3A_776 : memref<1x8x128xf32, #tpu.memory_space<vmem>> -> memref<8x128xf32, #tpu.memory_space<vmem>>
      tpu.enqueue_dma source(%dma_start3A_777 : memref<8x128xf32, #tpu.memory_space<vmem>>) target(%dma_start3A_773 : memref<8x128xf32, #tpu.memory_space<hbm>>) target_semaphore(%arg11 : memref<!tpu.dma_semaphore, #tpu.memory_space<semaphore_mem>>)
      %add3A_778 = arith.constant 1 : i32
      %add3A_779 = arith.addi %add3A_591, %add3A_778 : i32
      %dma_wait3A_780 = arith.constant 1 : i32
      %dma_wait3A_781 = arith.constant 1 : i32
      %dma_wait3A_782 = arith.constant 0 : i32
      %dma_wait3A_783 = arith.constant 0 : i32
      %dma_wait3A_784 = tpu.memref_slice %arg6[%dma_wait3A_781, %dma_wait3A_782, %dma_wait3A_783] : memref<2x256x32xf32, #tpu.memory_space<vmem>> -> memref<1x128x32xf32, #tpu.memory_space<vmem>>
      %dma_wait3A_785 = tpu.memref_squeeze %dma_wait3A_784 : memref<1x128x32xf32, #tpu.memory_space<vmem>> -> memref<128x32xf32, #tpu.memory_space<vmem>>
      %dma_wait3A_786 = arith.constant 0 : i32
      %dma_wait3A_787 = tpu.memref_slice %arg7[%dma_wait3A_780, %dma_wait3A_786] : memref<2x256xi32, #tpu.memory_space<vmem>> -> memref<1x128xi32, #tpu.memory_space<vmem>>
      %dma_wait3A_788 = tpu.memref_squeeze %dma_wait3A_787 : memref<1x128xi32, #tpu.memory_space<vmem>> -> memref<128xi32, #tpu.memory_space<vmem>>
      %dma_wait3A_789 = arith.constant 0 : i32
      %dma_wait3A_790 = arith.constant 0 : i32
      %dma_wait3A_791 = tpu.memref_slice %arg3[%dma_wait3A_789, %dma_wait3A_790] : memref<2000000x32xf32, #tpu.memory_space<hbm>> -> memref<2000000x32xf32, #tpu.memory_space<hbm>>
      tpu.wait_indirect_dma semaphore(%arg10 : memref<!tpu.dma_semaphore, #tpu.memory_space<semaphore_mem>>) src(%dma_wait3A_791 : memref<2000000x32xf32, #tpu.memory_space<hbm>>) dst(%dma_wait3A_785 : memref<128x32xf32, #tpu.memory_space<vmem>>)
      %dma_wait3A_792 = arith.constant 1 : i32
      %dma_wait3A_793 = arith.constant 1 : i32
      %dma_wait3A_794 = arith.constant 128 : i32
      %dma_wait3A_795 = arith.constant 0 : i32
      %dma_wait3A_796 = tpu.memref_slice %arg6[%dma_wait3A_793, %dma_wait3A_794, %dma_wait3A_795] : memref<2x256x32xf32, #tpu.memory_space<vmem>> -> memref<1x128x32xf32, #tpu.memory_space<vmem>>
      %dma_wait3A_797 = tpu.memref_squeeze %dma_wait3A_796 : memref<1x128x32xf32, #tpu.memory_space<vmem>> -> memref<128x32xf32, #tpu.memory_space<vmem>>
      %dma_wait3A_798 = arith.constant 128 : i32
      %dma_wait3A_799 = tpu.memref_slice %arg7[%dma_wait3A_792, %dma_wait3A_798] : memref<2x256xi32, #tpu.memory_space<vmem>> -> memref<1x128xi32, #tpu.memory_space<vmem>>
      %dma_wait3A_800 = tpu.memref_squeeze %dma_wait3A_799 : memref<1x128xi32, #tpu.memory_space<vmem>> -> memref<128xi32, #tpu.memory_space<vmem>>
      %dma_wait3A_801 = arith.constant 0 : i32
      %dma_wait3A_802 = arith.constant 0 : i32
      %dma_wait3A_803 = tpu.memref_slice %arg3[%dma_wait3A_801, %dma_wait3A_802] : memref<2000000x32xf32, #tpu.memory_space<hbm>> -> memref<2000000x32xf32, #tpu.memory_space<hbm>>
      tpu.wait_indirect_dma semaphore(%arg10 : memref<!tpu.dma_semaphore, #tpu.memory_space<semaphore_mem>>) src(%dma_wait3A_803 : memref<2000000x32xf32, #tpu.memory_space<hbm>>) dst(%dma_wait3A_797 : memref<128x32xf32, #tpu.memory_space<vmem>>)
      %ge3A_804 = arith.constant 2 : i32
      %ge3A_805 = arith.cmpi sge, %add3A_779, %ge3A_804 : i32
      %convert_element_type3A_806 = arith.extui %ge3A_805 : i1 to i32
      %cond3A_807 = arith.constant 0 : i32
      %cond3A_808 = arith.cmpi ne, %convert_element_type3A_806, %cond3A_807 : i32
      scf.if %cond3A_808 {
        %sub3A = arith.constant 2 : i32
        %sub3A_969 = arith.subi %add3A_779, %sub3A : i32
        %add3A_970 = arith.addi %mul3A_2, %sub3A_969 : i32
        %shift_right_arithmetic3A_971 = arith.constant 5 : i32
        %shift_right_arithmetic3A_972 = arith.shrsi %add3A_970, %shift_right_arithmetic3A_971 : i32
        %and3A_973 = arith.constant 31 : i32
        %and3A_974 = arith.andi %add3A_970, %and3A_973 : i32
        %dma_wait3A_975 = arith.constant 1 : i32
        %dma_wait3A_976 = arith.constant 0 : i32
        %dma_wait3A_977 = arith.constant 0 : i32
        %dma_wait3A_978 = arith.constant 0 : i32
        %dma_wait3A_979 = tpu.memref_slice %arg8[%dma_wait3A_975, %dma_wait3A_977, %dma_wait3A_978] : memref<2x64x129xf32, #tpu.memory_space<vmem>> -> memref<1x8x128xf32, #tpu.memory_space<vmem>>
        %dma_wait3A_980 = tpu.memref_squeeze %dma_wait3A_979 : memref<1x8x128xf32, #tpu.memory_space<vmem>> -> memref<8x128xf32, #tpu.memory_space<vmem>>
        %dma_wait3A_981 = arith.constant 0 : i32
        %dma_wait3A_982 = arith.constant 0 : i32
        %dma_wait3A_983 = tpu.memref_slice %arg4[%shift_right_arithmetic3A_972, %dma_wait3A_976, %and3A_974, %dma_wait3A_981, %dma_wait3A_982] : memref<200x8x32x8x128xf32, #tpu.memory_space<hbm>> -> memref<1x1x1x8x128xf32, #tpu.memory_space<hbm>>
        %dma_wait3A_984 = tpu.memref_squeeze %dma_wait3A_983 : memref<1x1x1x8x128xf32, #tpu.memory_space<hbm>> -> memref<8x128xf32, #tpu.memory_space<hbm>>
        %dma_wait3A_985 = arith.constant 0 : i32
        %dma_wait3A_986 = arith.constant 0 : i32
        %dma_wait3A_987 = tpu.memref_slice %arg4[%shift_right_arithmetic3A_972, %dma_wait3A_976, %and3A_974, %dma_wait3A_985, %dma_wait3A_986] : memref<200x8x32x8x128xf32, #tpu.memory_space<hbm>> -> memref<1x1x1x8x128xf32, #tpu.memory_space<hbm>>
        %dma_wait3A_988 = tpu.memref_squeeze %dma_wait3A_987 : memref<1x1x1x8x128xf32, #tpu.memory_space<hbm>> -> memref<8x128xf32, #tpu.memory_space<hbm>>
        %dma_wait3A_989 = arith.constant 0 : i32
        %dma_wait3A_990 = arith.constant 0 : i32
        %dma_wait3A_991 = tpu.memref_slice %arg8[%dma_wait3A_975, %dma_wait3A_989, %dma_wait3A_990] : memref<2x64x129xf32, #tpu.memory_space<vmem>> -> memref<1x8x128xf32, #tpu.memory_space<vmem>>
        %dma_wait3A_992 = tpu.memref_squeeze %dma_wait3A_991 : memref<1x8x128xf32, #tpu.memory_space<vmem>> -> memref<8x128xf32, #tpu.memory_space<vmem>>
        tpu.wait_dma2 semaphore(%arg12 : memref<!tpu.dma_semaphore, #tpu.memory_space<semaphore_mem>>) src(%dma_wait3A_992 : memref<8x128xf32, #tpu.memory_space<vmem>>) dst(%dma_wait3A_988 : memref<8x128xf32, #tpu.memory_space<hbm>>)
        %dma_wait3A_993 = arith.constant 1 : i32
        %dma_wait3A_994 = arith.constant 1 : i32
        %dma_wait3A_995 = arith.constant 8 : i32
        %dma_wait3A_996 = arith.constant 0 : i32
        %dma_wait3A_997 = tpu.memref_slice %arg8[%dma_wait3A_993, %dma_wait3A_995, %dma_wait3A_996] : memref<2x64x129xf32, #tpu.memory_space<vmem>> -> memref<1x8x128xf32, #tpu.memory_space<vmem>>
        %dma_wait3A_998 = tpu.memref_squeeze %dma_wait3A_997 : memref<1x8x128xf32, #tpu.memory_space<vmem>> -> memref<8x128xf32, #tpu.memory_space<vmem>>
        %dma_wait3A_999 = arith.constant 0 : i32
        %dma_wait3A_1000 = arith.constant 0 : i32
        %dma_wait3A_1001 = tpu.memref_slice %arg4[%shift_right_arithmetic3A_972, %dma_wait3A_994, %and3A_974, %dma_wait3A_999, %dma_wait3A_1000] : memref<200x8x32x8x128xf32, #tpu.memory_space<hbm>> -> memref<1x1x1x8x128xf32, #tpu.memory_space<hbm>>
        %dma_wait3A_1002 = tpu.memref_squeeze %dma_wait3A_1001 : memref<1x1x1x8x128xf32, #tpu.memory_space<hbm>> -> memref<8x128xf32, #tpu.memory_space<hbm>>
        %dma_wait3A_1003 = arith.constant 0 : i32
        %dma_wait3A_1004 = arith.constant 0 : i32
        %dma_wait3A_1005 = tpu.memref_slice %arg4[%shift_right_arithmetic3A_972, %dma_wait3A_994, %and3A_974, %dma_wait3A_1003, %dma_wait3A_1004] : memref<200x8x32x8x128xf32, #tpu.memory_space<hbm>> -> memref<1x1x1x8x128xf32, #tpu.memory_space<hbm>>
        %dma_wait3A_1006 = tpu.memref_squeeze %dma_wait3A_1005 : memref<1x1x1x8x128xf32, #tpu.memory_space<hbm>> -> memref<8x128xf32, #tpu.memory_space<hbm>>
        %dma_wait3A_1007 = arith.constant 8 : i32
        %dma_wait3A_1008 = arith.constant 0 : i32
        %dma_wait3A_1009 = tpu.memref_slice %arg8[%dma_wait3A_993, %dma_wait3A_1007, %dma_wait3A_1008] : memref<2x64x129xf32, #tpu.memory_space<vmem>> -> memref<1x8x128xf32, #tpu.memory_space<vmem>>
        %dma_wait3A_1010 = tpu.memref_squeeze %dma_wait3A_1009 : memref<1x8x128xf32, #tpu.memory_space<vmem>> -> memref<8x128xf32, #tpu.memory_space<vmem>>
        tpu.wait_dma2 semaphore(%arg12 : memref<!tpu.dma_semaphore, #tpu.memory_space<semaphore_mem>>) src(%dma_wait3A_1010 : memref<8x128xf32, #tpu.memory_space<vmem>>) dst(%dma_wait3A_1006 : memref<8x128xf32, #tpu.memory_space<hbm>>)
        %dma_wait3A_1011 = arith.constant 1 : i32
        %dma_wait3A_1012 = arith.constant 2 : i32
        %dma_wait3A_1013 = arith.constant 16 : i32
        %dma_wait3A_1014 = arith.constant 0 : i32
        %dma_wait3A_1015 = tpu.memref_slice %arg8[%dma_wait3A_1011, %dma_wait3A_1013, %dma_wait3A_1014] : memref<2x64x129xf32, #tpu.memory_space<vmem>> -> memref<1x8x128xf32, #tpu.memory_space<vmem>>
        %dma_wait3A_1016 = tpu.memref_squeeze %dma_wait3A_1015 : memref<1x8x128xf32, #tpu.memory_space<vmem>> -> memref<8x128xf32, #tpu.memory_space<vmem>>
        %dma_wait3A_1017 = arith.constant 0 : i32
        %dma_wait3A_1018 = arith.constant 0 : i32
        %dma_wait3A_1019 = tpu.memref_slice %arg4[%shift_right_arithmetic3A_972, %dma_wait3A_1012, %and3A_974, %dma_wait3A_1017, %dma_wait3A_1018] : memref<200x8x32x8x128xf32, #tpu.memory_space<hbm>> -> memref<1x1x1x8x128xf32, #tpu.memory_space<hbm>>
        %dma_wait3A_1020 = tpu.memref_squeeze %dma_wait3A_1019 : memref<1x1x1x8x128xf32, #tpu.memory_space<hbm>> -> memref<8x128xf32, #tpu.memory_space<hbm>>
        %dma_wait3A_1021 = arith.constant 0 : i32
        %dma_wait3A_1022 = arith.constant 0 : i32
        %dma_wait3A_1023 = tpu.memref_slice %arg4[%shift_right_arithmetic3A_972, %dma_wait3A_1012, %and3A_974, %dma_wait3A_1021, %dma_wait3A_1022] : memref<200x8x32x8x128xf32, #tpu.memory_space<hbm>> -> memref<1x1x1x8x128xf32, #tpu.memory_space<hbm>>
        %dma_wait3A_1024 = tpu.memref_squeeze %dma_wait3A_1023 : memref<1x1x1x8x128xf32, #tpu.memory_space<hbm>> -> memref<8x128xf32, #tpu.memory_space<hbm>>
        %dma_wait3A_1025 = arith.constant 16 : i32
        %dma_wait3A_1026 = arith.constant 0 : i32
        %dma_wait3A_1027 = tpu.memref_slice %arg8[%dma_wait3A_1011, %dma_wait3A_1025, %dma_wait3A_1026] : memref<2x64x129xf32, #tpu.memory_space<vmem>> -> memref<1x8x128xf32, #tpu.memory_space<vmem>>
        %dma_wait3A_1028 = tpu.memref_squeeze %dma_wait3A_1027 : memref<1x8x128xf32, #tpu.memory_space<vmem>> -> memref<8x128xf32, #tpu.memory_space<vmem>>
        tpu.wait_dma2 semaphore(%arg12 : memref<!tpu.dma_semaphore, #tpu.memory_space<semaphore_mem>>) src(%dma_wait3A_1028 : memref<8x128xf32, #tpu.memory_space<vmem>>) dst(%dma_wait3A_1024 : memref<8x128xf32, #tpu.memory_space<hbm>>)
        %dma_wait3A_1029 = arith.constant 1 : i32
        %dma_wait3A_1030 = arith.constant 3 : i32
        %dma_wait3A_1031 = arith.constant 24 : i32
        %dma_wait3A_1032 = arith.constant 0 : i32
        %dma_wait3A_1033 = tpu.memref_slice %arg8[%dma_wait3A_1029, %dma_wait3A_1031, %dma_wait3A_1032] : memref<2x64x129xf32, #tpu.memory_space<vmem>> -> memref<1x8x128xf32, #tpu.memory_space<vmem>>
        %dma_wait3A_1034 = tpu.memref_squeeze %dma_wait3A_1033 : memref<1x8x128xf32, #tpu.memory_space<vmem>> -> memref<8x128xf32, #tpu.memory_space<vmem>>
        %dma_wait3A_1035 = arith.constant 0 : i32
        %dma_wait3A_1036 = arith.constant 0 : i32
        %dma_wait3A_1037 = tpu.memref_slice %arg4[%shift_right_arithmetic3A_972, %dma_wait3A_1030, %and3A_974, %dma_wait3A_1035, %dma_wait3A_1036] : memref<200x8x32x8x128xf32, #tpu.memory_space<hbm>> -> memref<1x1x1x8x128xf32, #tpu.memory_space<hbm>>
        %dma_wait3A_1038 = tpu.memref_squeeze %dma_wait3A_1037 : memref<1x1x1x8x128xf32, #tpu.memory_space<hbm>> -> memref<8x128xf32, #tpu.memory_space<hbm>>
        %dma_wait3A_1039 = arith.constant 0 : i32
        %dma_wait3A_1040 = arith.constant 0 : i32
        %dma_wait3A_1041 = tpu.memref_slice %arg4[%shift_right_arithmetic3A_972, %dma_wait3A_1030, %and3A_974, %dma_wait3A_1039, %dma_wait3A_1040] : memref<200x8x32x8x128xf32, #tpu.memory_space<hbm>> -> memref<1x1x1x8x128xf32, #tpu.memory_space<hbm>>
        %dma_wait3A_1042 = tpu.memref_squeeze %dma_wait3A_1041 : memref<1x1x1x8x128xf32, #tpu.memory_space<hbm>> -> memref<8x128xf32, #tpu.memory_space<hbm>>
        %dma_wait3A_1043 = arith.constant 24 : i32
        %dma_wait3A_1044 = arith.constant 0 : i32
        %dma_wait3A_1045 = tpu.memref_slice %arg8[%dma_wait3A_1029, %dma_wait3A_1043, %dma_wait3A_1044] : memref<2x64x129xf32, #tpu.memory_space<vmem>> -> memref<1x8x128xf32, #tpu.memory_space<vmem>>
        %dma_wait3A_1046 = tpu.memref_squeeze %dma_wait3A_1045 : memref<1x8x128xf32, #tpu.memory_space<vmem>> -> memref<8x128xf32, #tpu.memory_space<vmem>>
        tpu.wait_dma2 semaphore(%arg12 : memref<!tpu.dma_semaphore, #tpu.memory_space<semaphore_mem>>) src(%dma_wait3A_1046 : memref<8x128xf32, #tpu.memory_space<vmem>>) dst(%dma_wait3A_1042 : memref<8x128xf32, #tpu.memory_space<hbm>>)
        %dma_wait3A_1047 = arith.constant 1 : i32
        %dma_wait3A_1048 = arith.constant 4 : i32
        %dma_wait3A_1049 = arith.constant 32 : i32
        %dma_wait3A_1050 = arith.constant 0 : i32
        %dma_wait3A_1051 = tpu.memref_slice %arg8[%dma_wait3A_1047, %dma_wait3A_1049, %dma_wait3A_1050] : memref<2x64x129xf32, #tpu.memory_space<vmem>> -> memref<1x8x128xf32, #tpu.memory_space<vmem>>
        %dma_wait3A_1052 = tpu.memref_squeeze %dma_wait3A_1051 : memref<1x8x128xf32, #tpu.memory_space<vmem>> -> memref<8x128xf32, #tpu.memory_space<vmem>>
        %dma_wait3A_1053 = arith.constant 0 : i32
        %dma_wait3A_1054 = arith.constant 0 : i32
        %dma_wait3A_1055 = tpu.memref_slice %arg4[%shift_right_arithmetic3A_972, %dma_wait3A_1048, %and3A_974, %dma_wait3A_1053, %dma_wait3A_1054] : memref<200x8x32x8x128xf32, #tpu.memory_space<hbm>> -> memref<1x1x1x8x128xf32, #tpu.memory_space<hbm>>
        %dma_wait3A_1056 = tpu.memref_squeeze %dma_wait3A_1055 : memref<1x1x1x8x128xf32, #tpu.memory_space<hbm>> -> memref<8x128xf32, #tpu.memory_space<hbm>>
        %dma_wait3A_1057 = arith.constant 0 : i32
        %dma_wait3A_1058 = arith.constant 0 : i32
        %dma_wait3A_1059 = tpu.memref_slice %arg4[%shift_right_arithmetic3A_972, %dma_wait3A_1048, %and3A_974, %dma_wait3A_1057, %dma_wait3A_1058] : memref<200x8x32x8x128xf32, #tpu.memory_space<hbm>> -> memref<1x1x1x8x128xf32, #tpu.memory_space<hbm>>
        %dma_wait3A_1060 = tpu.memref_squeeze %dma_wait3A_1059 : memref<1x1x1x8x128xf32, #tpu.memory_space<hbm>> -> memref<8x128xf32, #tpu.memory_space<hbm>>
        %dma_wait3A_1061 = arith.constant 32 : i32
        %dma_wait3A_1062 = arith.constant 0 : i32
        %dma_wait3A_1063 = tpu.memref_slice %arg8[%dma_wait3A_1047, %dma_wait3A_1061, %dma_wait3A_1062] : memref<2x64x129xf32, #tpu.memory_space<vmem>> -> memref<1x8x128xf32, #tpu.memory_space<vmem>>
        %dma_wait3A_1064 = tpu.memref_squeeze %dma_wait3A_1063 : memref<1x8x128xf32, #tpu.memory_space<vmem>> -> memref<8x128xf32, #tpu.memory_space<vmem>>
        tpu.wait_dma2 semaphore(%arg12 : memref<!tpu.dma_semaphore, #tpu.memory_space<semaphore_mem>>) src(%dma_wait3A_1064 : memref<8x128xf32, #tpu.memory_space<vmem>>) dst(%dma_wait3A_1060 : memref<8x128xf32, #tpu.memory_space<hbm>>)
        %dma_wait3A_1065 = arith.constant 1 : i32
        %dma_wait3A_1066 = arith.constant 5 : i32
        %dma_wait3A_1067 = arith.constant 40 : i32
        %dma_wait3A_1068 = arith.constant 0 : i32
        %dma_wait3A_1069 = tpu.memref_slice %arg8[%dma_wait3A_1065, %dma_wait3A_1067, %dma_wait3A_1068] : memref<2x64x129xf32, #tpu.memory_space<vmem>> -> memref<1x8x128xf32, #tpu.memory_space<vmem>>
        %dma_wait3A_1070 = tpu.memref_squeeze %dma_wait3A_1069 : memref<1x8x128xf32, #tpu.memory_space<vmem>> -> memref<8x128xf32, #tpu.memory_space<vmem>>
        %dma_wait3A_1071 = arith.constant 0 : i32
        %dma_wait3A_1072 = arith.constant 0 : i32
        %dma_wait3A_1073 = tpu.memref_slice %arg4[%shift_right_arithmetic3A_972, %dma_wait3A_1066, %and3A_974, %dma_wait3A_1071, %dma_wait3A_1072] : memref<200x8x32x8x128xf32, #tpu.memory_space<hbm>> -> memref<1x1x1x8x128xf32, #tpu.memory_space<hbm>>
        %dma_wait3A_1074 = tpu.memref_squeeze %dma_wait3A_1073 : memref<1x1x1x8x128xf32, #tpu.memory_space<hbm>> -> memref<8x128xf32, #tpu.memory_space<hbm>>
        %dma_wait3A_1075 = arith.constant 0 : i32
        %dma_wait3A_1076 = arith.constant 0 : i32
        %dma_wait3A_1077 = tpu.memref_slice %arg4[%shift_right_arithmetic3A_972, %dma_wait3A_1066, %and3A_974, %dma_wait3A_1075, %dma_wait3A_1076] : memref<200x8x32x8x128xf32, #tpu.memory_space<hbm>> -> memref<1x1x1x8x128xf32, #tpu.memory_space<hbm>>
        %dma_wait3A_1078 = tpu.memref_squeeze %dma_wait3A_1077 : memref<1x1x1x8x128xf32, #tpu.memory_space<hbm>> -> memref<8x128xf32, #tpu.memory_space<hbm>>
        %dma_wait3A_1079 = arith.constant 40 : i32
        %dma_wait3A_1080 = arith.constant 0 : i32
        %dma_wait3A_1081 = tpu.memref_slice %arg8[%dma_wait3A_1065, %dma_wait3A_1079, %dma_wait3A_1080] : memref<2x64x129xf32, #tpu.memory_space<vmem>> -> memref<1x8x128xf32, #tpu.memory_space<vmem>>
        %dma_wait3A_1082 = tpu.memref_squeeze %dma_wait3A_1081 : memref<1x8x128xf32, #tpu.memory_space<vmem>> -> memref<8x128xf32, #tpu.memory_space<vmem>>
        tpu.wait_dma2 semaphore(%arg12 : memref<!tpu.dma_semaphore, #tpu.memory_space<semaphore_mem>>) src(%dma_wait3A_1082 : memref<8x128xf32, #tpu.memory_space<vmem>>) dst(%dma_wait3A_1078 : memref<8x128xf32, #tpu.memory_space<hbm>>)
        %dma_wait3A_1083 = arith.constant 1 : i32
        %dma_wait3A_1084 = arith.constant 6 : i32
        %dma_wait3A_1085 = arith.constant 48 : i32
        %dma_wait3A_1086 = arith.constant 0 : i32
        %dma_wait3A_1087 = tpu.memref_slice %arg8[%dma_wait3A_1083, %dma_wait3A_1085, %dma_wait3A_1086] : memref<2x64x129xf32, #tpu.memory_space<vmem>> -> memref<1x8x128xf32, #tpu.memory_space<vmem>>
        %dma_wait3A_1088 = tpu.memref_squeeze %dma_wait3A_1087 : memref<1x8x128xf32, #tpu.memory_space<vmem>> -> memref<8x128xf32, #tpu.memory_space<vmem>>
        %dma_wait3A_1089 = arith.constant 0 : i32
        %dma_wait3A_1090 = arith.constant 0 : i32
        %dma_wait3A_1091 = tpu.memref_slice %arg4[%shift_right_arithmetic3A_972, %dma_wait3A_1084, %and3A_974, %dma_wait3A_1089, %dma_wait3A_1090] : memref<200x8x32x8x128xf32, #tpu.memory_space<hbm>> -> memref<1x1x1x8x128xf32, #tpu.memory_space<hbm>>
        %dma_wait3A_1092 = tpu.memref_squeeze %dma_wait3A_1091 : memref<1x1x1x8x128xf32, #tpu.memory_space<hbm>> -> memref<8x128xf32, #tpu.memory_space<hbm>>
        %dma_wait3A_1093 = arith.constant 0 : i32
        %dma_wait3A_1094 = arith.constant 0 : i32
        %dma_wait3A_1095 = tpu.memref_slice %arg4[%shift_right_arithmetic3A_972, %dma_wait3A_1084, %and3A_974, %dma_wait3A_1093, %dma_wait3A_1094] : memref<200x8x32x8x128xf32, #tpu.memory_space<hbm>> -> memref<1x1x1x8x128xf32, #tpu.memory_space<hbm>>
        %dma_wait3A_1096 = tpu.memref_squeeze %dma_wait3A_1095 : memref<1x1x1x8x128xf32, #tpu.memory_space<hbm>> -> memref<8x128xf32, #tpu.memory_space<hbm>>
        %dma_wait3A_1097 = arith.constant 48 : i32
        %dma_wait3A_1098 = arith.constant 0 : i32
        %dma_wait3A_1099 = tpu.memref_slice %arg8[%dma_wait3A_1083, %dma_wait3A_1097, %dma_wait3A_1098] : memref<2x64x129xf32, #tpu.memory_space<vmem>> -> memref<1x8x128xf32, #tpu.memory_space<vmem>>
        %dma_wait3A_1100 = tpu.memref_squeeze %dma_wait3A_1099 : memref<1x8x128xf32, #tpu.memory_space<vmem>> -> memref<8x128xf32, #tpu.memory_space<vmem>>
        tpu.wait_dma2 semaphore(%arg12 : memref<!tpu.dma_semaphore, #tpu.memory_space<semaphore_mem>>) src(%dma_wait3A_1100 : memref<8x128xf32, #tpu.memory_space<vmem>>) dst(%dma_wait3A_1096 : memref<8x128xf32, #tpu.memory_space<hbm>>)
        %dma_wait3A_1101 = arith.constant 1 : i32
        %dma_wait3A_1102 = arith.constant 7 : i32
        %dma_wait3A_1103 = arith.constant 56 : i32
        %dma_wait3A_1104 = arith.constant 0 : i32
        %dma_wait3A_1105 = tpu.memref_slice %arg8[%dma_wait3A_1101, %dma_wait3A_1103, %dma_wait3A_1104] : memref<2x64x129xf32, #tpu.memory_space<vmem>> -> memref<1x8x128xf32, #tpu.memory_space<vmem>>
        %dma_wait3A_1106 = tpu.memref_squeeze %dma_wait3A_1105 : memref<1x8x128xf32, #tpu.memory_space<vmem>> -> memref<8x128xf32, #tpu.memory_space<vmem>>
        %dma_wait3A_1107 = arith.constant 0 : i32
        %dma_wait3A_1108 = arith.constant 0 : i32
        %dma_wait3A_1109 = tpu.memref_slice %arg4[%shift_right_arithmetic3A_972, %dma_wait3A_1102, %and3A_974, %dma_wait3A_1107, %dma_wait3A_1108] : memref<200x8x32x8x128xf32, #tpu.memory_space<hbm>> -> memref<1x1x1x8x128xf32, #tpu.memory_space<hbm>>
        %dma_wait3A_1110 = tpu.memref_squeeze %dma_wait3A_1109 : memref<1x1x1x8x128xf32, #tpu.memory_space<hbm>> -> memref<8x128xf32, #tpu.memory_space<hbm>>
        %dma_wait3A_1111 = arith.constant 0 : i32
        %dma_wait3A_1112 = arith.constant 0 : i32
        %dma_wait3A_1113 = tpu.memref_slice %arg4[%shift_right_arithmetic3A_972, %dma_wait3A_1102, %and3A_974, %dma_wait3A_1111, %dma_wait3A_1112] : memref<200x8x32x8x128xf32, #tpu.memory_space<hbm>> -> memref<1x1x1x8x128xf32, #tpu.memory_space<hbm>>
        %dma_wait3A_1114 = tpu.memref_squeeze %dma_wait3A_1113 : memref<1x1x1x8x128xf32, #tpu.memory_space<hbm>> -> memref<8x128xf32, #tpu.memory_space<hbm>>
        %dma_wait3A_1115 = arith.constant 56 : i32
        %dma_wait3A_1116 = arith.constant 0 : i32
        %dma_wait3A_1117 = tpu.memref_slice %arg8[%dma_wait3A_1101, %dma_wait3A_1115, %dma_wait3A_1116] : memref<2x64x129xf32, #tpu.memory_space<vmem>> -> memref<1x8x128xf32, #tpu.memory_space<vmem>>
        %dma_wait3A_1118 = tpu.memref_squeeze %dma_wait3A_1117 : memref<1x8x128xf32, #tpu.memory_space<vmem>> -> memref<8x128xf32, #tpu.memory_space<vmem>>
        tpu.wait_dma2 semaphore(%arg12 : memref<!tpu.dma_semaphore, #tpu.memory_space<semaphore_mem>>) src(%dma_wait3A_1118 : memref<8x128xf32, #tpu.memory_space<vmem>>) dst(%dma_wait3A_1114 : memref<8x128xf32, #tpu.memory_space<hbm>>)
      } else {
      }
      %parallel_loop3A_809 = arith.constant 0 : i32
      %parallel_loop3A_810 = arith.constant 128 : i32
      %parallel_loop3A_811 = arith.constant 1 : i32
      %parallel_loop3A_812 = arith.constant 1 : i32
      scf.for %parallel_loop3A_969 = %parallel_loop3A_809 to %parallel_loop3A_810 step %parallel_loop3A_811  : i32 {
        %parallel_loop3A_970 = vector.broadcast %parallel_loop3A_969 : i32 to vector<16xi32>
        %parallel_loop3A_971 = arith.constant 0 : i32
        %parallel_loop3A_972 = arith.addi %parallel_loop3A_969, %parallel_loop3A_971 : i32
        %parallel_loop3A_973 = arith.constant 1 : i32
        %parallel_loop3A_974 = arith.index_cast %parallel_loop3A_973 : i32 to index
        %parallel_loop3A_975 = arith.index_cast %parallel_loop3A_972 : i32 to index
        %parallel_loop3A_976 = arith.constant 0 : index
        %parallel_loop3A_977 = tpu.vector_load %arg6[%parallel_loop3A_974, %parallel_loop3A_975, %parallel_loop3A_976] {strides = array<i32>} : memref<2x256x32xf32, #tpu.memory_space<vmem>>, vector<16xf32>,
        %parallel_loop3A_978 = arith.constant 8.000000e+00 : f32
        %parallel_loop3A_979 = vector.broadcast %parallel_loop3A_978 : f32 to vector<16xf32>
        %parallel_loop3A_980 = arith.mulf %parallel_loop3A_977, %parallel_loop3A_979 : vector<16xf32>
        %parallel_loop3A_981 = arith.constant 0 : i32
        %parallel_loop3A_982 = arith.constant 0 : i32
        %parallel_loop3A_983 = tpu.memref_slice %arg8[%parallel_loop3A_812, %parallel_loop3A_981, %parallel_loop3A_982] : memref<2x64x129xf32, #tpu.memory_space<vmem>> -> memref<1x64x129xf32, #tpu.memory_space<vmem>>
        %parallel_loop3A_984 = tpu.memref_squeeze %parallel_loop3A_983 : memref<1x64x129xf32, #tpu.memory_space<vmem>> -> memref<64x129xf32, #tpu.memory_space<vmem>>
        tpu.vector_store_idx %parallel_loop3A_984[%add3A_7, %parallel_loop3A_970], %parallel_loop3A_980 : memref<64x129xf32, #tpu.memory_space<vmem>>[vector<16xi32>, vector<16xi32>], vector<16xf32>,
        %parallel_loop3A_985 = arith.constant 0 : i32
        %parallel_loop3A_986 = arith.addi %parallel_loop3A_969, %parallel_loop3A_985 : i32
        %parallel_loop3A_987 = arith.constant 1 : i32
        %parallel_loop3A_988 = arith.index_cast %parallel_loop3A_987 : i32 to index
        %parallel_loop3A_989 = arith.index_cast %parallel_loop3A_986 : i32 to index
        %parallel_loop3A_990 = arith.constant 16 : index
        %parallel_loop3A_991 = tpu.vector_load %arg6[%parallel_loop3A_988, %parallel_loop3A_989, %parallel_loop3A_990] {strides = array<i32>} : memref<2x256x32xf32, #tpu.memory_space<vmem>>, vector<16xf32>,
        %parallel_loop3A_992 = arith.constant 8.000000e+00 : f32
        %parallel_loop3A_993 = vector.broadcast %parallel_loop3A_992 : f32 to vector<16xf32>
        %parallel_loop3A_994 = arith.mulf %parallel_loop3A_991, %parallel_loop3A_993 : vector<16xf32>
        %parallel_loop3A_995 = arith.constant 0 : i32
        %parallel_loop3A_996 = arith.constant 0 : i32
        %parallel_loop3A_997 = tpu.memref_slice %arg8[%parallel_loop3A_812, %parallel_loop3A_995, %parallel_loop3A_996] : memref<2x64x129xf32, #tpu.memory_space<vmem>> -> memref<1x64x129xf32, #tpu.memory_space<vmem>>
        %parallel_loop3A_998 = tpu.memref_squeeze %parallel_loop3A_997 : memref<1x64x129xf32, #tpu.memory_space<vmem>> -> memref<64x129xf32, #tpu.memory_space<vmem>>
        tpu.vector_store_idx %parallel_loop3A_998[%add3A_10, %parallel_loop3A_970], %parallel_loop3A_994 : memref<64x129xf32, #tpu.memory_space<vmem>>[vector<16xi32>, vector<16xi32>], vector<16xf32>,
        %parallel_loop3A_999 = arith.constant 128 : i32
        %parallel_loop3A_1000 = arith.addi %parallel_loop3A_969, %parallel_loop3A_999 : i32
        %parallel_loop3A_1001 = arith.constant 1 : i32
        %parallel_loop3A_1002 = arith.index_cast %parallel_loop3A_1001 : i32 to index
        %parallel_loop3A_1003 = arith.index_cast %parallel_loop3A_1000 : i32 to index
        %parallel_loop3A_1004 = arith.constant 0 : index
        %parallel_loop3A_1005 = tpu.vector_load %arg6[%parallel_loop3A_1002, %parallel_loop3A_1003, %parallel_loop3A_1004] {strides = array<i32>} : memref<2x256x32xf32, #tpu.memory_space<vmem>>, vector<16xf32>,
        %parallel_loop3A_1006 = arith.constant 8.000000e+00 : f32
        %parallel_loop3A_1007 = vector.broadcast %parallel_loop3A_1006 : f32 to vector<16xf32>
        %parallel_loop3A_1008 = arith.mulf %parallel_loop3A_1005, %parallel_loop3A_1007 : vector<16xf32>
        %parallel_loop3A_1009 = arith.constant 0 : i32
        %parallel_loop3A_1010 = arith.constant 0 : i32
        %parallel_loop3A_1011 = tpu.memref_slice %arg8[%parallel_loop3A_812, %parallel_loop3A_1009, %parallel_loop3A_1010] : memref<2x64x129xf32, #tpu.memory_space<vmem>> -> memref<1x64x129xf32, #tpu.memory_space<vmem>>
        %parallel_loop3A_1012 = tpu.memref_squeeze %parallel_loop3A_1011 : memref<1x64x129xf32, #tpu.memory_space<vmem>> -> memref<64x129xf32, #tpu.memory_space<vmem>>
        tpu.vector_store_idx %parallel_loop3A_1012[%add3A_13, %parallel_loop3A_970], %parallel_loop3A_1008 : memref<64x129xf32, #tpu.memory_space<vmem>>[vector<16xi32>, vector<16xi32>], vector<16xf32>,
        %parallel_loop3A_1013 = arith.constant 128 : i32
        %parallel_loop3A_1014 = arith.addi %parallel_loop3A_969, %parallel_loop3A_1013 : i32
        %parallel_loop3A_1015 = arith.constant 1 : i32
        %parallel_loop3A_1016 = arith.index_cast %parallel_loop3A_1015 : i32 to index
        %parallel_loop3A_1017 = arith.index_cast %parallel_loop3A_1014 : i32 to index
        %parallel_loop3A_1018 = arith.constant 16 : index
        %parallel_loop3A_1019 = tpu.vector_load %arg6[%parallel_loop3A_1016, %parallel_loop3A_1017, %parallel_loop3A_1018] {strides = array<i32>} : memref<2x256x32xf32, #tpu.memory_space<vmem>>, vector<16xf32>,
        %parallel_loop3A_1020 = arith.constant 8.000000e+00 : f32
        %parallel_loop3A_1021 = vector.broadcast %parallel_loop3A_1020 : f32 to vector<16xf32>
        %parallel_loop3A_1022 = arith.mulf %parallel_loop3A_1019, %parallel_loop3A_1021 : vector<16xf32>
        %parallel_loop3A_1023 = arith.constant 0 : i32
        %parallel_loop3A_1024 = arith.constant 0 : i32
        %parallel_loop3A_1025 = tpu.memref_slice %arg8[%parallel_loop3A_812, %parallel_loop3A_1023, %parallel_loop3A_1024] : memref<2x64x129xf32, #tpu.memory_space<vmem>> -> memref<1x64x129xf32, #tpu.memory_space<vmem>>
        %parallel_loop3A_1026 = tpu.memref_squeeze %parallel_loop3A_1025 : memref<1x64x129xf32, #tpu.memory_space<vmem>> -> memref<64x129xf32, #tpu.memory_space<vmem>>
        tpu.vector_store_idx %parallel_loop3A_1026[%add3A_16, %parallel_loop3A_970], %parallel_loop3A_1022 : memref<64x129xf32, #tpu.memory_space<vmem>>[vector<16xi32>, vector<16xi32>], vector<16xf32>,
      } {sc.loop_unroll_factor = 4 : i64, sc.parallel_access}
      %add3A_813 = arith.constant 2 : i32
      %add3A_814 = arith.addi %add3A_779, %add3A_813 : i32
      %lt3A_815 = arith.constant 200 : i32
      %lt3A_816 = arith.cmpi slt, %add3A_814, %lt3A_815 : i32
      %convert_element_type3A_817 = arith.extui %lt3A_816 : i1 to i32
      %cond3A_818 = arith.constant 0 : i32
      %cond3A_819 = arith.cmpi ne, %convert_element_type3A_817, %cond3A_818 : i32
      scf.if %cond3A_819 {
        %mul3A_969 = arith.constant 128 : i32
        %mul3A_970 = arith.muli %add3A_814, %mul3A_969 : i32
        %add3A_971 = arith.constant 0 : i32
        %add3A_972 = arith.addi %mul3A_970, %add3A_971 : i32
        %get3A_973 = arith.index_cast %add3A_972 : i32 to index
        %get3A_974 = tpu.vector_load %arg5[%get3A_973] {strides = array<i32>} : memref<25600xi32, #tpu.memory_space<vmem>>, vector<16xi32>,
        %add3A_975 = arith.addi %get3A_974, %get3A_974 : vector<16xi32>
        %swap3A_976 = arith.constant 1 : i32
        %swap3A_977 = arith.index_cast %swap3A_976 : i32 to index
        %swap3A_978 = arith.constant 0 : index
        %swap3A_979 = tpu.vector_load %arg7[%swap3A_977, %swap3A_978] {strides = array<i32>} : memref<2x256xi32, #tpu.memory_space<vmem>>, vector<16xi32>,
        tpu.vector_store %arg7[%swap3A_977, %swap3A_978], %add3A_975 {strides = array<i32>} : memref<2x256xi32, #tpu.memory_space<vmem>>, vector<16xi32>,
        %add3A_980 = arith.constant 1 : i32
        %add3A_981 = vector.broadcast %add3A_980 : i32 to vector<16xi32>
        %add3A_982 = arith.addi %add3A_975, %add3A_981 : vector<16xi32>
        %swap3A_983 = arith.constant 1 : i32
        %swap3A_984 = arith.index_cast %swap3A_983 : i32 to index
        %swap3A_985 = arith.constant 128 : index
        %swap3A_986 = tpu.vector_load %arg7[%swap3A_984, %swap3A_985] {strides = array<i32>} : memref<2x256xi32, #tpu.memory_space<vmem>>, vector<16xi32>,
        tpu.vector_store %arg7[%swap3A_984, %swap3A_985], %add3A_982 {strides = array<i32>} : memref<2x256xi32, #tpu.memory_space<vmem>>, vector<16xi32>,
        %mul3A_987 = arith.constant 128 : i32
        %mul3A_988 = arith.muli %add3A_814, %mul3A_987 : i32
        %add3A_989 = arith.constant 16 : i32
        %add3A_990 = arith.addi %mul3A_988, %add3A_989 : i32
        %get3A_991 = arith.index_cast %add3A_990 : i32 to index
        %get3A_992 = tpu.vector_load %arg5[%get3A_991] {strides = array<i32>} : memref<25600xi32, #tpu.memory_space<vmem>>, vector<16xi32>,
        %add3A_993 = arith.addi %get3A_992, %get3A_992 : vector<16xi32>
        %swap3A_994 = arith.constant 1 : i32
        %swap3A_995 = arith.index_cast %swap3A_994 : i32 to index
        %swap3A_996 = arith.constant 16 : index
        %swap3A_997 = tpu.vector_load %arg7[%swap3A_995, %swap3A_996] {strides = array<i32>} : memref<2x256xi32, #tpu.memory_space<vmem>>, vector<16xi32>,
        tpu.vector_store %arg7[%swap3A_995, %swap3A_996], %add3A_993 {strides = array<i32>} : memref<2x256xi32, #tpu.memory_space<vmem>>, vector<16xi32>,
        %add3A_998 = arith.constant 1 : i32
        %add3A_999 = vector.broadcast %add3A_998 : i32 to vector<16xi32>
        %add3A_1000 = arith.addi %add3A_993, %add3A_999 : vector<16xi32>
        %swap3A_1001 = arith.constant 1 : i32
        %swap3A_1002 = arith.index_cast %swap3A_1001 : i32 to index
        %swap3A_1003 = arith.constant 144 : index
        %swap3A_1004 = tpu.vector_load %arg7[%swap3A_1002, %swap3A_1003] {strides = array<i32>} : memref<2x256xi32, #tpu.memory_space<vmem>>, vector<16xi32>,
        tpu.vector_store %arg7[%swap3A_1002, %swap3A_1003], %add3A_1000 {strides = array<i32>} : memref<2x256xi32, #tpu.memory_space<vmem>>, vector<16xi32>,
        %mul3A_1005 = arith.constant 128 : i32
        %mul3A_1006 = arith.muli %add3A_814, %mul3A_1005 : i32
        %add3A_1007 = arith.constant 32 : i32
        %add3A_1008 = arith.addi %mul3A_1006, %add3A_1007 : i32
        %get3A_1009 = arith.index_cast %add3A_1008 : i32 to index
        %get3A_1010 = tpu.vector_load %arg5[%get3A_1009] {strides = array<i32>} : memref<25600xi32, #tpu.memory_space<vmem>>, vector<16xi32>,
        %add3A_1011 = arith.addi %get3A_1010, %get3A_1010 : vector<16xi32>
        %swap3A_1012 = arith.constant 1 : i32
        %swap3A_1013 = arith.index_cast %swap3A_1012 : i32 to index
        %swap3A_1014 = arith.constant 32 : index
        %swap3A_1015 = tpu.vector_load %arg7[%swap3A_1013, %swap3A_1014] {strides = array<i32>} : memref<2x256xi32, #tpu.memory_space<vmem>>, vector<16xi32>,
        tpu.vector_store %arg7[%swap3A_1013, %swap3A_1014], %add3A_1011 {strides = array<i32>} : memref<2x256xi32, #tpu.memory_space<vmem>>, vector<16xi32>,
        %add3A_1016 = arith.constant 1 : i32
        %add3A_1017 = vector.broadcast %add3A_1016 : i32 to vector<16xi32>
        %add3A_1018 = arith.addi %add3A_1011, %add3A_1017 : vector<16xi32>
        %swap3A_1019 = arith.constant 1 : i32
        %swap3A_1020 = arith.index_cast %swap3A_1019 : i32 to index
        %swap3A_1021 = arith.constant 160 : index
        %swap3A_1022 = tpu.vector_load %arg7[%swap3A_1020, %swap3A_1021] {strides = array<i32>} : memref<2x256xi32, #tpu.memory_space<vmem>>, vector<16xi32>,
        tpu.vector_store %arg7[%swap3A_1020, %swap3A_1021], %add3A_1018 {strides = array<i32>} : memref<2x256xi32, #tpu.memory_space<vmem>>, vector<16xi32>,
        %mul3A_1023 = arith.constant 128 : i32
        %mul3A_1024 = arith.muli %add3A_814, %mul3A_1023 : i32
        %add3A_1025 = arith.constant 48 : i32
        %add3A_1026 = arith.addi %mul3A_1024, %add3A_1025 : i32
        %get3A_1027 = arith.index_cast %add3A_1026 : i32 to index
        %get3A_1028 = tpu.vector_load %arg5[%get3A_1027] {strides = array<i32>} : memref<25600xi32, #tpu.memory_space<vmem>>, vector<16xi32>,
        %add3A_1029 = arith.addi %get3A_1028, %get3A_1028 : vector<16xi32>
        %swap3A_1030 = arith.constant 1 : i32
        %swap3A_1031 = arith.index_cast %swap3A_1030 : i32 to index
        %swap3A_1032 = arith.constant 48 : index
        %swap3A_1033 = tpu.vector_load %arg7[%swap3A_1031, %swap3A_1032] {strides = array<i32>} : memref<2x256xi32, #tpu.memory_space<vmem>>, vector<16xi32>,
        tpu.vector_store %arg7[%swap3A_1031, %swap3A_1032], %add3A_1029 {strides = array<i32>} : memref<2x256xi32, #tpu.memory_space<vmem>>, vector<16xi32>,
        %add3A_1034 = arith.constant 1 : i32
        %add3A_1035 = vector.broadcast %add3A_1034 : i32 to vector<16xi32>
        %add3A_1036 = arith.addi %add3A_1029, %add3A_1035 : vector<16xi32>
        %swap3A_1037 = arith.constant 1 : i32
        %swap3A_1038 = arith.index_cast %swap3A_1037 : i32 to index
        %swap3A_1039 = arith.constant 176 : index
        %swap3A_1040 = tpu.vector_load %arg7[%swap3A_1038, %swap3A_1039] {strides = array<i32>} : memref<2x256xi32, #tpu.memory_space<vmem>>, vector<16xi32>,
        tpu.vector_store %arg7[%swap3A_1038, %swap3A_1039], %add3A_1036 {strides = array<i32>} : memref<2x256xi32, #tpu.memory_space<vmem>>, vector<16xi32>,
        %mul3A_1041 = arith.constant 128 : i32
        %mul3A_1042 = arith.muli %add3A_814, %mul3A_1041 : i32
        %add3A_1043 = arith.constant 64 : i32
        %add3A_1044 = arith.addi %mul3A_1042, %add3A_1043 : i32
        %get3A_1045 = arith.index_cast %add3A_1044 : i32 to index
        %get3A_1046 = tpu.vector_load %arg5[%get3A_1045] {strides = array<i32>} : memref<25600xi32, #tpu.memory_space<vmem>>, vector<16xi32>,
        %add3A_1047 = arith.addi %get3A_1046, %get3A_1046 : vector<16xi32>
        %swap3A_1048 = arith.constant 1 : i32
        %swap3A_1049 = arith.index_cast %swap3A_1048 : i32 to index
        %swap3A_1050 = arith.constant 64 : index
        %swap3A_1051 = tpu.vector_load %arg7[%swap3A_1049, %swap3A_1050] {strides = array<i32>} : memref<2x256xi32, #tpu.memory_space<vmem>>, vector<16xi32>,
        tpu.vector_store %arg7[%swap3A_1049, %swap3A_1050], %add3A_1047 {strides = array<i32>} : memref<2x256xi32, #tpu.memory_space<vmem>>, vector<16xi32>,
        %add3A_1052 = arith.constant 1 : i32
        %add3A_1053 = vector.broadcast %add3A_1052 : i32 to vector<16xi32>
        %add3A_1054 = arith.addi %add3A_1047, %add3A_1053 : vector<16xi32>
        %swap3A_1055 = arith.constant 1 : i32
        %swap3A_1056 = arith.index_cast %swap3A_1055 : i32 to index
        %swap3A_1057 = arith.constant 192 : index
        %swap3A_1058 = tpu.vector_load %arg7[%swap3A_1056, %swap3A_1057] {strides = array<i32>} : memref<2x256xi32, #tpu.memory_space<vmem>>, vector<16xi32>,
        tpu.vector_store %arg7[%swap3A_1056, %swap3A_1057], %add3A_1054 {strides = array<i32>} : memref<2x256xi32, #tpu.memory_space<vmem>>, vector<16xi32>,
        %mul3A_1059 = arith.constant 128 : i32
        %mul3A_1060 = arith.muli %add3A_814, %mul3A_1059 : i32
        %add3A_1061 = arith.constant 80 : i32
        %add3A_1062 = arith.addi %mul3A_1060, %add3A_1061 : i32
        %get3A_1063 = arith.index_cast %add3A_1062 : i32 to index
        %get3A_1064 = tpu.vector_load %arg5[%get3A_1063] {strides = array<i32>} : memref<25600xi32, #tpu.memory_space<vmem>>, vector<16xi32>,
        %add3A_1065 = arith.addi %get3A_1064, %get3A_1064 : vector<16xi32>
        %swap3A_1066 = arith.constant 1 : i32
        %swap3A_1067 = arith.index_cast %swap3A_1066 : i32 to index
        %swap3A_1068 = arith.constant 80 : index
        %swap3A_1069 = tpu.vector_load %arg7[%swap3A_1067, %swap3A_1068] {strides = array<i32>} : memref<2x256xi32, #tpu.memory_space<vmem>>, vector<16xi32>,
        tpu.vector_store %arg7[%swap3A_1067, %swap3A_1068], %add3A_1065 {strides = array<i32>} : memref<2x256xi32, #tpu.memory_space<vmem>>, vector<16xi32>,
        %add3A_1070 = arith.constant 1 : i32
        %add3A_1071 = vector.broadcast %add3A_1070 : i32 to vector<16xi32>
        %add3A_1072 = arith.addi %add3A_1065, %add3A_1071 : vector<16xi32>
        %swap3A_1073 = arith.constant 1 : i32
        %swap3A_1074 = arith.index_cast %swap3A_1073 : i32 to index
        %swap3A_1075 = arith.constant 208 : index
        %swap3A_1076 = tpu.vector_load %arg7[%swap3A_1074, %swap3A_1075] {strides = array<i32>} : memref<2x256xi32, #tpu.memory_space<vmem>>, vector<16xi32>,
        tpu.vector_store %arg7[%swap3A_1074, %swap3A_1075], %add3A_1072 {strides = array<i32>} : memref<2x256xi32, #tpu.memory_space<vmem>>, vector<16xi32>,
        %mul3A_1077 = arith.constant 128 : i32
        %mul3A_1078 = arith.muli %add3A_814, %mul3A_1077 : i32
        %add3A_1079 = arith.constant 96 : i32
        %add3A_1080 = arith.addi %mul3A_1078, %add3A_1079 : i32
        %get3A_1081 = arith.index_cast %add3A_1080 : i32 to index
        %get3A_1082 = tpu.vector_load %arg5[%get3A_1081] {strides = array<i32>} : memref<25600xi32, #tpu.memory_space<vmem>>, vector<16xi32>,
        %add3A_1083 = arith.addi %get3A_1082, %get3A_1082 : vector<16xi32>
        %swap3A_1084 = arith.constant 1 : i32
        %swap3A_1085 = arith.index_cast %swap3A_1084 : i32 to index
        %swap3A_1086 = arith.constant 96 : index
        %swap3A_1087 = tpu.vector_load %arg7[%swap3A_1085, %swap3A_1086] {strides = array<i32>} : memref<2x256xi32, #tpu.memory_space<vmem>>, vector<16xi32>,
        tpu.vector_store %arg7[%swap3A_1085, %swap3A_1086], %add3A_1083 {strides = array<i32>} : memref<2x256xi32, #tpu.memory_space<vmem>>, vector<16xi32>,
        %add3A_1088 = arith.constant 1 : i32
        %add3A_1089 = vector.broadcast %add3A_1088 : i32 to vector<16xi32>
        %add3A_1090 = arith.addi %add3A_1083, %add3A_1089 : vector<16xi32>
        %swap3A_1091 = arith.constant 1 : i32
        %swap3A_1092 = arith.index_cast %swap3A_1091 : i32 to index
        %swap3A_1093 = arith.constant 224 : index
        %swap3A_1094 = tpu.vector_load %arg7[%swap3A_1092, %swap3A_1093] {strides = array<i32>} : memref<2x256xi32, #tpu.memory_space<vmem>>, vector<16xi32>,
        tpu.vector_store %arg7[%swap3A_1092, %swap3A_1093], %add3A_1090 {strides = array<i32>} : memref<2x256xi32, #tpu.memory_space<vmem>>, vector<16xi32>,
        %mul3A_1095 = arith.constant 128 : i32
        %mul3A_1096 = arith.muli %add3A_814, %mul3A_1095 : i32
        %add3A_1097 = arith.constant 112 : i32
        %add3A_1098 = arith.addi %mul3A_1096, %add3A_1097 : i32
        %get3A_1099 = arith.index_cast %add3A_1098 : i32 to index
        %get3A_1100 = tpu.vector_load %arg5[%get3A_1099] {strides = array<i32>} : memref<25600xi32, #tpu.memory_space<vmem>>, vector<16xi32>,
        %add3A_1101 = arith.addi %get3A_1100, %get3A_1100 : vector<16xi32>
        %swap3A_1102 = arith.constant 1 : i32
        %swap3A_1103 = arith.index_cast %swap3A_1102 : i32 to index
        %swap3A_1104 = arith.constant 112 : index
        %swap3A_1105 = tpu.vector_load %arg7[%swap3A_1103, %swap3A_1104] {strides = array<i32>} : memref<2x256xi32, #tpu.memory_space<vmem>>, vector<16xi32>,
        tpu.vector_store %arg7[%swap3A_1103, %swap3A_1104], %add3A_1101 {strides = array<i32>} : memref<2x256xi32, #tpu.memory_space<vmem>>, vector<16xi32>,
        %add3A_1106 = arith.constant 1 : i32
        %add3A_1107 = vector.broadcast %add3A_1106 : i32 to vector<16xi32>
        %add3A_1108 = arith.addi %add3A_1101, %add3A_1107 : vector<16xi32>
        %swap3A_1109 = arith.constant 1 : i32
        %swap3A_1110 = arith.index_cast %swap3A_1109 : i32 to index
        %swap3A_1111 = arith.constant 240 : index
        %swap3A_1112 = tpu.vector_load %arg7[%swap3A_1110, %swap3A_1111] {strides = array<i32>} : memref<2x256xi32, #tpu.memory_space<vmem>>, vector<16xi32>,
        tpu.vector_store %arg7[%swap3A_1110, %swap3A_1111], %add3A_1108 {strides = array<i32>} : memref<2x256xi32, #tpu.memory_space<vmem>>, vector<16xi32>,
        %dma_start3A_1113 = arith.constant 1 : i32
        %dma_start3A_1114 = arith.constant 1 : i32
        %dma_start3A_1115 = arith.constant 0 : i32
        %dma_start3A_1116 = arith.constant 0 : i32
        %dma_start3A_1117 = tpu.memref_slice %arg6[%dma_start3A_1114, %dma_start3A_1115, %dma_start3A_1116] : memref<2x256x32xf32, #tpu.memory_space<vmem>> -> memref<1x128x32xf32, #tpu.memory_space<vmem>>
        %dma_start3A_1118 = tpu.memref_squeeze %dma_start3A_1117 : memref<1x128x32xf32, #tpu.memory_space<vmem>> -> memref<128x32xf32, #tpu.memory_space<vmem>>
        %dma_start3A_1119 = arith.constant 0 : i32
        %dma_start3A_1120 = tpu.memref_slice %arg7[%dma_start3A_1113, %dma_start3A_1119] : memref<2x256xi32, #tpu.memory_space<vmem>> -> memref<1x128xi32, #tpu.memory_space<vmem>>
        %dma_start3A_1121 = tpu.memref_squeeze %dma_start3A_1120 : memref<1x128xi32, #tpu.memory_space<vmem>> -> memref<128xi32, #tpu.memory_space<vmem>>
        %dma_start3A_1122 = arith.constant 0 : i32
        %dma_start3A_1123 = arith.constant 0 : i32
        %dma_start3A_1124 = tpu.memref_slice %arg3[%dma_start3A_1122, %dma_start3A_1123] : memref<2000000x32xf32, #tpu.memory_space<hbm>> -> memref<2000000x32xf32, #tpu.memory_space<hbm>>
        tpu.enqueue_indirect_dma source(%dma_start3A_1124 : memref<2000000x32xf32, #tpu.memory_space<hbm>>) target(%dma_start3A_1118 : memref<128x32xf32, #tpu.memory_space<vmem>>) offsets(%dma_start3A_1121 : memref<128xi32, #tpu.memory_space<vmem>>) semaphore(%arg10 : memref<!tpu.dma_semaphore, #tpu.memory_space<semaphore_mem>>)
        %dma_start3A_1125 = arith.constant 1 : i32
        %dma_start3A_1126 = arith.constant 1 : i32
        %dma_start3A_1127 = arith.constant 128 : i32
        %dma_start3A_1128 = arith.constant 0 : i32
        %dma_start3A_1129 = tpu.memref_slice %arg6[%dma_start3A_1126, %dma_start3A_1127, %dma_start3A_1128] : memref<2x256x32xf32, #tpu.memory_space<vmem>> -> memref<1x128x32xf32, #tpu.memory_space<vmem>>
        %dma_start3A_1130 = tpu.memref_squeeze %dma_start3A_1129 : memref<1x128x32xf32, #tpu.memory_space<vmem>> -> memref<128x32xf32, #tpu.memory_space<vmem>>
        %dma_start3A_1131 = arith.constant 128 : i32
        %dma_start3A_1132 = tpu.memref_slice %arg7[%dma_start3A_1125, %dma_start3A_1131] : memref<2x256xi32, #tpu.memory_space<vmem>> -> memref<1x128xi32, #tpu.memory_space<vmem>>
        %dma_start3A_1133 = tpu.memref_squeeze %dma_start3A_1132 : memref<1x128xi32, #tpu.memory_space<vmem>> -> memref<128xi32, #tpu.memory_space<vmem>>
        %dma_start3A_1134 = arith.constant 0 : i32
        %dma_start3A_1135 = arith.constant 0 : i32
        %dma_start3A_1136 = tpu.memref_slice %arg3[%dma_start3A_1134, %dma_start3A_1135] : memref<2000000x32xf32, #tpu.memory_space<hbm>> -> memref<2000000x32xf32, #tpu.memory_space<hbm>>
        tpu.enqueue_indirect_dma source(%dma_start3A_1136 : memref<2000000x32xf32, #tpu.memory_space<hbm>>) target(%dma_start3A_1130 : memref<128x32xf32, #tpu.memory_space<vmem>>) offsets(%dma_start3A_1133 : memref<128xi32, #tpu.memory_space<vmem>>) semaphore(%arg10 : memref<!tpu.dma_semaphore, #tpu.memory_space<semaphore_mem>>)
      } else {
      }
      %add3A_820 = arith.addi %mul3A_2, %add3A_779 : i32
      %shift_right_arithmetic3A_821 = arith.constant 5 : i32
      %shift_right_arithmetic3A_822 = arith.shrsi %add3A_820, %shift_right_arithmetic3A_821 : i32
      %and3A_823 = arith.constant 31 : i32
      %and3A_824 = arith.andi %add3A_820, %and3A_823 : i32
      %dma_start3A_825 = arith.constant 1 : i32
      %dma_start3A_826 = arith.constant 0 : i32
      %dma_start3A_827 = arith.constant 0 : i32
      %dma_start3A_828 = arith.constant 0 : i32
      %dma_start3A_829 = tpu.memref_slice %arg8[%dma_start3A_825, %dma_start3A_827, %dma_start3A_828] : memref<2x64x129xf32, #tpu.memory_space<vmem>> -> memref<1x8x128xf32, #tpu.memory_space<vmem>>
      %dma_start3A_830 = tpu.memref_squeeze %dma_start3A_829 : memref<1x8x128xf32, #tpu.memory_space<vmem>> -> memref<8x128xf32, #tpu.memory_space<vmem>>
      %dma_start3A_831 = arith.constant 0 : i32
      %dma_start3A_832 = arith.constant 0 : i32
      %dma_start3A_833 = tpu.memref_slice %arg4[%shift_right_arithmetic3A_822, %dma_start3A_826, %and3A_824, %dma_start3A_831, %dma_start3A_832] : memref<200x8x32x8x128xf32, #tpu.memory_space<hbm>> -> memref<1x1x1x8x128xf32, #tpu.memory_space<hbm>>
      %dma_start3A_834 = tpu.memref_squeeze %dma_start3A_833 : memref<1x1x1x8x128xf32, #tpu.memory_space<hbm>> -> memref<8x128xf32, #tpu.memory_space<hbm>>
      %dma_start3A_835 = arith.constant 0 : i32
      %dma_start3A_836 = arith.constant 0 : i32
      %dma_start3A_837 = tpu.memref_slice %arg4[%shift_right_arithmetic3A_822, %dma_start3A_826, %and3A_824, %dma_start3A_835, %dma_start3A_836] : memref<200x8x32x8x128xf32, #tpu.memory_space<hbm>> -> memref<1x1x1x8x128xf32, #tpu.memory_space<hbm>>
      %dma_start3A_838 = tpu.memref_squeeze %dma_start3A_837 : memref<1x1x1x8x128xf32, #tpu.memory_space<hbm>> -> memref<8x128xf32, #tpu.memory_space<hbm>>
      %dma_start3A_839 = arith.constant 0 : i32
      %dma_start3A_840 = arith.constant 0 : i32
      %dma_start3A_841 = tpu.memref_slice %arg8[%dma_start3A_825, %dma_start3A_839, %dma_start3A_840] : memref<2x64x129xf32, #tpu.memory_space<vmem>> -> memref<1x8x128xf32, #tpu.memory_space<vmem>>
      %dma_start3A_842 = tpu.memref_squeeze %dma_start3A_841 : memref<1x8x128xf32, #tpu.memory_space<vmem>> -> memref<8x128xf32, #tpu.memory_space<vmem>>
      tpu.enqueue_dma source(%dma_start3A_842 : memref<8x128xf32, #tpu.memory_space<vmem>>) target(%dma_start3A_838 : memref<8x128xf32, #tpu.memory_space<hbm>>) target_semaphore(%arg12 : memref<!tpu.dma_semaphore, #tpu.memory_space<semaphore_mem>>)
      %dma_start3A_843 = arith.constant 1 : i32
      %dma_start3A_844 = arith.constant 1 : i32
      %dma_start3A_845 = arith.constant 8 : i32
      %dma_start3A_846 = arith.constant 0 : i32
      %dma_start3A_847 = tpu.memref_slice %arg8[%dma_start3A_843, %dma_start3A_845, %dma_start3A_846] : memref<2x64x129xf32, #tpu.memory_space<vmem>> -> memref<1x8x128xf32, #tpu.memory_space<vmem>>
      %dma_start3A_848 = tpu.memref_squeeze %dma_start3A_847 : memref<1x8x128xf32, #tpu.memory_space<vmem>> -> memref<8x128xf32, #tpu.memory_space<vmem>>
      %dma_start3A_849 = arith.constant 0 : i32
      %dma_start3A_850 = arith.constant 0 : i32
      %dma_start3A_851 = tpu.memref_slice %arg4[%shift_right_arithmetic3A_822, %dma_start3A_844, %and3A_824, %dma_start3A_849, %dma_start3A_850] : memref<200x8x32x8x128xf32, #tpu.memory_space<hbm>> -> memref<1x1x1x8x128xf32, #tpu.memory_space<hbm>>
      %dma_start3A_852 = tpu.memref_squeeze %dma_start3A_851 : memref<1x1x1x8x128xf32, #tpu.memory_space<hbm>> -> memref<8x128xf32, #tpu.memory_space<hbm>>
      %dma_start3A_853 = arith.constant 0 : i32
      %dma_start3A_854 = arith.constant 0 : i32
      %dma_start3A_855 = tpu.memref_slice %arg4[%shift_right_arithmetic3A_822, %dma_start3A_844, %and3A_824, %dma_start3A_853, %dma_start3A_854] : memref<200x8x32x8x128xf32, #tpu.memory_space<hbm>> -> memref<1x1x1x8x128xf32, #tpu.memory_space<hbm>>
      %dma_start3A_856 = tpu.memref_squeeze %dma_start3A_855 : memref<1x1x1x8x128xf32, #tpu.memory_space<hbm>> -> memref<8x128xf32, #tpu.memory_space<hbm>>
      %dma_start3A_857 = arith.constant 8 : i32
      %dma_start3A_858 = arith.constant 0 : i32
      %dma_start3A_859 = tpu.memref_slice %arg8[%dma_start3A_843, %dma_start3A_857, %dma_start3A_858] : memref<2x64x129xf32, #tpu.memory_space<vmem>> -> memref<1x8x128xf32, #tpu.memory_space<vmem>>
      %dma_start3A_860 = tpu.memref_squeeze %dma_start3A_859 : memref<1x8x128xf32, #tpu.memory_space<vmem>> -> memref<8x128xf32, #tpu.memory_space<vmem>>
      tpu.enqueue_dma source(%dma_start3A_860 : memref<8x128xf32, #tpu.memory_space<vmem>>) target(%dma_start3A_856 : memref<8x128xf32, #tpu.memory_space<hbm>>) target_semaphore(%arg12 : memref<!tpu.dma_semaphore, #tpu.memory_space<semaphore_mem>>)
      %dma_start3A_861 = arith.constant 1 : i32
      %dma_start3A_862 = arith.constant 2 : i32
      %dma_start3A_863 = arith.constant 16 : i32
      %dma_start3A_864 = arith.constant 0 : i32
      %dma_start3A_865 = tpu.memref_slice %arg8[%dma_start3A_861, %dma_start3A_863, %dma_start3A_864] : memref<2x64x129xf32, #tpu.memory_space<vmem>> -> memref<1x8x128xf32, #tpu.memory_space<vmem>>
      %dma_start3A_866 = tpu.memref_squeeze %dma_start3A_865 : memref<1x8x128xf32, #tpu.memory_space<vmem>> -> memref<8x128xf32, #tpu.memory_space<vmem>>
      %dma_start3A_867 = arith.constant 0 : i32
      %dma_start3A_868 = arith.constant 0 : i32
      %dma_start3A_869 = tpu.memref_slice %arg4[%shift_right_arithmetic3A_822, %dma_start3A_862, %and3A_824, %dma_start3A_867, %dma_start3A_868] : memref<200x8x32x8x128xf32, #tpu.memory_space<hbm>> -> memref<1x1x1x8x128xf32, #tpu.memory_space<hbm>>
      %dma_start3A_870 = tpu.memref_squeeze %dma_start3A_869 : memref<1x1x1x8x128xf32, #tpu.memory_space<hbm>> -> memref<8x128xf32, #tpu.memory_space<hbm>>
      %dma_start3A_871 = arith.constant 0 : i32
      %dma_start3A_872 = arith.constant 0 : i32
      %dma_start3A_873 = tpu.memref_slice %arg4[%shift_right_arithmetic3A_822, %dma_start3A_862, %and3A_824, %dma_start3A_871, %dma_start3A_872] : memref<200x8x32x8x128xf32, #tpu.memory_space<hbm>> -> memref<1x1x1x8x128xf32, #tpu.memory_space<hbm>>
      %dma_start3A_874 = tpu.memref_squeeze %dma_start3A_873 : memref<1x1x1x8x128xf32, #tpu.memory_space<hbm>> -> memref<8x128xf32, #tpu.memory_space<hbm>>
      %dma_start3A_875 = arith.constant 16 : i32
      %dma_start3A_876 = arith.constant 0 : i32
      %dma_start3A_877 = tpu.memref_slice %arg8[%dma_start3A_861, %dma_start3A_875, %dma_start3A_876] : memref<2x64x129xf32, #tpu.memory_space<vmem>> -> memref<1x8x128xf32, #tpu.memory_space<vmem>>
      %dma_start3A_878 = tpu.memref_squeeze %dma_start3A_877 : memref<1x8x128xf32, #tpu.memory_space<vmem>> -> memref<8x128xf32, #tpu.memory_space<vmem>>
      tpu.enqueue_dma source(%dma_start3A_878 : memref<8x128xf32, #tpu.memory_space<vmem>>) target(%dma_start3A_874 : memref<8x128xf32, #tpu.memory_space<hbm>>) target_semaphore(%arg12 : memref<!tpu.dma_semaphore, #tpu.memory_space<semaphore_mem>>)
      %dma_start3A_879 = arith.constant 1 : i32
      %dma_start3A_880 = arith.constant 3 : i32
      %dma_start3A_881 = arith.constant 24 : i32
      %dma_start3A_882 = arith.constant 0 : i32
      %dma_start3A_883 = tpu.memref_slice %arg8[%dma_start3A_879, %dma_start3A_881, %dma_start3A_882] : memref<2x64x129xf32, #tpu.memory_space<vmem>> -> memref<1x8x128xf32, #tpu.memory_space<vmem>>
      %dma_start3A_884 = tpu.memref_squeeze %dma_start3A_883 : memref<1x8x128xf32, #tpu.memory_space<vmem>> -> memref<8x128xf32, #tpu.memory_space<vmem>>
      %dma_start3A_885 = arith.constant 0 : i32
      %dma_start3A_886 = arith.constant 0 : i32
      %dma_start3A_887 = tpu.memref_slice %arg4[%shift_right_arithmetic3A_822, %dma_start3A_880, %and3A_824, %dma_start3A_885, %dma_start3A_886] : memref<200x8x32x8x128xf32, #tpu.memory_space<hbm>> -> memref<1x1x1x8x128xf32, #tpu.memory_space<hbm>>
      %dma_start3A_888 = tpu.memref_squeeze %dma_start3A_887 : memref<1x1x1x8x128xf32, #tpu.memory_space<hbm>> -> memref<8x128xf32, #tpu.memory_space<hbm>>
      %dma_start3A_889 = arith.constant 0 : i32
      %dma_start3A_890 = arith.constant 0 : i32
      %dma_start3A_891 = tpu.memref_slice %arg4[%shift_right_arithmetic3A_822, %dma_start3A_880, %and3A_824, %dma_start3A_889, %dma_start3A_890] : memref<200x8x32x8x128xf32, #tpu.memory_space<hbm>> -> memref<1x1x1x8x128xf32, #tpu.memory_space<hbm>>
      %dma_start3A_892 = tpu.memref_squeeze %dma_start3A_891 : memref<1x1x1x8x128xf32, #tpu.memory_space<hbm>> -> memref<8x128xf32, #tpu.memory_space<hbm>>
      %dma_start3A_893 = arith.constant 24 : i32
      %dma_start3A_894 = arith.constant 0 : i32
      %dma_start3A_895 = tpu.memref_slice %arg8[%dma_start3A_879, %dma_start3A_893, %dma_start3A_894] : memref<2x64x129xf32, #tpu.memory_space<vmem>> -> memref<1x8x128xf32, #tpu.memory_space<vmem>>
      %dma_start3A_896 = tpu.memref_squeeze %dma_start3A_895 : memref<1x8x128xf32, #tpu.memory_space<vmem>> -> memref<8x128xf32, #tpu.memory_space<vmem>>
      tpu.enqueue_dma source(%dma_start3A_896 : memref<8x128xf32, #tpu.memory_space<vmem>>) target(%dma_start3A_892 : memref<8x128xf32, #tpu.memory_space<hbm>>) target_semaphore(%arg12 : memref<!tpu.dma_semaphore, #tpu.memory_space<semaphore_mem>>)
      %dma_start3A_897 = arith.constant 1 : i32
      %dma_start3A_898 = arith.constant 4 : i32
      %dma_start3A_899 = arith.constant 32 : i32
      %dma_start3A_900 = arith.constant 0 : i32
      %dma_start3A_901 = tpu.memref_slice %arg8[%dma_start3A_897, %dma_start3A_899, %dma_start3A_900] : memref<2x64x129xf32, #tpu.memory_space<vmem>> -> memref<1x8x128xf32, #tpu.memory_space<vmem>>
      %dma_start3A_902 = tpu.memref_squeeze %dma_start3A_901 : memref<1x8x128xf32, #tpu.memory_space<vmem>> -> memref<8x128xf32, #tpu.memory_space<vmem>>
      %dma_start3A_903 = arith.constant 0 : i32
      %dma_start3A_904 = arith.constant 0 : i32
      %dma_start3A_905 = tpu.memref_slice %arg4[%shift_right_arithmetic3A_822, %dma_start3A_898, %and3A_824, %dma_start3A_903, %dma_start3A_904] : memref<200x8x32x8x128xf32, #tpu.memory_space<hbm>> -> memref<1x1x1x8x128xf32, #tpu.memory_space<hbm>>
      %dma_start3A_906 = tpu.memref_squeeze %dma_start3A_905 : memref<1x1x1x8x128xf32, #tpu.memory_space<hbm>> -> memref<8x128xf32, #tpu.memory_space<hbm>>
      %dma_start3A_907 = arith.constant 0 : i32
      %dma_start3A_908 = arith.constant 0 : i32
      %dma_start3A_909 = tpu.memref_slice %arg4[%shift_right_arithmetic3A_822, %dma_start3A_898, %and3A_824, %dma_start3A_907, %dma_start3A_908] : memref<200x8x32x8x128xf32, #tpu.memory_space<hbm>> -> memref<1x1x1x8x128xf32, #tpu.memory_space<hbm>>
      %dma_start3A_910 = tpu.memref_squeeze %dma_start3A_909 : memref<1x1x1x8x128xf32, #tpu.memory_space<hbm>> -> memref<8x128xf32, #tpu.memory_space<hbm>>
      %dma_start3A_911 = arith.constant 32 : i32
      %dma_start3A_912 = arith.constant 0 : i32
      %dma_start3A_913 = tpu.memref_slice %arg8[%dma_start3A_897, %dma_start3A_911, %dma_start3A_912] : memref<2x64x129xf32, #tpu.memory_space<vmem>> -> memref<1x8x128xf32, #tpu.memory_space<vmem>>
      %dma_start3A_914 = tpu.memref_squeeze %dma_start3A_913 : memref<1x8x128xf32, #tpu.memory_space<vmem>> -> memref<8x128xf32, #tpu.memory_space<vmem>>
      tpu.enqueue_dma source(%dma_start3A_914 : memref<8x128xf32, #tpu.memory_space<vmem>>) target(%dma_start3A_910 : memref<8x128xf32, #tpu.memory_space<hbm>>) target_semaphore(%arg12 : memref<!tpu.dma_semaphore, #tpu.memory_space<semaphore_mem>>)
      %dma_start3A_915 = arith.constant 1 : i32
      %dma_start3A_916 = arith.constant 5 : i32
      %dma_start3A_917 = arith.constant 40 : i32
      %dma_start3A_918 = arith.constant 0 : i32
      %dma_start3A_919 = tpu.memref_slice %arg8[%dma_start3A_915, %dma_start3A_917, %dma_start3A_918] : memref<2x64x129xf32, #tpu.memory_space<vmem>> -> memref<1x8x128xf32, #tpu.memory_space<vmem>>
      %dma_start3A_920 = tpu.memref_squeeze %dma_start3A_919 : memref<1x8x128xf32, #tpu.memory_space<vmem>> -> memref<8x128xf32, #tpu.memory_space<vmem>>
      %dma_start3A_921 = arith.constant 0 : i32
      %dma_start3A_922 = arith.constant 0 : i32
      %dma_start3A_923 = tpu.memref_slice %arg4[%shift_right_arithmetic3A_822, %dma_start3A_916, %and3A_824, %dma_start3A_921, %dma_start3A_922] : memref<200x8x32x8x128xf32, #tpu.memory_space<hbm>> -> memref<1x1x1x8x128xf32, #tpu.memory_space<hbm>>
      %dma_start3A_924 = tpu.memref_squeeze %dma_start3A_923 : memref<1x1x1x8x128xf32, #tpu.memory_space<hbm>> -> memref<8x128xf32, #tpu.memory_space<hbm>>
      %dma_start3A_925 = arith.constant 0 : i32
      %dma_start3A_926 = arith.constant 0 : i32
      %dma_start3A_927 = tpu.memref_slice %arg4[%shift_right_arithmetic3A_822, %dma_start3A_916, %and3A_824, %dma_start3A_925, %dma_start3A_926] : memref<200x8x32x8x128xf32, #tpu.memory_space<hbm>> -> memref<1x1x1x8x128xf32, #tpu.memory_space<hbm>>
      %dma_start3A_928 = tpu.memref_squeeze %dma_start3A_927 : memref<1x1x1x8x128xf32, #tpu.memory_space<hbm>> -> memref<8x128xf32, #tpu.memory_space<hbm>>
      %dma_start3A_929 = arith.constant 40 : i32
      %dma_start3A_930 = arith.constant 0 : i32
      %dma_start3A_931 = tpu.memref_slice %arg8[%dma_start3A_915, %dma_start3A_929, %dma_start3A_930] : memref<2x64x129xf32, #tpu.memory_space<vmem>> -> memref<1x8x128xf32, #tpu.memory_space<vmem>>
      %dma_start3A_932 = tpu.memref_squeeze %dma_start3A_931 : memref<1x8x128xf32, #tpu.memory_space<vmem>> -> memref<8x128xf32, #tpu.memory_space<vmem>>
      tpu.enqueue_dma source(%dma_start3A_932 : memref<8x128xf32, #tpu.memory_space<vmem>>) target(%dma_start3A_928 : memref<8x128xf32, #tpu.memory_space<hbm>>) target_semaphore(%arg12 : memref<!tpu.dma_semaphore, #tpu.memory_space<semaphore_mem>>)
      %dma_start3A_933 = arith.constant 1 : i32
      %dma_start3A_934 = arith.constant 6 : i32
      %dma_start3A_935 = arith.constant 48 : i32
      %dma_start3A_936 = arith.constant 0 : i32
      %dma_start3A_937 = tpu.memref_slice %arg8[%dma_start3A_933, %dma_start3A_935, %dma_start3A_936] : memref<2x64x129xf32, #tpu.memory_space<vmem>> -> memref<1x8x128xf32, #tpu.memory_space<vmem>>
      %dma_start3A_938 = tpu.memref_squeeze %dma_start3A_937 : memref<1x8x128xf32, #tpu.memory_space<vmem>> -> memref<8x128xf32, #tpu.memory_space<vmem>>
      %dma_start3A_939 = arith.constant 0 : i32
      %dma_start3A_940 = arith.constant 0 : i32
      %dma_start3A_941 = tpu.memref_slice %arg4[%shift_right_arithmetic3A_822, %dma_start3A_934, %and3A_824, %dma_start3A_939, %dma_start3A_940] : memref<200x8x32x8x128xf32, #tpu.memory_space<hbm>> -> memref<1x1x1x8x128xf32, #tpu.memory_space<hbm>>
      %dma_start3A_942 = tpu.memref_squeeze %dma_start3A_941 : memref<1x1x1x8x128xf32, #tpu.memory_space<hbm>> -> memref<8x128xf32, #tpu.memory_space<hbm>>
      %dma_start3A_943 = arith.constant 0 : i32
      %dma_start3A_944 = arith.constant 0 : i32
      %dma_start3A_945 = tpu.memref_slice %arg4[%shift_right_arithmetic3A_822, %dma_start3A_934, %and3A_824, %dma_start3A_943, %dma_start3A_944] : memref<200x8x32x8x128xf32, #tpu.memory_space<hbm>> -> memref<1x1x1x8x128xf32, #tpu.memory_space<hbm>>
      %dma_start3A_946 = tpu.memref_squeeze %dma_start3A_945 : memref<1x1x1x8x128xf32, #tpu.memory_space<hbm>> -> memref<8x128xf32, #tpu.memory_space<hbm>>
      %dma_start3A_947 = arith.constant 48 : i32
      %dma_start3A_948 = arith.constant 0 : i32
      %dma_start3A_949 = tpu.memref_slice %arg8[%dma_start3A_933, %dma_start3A_947, %dma_start3A_948] : memref<2x64x129xf32, #tpu.memory_space<vmem>> -> memref<1x8x128xf32, #tpu.memory_space<vmem>>
      %dma_start3A_950 = tpu.memref_squeeze %dma_start3A_949 : memref<1x8x128xf32, #tpu.memory_space<vmem>> -> memref<8x128xf32, #tpu.memory_space<vmem>>
      tpu.enqueue_dma source(%dma_start3A_950 : memref<8x128xf32, #tpu.memory_space<vmem>>) target(%dma_start3A_946 : memref<8x128xf32, #tpu.memory_space<hbm>>) target_semaphore(%arg12 : memref<!tpu.dma_semaphore, #tpu.memory_space<semaphore_mem>>)
      %dma_start3A_951 = arith.constant 1 : i32
      %dma_start3A_952 = arith.constant 7 : i32
      %dma_start3A_953 = arith.constant 56 : i32
      %dma_start3A_954 = arith.constant 0 : i32
      %dma_start3A_955 = tpu.memref_slice %arg8[%dma_start3A_951, %dma_start3A_953, %dma_start3A_954] : memref<2x64x129xf32, #tpu.memory_space<vmem>> -> memref<1x8x128xf32, #tpu.memory_space<vmem>>
      %dma_start3A_956 = tpu.memref_squeeze %dma_start3A_955 : memref<1x8x128xf32, #tpu.memory_space<vmem>> -> memref<8x128xf32, #tpu.memory_space<vmem>>
      %dma_start3A_957 = arith.constant 0 : i32
      %dma_start3A_958 = arith.constant 0 : i32
      %dma_start3A_959 = tpu.memref_slice %arg4[%shift_right_arithmetic3A_822, %dma_start3A_952, %and3A_824, %dma_start3A_957, %dma_start3A_958] : memref<200x8x32x8x128xf32, #tpu.memory_space<hbm>> -> memref<1x1x1x8x128xf32, #tpu.memory_space<hbm>>
      %dma_start3A_960 = tpu.memref_squeeze %dma_start3A_959 : memref<1x1x1x8x128xf32, #tpu.memory_space<hbm>> -> memref<8x128xf32, #tpu.memory_space<hbm>>
      %dma_start3A_961 = arith.constant 0 : i32
      %dma_start3A_962 = arith.constant 0 : i32
      %dma_start3A_963 = tpu.memref_slice %arg4[%shift_right_arithmetic3A_822, %dma_start3A_952, %and3A_824, %dma_start3A_961, %dma_start3A_962] : memref<200x8x32x8x128xf32, #tpu.memory_space<hbm>> -> memref<1x1x1x8x128xf32, #tpu.memory_space<hbm>>
      %dma_start3A_964 = tpu.memref_squeeze %dma_start3A_963 : memref<1x1x1x8x128xf32, #tpu.memory_space<hbm>> -> memref<8x128xf32, #tpu.memory_space<hbm>>
      %dma_start3A_965 = arith.constant 56 : i32
      %dma_start3A_966 = arith.constant 0 : i32
      %dma_start3A_967 = tpu.memref_slice %arg8[%dma_start3A_951, %dma_start3A_965, %dma_start3A_966] : memref<2x64x129xf32, #tpu.memory_space<vmem>> -> memref<1x8x128xf32, #tpu.memory_space<vmem>>
      %dma_start3A_968 = tpu.memref_squeeze %dma_start3A_967 : memref<1x8x128xf32, #tpu.memory_space<vmem>> -> memref<8x128xf32, #tpu.memory_space<vmem>>
      tpu.enqueue_dma source(%dma_start3A_968 : memref<8x128xf32, #tpu.memory_space<vmem>>) target(%dma_start3A_964 : memref<8x128xf32, #tpu.memory_space<hbm>>) target_semaphore(%arg12 : memref<!tpu.dma_semaphore, #tpu.memory_space<semaphore_mem>>)
    }
    %scan3A_289 = arith.constant 100 : i32
    %add3A_290 = arith.constant 198 : i32
    %add3A_291 = arith.addi %mul3A_2, %add3A_290 : i32
    %shift_right_arithmetic3A = arith.constant 5 : i32
    %shift_right_arithmetic3A_292 = arith.shrsi %add3A_291, %shift_right_arithmetic3A : i32
    %and3A = arith.constant 31 : i32
    %and3A_293 = arith.andi %add3A_291, %and3A : i32
    %dma_wait3A = arith.constant 0 : i32
    %dma_wait3A_294 = arith.constant 0 : i32
    %dma_wait3A_295 = arith.constant 0 : i32
    %dma_wait3A_296 = arith.constant 0 : i32
    %dma_wait3A_297 = tpu.memref_slice %arg8[%dma_wait3A, %dma_wait3A_295, %dma_wait3A_296] : memref<2x64x129xf32, #tpu.memory_space<vmem>> -> memref<1x8x128xf32, #tpu.memory_space<vmem>>
    %dma_wait3A_298 = tpu.memref_squeeze %dma_wait3A_297 : memref<1x8x128xf32, #tpu.memory_space<vmem>> -> memref<8x128xf32, #tpu.memory_space<vmem>>
    %dma_wait3A_299 = arith.constant 0 : i32
    %dma_wait3A_300 = arith.constant 0 : i32
    %dma_wait3A_301 = tpu.memref_slice %arg4[%shift_right_arithmetic3A_292, %dma_wait3A_294, %and3A_293, %dma_wait3A_299, %dma_wait3A_300] : memref<200x8x32x8x128xf32, #tpu.memory_space<hbm>> -> memref<1x1x1x8x128xf32, #tpu.memory_space<hbm>>
    %dma_wait3A_302 = tpu.memref_squeeze %dma_wait3A_301 : memref<1x1x1x8x128xf32, #tpu.memory_space<hbm>> -> memref<8x128xf32, #tpu.memory_space<hbm>>
    %dma_wait3A_303 = arith.constant 0 : i32
    %dma_wait3A_304 = arith.constant 0 : i32
    %dma_wait3A_305 = tpu.memref_slice %arg4[%shift_right_arithmetic3A_292, %dma_wait3A_294, %and3A_293, %dma_wait3A_303, %dma_wait3A_304] : memref<200x8x32x8x128xf32, #tpu.memory_space<hbm>> -> memref<1x1x1x8x128xf32, #tpu.memory_space<hbm>>
    %dma_wait3A_306 = tpu.memref_squeeze %dma_wait3A_305 : memref<1x1x1x8x128xf32, #tpu.memory_space<hbm>> -> memref<8x128xf32, #tpu.memory_space<hbm>>
    %dma_wait3A_307 = arith.constant 0 : i32
    %dma_wait3A_308 = arith.constant 0 : i32
    %dma_wait3A_309 = tpu.memref_slice %arg8[%dma_wait3A, %dma_wait3A_307, %dma_wait3A_308] : memref<2x64x129xf32, #tpu.memory_space<vmem>> -> memref<1x8x128xf32, #tpu.memory_space<vmem>>
    %dma_wait3A_310 = tpu.memref_squeeze %dma_wait3A_309 : memref<1x8x128xf32, #tpu.memory_space<vmem>> -> memref<8x128xf32, #tpu.memory_space<vmem>>
    tpu.wait_dma2 semaphore(%arg11 : memref<!tpu.dma_semaphore, #tpu.memory_space<semaphore_mem>>) src(%dma_wait3A_310 : memref<8x128xf32, #tpu.memory_space<vmem>>) dst(%dma_wait3A_306 : memref<8x128xf32, #tpu.memory_space<hbm>>)
    %dma_wait3A_311 = arith.constant 0 : i32
    %dma_wait3A_312 = arith.constant 1 : i32
    %dma_wait3A_313 = arith.constant 8 : i32
    %dma_wait3A_314 = arith.constant 0 : i32
    %dma_wait3A_315 = tpu.memref_slice %arg8[%dma_wait3A_311, %dma_wait3A_313, %dma_wait3A_314] : memref<2x64x129xf32, #tpu.memory_space<vmem>> -> memref<1x8x128xf32, #tpu.memory_space<vmem>>
    %dma_wait3A_316 = tpu.memref_squeeze %dma_wait3A_315 : memref<1x8x128xf32, #tpu.memory_space<vmem>> -> memref<8x128xf32, #tpu.memory_space<vmem>>
    %dma_wait3A_317 = arith.constant 0 : i32
    %dma_wait3A_318 = arith.constant 0 : i32
    %dma_wait3A_319 = tpu.memref_slice %arg4[%shift_right_arithmetic3A_292, %dma_wait3A_312, %and3A_293, %dma_wait3A_317, %dma_wait3A_318] : memref<200x8x32x8x128xf32, #tpu.memory_space<hbm>> -> memref<1x1x1x8x128xf32, #tpu.memory_space<hbm>>
    %dma_wait3A_320 = tpu.memref_squeeze %dma_wait3A_319 : memref<1x1x1x8x128xf32, #tpu.memory_space<hbm>> -> memref<8x128xf32, #tpu.memory_space<hbm>>
    %dma_wait3A_321 = arith.constant 0 : i32
    %dma_wait3A_322 = arith.constant 0 : i32
    %dma_wait3A_323 = tpu.memref_slice %arg4[%shift_right_arithmetic3A_292, %dma_wait3A_312, %and3A_293, %dma_wait3A_321, %dma_wait3A_322] : memref<200x8x32x8x128xf32, #tpu.memory_space<hbm>> -> memref<1x1x1x8x128xf32, #tpu.memory_space<hbm>>
    %dma_wait3A_324 = tpu.memref_squeeze %dma_wait3A_323 : memref<1x1x1x8x128xf32, #tpu.memory_space<hbm>> -> memref<8x128xf32, #tpu.memory_space<hbm>>
    %dma_wait3A_325 = arith.constant 8 : i32
    %dma_wait3A_326 = arith.constant 0 : i32
    %dma_wait3A_327 = tpu.memref_slice %arg8[%dma_wait3A_311, %dma_wait3A_325, %dma_wait3A_326] : memref<2x64x129xf32, #tpu.memory_space<vmem>> -> memref<1x8x128xf32, #tpu.memory_space<vmem>>
    %dma_wait3A_328 = tpu.memref_squeeze %dma_wait3A_327 : memref<1x8x128xf32, #tpu.memory_space<vmem>> -> memref<8x128xf32, #tpu.memory_space<vmem>>
    tpu.wait_dma2 semaphore(%arg11 : memref<!tpu.dma_semaphore, #tpu.memory_space<semaphore_mem>>) src(%dma_wait3A_328 : memref<8x128xf32, #tpu.memory_space<vmem>>) dst(%dma_wait3A_324 : memref<8x128xf32, #tpu.memory_space<hbm>>)
    %dma_wait3A_329 = arith.constant 0 : i32
    %dma_wait3A_330 = arith.constant 2 : i32
    %dma_wait3A_331 = arith.constant 16 : i32
    %dma_wait3A_332 = arith.constant 0 : i32
    %dma_wait3A_333 = tpu.memref_slice %arg8[%dma_wait3A_329, %dma_wait3A_331, %dma_wait3A_332] : memref<2x64x129xf32, #tpu.memory_space<vmem>> -> memref<1x8x128xf32, #tpu.memory_space<vmem>>
    %dma_wait3A_334 = tpu.memref_squeeze %dma_wait3A_333 : memref<1x8x128xf32, #tpu.memory_space<vmem>> -> memref<8x128xf32, #tpu.memory_space<vmem>>
    %dma_wait3A_335 = arith.constant 0 : i32
    %dma_wait3A_336 = arith.constant 0 : i32
    %dma_wait3A_337 = tpu.memref_slice %arg4[%shift_right_arithmetic3A_292, %dma_wait3A_330, %and3A_293, %dma_wait3A_335, %dma_wait3A_336] : memref<200x8x32x8x128xf32, #tpu.memory_space<hbm>> -> memref<1x1x1x8x128xf32, #tpu.memory_space<hbm>>
    %dma_wait3A_338 = tpu.memref_squeeze %dma_wait3A_337 : memref<1x1x1x8x128xf32, #tpu.memory_space<hbm>> -> memref<8x128xf32, #tpu.memory_space<hbm>>
    %dma_wait3A_339 = arith.constant 0 : i32
    %dma_wait3A_340 = arith.constant 0 : i32
    %dma_wait3A_341 = tpu.memref_slice %arg4[%shift_right_arithmetic3A_292, %dma_wait3A_330, %and3A_293, %dma_wait3A_339, %dma_wait3A_340] : memref<200x8x32x8x128xf32, #tpu.memory_space<hbm>> -> memref<1x1x1x8x128xf32, #tpu.memory_space<hbm>>
    %dma_wait3A_342 = tpu.memref_squeeze %dma_wait3A_341 : memref<1x1x1x8x128xf32, #tpu.memory_space<hbm>> -> memref<8x128xf32, #tpu.memory_space<hbm>>
    %dma_wait3A_343 = arith.constant 16 : i32
    %dma_wait3A_344 = arith.constant 0 : i32
    %dma_wait3A_345 = tpu.memref_slice %arg8[%dma_wait3A_329, %dma_wait3A_343, %dma_wait3A_344] : memref<2x64x129xf32, #tpu.memory_space<vmem>> -> memref<1x8x128xf32, #tpu.memory_space<vmem>>
    %dma_wait3A_346 = tpu.memref_squeeze %dma_wait3A_345 : memref<1x8x128xf32, #tpu.memory_space<vmem>> -> memref<8x128xf32, #tpu.memory_space<vmem>>
    tpu.wait_dma2 semaphore(%arg11 : memref<!tpu.dma_semaphore, #tpu.memory_space<semaphore_mem>>) src(%dma_wait3A_346 : memref<8x128xf32, #tpu.memory_space<vmem>>) dst(%dma_wait3A_342 : memref<8x128xf32, #tpu.memory_space<hbm>>)
    %dma_wait3A_347 = arith.constant 0 : i32
    %dma_wait3A_348 = arith.constant 3 : i32
    %dma_wait3A_349 = arith.constant 24 : i32
    %dma_wait3A_350 = arith.constant 0 : i32
    %dma_wait3A_351 = tpu.memref_slice %arg8[%dma_wait3A_347, %dma_wait3A_349, %dma_wait3A_350] : memref<2x64x129xf32, #tpu.memory_space<vmem>> -> memref<1x8x128xf32, #tpu.memory_space<vmem>>
    %dma_wait3A_352 = tpu.memref_squeeze %dma_wait3A_351 : memref<1x8x128xf32, #tpu.memory_space<vmem>> -> memref<8x128xf32, #tpu.memory_space<vmem>>
    %dma_wait3A_353 = arith.constant 0 : i32
    %dma_wait3A_354 = arith.constant 0 : i32
    %dma_wait3A_355 = tpu.memref_slice %arg4[%shift_right_arithmetic3A_292, %dma_wait3A_348, %and3A_293, %dma_wait3A_353, %dma_wait3A_354] : memref<200x8x32x8x128xf32, #tpu.memory_space<hbm>> -> memref<1x1x1x8x128xf32, #tpu.memory_space<hbm>>
    %dma_wait3A_356 = tpu.memref_squeeze %dma_wait3A_355 : memref<1x1x1x8x128xf32, #tpu.memory_space<hbm>> -> memref<8x128xf32, #tpu.memory_space<hbm>>
    %dma_wait3A_357 = arith.constant 0 : i32
    %dma_wait3A_358 = arith.constant 0 : i32
    %dma_wait3A_359 = tpu.memref_slice %arg4[%shift_right_arithmetic3A_292, %dma_wait3A_348, %and3A_293, %dma_wait3A_357, %dma_wait3A_358] : memref<200x8x32x8x128xf32, #tpu.memory_space<hbm>> -> memref<1x1x1x8x128xf32, #tpu.memory_space<hbm>>
    %dma_wait3A_360 = tpu.memref_squeeze %dma_wait3A_359 : memref<1x1x1x8x128xf32, #tpu.memory_space<hbm>> -> memref<8x128xf32, #tpu.memory_space<hbm>>
    %dma_wait3A_361 = arith.constant 24 : i32
    %dma_wait3A_362 = arith.constant 0 : i32
    %dma_wait3A_363 = tpu.memref_slice %arg8[%dma_wait3A_347, %dma_wait3A_361, %dma_wait3A_362] : memref<2x64x129xf32, #tpu.memory_space<vmem>> -> memref<1x8x128xf32, #tpu.memory_space<vmem>>
    %dma_wait3A_364 = tpu.memref_squeeze %dma_wait3A_363 : memref<1x8x128xf32, #tpu.memory_space<vmem>> -> memref<8x128xf32, #tpu.memory_space<vmem>>
    tpu.wait_dma2 semaphore(%arg11 : memref<!tpu.dma_semaphore, #tpu.memory_space<semaphore_mem>>) src(%dma_wait3A_364 : memref<8x128xf32, #tpu.memory_space<vmem>>) dst(%dma_wait3A_360 : memref<8x128xf32, #tpu.memory_space<hbm>>)
    %dma_wait3A_365 = arith.constant 0 : i32
    %dma_wait3A_366 = arith.constant 4 : i32
    %dma_wait3A_367 = arith.constant 32 : i32
    %dma_wait3A_368 = arith.constant 0 : i32
    %dma_wait3A_369 = tpu.memref_slice %arg8[%dma_wait3A_365, %dma_wait3A_367, %dma_wait3A_368] : memref<2x64x129xf32, #tpu.memory_space<vmem>> -> memref<1x8x128xf32, #tpu.memory_space<vmem>>
    %dma_wait3A_370 = tpu.memref_squeeze %dma_wait3A_369 : memref<1x8x128xf32, #tpu.memory_space<vmem>> -> memref<8x128xf32, #tpu.memory_space<vmem>>
    %dma_wait3A_371 = arith.constant 0 : i32
    %dma_wait3A_372 = arith.constant 0 : i32
    %dma_wait3A_373 = tpu.memref_slice %arg4[%shift_right_arithmetic3A_292, %dma_wait3A_366, %and3A_293, %dma_wait3A_371, %dma_wait3A_372] : memref<200x8x32x8x128xf32, #tpu.memory_space<hbm>> -> memref<1x1x1x8x128xf32, #tpu.memory_space<hbm>>
    %dma_wait3A_374 = tpu.memref_squeeze %dma_wait3A_373 : memref<1x1x1x8x128xf32, #tpu.memory_space<hbm>> -> memref<8x128xf32, #tpu.memory_space<hbm>>
    %dma_wait3A_375 = arith.constant 0 : i32
    %dma_wait3A_376 = arith.constant 0 : i32
    %dma_wait3A_377 = tpu.memref_slice %arg4[%shift_right_arithmetic3A_292, %dma_wait3A_366, %and3A_293, %dma_wait3A_375, %dma_wait3A_376] : memref<200x8x32x8x128xf32, #tpu.memory_space<hbm>> -> memref<1x1x1x8x128xf32, #tpu.memory_space<hbm>>
    %dma_wait3A_378 = tpu.memref_squeeze %dma_wait3A_377 : memref<1x1x1x8x128xf32, #tpu.memory_space<hbm>> -> memref<8x128xf32, #tpu.memory_space<hbm>>
    %dma_wait3A_379 = arith.constant 32 : i32
    %dma_wait3A_380 = arith.constant 0 : i32
    %dma_wait3A_381 = tpu.memref_slice %arg8[%dma_wait3A_365, %dma_wait3A_379, %dma_wait3A_380] : memref<2x64x129xf32, #tpu.memory_space<vmem>> -> memref<1x8x128xf32, #tpu.memory_space<vmem>>
    %dma_wait3A_382 = tpu.memref_squeeze %dma_wait3A_381 : memref<1x8x128xf32, #tpu.memory_space<vmem>> -> memref<8x128xf32, #tpu.memory_space<vmem>>
    tpu.wait_dma2 semaphore(%arg11 : memref<!tpu.dma_semaphore, #tpu.memory_space<semaphore_mem>>) src(%dma_wait3A_382 : memref<8x128xf32, #tpu.memory_space<vmem>>) dst(%dma_wait3A_378 : memref<8x128xf32, #tpu.memory_space<hbm>>)
    %dma_wait3A_383 = arith.constant 0 : i32
    %dma_wait3A_384 = arith.constant 5 : i32
    %dma_wait3A_385 = arith.constant 40 : i32
    %dma_wait3A_386 = arith.constant 0 : i32
    %dma_wait3A_387 = tpu.memref_slice %arg8[%dma_wait3A_383, %dma_wait3A_385, %dma_wait3A_386] : memref<2x64x129xf32, #tpu.memory_space<vmem>> -> memref<1x8x128xf32, #tpu.memory_space<vmem>>
    %dma_wait3A_388 = tpu.memref_squeeze %dma_wait3A_387 : memref<1x8x128xf32, #tpu.memory_space<vmem>> -> memref<8x128xf32, #tpu.memory_space<vmem>>
    %dma_wait3A_389 = arith.constant 0 : i32
    %dma_wait3A_390 = arith.constant 0 : i32
    %dma_wait3A_391 = tpu.memref_slice %arg4[%shift_right_arithmetic3A_292, %dma_wait3A_384, %and3A_293, %dma_wait3A_389, %dma_wait3A_390] : memref<200x8x32x8x128xf32, #tpu.memory_space<hbm>> -> memref<1x1x1x8x128xf32, #tpu.memory_space<hbm>>
    %dma_wait3A_392 = tpu.memref_squeeze %dma_wait3A_391 : memref<1x1x1x8x128xf32, #tpu.memory_space<hbm>> -> memref<8x128xf32, #tpu.memory_space<hbm>>
    %dma_wait3A_393 = arith.constant 0 : i32
    %dma_wait3A_394 = arith.constant 0 : i32
    %dma_wait3A_395 = tpu.memref_slice %arg4[%shift_right_arithmetic3A_292, %dma_wait3A_384, %and3A_293, %dma_wait3A_393, %dma_wait3A_394] : memref<200x8x32x8x128xf32, #tpu.memory_space<hbm>> -> memref<1x1x1x8x128xf32, #tpu.memory_space<hbm>>
    %dma_wait3A_396 = tpu.memref_squeeze %dma_wait3A_395 : memref<1x1x1x8x128xf32, #tpu.memory_space<hbm>> -> memref<8x128xf32, #tpu.memory_space<hbm>>
    %dma_wait3A_397 = arith.constant 40 : i32
    %dma_wait3A_398 = arith.constant 0 : i32
    %dma_wait3A_399 = tpu.memref_slice %arg8[%dma_wait3A_383, %dma_wait3A_397, %dma_wait3A_398] : memref<2x64x129xf32, #tpu.memory_space<vmem>> -> memref<1x8x128xf32, #tpu.memory_space<vmem>>
    %dma_wait3A_400 = tpu.memref_squeeze %dma_wait3A_399 : memref<1x8x128xf32, #tpu.memory_space<vmem>> -> memref<8x128xf32, #tpu.memory_space<vmem>>
    tpu.wait_dma2 semaphore(%arg11 : memref<!tpu.dma_semaphore, #tpu.memory_space<semaphore_mem>>) src(%dma_wait3A_400 : memref<8x128xf32, #tpu.memory_space<vmem>>) dst(%dma_wait3A_396 : memref<8x128xf32, #tpu.memory_space<hbm>>)
    %dma_wait3A_401 = arith.constant 0 : i32
    %dma_wait3A_402 = arith.constant 6 : i32
    %dma_wait3A_403 = arith.constant 48 : i32
    %dma_wait3A_404 = arith.constant 0 : i32
    %dma_wait3A_405 = tpu.memref_slice %arg8[%dma_wait3A_401, %dma_wait3A_403, %dma_wait3A_404] : memref<2x64x129xf32, #tpu.memory_space<vmem>> -> memref<1x8x128xf32, #tpu.memory_space<vmem>>
    %dma_wait3A_406 = tpu.memref_squeeze %dma_wait3A_405 : memref<1x8x128xf32, #tpu.memory_space<vmem>> -> memref<8x128xf32, #tpu.memory_space<vmem>>
    %dma_wait3A_407 = arith.constant 0 : i32
    %dma_wait3A_408 = arith.constant 0 : i32
    %dma_wait3A_409 = tpu.memref_slice %arg4[%shift_right_arithmetic3A_292, %dma_wait3A_402, %and3A_293, %dma_wait3A_407, %dma_wait3A_408] : memref<200x8x32x8x128xf32, #tpu.memory_space<hbm>> -> memref<1x1x1x8x128xf32, #tpu.memory_space<hbm>>
    %dma_wait3A_410 = tpu.memref_squeeze %dma_wait3A_409 : memref<1x1x1x8x128xf32, #tpu.memory_space<hbm>> -> memref<8x128xf32, #tpu.memory_space<hbm>>
    %dma_wait3A_411 = arith.constant 0 : i32
    %dma_wait3A_412 = arith.constant 0 : i32
    %dma_wait3A_413 = tpu.memref_slice %arg4[%shift_right_arithmetic3A_292, %dma_wait3A_402, %and3A_293, %dma_wait3A_411, %dma_wait3A_412] : memref<200x8x32x8x128xf32, #tpu.memory_space<hbm>> -> memref<1x1x1x8x128xf32, #tpu.memory_space<hbm>>
    %dma_wait3A_414 = tpu.memref_squeeze %dma_wait3A_413 : memref<1x1x1x8x128xf32, #tpu.memory_space<hbm>> -> memref<8x128xf32, #tpu.memory_space<hbm>>
    %dma_wait3A_415 = arith.constant 48 : i32
    %dma_wait3A_416 = arith.constant 0 : i32
    %dma_wait3A_417 = tpu.memref_slice %arg8[%dma_wait3A_401, %dma_wait3A_415, %dma_wait3A_416] : memref<2x64x129xf32, #tpu.memory_space<vmem>> -> memref<1x8x128xf32, #tpu.memory_space<vmem>>
    %dma_wait3A_418 = tpu.memref_squeeze %dma_wait3A_417 : memref<1x8x128xf32, #tpu.memory_space<vmem>> -> memref<8x128xf32, #tpu.memory_space<vmem>>
    tpu.wait_dma2 semaphore(%arg11 : memref<!tpu.dma_semaphore, #tpu.memory_space<semaphore_mem>>) src(%dma_wait3A_418 : memref<8x128xf32, #tpu.memory_space<vmem>>) dst(%dma_wait3A_414 : memref<8x128xf32, #tpu.memory_space<hbm>>)
    %dma_wait3A_419 = arith.constant 0 : i32
    %dma_wait3A_420 = arith.constant 7 : i32
    %dma_wait3A_421 = arith.constant 56 : i32
    %dma_wait3A_422 = arith.constant 0 : i32
    %dma_wait3A_423 = tpu.memref_slice %arg8[%dma_wait3A_419, %dma_wait3A_421, %dma_wait3A_422] : memref<2x64x129xf32, #tpu.memory_space<vmem>> -> memref<1x8x128xf32, #tpu.memory_space<vmem>>
    %dma_wait3A_424 = tpu.memref_squeeze %dma_wait3A_423 : memref<1x8x128xf32, #tpu.memory_space<vmem>> -> memref<8x128xf32, #tpu.memory_space<vmem>>
    %dma_wait3A_425 = arith.constant 0 : i32
    %dma_wait3A_426 = arith.constant 0 : i32
    %dma_wait3A_427 = tpu.memref_slice %arg4[%shift_right_arithmetic3A_292, %dma_wait3A_420, %and3A_293, %dma_wait3A_425, %dma_wait3A_426] : memref<200x8x32x8x128xf32, #tpu.memory_space<hbm>> -> memref<1x1x1x8x128xf32, #tpu.memory_space<hbm>>
    %dma_wait3A_428 = tpu.memref_squeeze %dma_wait3A_427 : memref<1x1x1x8x128xf32, #tpu.memory_space<hbm>> -> memref<8x128xf32, #tpu.memory_space<hbm>>
    %dma_wait3A_429 = arith.constant 0 : i32
    %dma_wait3A_430 = arith.constant 0 : i32
    %dma_wait3A_431 = tpu.memref_slice %arg4[%shift_right_arithmetic3A_292, %dma_wait3A_420, %and3A_293, %dma_wait3A_429, %dma_wait3A_430] : memref<200x8x32x8x128xf32, #tpu.memory_space<hbm>> -> memref<1x1x1x8x128xf32, #tpu.memory_space<hbm>>
    %dma_wait3A_432 = tpu.memref_squeeze %dma_wait3A_431 : memref<1x1x1x8x128xf32, #tpu.memory_space<hbm>> -> memref<8x128xf32, #tpu.memory_space<hbm>>
    %dma_wait3A_433 = arith.constant 56 : i32
    %dma_wait3A_434 = arith.constant 0 : i32
    %dma_wait3A_435 = tpu.memref_slice %arg8[%dma_wait3A_419, %dma_wait3A_433, %dma_wait3A_434] : memref<2x64x129xf32, #tpu.memory_space<vmem>> -> memref<1x8x128xf32, #tpu.memory_space<vmem>>
    %dma_wait3A_436 = tpu.memref_squeeze %dma_wait3A_435 : memref<1x8x128xf32, #tpu.memory_space<vmem>> -> memref<8x128xf32, #tpu.memory_space<vmem>>
    tpu.wait_dma2 semaphore(%arg11 : memref<!tpu.dma_semaphore, #tpu.memory_space<semaphore_mem>>) src(%dma_wait3A_436 : memref<8x128xf32, #tpu.memory_space<vmem>>) dst(%dma_wait3A_432 : memref<8x128xf32, #tpu.memory_space<hbm>>)
    %add3A_437 = arith.constant 199 : i32
    %add3A_438 = arith.addi %mul3A_2, %add3A_437 : i32
    %shift_right_arithmetic3A_439 = arith.constant 5 : i32
    %shift_right_arithmetic3A_440 = arith.shrsi %add3A_438, %shift_right_arithmetic3A_439 : i32
    %and3A_441 = arith.constant 31 : i32
    %and3A_442 = arith.andi %add3A_438, %and3A_441 : i32
    %dma_wait3A_443 = arith.constant 1 : i32
    %dma_wait3A_444 = arith.constant 0 : i32
    %dma_wait3A_445 = arith.constant 0 : i32
    %dma_wait3A_446 = arith.constant 0 : i32
    %dma_wait3A_447 = tpu.memref_slice %arg8[%dma_wait3A_443, %dma_wait3A_445, %dma_wait3A_446] : memref<2x64x129xf32, #tpu.memory_space<vmem>> -> memref<1x8x128xf32, #tpu.memory_space<vmem>>
    %dma_wait3A_448 = tpu.memref_squeeze %dma_wait3A_447 : memref<1x8x128xf32, #tpu.memory_space<vmem>> -> memref<8x128xf32, #tpu.memory_space<vmem>>
    %dma_wait3A_449 = arith.constant 0 : i32
    %dma_wait3A_450 = arith.constant 0 : i32
    %dma_wait3A_451 = tpu.memref_slice %arg4[%shift_right_arithmetic3A_440, %dma_wait3A_444, %and3A_442, %dma_wait3A_449, %dma_wait3A_450] : memref<200x8x32x8x128xf32, #tpu.memory_space<hbm>> -> memref<1x1x1x8x128xf32, #tpu.memory_space<hbm>>
    %dma_wait3A_452 = tpu.memref_squeeze %dma_wait3A_451 : memref<1x1x1x8x128xf32, #tpu.memory_space<hbm>> -> memref<8x128xf32, #tpu.memory_space<hbm>>
    %dma_wait3A_453 = arith.constant 0 : i32
    %dma_wait3A_454 = arith.constant 0 : i32
    %dma_wait3A_455 = tpu.memref_slice %arg4[%shift_right_arithmetic3A_440, %dma_wait3A_444, %and3A_442, %dma_wait3A_453, %dma_wait3A_454] : memref<200x8x32x8x128xf32, #tpu.memory_space<hbm>> -> memref<1x1x1x8x128xf32, #tpu.memory_space<hbm>>
    %dma_wait3A_456 = tpu.memref_squeeze %dma_wait3A_455 : memref<1x1x1x8x128xf32, #tpu.memory_space<hbm>> -> memref<8x128xf32, #tpu.memory_space<hbm>>
    %dma_wait3A_457 = arith.constant 0 : i32
    %dma_wait3A_458 = arith.constant 0 : i32
    %dma_wait3A_459 = tpu.memref_slice %arg8[%dma_wait3A_443, %dma_wait3A_457, %dma_wait3A_458] : memref<2x64x129xf32, #tpu.memory_space<vmem>> -> memref<1x8x128xf32, #tpu.memory_space<vmem>>
    %dma_wait3A_460 = tpu.memref_squeeze %dma_wait3A_459 : memref<1x8x128xf32, #tpu.memory_space<vmem>> -> memref<8x128xf32, #tpu.memory_space<vmem>>
    tpu.wait_dma2 semaphore(%arg12 : memref<!tpu.dma_semaphore, #tpu.memory_space<semaphore_mem>>) src(%dma_wait3A_460 : memref<8x128xf32, #tpu.memory_space<vmem>>) dst(%dma_wait3A_456 : memref<8x128xf32, #tpu.memory_space<hbm>>)
    %dma_wait3A_461 = arith.constant 1 : i32
    %dma_wait3A_462 = arith.constant 1 : i32
    %dma_wait3A_463 = arith.constant 8 : i32
    %dma_wait3A_464 = arith.constant 0 : i32
    %dma_wait3A_465 = tpu.memref_slice %arg8[%dma_wait3A_461, %dma_wait3A_463, %dma_wait3A_464] : memref<2x64x129xf32, #tpu.memory_space<vmem>> -> memref<1x8x128xf32, #tpu.memory_space<vmem>>
    %dma_wait3A_466 = tpu.memref_squeeze %dma_wait3A_465 : memref<1x8x128xf32, #tpu.memory_space<vmem>> -> memref<8x128xf32, #tpu.memory_space<vmem>>
    %dma_wait3A_467 = arith.constant 0 : i32
    %dma_wait3A_468 = arith.constant 0 : i32
    %dma_wait3A_469 = tpu.memref_slice %arg4[%shift_right_arithmetic3A_440, %dma_wait3A_462, %and3A_442, %dma_wait3A_467, %dma_wait3A_468] : memref<200x8x32x8x128xf32, #tpu.memory_space<hbm>> -> memref<1x1x1x8x128xf32, #tpu.memory_space<hbm>>
    %dma_wait3A_470 = tpu.memref_squeeze %dma_wait3A_469 : memref<1x1x1x8x128xf32, #tpu.memory_space<hbm>> -> memref<8x128xf32, #tpu.memory_space<hbm>>
    %dma_wait3A_471 = arith.constant 0 : i32
    %dma_wait3A_472 = arith.constant 0 : i32
    %dma_wait3A_473 = tpu.memref_slice %arg4[%shift_right_arithmetic3A_440, %dma_wait3A_462, %and3A_442, %dma_wait3A_471, %dma_wait3A_472] : memref<200x8x32x8x128xf32, #tpu.memory_space<hbm>> -> memref<1x1x1x8x128xf32, #tpu.memory_space<hbm>>
    %dma_wait3A_474 = tpu.memref_squeeze %dma_wait3A_473 : memref<1x1x1x8x128xf32, #tpu.memory_space<hbm>> -> memref<8x128xf32, #tpu.memory_space<hbm>>
    %dma_wait3A_475 = arith.constant 8 : i32
    %dma_wait3A_476 = arith.constant 0 : i32
    %dma_wait3A_477 = tpu.memref_slice %arg8[%dma_wait3A_461, %dma_wait3A_475, %dma_wait3A_476] : memref<2x64x129xf32, #tpu.memory_space<vmem>> -> memref<1x8x128xf32, #tpu.memory_space<vmem>>
    %dma_wait3A_478 = tpu.memref_squeeze %dma_wait3A_477 : memref<1x8x128xf32, #tpu.memory_space<vmem>> -> memref<8x128xf32, #tpu.memory_space<vmem>>
    tpu.wait_dma2 semaphore(%arg12 : memref<!tpu.dma_semaphore, #tpu.memory_space<semaphore_mem>>) src(%dma_wait3A_478 : memref<8x128xf32, #tpu.memory_space<vmem>>) dst(%dma_wait3A_474 : memref<8x128xf32, #tpu.memory_space<hbm>>)
    %dma_wait3A_479 = arith.constant 1 : i32
    %dma_wait3A_480 = arith.constant 2 : i32
    %dma_wait3A_481 = arith.constant 16 : i32
    %dma_wait3A_482 = arith.constant 0 : i32
    %dma_wait3A_483 = tpu.memref_slice %arg8[%dma_wait3A_479, %dma_wait3A_481, %dma_wait3A_482] : memref<2x64x129xf32, #tpu.memory_space<vmem>> -> memref<1x8x128xf32, #tpu.memory_space<vmem>>
    %dma_wait3A_484 = tpu.memref_squeeze %dma_wait3A_483 : memref<1x8x128xf32, #tpu.memory_space<vmem>> -> memref<8x128xf32, #tpu.memory_space<vmem>>
    %dma_wait3A_485 = arith.constant 0 : i32
    %dma_wait3A_486 = arith.constant 0 : i32
    %dma_wait3A_487 = tpu.memref_slice %arg4[%shift_right_arithmetic3A_440, %dma_wait3A_480, %and3A_442, %dma_wait3A_485, %dma_wait3A_486] : memref<200x8x32x8x128xf32, #tpu.memory_space<hbm>> -> memref<1x1x1x8x128xf32, #tpu.memory_space<hbm>>
    %dma_wait3A_488 = tpu.memref_squeeze %dma_wait3A_487 : memref<1x1x1x8x128xf32, #tpu.memory_space<hbm>> -> memref<8x128xf32, #tpu.memory_space<hbm>>
    %dma_wait3A_489 = arith.constant 0 : i32
    %dma_wait3A_490 = arith.constant 0 : i32
    %dma_wait3A_491 = tpu.memref_slice %arg4[%shift_right_arithmetic3A_440, %dma_wait3A_480, %and3A_442, %dma_wait3A_489, %dma_wait3A_490] : memref<200x8x32x8x128xf32, #tpu.memory_space<hbm>> -> memref<1x1x1x8x128xf32, #tpu.memory_space<hbm>>
    %dma_wait3A_492 = tpu.memref_squeeze %dma_wait3A_491 : memref<1x1x1x8x128xf32, #tpu.memory_space<hbm>> -> memref<8x128xf32, #tpu.memory_space<hbm>>
    %dma_wait3A_493 = arith.constant 16 : i32
    %dma_wait3A_494 = arith.constant 0 : i32
    %dma_wait3A_495 = tpu.memref_slice %arg8[%dma_wait3A_479, %dma_wait3A_493, %dma_wait3A_494] : memref<2x64x129xf32, #tpu.memory_space<vmem>> -> memref<1x8x128xf32, #tpu.memory_space<vmem>>
    %dma_wait3A_496 = tpu.memref_squeeze %dma_wait3A_495 : memref<1x8x128xf32, #tpu.memory_space<vmem>> -> memref<8x128xf32, #tpu.memory_space<vmem>>
    tpu.wait_dma2 semaphore(%arg12 : memref<!tpu.dma_semaphore, #tpu.memory_space<semaphore_mem>>) src(%dma_wait3A_496 : memref<8x128xf32, #tpu.memory_space<vmem>>) dst(%dma_wait3A_492 : memref<8x128xf32, #tpu.memory_space<hbm>>)
    %dma_wait3A_497 = arith.constant 1 : i32
    %dma_wait3A_498 = arith.constant 3 : i32
    %dma_wait3A_499 = arith.constant 24 : i32
    %dma_wait3A_500 = arith.constant 0 : i32
    %dma_wait3A_501 = tpu.memref_slice %arg8[%dma_wait3A_497, %dma_wait3A_499, %dma_wait3A_500] : memref<2x64x129xf32, #tpu.memory_space<vmem>> -> memref<1x8x128xf32, #tpu.memory_space<vmem>>
    %dma_wait3A_502 = tpu.memref_squeeze %dma_wait3A_501 : memref<1x8x128xf32, #tpu.memory_space<vmem>> -> memref<8x128xf32, #tpu.memory_space<vmem>>
    %dma_wait3A_503 = arith.constant 0 : i32
    %dma_wait3A_504 = arith.constant 0 : i32
    %dma_wait3A_505 = tpu.memref_slice %arg4[%shift_right_arithmetic3A_440, %dma_wait3A_498, %and3A_442, %dma_wait3A_503, %dma_wait3A_504] : memref<200x8x32x8x128xf32, #tpu.memory_space<hbm>> -> memref<1x1x1x8x128xf32, #tpu.memory_space<hbm>>
    %dma_wait3A_506 = tpu.memref_squeeze %dma_wait3A_505 : memref<1x1x1x8x128xf32, #tpu.memory_space<hbm>> -> memref<8x128xf32, #tpu.memory_space<hbm>>
    %dma_wait3A_507 = arith.constant 0 : i32
    %dma_wait3A_508 = arith.constant 0 : i32
    %dma_wait3A_509 = tpu.memref_slice %arg4[%shift_right_arithmetic3A_440, %dma_wait3A_498, %and3A_442, %dma_wait3A_507, %dma_wait3A_508] : memref<200x8x32x8x128xf32, #tpu.memory_space<hbm>> -> memref<1x1x1x8x128xf32, #tpu.memory_space<hbm>>
    %dma_wait3A_510 = tpu.memref_squeeze %dma_wait3A_509 : memref<1x1x1x8x128xf32, #tpu.memory_space<hbm>> -> memref<8x128xf32, #tpu.memory_space<hbm>>
    %dma_wait3A_511 = arith.constant 24 : i32
    %dma_wait3A_512 = arith.constant 0 : i32
    %dma_wait3A_513 = tpu.memref_slice %arg8[%dma_wait3A_497, %dma_wait3A_511, %dma_wait3A_512] : memref<2x64x129xf32, #tpu.memory_space<vmem>> -> memref<1x8x128xf32, #tpu.memory_space<vmem>>
    %dma_wait3A_514 = tpu.memref_squeeze %dma_wait3A_513 : memref<1x8x128xf32, #tpu.memory_space<vmem>> -> memref<8x128xf32, #tpu.memory_space<vmem>>
    tpu.wait_dma2 semaphore(%arg12 : memref<!tpu.dma_semaphore, #tpu.memory_space<semaphore_mem>>) src(%dma_wait3A_514 : memref<8x128xf32, #tpu.memory_space<vmem>>) dst(%dma_wait3A_510 : memref<8x128xf32, #tpu.memory_space<hbm>>)
    %dma_wait3A_515 = arith.constant 1 : i32
    %dma_wait3A_516 = arith.constant 4 : i32
    %dma_wait3A_517 = arith.constant 32 : i32
    %dma_wait3A_518 = arith.constant 0 : i32
    %dma_wait3A_519 = tpu.memref_slice %arg8[%dma_wait3A_515, %dma_wait3A_517, %dma_wait3A_518] : memref<2x64x129xf32, #tpu.memory_space<vmem>> -> memref<1x8x128xf32, #tpu.memory_space<vmem>>
    %dma_wait3A_520 = tpu.memref_squeeze %dma_wait3A_519 : memref<1x8x128xf32, #tpu.memory_space<vmem>> -> memref<8x128xf32, #tpu.memory_space<vmem>>
    %dma_wait3A_521 = arith.constant 0 : i32
    %dma_wait3A_522 = arith.constant 0 : i32
    %dma_wait3A_523 = tpu.memref_slice %arg4[%shift_right_arithmetic3A_440, %dma_wait3A_516, %and3A_442, %dma_wait3A_521, %dma_wait3A_522] : memref<200x8x32x8x128xf32, #tpu.memory_space<hbm>> -> memref<1x1x1x8x128xf32, #tpu.memory_space<hbm>>
    %dma_wait3A_524 = tpu.memref_squeeze %dma_wait3A_523 : memref<1x1x1x8x128xf32, #tpu.memory_space<hbm>> -> memref<8x128xf32, #tpu.memory_space<hbm>>
    %dma_wait3A_525 = arith.constant 0 : i32
    %dma_wait3A_526 = arith.constant 0 : i32
    %dma_wait3A_527 = tpu.memref_slice %arg4[%shift_right_arithmetic3A_440, %dma_wait3A_516, %and3A_442, %dma_wait3A_525, %dma_wait3A_526] : memref<200x8x32x8x128xf32, #tpu.memory_space<hbm>> -> memref<1x1x1x8x128xf32, #tpu.memory_space<hbm>>
    %dma_wait3A_528 = tpu.memref_squeeze %dma_wait3A_527 : memref<1x1x1x8x128xf32, #tpu.memory_space<hbm>> -> memref<8x128xf32, #tpu.memory_space<hbm>>
    %dma_wait3A_529 = arith.constant 32 : i32
    %dma_wait3A_530 = arith.constant 0 : i32
    %dma_wait3A_531 = tpu.memref_slice %arg8[%dma_wait3A_515, %dma_wait3A_529, %dma_wait3A_530] : memref<2x64x129xf32, #tpu.memory_space<vmem>> -> memref<1x8x128xf32, #tpu.memory_space<vmem>>
    %dma_wait3A_532 = tpu.memref_squeeze %dma_wait3A_531 : memref<1x8x128xf32, #tpu.memory_space<vmem>> -> memref<8x128xf32, #tpu.memory_space<vmem>>
    tpu.wait_dma2 semaphore(%arg12 : memref<!tpu.dma_semaphore, #tpu.memory_space<semaphore_mem>>) src(%dma_wait3A_532 : memref<8x128xf32, #tpu.memory_space<vmem>>) dst(%dma_wait3A_528 : memref<8x128xf32, #tpu.memory_space<hbm>>)
    %dma_wait3A_533 = arith.constant 1 : i32
    %dma_wait3A_534 = arith.constant 5 : i32
    %dma_wait3A_535 = arith.constant 40 : i32
    %dma_wait3A_536 = arith.constant 0 : i32
    %dma_wait3A_537 = tpu.memref_slice %arg8[%dma_wait3A_533, %dma_wait3A_535, %dma_wait3A_536] : memref<2x64x129xf32, #tpu.memory_space<vmem>> -> memref<1x8x128xf32, #tpu.memory_space<vmem>>
    %dma_wait3A_538 = tpu.memref_squeeze %dma_wait3A_537 : memref<1x8x128xf32, #tpu.memory_space<vmem>> -> memref<8x128xf32, #tpu.memory_space<vmem>>
    %dma_wait3A_539 = arith.constant 0 : i32
    %dma_wait3A_540 = arith.constant 0 : i32
    %dma_wait3A_541 = tpu.memref_slice %arg4[%shift_right_arithmetic3A_440, %dma_wait3A_534, %and3A_442, %dma_wait3A_539, %dma_wait3A_540] : memref<200x8x32x8x128xf32, #tpu.memory_space<hbm>> -> memref<1x1x1x8x128xf32, #tpu.memory_space<hbm>>
    %dma_wait3A_542 = tpu.memref_squeeze %dma_wait3A_541 : memref<1x1x1x8x128xf32, #tpu.memory_space<hbm>> -> memref<8x128xf32, #tpu.memory_space<hbm>>
    %dma_wait3A_543 = arith.constant 0 : i32
    %dma_wait3A_544 = arith.constant 0 : i32
    %dma_wait3A_545 = tpu.memref_slice %arg4[%shift_right_arithmetic3A_440, %dma_wait3A_534, %and3A_442, %dma_wait3A_543, %dma_wait3A_544] : memref<200x8x32x8x128xf32, #tpu.memory_space<hbm>> -> memref<1x1x1x8x128xf32, #tpu.memory_space<hbm>>
    %dma_wait3A_546 = tpu.memref_squeeze %dma_wait3A_545 : memref<1x1x1x8x128xf32, #tpu.memory_space<hbm>> -> memref<8x128xf32, #tpu.memory_space<hbm>>
    %dma_wait3A_547 = arith.constant 40 : i32
    %dma_wait3A_548 = arith.constant 0 : i32
    %dma_wait3A_549 = tpu.memref_slice %arg8[%dma_wait3A_533, %dma_wait3A_547, %dma_wait3A_548] : memref<2x64x129xf32, #tpu.memory_space<vmem>> -> memref<1x8x128xf32, #tpu.memory_space<vmem>>
    %dma_wait3A_550 = tpu.memref_squeeze %dma_wait3A_549 : memref<1x8x128xf32, #tpu.memory_space<vmem>> -> memref<8x128xf32, #tpu.memory_space<vmem>>
    tpu.wait_dma2 semaphore(%arg12 : memref<!tpu.dma_semaphore, #tpu.memory_space<semaphore_mem>>) src(%dma_wait3A_550 : memref<8x128xf32, #tpu.memory_space<vmem>>) dst(%dma_wait3A_546 : memref<8x128xf32, #tpu.memory_space<hbm>>)
    %dma_wait3A_551 = arith.constant 1 : i32
    %dma_wait3A_552 = arith.constant 6 : i32
    %dma_wait3A_553 = arith.constant 48 : i32
    %dma_wait3A_554 = arith.constant 0 : i32
    %dma_wait3A_555 = tpu.memref_slice %arg8[%dma_wait3A_551, %dma_wait3A_553, %dma_wait3A_554] : memref<2x64x129xf32, #tpu.memory_space<vmem>> -> memref<1x8x128xf32, #tpu.memory_space<vmem>>
    %dma_wait3A_556 = tpu.memref_squeeze %dma_wait3A_555 : memref<1x8x128xf32, #tpu.memory_space<vmem>> -> memref<8x128xf32, #tpu.memory_space<vmem>>
    %dma_wait3A_557 = arith.constant 0 : i32
    %dma_wait3A_558 = arith.constant 0 : i32
    %dma_wait3A_559 = tpu.memref_slice %arg4[%shift_right_arithmetic3A_440, %dma_wait3A_552, %and3A_442, %dma_wait3A_557, %dma_wait3A_558] : memref<200x8x32x8x128xf32, #tpu.memory_space<hbm>> -> memref<1x1x1x8x128xf32, #tpu.memory_space<hbm>>
    %dma_wait3A_560 = tpu.memref_squeeze %dma_wait3A_559 : memref<1x1x1x8x128xf32, #tpu.memory_space<hbm>> -> memref<8x128xf32, #tpu.memory_space<hbm>>
    %dma_wait3A_561 = arith.constant 0 : i32
    %dma_wait3A_562 = arith.constant 0 : i32
    %dma_wait3A_563 = tpu.memref_slice %arg4[%shift_right_arithmetic3A_440, %dma_wait3A_552, %and3A_442, %dma_wait3A_561, %dma_wait3A_562] : memref<200x8x32x8x128xf32, #tpu.memory_space<hbm>> -> memref<1x1x1x8x128xf32, #tpu.memory_space<hbm>>
    %dma_wait3A_564 = tpu.memref_squeeze %dma_wait3A_563 : memref<1x1x1x8x128xf32, #tpu.memory_space<hbm>> -> memref<8x128xf32, #tpu.memory_space<hbm>>
    %dma_wait3A_565 = arith.constant 48 : i32
    %dma_wait3A_566 = arith.constant 0 : i32
    %dma_wait3A_567 = tpu.memref_slice %arg8[%dma_wait3A_551, %dma_wait3A_565, %dma_wait3A_566] : memref<2x64x129xf32, #tpu.memory_space<vmem>> -> memref<1x8x128xf32, #tpu.memory_space<vmem>>
    %dma_wait3A_568 = tpu.memref_squeeze %dma_wait3A_567 : memref<1x8x128xf32, #tpu.memory_space<vmem>> -> memref<8x128xf32, #tpu.memory_space<vmem>>
    tpu.wait_dma2 semaphore(%arg12 : memref<!tpu.dma_semaphore, #tpu.memory_space<semaphore_mem>>) src(%dma_wait3A_568 : memref<8x128xf32, #tpu.memory_space<vmem>>) dst(%dma_wait3A_564 : memref<8x128xf32, #tpu.memory_space<hbm>>)
    %dma_wait3A_569 = arith.constant 1 : i32
    %dma_wait3A_570 = arith.constant 7 : i32
    %dma_wait3A_571 = arith.constant 56 : i32
    %dma_wait3A_572 = arith.constant 0 : i32
    %dma_wait3A_573 = tpu.memref_slice %arg8[%dma_wait3A_569, %dma_wait3A_571, %dma_wait3A_572] : memref<2x64x129xf32, #tpu.memory_space<vmem>> -> memref<1x8x128xf32, #tpu.memory_space<vmem>>
    %dma_wait3A_574 = tpu.memref_squeeze %dma_wait3A_573 : memref<1x8x128xf32, #tpu.memory_space<vmem>> -> memref<8x128xf32, #tpu.memory_space<vmem>>
    %dma_wait3A_575 = arith.constant 0 : i32
    %dma_wait3A_576 = arith.constant 0 : i32
    %dma_wait3A_577 = tpu.memref_slice %arg4[%shift_right_arithmetic3A_440, %dma_wait3A_570, %and3A_442, %dma_wait3A_575, %dma_wait3A_576] : memref<200x8x32x8x128xf32, #tpu.memory_space<hbm>> -> memref<1x1x1x8x128xf32, #tpu.memory_space<hbm>>
    %dma_wait3A_578 = tpu.memref_squeeze %dma_wait3A_577 : memref<1x1x1x8x128xf32, #tpu.memory_space<hbm>> -> memref<8x128xf32, #tpu.memory_space<hbm>>
    %dma_wait3A_579 = arith.constant 0 : i32
    %dma_wait3A_580 = arith.constant 0 : i32
    %dma_wait3A_581 = tpu.memref_slice %arg4[%shift_right_arithmetic3A_440, %dma_wait3A_570, %and3A_442, %dma_wait3A_579, %dma_wait3A_580] : memref<200x8x32x8x128xf32, #tpu.memory_space<hbm>> -> memref<1x1x1x8x128xf32, #tpu.memory_space<hbm>>
    %dma_wait3A_582 = tpu.memref_squeeze %dma_wait3A_581 : memref<1x1x1x8x128xf32, #tpu.memory_space<hbm>> -> memref<8x128xf32, #tpu.memory_space<hbm>>
    %dma_wait3A_583 = arith.constant 56 : i32
    %dma_wait3A_584 = arith.constant 0 : i32
    %dma_wait3A_585 = tpu.memref_slice %arg8[%dma_wait3A_569, %dma_wait3A_583, %dma_wait3A_584] : memref<2x64x129xf32, #tpu.memory_space<vmem>> -> memref<1x8x128xf32, #tpu.memory_space<vmem>>
    %dma_wait3A_586 = tpu.memref_squeeze %dma_wait3A_585 : memref<1x8x128xf32, #tpu.memory_space<vmem>> -> memref<8x128xf32, #tpu.memory_space<vmem>>
    tpu.wait_dma2 semaphore(%arg12 : memref<!tpu.dma_semaphore, #tpu.memory_space<semaphore_mem>>) src(%dma_wait3A_586 : memref<8x128xf32, #tpu.memory_space<vmem>>) dst(%dma_wait3A_582 : memref<8x128xf32, #tpu.memory_space<hbm>>)
    return
  }
}

</mosaic_0001>

<sc_bundles>
// kernel: kernel.4.cloned.1.call-start
scs
__scs_entry_jumppad:
0x0: {  	(pc) =	sbr.rel $0x88, $3  }
0x1: {  	(tag) =	ssettag $0x0;
	lr =	simm.s32 $0x1  }
0x2: {  	[smem:$0x3F9F] =	sst lr;
	_ =	strace $0xD0000000  }
0x3: {  	_ = 	snop  }
0x4: {  	_ = 	snop  }
0x5: {  	_ = 	snop  }
0x6: {  	_ = 	snop  }
0x7: {  	_ = 	snop  }
__scs_overlays_trampoline_lowered:
0x8: {  	[smem:$0x3FAE] =	sst s0  }
0x9: {  	[smem:$0x3FAF] =	sst s1  }
0xa: {  	[smem:$0x3FB0] =	sst s2  }
0xb: {  	[smem:$0x3FB1] =	sst s3  }
0xc: {  	[smem:$0x3FB2] =	sst s4  }
0xd: {  	[smem:$0x3FB3] =	sst s5  }
0xe: {  	[smem:$0x3FB4] =	sst s6  }
0xf: {  	[smem:$0x3FB5] =	sst s7  }
0x10: {  	[smem:$0x3FB6] =	sst s8  }
0x11: {  	[smem:$0x3FB7] =	sst s9;
	s0 =	simm.s32 @!p0 $0x0  }
0x12: {  	s1 =	sld [smem:$0x3F9D];
	s0 =	simm.s32 @p0 $0x1  }
0x13: {  	[smem:$0x3FB8] =	sst s0;
	s0 =	simm.s32 @!p1 $0x0  }
0x14: {  	s2 =	sld [smem:$0x3F9C];
	s0 =	simm.s32 @p1 $0x1  }
0x15: {  	[smem:$0x3FB9] =	sst s0;
	s0 =	simm.s32 @!p2 $0x0  }
0x16: {  	s3 =	sld [smem:$0x3FDB];
	s0 =	simm.s32 @p2 $0x1  }
0x17: {  	s4 =	simm.s32 $0x1BF5;
	[smem:$0x3FBB] =	sst s0  }
0x18: {  	s0 =	sld [smem:$0x3F9E];
	_ =	swait.ge [sflag:s4], $0x0  }
0x19: {  	s7 =	sld [smem:$0x3F9F]  }
0x1a: {  	s8 =	sadd.s32 $0xFFFFE003, lr  }
0x1b: {  	s9 =	sadd.s32 $0xFFFFFEF7, lr;
	s5 =	simm.s32 $0xFFFFFFFF;
	p2 =	slt.u32 s8, $0xFFFFF086  }
0x1c: {  	p1 =	slt.u32 s9, $0xF7A;
	s5 =	simm.s32 @!p2 $0x0  }
0x1d: {  	s5 =	simm.s32 @p1 $0x1;
	p0 =	seq.s32 s7, s2  }
0x1e: {  	s7 =	smul.u32 @!p0 $0xF7A, s2;
	p2 =	seq.s32 @!p0 s5, $0x0  }
0x1f: {  	s9 =	smul.u32 $0xF7A, s1;
	s8 =	simm.s32 @!p0 $0x1BF5;
	p2 =	por !p2, p0  }
0x20: {  	[sflag:s8] =	ssyncset.s32 @!p0 $0xFFFFF086;
	s6 =	sadd.s32 @!p0 s3, s7;
	s7 =	simm.s32 @!p0 $0x108  }
0x21: {  	s3 =	sadd.s32 s3, s9;
	s6 =	sadd.s32 @!p0 $0x88, s6;
	s7 =	simm.s32 @p2 $0x1082  }
0x22: {  	[simem:s7], [sflag:s8] =	dma.local @!p0 [hbm:s6], $0xF7A  }
0x23: {  	s9 =	sor.u32 $0xD0000000, s2;
	s6 =	simm.s32 $0x108;
	_ =	swait.ge @!p0 [sflag:s8], $0x0  }
0x24: {  	s3 =	sadd.s32 $0x88, s3;
	s6 =	simm.s32 @!p1 $0x1082;
	[sflag:s4] =	ssyncset.s32 $0xFFFFF086  }
0x25: {  	[simem:s6], [sflag:s4] =	dma.local [hbm:s3], $0xF7A  }
0x26: {  	[smem:$0x3F9F] =	sst s1;
	(tag) =	ssettag s2;
	_ =	strace s9  }
0x27: {  	s1 =	sld [smem:$0x3FAF]  }
0x28: {  	s2 =	sld [smem:$0x3FB0]  }
0x29: {  	s4 =	sld [smem:$0x3FB2]  }
0x2a: {  	p0 =	seq.s32 s5, $0x0;
	s5 =	sld [smem:$0x3FB3]  }
0x2b: {  	s6 =	sld [smem:$0x3FB4]  }
0x2c: {  	s7 =	sld [smem:$0x3FB5]  }
0x2d: {  	s3 =	simm.s32 $0x108;
	s8 =	sld [smem:$0x3FB6]  }
0x2e: {  	s3 =	simm.s32 @!p0 $0x1082;
	s9 =	sld [smem:$0x3FB7]  }
0x2f: {  	lr =	sadd.s32 s0, s3;
	s0 =	sld [smem:$0x3FAE]  }
0x30: {  	s3 =	sld [smem:$0x3FB1]  }
0x31: {  	[smem:$0x3FBA] =	sst s10  }
0x32: {  	s10 =	sld [smem:$0x3FB8];
	_ =	sdelay $0x3  }
0x33: {  	p0 =	seq.s32 s10, $0x1;
	s10 =	sld [smem:$0x3FBA];
	_ =	sdelay $0x3  }
0x34: {  	[smem:$0x3FBA] =	sst s10  }
0x35: {  	s10 =	sld [smem:$0x3FB9];
	_ =	sdelay $0x3  }
0x36: {  	p1 =	seq.s32 s10, $0x1;
	s10 =	sld [smem:$0x3FBA];
	_ =	sdelay $0x3  }
0x37: {  	[smem:$0x3FBA] =	sst s10  }
0x38: {  	s10 =	sld [smem:$0x3FBB]  }
0x39: {  	_ = 	snop;
	(pc) =	sbr.ind lr, $3  }
0x3a: {  	_ = 	snop  }
0x3b: {  	_ = 	snop  }
0x3c: {  	p2 =	seq.s32 s10, $0x1;
	s10 =	sld [smem:$0x3FBA]  }
0x3d: {  	_ =	shalt  }
0x3e: {  	_ =	shalt  }
0x3f: {  	_ =	shalt  }
0x40: {  	_ =	shalt  }
0x41: {  	_ =	shalt  }
0x42: {  	_ =	shalt  }
0x43: {  	_ =	shalt  }
0x44: {  	_ =	shalt  }
0x45: {  	_ =	shalt  }
0x46: {  	_ =	shalt  }
0x47: {  	_ =	shalt  }
0x48: {  	_ =	shalt  }
0x49: {  	_ =	shalt  }
0x4a: {  	_ =	shalt  }
0x4b: {  	_ =	shalt  }
0x4c: {  	_ =	shalt  }
0x4d: {  	_ =	shalt  }
0x4e: {  	_ =	shalt  }
0x4f: {  	_ =	shalt  }
0x50: {  	_ =	shalt  }
0x51: {  	_ =	shalt  }
0x52: {  	_ =	shalt  }
0x53: {  	_ =	shalt  }
0x54: {  	_ =	shalt  }
0x55: {  	_ =	shalt  }
0x56: {  	_ =	shalt  }
0x57: {  	_ =	shalt  }
0x58: {  	_ =	shalt  }
0x59: {  	_ =	shalt  }
0x5a: {  	_ =	shalt  }
0x5b: {  	_ =	shalt  }
0x5c: {  	_ =	shalt  }
0x5d: {  	_ =	shalt  }
0x5e: {  	_ =	shalt  }
0x5f: {  	_ =	shalt  }
0x60: {  	_ =	shalt  }
0x61: {  	_ =	shalt  }
0x62: {  	_ =	shalt  }
0x63: {  	_ =	shalt  }
0x64: {  	_ =	shalt  }
0x65: {  	_ =	shalt  }
0x66: {  	_ =	shalt  }
0x67: {  	_ =	shalt  }
0x68: {  	_ =	shalt  }
0x69: {  	_ =	shalt  }
0x6a: {  	_ =	shalt  }
0x6b: {  	_ =	shalt  }
0x6c: {  	_ =	shalt  }
0x6d: {  	_ =	shalt  }
0x6e: {  	_ =	shalt  }
0x6f: {  	_ =	shalt  }
0x70: {  	_ =	shalt  }
0x71: {  	_ =	shalt  }
0x72: {  	_ =	shalt  }
0x73: {  	_ =	shalt  }
0x74: {  	_ =	shalt  }
0x75: {  	_ =	shalt  }
0x76: {  	_ =	shalt  }
0x77: {  	_ =	shalt  }
0x78: {  	_ =	shalt  }
0x79: {  	_ =	shalt  }
0x7a: {  	_ =	shalt  }
0x7b: {  	_ =	shalt  }
0x7c: {  	_ =	shalt  }
0x7d: {  	_ =	shalt  }
0x7e: {  	_ =	shalt  }
0x7f: {  	_ =	shalt  }
0x80: {  	_ =	shalt  }
0x81: {  	_ =	shalt  }
0x82: {  	_ =	shalt  }
0x83: {  	_ =	shalt  }
0x84: {  	_ =	shalt  }
0x85: {  	_ =	shalt  }
0x86: {  	_ =	shalt  }
0x87: {  	_ =	shalt  }
.Lfunc_end0:
.L_simem_size_0:
called_computation_lowered:
.L_overlay_start_0:
0x88: {  	s2 =	sld [smem:$0x3FD9]  }
0x89: {  	s3 =	sld [smem:$0x3FFE];
	_ =	sdelay $0x1  }
0x8a: {  	s1 =	srdreg.scid  }
0x8b: {  	s0 =	sand.u32 $0x1, s1  }
0x8c: {  	s17 =	sshll.u32 s0, $0xA;
	s2 =	sadd.s32 s3, s2  }
0x8d: {  	s2 =	sadd.s32 s2, s17  }
0x8e: {  	[smem:$0x3FC6] =	sst s2  }
0x8f: {  	_ = 	snop  }
0x90: {  	s2 =	sld [smem:$0x3FC8];
	(tm) =	ssettm $0x1  }
0x91: {  	s18 =	sld [smem:$0x3FFB];
	_ =	sdelay $0x3  }
0x92: {  	_ =	strace s18  }
0x93: {  	s3 =	sld [smem:$0x3FFC];
	_ =	sdelay $0x3  }
0x94: {  	_ =	strace s3  }
0x95: {  	s3 =	sld [smem:$0x3FFD];
	_ =	sdelay $0x3  }
0x96: {  	_ =	strace s3  }
0x97: {  	_ =	strace $0x8FFFFFFF  }
0x98: {  	s19 =	sld [smem:$0x3FDB];
	_ =	sdelay $0x1  }
0x99: {  	s4 =	simm.s32 $_scs_section_size  }
0x9a: {  	s5 =	simm.s32 $_size__tile_overlayer_lowered;
	s6 =	simm.s32 $_tile_overlayer_lowered  }
0x9b: {  	s22 =	simm.s32 $0x1BFF;
	s21 =	sshll.u32 s6, $0x1;
	s3 =	sadd.s32 s4, s19  }
0x9c: {  	s7 =	simm.s32 $0x0;
	s20 =	sshll.u32 s5, $0x1;
	s5 =	sadd.s32 s21, s3  }
0x9d: {  	[timem:s7], [sflag:s22] =	dma.local [hbm:s5], s20  }
0x9e: {  	_ =	swait.ge [sflag:s22], s20  }
0x9f: {  	s4 =	ssub.s32 $0x0, s20;
	[sflag:s22] =	ssyncset.done $0x0  }
0xa0: {  	[sflag:s22] =	ssyncadd.s32 s4;
	_ =	sdelay $0x1  }
0xa1: {  	s23 =	simm.s32 $0x1B8B  }
0xa2: {  	_ =	swait.ge [sflag:s23], $0x1  }
0xa3: {  	[sflag:s23] =	ssyncset.done $0x0  }
0xa4: {  	s25 =	simm.s32 $0x1B8E;
	s24 =	sld [smem:$0x3FFE];
	[sflag:s23] =	ssyncadd.s32 $0xFFFFFFFF  }
0xa5: {  	s26 =	simm.s32 $execute0_lowered;
	[smem:$0x3FD2] =	sst s25  }
0xa6: {  	s5 =	sshll.u32 s26, $0x1;
	_ =	strace $0x80000046;
	[dreg:$0x1] =	wrdreg $0xFFFFFFFF  }
0xa7: {  	s28 =	simm.s32 $_size_execute0_lowered;
	s3 =	sadd.s32 s3, s5;
	[dreg:$0x0] =	wrdreg $0x0  }
0xa8: {  	s5 =	sshll.u32 s28, $0x1;
	[dreg:$0x2] =	wrdreg s3  }
0xa9: {  	[dreg:$0x3] =	wrdreg s5  }
0xaa: {  	[dreg:$0x4] =	wrdreg $0xC0  }
0xab: {  	_ =	task [dreg:s7], $0x5FFFF  }
0xac: {  	[dreg:$0x1] =	wrdreg $0xFFFFFFFF  }
0xad: {  	[dreg:$0x0] =	wrdreg $0x60  }
0xae: {  	[dreg:$0x2] =	wrdreg s2  }
0xaf: {  	[dreg:$0x3] =	wrdreg s24  }
0xb0: {  	[dreg:$0x4] =	wrdreg $0x9  }
0xb1: {  	_ =	task.clear_ibuf [dreg:s7], $0x5FFFF;
	_ =	strace $0x90000046  }
0xb2: {  	s29 =	simm.s32 $0x9;
	_ =	strace $0x80000048  }
0xb3: {  	_ =	swait.ge [sflag:s29], $0x1  }
0xb4: {  	[sflag:s29] =	ssyncadd.s32 $0xFFFFFFFF  }
0xb5: {  	_ =	strace $0x90000048  }
0xb6: {  	_ =	sfence  }
0xb7: {  	s30 =	sld [smem:$0x0];
	_ =	sdelay $0x2  }
0xb8: {  	s31 =	sshll.u32 s1, $0xD;
	s1 =	sshrl.u32 s1, $0x2  }
0xb9: {  	s3 =	sand.u32 $0x4000, s31;
	s1 =	sadd.s32 s1, s30  }
0xba: {  	s0 =	sor.u32 s3, s0;
	s1 =	sshll.u32 s1, $0x11  }
0xbb: {  	s0 =	sor.u32 s1, s0  }
0xbc: {  	s0 =	sadd.s32 $0x8F2B, s0  }
0xbd: {  	[sflag:s0] =	ssyncadd.remote.s32 $0x1  }
0xbe: {  	_ =	sfence.sel $0xFFFF  }
0xbf: {  	[dreg:$0x0] =	wrdreg $0xFFFFFFFF;
	(pc) =	sbr.abs _section_cstart, $3  }
0xc0: {  	[dreg:$0x1] =	wrdreg $0xFFFFFFFF  }
0xc1: {  	_ =	task.clear_ibuf [dreg:s7], $0x2FFFF;
	_ =	strace $0x9FFFFFFF  }
0xc2: {  	(tm) =	ssettm $0x7FFFFFFF  }
0xc3: {  	_ =	shalt  }
tec
execute0_lowered:
.L_overlay_start_1:
0x0: {  	(tag) =	ssettag $0x1  }
0x1: {  	s0 =	rddreg [dreg:$0x0]  }
0x2: {  	s1 =	rddreg [dreg:$0x1]  }
0x3: {  	s3 =	srdreg.scid;
	s4 =	stileid.u32  }
0x4: {  	s2 =	simm.s32 $0x0;
	s12 =	simm.s32 $0x1;
	s13 =	simm.s32 $0x4000  }
0x5: {  	s14 =	simm.s32 $0x8300;
	s15 =	simm.s32 $0x2;
	s16 =	simm.s32 $0x6180  }
0x6: {  	s17 =	simm.s32 $0xA300;
	s3 =	sand.u32 $0x1, s3;
	s4 =	sshll.u32 s4, $0x1  }
0x7: {  	s19 =	simm.s32 $0x4;
	s5 =	ssub.s32 $0x2, s3;
	s3 =	sor.u32 s3, s4  }
.Ltmp0:
0x8: {  	[smem:$0x7FF] =	sst s2;
	s7 =	sshll.u32 s3, $0x7;
	(pc) =	sbr.rel .LBB2_1-.Ltmp0, $4  }
0x9: {  	v0 =	vlaneseq.u32;
	_ =	strace $0x80000047;
	s6 =	sshrl.u32 s5, $0x1;
	s30 =	sadd.s32 s0, s7  }
0xa: {  	v0 =	vmul.u32 $0x85, v0;
	s29 =	ssub.s32 s5, s6;
	[dreg:$0x3] =	wrdreg s30;
	s5 =	sadd.s32 $0x1000, s30  }
0xb: {  	s20 =	simm.s32 $0x0;
	s31 =	smax.u32 s29, $0x1;
	[dreg:$0x4] =	wrdreg s5  }
0xc: {  	s4 =	sadd.s32 $0xA00, s1;
	v1 =	vadd.s32 $0x850, v0;
	v2 =	vadd.s32 $0x10A0, v0;
	v3 =	vadd.s32 $0x18F0, v0;
	s7 =	sadd.s32 $0x2000, s0;
	[dreg:$0x5] =	wrdreg s31  }
.LBB2_15:
0xd: {  	s0 =	simm.s32 $0x3  }
0xe: {  	_ =	swait.ge [sflag:s0], $0x2000  }
0xf: {  	[sflag:s0] =	ssyncset.done $0x0  }
0x10: {  	[sflag:s0] =	ssyncadd.s32 $0xFFFFE000  }
0x11: {  	_ =	swait.ge [sflag:s19], $0x2000  }
0x12: {  	s20 =	sadd.s32 $0x1, s20;
	s31 =	rddreg [dreg:$0x5]  }
0x13: {  	p0 =	sne.s32 s20, s31  }
.Ltmp1:
0x14: {  	_ = 	snop;
	(pc) =	sbr.rel @!p0 .LBB2_16-.Ltmp1, $3  }
0x15: {  	_ =	sdelay $0x1  }
0x16: {  	[sflag:s19] =	ssyncset.done $0x0  }
0x17: {  	[sflag:s19] =	ssyncadd.s32 $0xFFFFE000  }
.LBB2_1:
.Ltmp2:
0x18: {  	(pc) =	sbr.rel .LBB2_2-.Ltmp2, $4  }
0x19: {  	s0 =	rddreg [dreg:$0x3];
	s1 =	simm.s32 $0x400;
	s5 =	simm.s32 $0x7A1400  }
0x1a: {  	[tilespmem:s2], [sflag:$0x1] =	stream.strided.gather [hbm4b:s0+s1], $0x2000, s5, s1, $0x38;
	[tilespmem:$0xC300] =	vst v63  }
0x1b: {  	s31 =	rddreg [dreg:$0x4];
	s6 =	simm.s32 $0x2000;
	s21 =	simm.s32 $0x0  }
0x1c: {  	[tilespmem:s6], [sflag:$0x2] =	stream.strided.gather [hbm4b:s31+s1], $0x2000, s5, s1, $0x38;
	[tilespmem:$0xC300] =	vst v63  }
.LBB2_14:
0x1d: {  	s21 =	sadd.s32 $0x1, s21  }
0x1e: {  	p0 =	sne.s32 s21, $0x7B  }
.Ltmp3:
0x1f: {  	_ = 	snop;
	(pc) =	sbr.rel @!p0 .LBB2_15-.Ltmp3, $1  }
0x20: {  	_ =	sdelay $0x3  }
.LBB2_2:
0x21: {  	s0 =	sshll.u32 s21, $0x6  }
0x22: {  	s22 =	sor.u32 s3, s0  }
0x23: {  	p0 =	sgt.u32 s22, $0x1E83  }
.Ltmp4:
0x24: {  	_ = 	snop;
	(pc) =	sbr.rel @p0 .LBB2_8-.Ltmp4, $1  }
0x25: {  	_ =	sdelay $0x3  }
0x26: {  	_ =	swait.ge [sflag:s12], $0x2000  }
0x27: {  	[sflag:s12] =	ssyncset.done $0x0  }
0x28: {  	s1 =	simm.s32 $0x80;
	[sflag:s12] =	ssyncadd.s32 $0xFFFFE000  }
0x29: {  	v4 =	vld [tilespmem:s1+$0x0]  }
0x2a: {  	v5 =	vld [tilespmem:s1+$0xFFFFFF80];
	_ =	sdelay $0x2  }
0x2b: {  	s23 =	simm.s32 $0x4085  }
0x2c: {  	[tilespmem:s23+$0x0] =	vst v4  }
0x2d: {  	[tilespmem:s23+$0xFFFFFF7B] =	vst v5;
	v4 =	vld [tilespmem:s1+$0x10]  }
0x2e: {  	v5 =	vld [tilespmem:s1+$0xFFFFFF90];
	_ =	sdelay $0x3  }
0x2f: {  	[tilespmem:s23+$0x10] =	vst v4  }
0x30: {  	[tilespmem:s23+$0xFFFFFF8B] =	vst v5;
	v4 =	vld [tilespmem:s1+$0x20]  }
0x31: {  	v5 =	vld [tilespmem:s1+$0xFFFFFFA0];
	_ =	sdelay $0x1  }
0x32: {  	s25 =	simm.s32 $0x180  }
0x33: {  	v6 =	vld [tilespmem:s25+$0x0]  }
0x34: {  	v7 =	vld [tilespmem:s25+$0xFFFFFF80];
	[tilespmem:s23+$0x20] =	vst v4  }
0x35: {  	[tilespmem:s23+$0xFFFFFF9B] =	vst v5;
	v4 =	vld [tilespmem:s1+$0x30]  }
0x36: {  	v5 =	vld [tilespmem:s1+$0xFFFFFFB0]  }
0x37: {  	s24 =	simm.s32 $0x418F  }
0x38: {  	[tilespmem:s24+$0x0] =	vst v6  }
0x39: {  	[tilespmem:s24+$0xFFFFFF7B] =	vst v7;
	v6 =	vld [tilespmem:s25+$0x10]  }
0x3a: {  	v7 =	vld [tilespmem:s25+$0xFFFFFF90];
	[tilespmem:s23+$0x30] =	vst v4  }
0x3b: {  	[tilespmem:s23+$0xFFFFFFAB] =	vst v5;
	v4 =	vld [tilespmem:s1+$0x40]  }
0x3c: {  	v5 =	vld [tilespmem:s1+$0xFFFFFFC0];
	_ =	sdelay $0x1  }
0x3d: {  	[tilespmem:s24+$0x10] =	vst v6  }
0x3e: {  	[tilespmem:s24+$0xFFFFFF8B] =	vst v7;
	v6 =	vld [tilespmem:s25+$0x20]  }
0x3f: {  	v7 =	vld [tilespmem:s25+$0xFFFFFFA0];
	[tilespmem:s23+$0x40] =	vst v4  }
0x40: {  	[tilespmem:s23+$0xFFFFFFBB] =	vst v5;
	v4 =	vld [tilespmem:s1+$0x50]  }
0x41: {  	s0 =	simm.s32 $0x280;
	v5 =	vld [tilespmem:s1+$0xFFFFFFD0]  }
0x42: {  	v8 =	vld [tilespmem:s0+$0x0]  }
0x43: {  	v9 =	vld [tilespmem:s0+$0xFFFFFF80];
	[tilespmem:s24+$0x20] =	vst v6  }
0x44: {  	[tilespmem:s24+$0xFFFFFF9B] =	vst v7;
	v6 =	vld [tilespmem:s25+$0x30]  }
0x45: {  	v7 =	vld [tilespmem:s25+$0xFFFFFFB0];
	[tilespmem:s23+$0x50] =	vst v4  }
0x46: {  	s26 =	simm.s32 $0x4299;
	[tilespmem:s23+$0xFFFFFFCB] =	vst v5;
	v4 =	vld [tilespmem:s1+$0x60]  }
0x47: {  	[tilespmem:s26+$0x0] =	vst v8;
	v5 =	vld [tilespmem:s1+$0xFFFFFFE0]  }
0x48: {  	[tilespmem:s26+$0xFFFFFF7B] =	vst v9;
	v8 =	vld [tilespmem:s0+$0x10]  }
0x49: {  	v9 =	vld [tilespmem:s0+$0xFFFFFF90];
	[tilespmem:s24+$0x30] =	vst v6  }
0x4a: {  	[tilespmem:s24+$0xFFFFFFAB] =	vst v7;
	v6 =	vld [tilespmem:s25+$0x40]  }
0x4b: {  	v10 =	vld [tilespmem:s25+$0xFFFFFFC0];
	[tilespmem:s23+$0x60] =	vst v4  }
0x4c: {  	[tilespmem:s23+$0xFFFFFFDB] =	vst v5;
	v11 =	vld [tilespmem:s1+$0x70]  }
0x4d: {  	[tilespmem:s26+$0x10] =	vst v8;
	v4 =	vld [tilespmem:s1+$0xFFFFFFF0]  }
0x4e: {  	[tilespmem:s26+$0xFFFFFF8B] =	vst v9;
	v7 =	vld [tilespmem:s0+$0x20]  }
0x4f: {  	v8 =	vld [tilespmem:s0+$0xFFFFFFA0];
	[tilespmem:s24+$0x40] =	vst v6  }
0x50: {  	[tilespmem:s24+$0xFFFFFFBB] =	vst v10;
	v5 =	vld [tilespmem:s25+$0x50]  }
0x51: {  	s9 =	simm.s32 $0x380;
	v6 =	vld [tilespmem:s25+$0xFFFFFFD0];
	s1 =	simm.s32 $0x4;
	[tilespmem:s23+$0x70] =	vst v11  }
.LBB2_4:
0x52: {  	v9 =	vld [tilespmem:s9+$0x0];
	s1 =	sadd.s32 $0x2, s1;
	[tilespmem:s23+$0xFFFFFFEB] =	vst v4;
	s23 =	smov.u32 s24;
	s24 =	smov.u32 s26  }
0x53: {  	v4 =	vld [tilespmem:s9+$0xFFFFFF80];
	p0 =	slt.u32 s1, $0x3E;
	[tilespmem:s26+$0x20] =	vst v7  }
0x54: {  	[tilespmem:s26+$0xFFFFFF9B] =	vst v8;
	v7 =	vld [tilespmem:s0+$0x30]  }
0x55: {  	v8 =	vld [tilespmem:s0+$0xFFFFFFB0];
	[tilespmem:s23+$0x50] =	vst v5  }
0x56: {  	s26 =	sadd.s32 $0x10A, s26;
	[tilespmem:s23+$0xFFFFFFCB] =	vst v6;
	v5 =	vld [tilespmem:s25+$0x60]  }
0x57: {  	[tilespmem:s26+$0x0] =	vst v9;
	v6 =	vld [tilespmem:s25+$0xFFFFFFE0]  }
0x58: {  	[tilespmem:s26+$0xFFFFFF7B] =	vst v4;
	v4 =	vld [tilespmem:s9+$0x10]  }
0x59: {  	v9 =	vld [tilespmem:s9+$0xFFFFFF90];
	[tilespmem:s24+$0x30] =	vst v7  }
0x5a: {  	[tilespmem:s24+$0xFFFFFFAB] =	vst v8;
	v10 =	vld [tilespmem:s0+$0x40]  }
0x5b: {  	v11 =	vld [tilespmem:s0+$0xFFFFFFC0];
	[tilespmem:s23+$0x60] =	vst v5  }
0x5c: {  	[tilespmem:s23+$0xFFFFFFDB] =	vst v6;
	v12 =	vld [tilespmem:s25+$0x70]  }
.Ltmp5:
0x5d: {  	[tilespmem:s26+$0x10] =	vst v4;
	v4 =	vld [tilespmem:s25+$0xFFFFFFF0];
	s25 =	smov.u32 s0;
	s0 =	smov.u32 s9;
	(pc) =	sbr.rel @p0 .LBB2_4-.Ltmp5, $4  }
0x5e: {  	[tilespmem:s26+$0xFFFFFF8B] =	vst v9;
	v7 =	vld [tilespmem:s9+$0x20]  }
0x5f: {  	v8 =	vld [tilespmem:s9+$0xFFFFFFA0];
	[tilespmem:s24+$0x40] =	vst v10  }
0x60: {  	[tilespmem:s24+$0xFFFFFFBB] =	vst v11;
	v5 =	vld [tilespmem:s25+$0x50]  }
0x61: {  	s9 =	sadd.s32 $0x100, s9;
	v6 =	vld [tilespmem:s25+$0xFFFFFFD0];
	[tilespmem:s23+$0x70] =	vst v12  }
0x62: {  	_ = 	snop  }
0x63: {  	[tilespmem:s26+$0x20] =	vst v7  }
0x64: {  	[tilespmem:s26+$0xFFFFFF9B] =	vst v8;
	v7 =	vld [tilespmem:s0+$0x30]  }
0x65: {  	v8 =	vld [tilespmem:s0+$0xFFFFFFB0];
	_ =	sdelay $0x3  }
0x66: {  	[tilespmem:s26+$0x30] =	vst v7  }
0x67: {  	[tilespmem:s26+$0xFFFFFFAB] =	vst v8;
	v7 =	vld [tilespmem:s0+$0x40]  }
0x68: {  	v8 =	vld [tilespmem:s0+$0xFFFFFFC0];
	_ =	sdelay $0x3  }
0x69: {  	[tilespmem:s26+$0x40] =	vst v7  }
0x6a: {  	[tilespmem:s26+$0xFFFFFFBB] =	vst v8;
	v7 =	vld [tilespmem:s0+$0x50]  }
0x6b: {  	v8 =	vld [tilespmem:s0+$0xFFFFFFD0];
	_ =	sdelay $0x1  }
0x6c: {  	[tilespmem:s24+$0x50] =	vst v5  }
0x6d: {  	[tilespmem:s24+$0xFFFFFFCB] =	vst v6;
	v5 =	vld [tilespmem:s25+$0x60]  }
0x6e: {  	v6 =	vld [tilespmem:s25+$0xFFFFFFE0];
	[tilespmem:s26+$0x50] =	vst v7  }
0x6f: {  	[tilespmem:s26+$0xFFFFFFCB] =	vst v8;
	v7 =	vld [tilespmem:s0+$0x60]  }
0x70: {  	v8 =	vld [tilespmem:s0+$0xFFFFFFE0];
	_ =	sdelay $0x1  }
0x71: {  	[tilespmem:s24+$0x60] =	vst v5  }
0x72: {  	[tilespmem:s24+$0xFFFFFFDB] =	vst v6;
	v5 =	vld [tilespmem:s25+$0x70]  }
0x73: {  	v6 =	vld [tilespmem:s25+$0xFFFFFFF0];
	[tilespmem:s26+$0x60] =	vst v7  }
0x74: {  	[tilespmem:s26+$0xFFFFFFDB] =	vst v8;
	v7 =	vld [tilespmem:s0+$0x70]  }
0x75: {  	v8 =	vld [tilespmem:s0+$0xFFFFFFF0]  }
0x76: {  	[tilespmem:s23+$0xFFFFFFEB] =	vst v4  }
0x77: {  	[tilespmem:s24+$0x70] =	vst v5  }
0x78: {  	p0 =	sgt.u32 s22, $0x1E43;
	[tilespmem:s24+$0xFFFFFFEB] =	vst v6  }
0x79: {  	s18 =	simm.s32 $0x1;
	s1 =	simm.s32 @!p0 $0x400;
	s0 =	sshll.u32 @!p0 s22, $0x7;
	[tilespmem:s26+$0x70] =	vst v7  }
0x7a: {  	s6 =	simm.s32 @!p0 $0x7A1400;
	s8 =	simm.s32 @!p0 $0x0;
	s0 =	sadd.s32 @!p0 s0, s7;
	[tilespmem:s26+$0xFFFFFFEB] =	vst v8  }
0x7b: {  	[tilespmem:s8], [sflag:$0x1] =	stream.strided.gather @!p0 [hbm4b:s0+s1], $0x2000, s6, s1, $0x38;
	[tilespmem:$0xC300] =	vst v63  }
0x7c: {  	v4 =	vadd.s32 s18, v0;
	p0 =	seq.s32 s21, $0x0  }
0x7d: {  	s1 =	simm.s32 @!p0 $0x3  }
0x7e: {  	s6 =	simm.s32 $0x0;
	_ =	swait.ge @!p0 [sflag:s1], $0x2000  }
0x7f: {  	s29 =	simm.s32 $0x2;
	v5 =	vadd.s32 s6, v0;
	[sflag:s1] =	ssyncset.done @!p0 $0x0  }
0x80: {  	v8 =	vadd.s32 s29, v0;
	[sflag:s1] =	ssyncadd.s32 @!p0 $0xFFFFE000  }
0x81: {  	v4 =	vld.idx.msk [tilespmem:v4+s13+$0x0], $0xffff  }
0x82: {  	v6 =	vadd.s32 s18, v1;
	s8 =	simm.s32 $0x3  }
0x83: {  	v7 =	vadd.s32 s8, v0  }
0x84: {  	v5 =	vld.idx.msk [tilespmem:v5+s13+$0x0], $0xffff  }
0x85: {  	s28 =	simm.s32 $0x8320;
	v9 =	vadd.s32 s6, v1;
	v8 =	vld.idx.msk [tilespmem:v8+s13+$0x0], $0xffff  }
0x86: {  	s23 =	simm.s32 $0x4;
	v12 =	vadd.s32 s29, v1;
	[tilespmem:s28+$0x20] =	vst v4  }
0x87: {  	v4 =	vadd.s32 s23, v0;
	v6 =	vld.idx.msk [tilespmem:v6+s13+$0x0], $0xffff  }
0x88: {  	v10 =	vadd.s32 s18, v2;
	v7 =	vld.idx.msk [tilespmem:v7+s13+$0x0], $0xffff  }
0x89: {  	s25 =	simm.s32 $0x83A0;
	s26 =	simm.s32 $0x5;
	v11 =	vadd.s32 s8, v1;
	[tilespmem:s28+$0xFFFFFFE0] =	vst v5  }
0x8a: {  	s5 =	simm.s32 $0x40;
	[tilespmem:s25+$0xFFFFFFE0] =	vst v8;
	v5 =	vadd.s32 s26, v0;
	v9 =	vld.idx.msk [tilespmem:v9+s13+$0x0], $0xffff  }
0x8b: {  	s9 =	sor.u32 $0x50, s5;
	s24 =	simm.s32 $0x6;
	v13 =	vadd.s32 s6, v2;
	v12 =	vld.idx.msk [tilespmem:v12+s13+$0x0], $0xffff  }
0x8c: {  	v4 =	vld.idx.msk [tilespmem:v4+s13+$0x0], $0xffff;
	[tilespmem:s9+$0x8300] =	vst v6;
	v6 =	vadd.s32 s24, v0  }
0x8d: {  	v17 =	vadd.s32 s23, v1;
	[tilespmem:s25+$0x20] =	vst v7;
	v7 =	vld.idx.msk [tilespmem:v10+s13+$0x0], $0xffff  }
0x8e: {  	v10 =	vld.idx.msk [tilespmem:v11+s13+$0x0], $0xffff;
	v11 =	vadd.s32 s18, v3  }
0x8f: {  	v8 =	vadd.s32 s8, v2;
	v5 =	vld.idx.msk [tilespmem:v5+s13+$0x0], $0xffff;
	[tilespmem:s28+$0xFFFFFFF0] =	vst v9  }
0x90: {  	s30 =	simm.s32 $0x7;
	s9 =	simm.s32 $0x8420;
	v9 =	vadd.s32 s26, v1;
	v16 =	vld.idx.msk [tilespmem:v13+s13+$0x0], $0xffff  }
0x91: {  	s11 =	simm.s32 $0xC0;
	s10 =	sor.u32 $0x60, s5;
	v13 =	vadd.s32 s30, v0;
	[tilespmem:s9+$0xFFFFFFE0] =	vst v4;
	v6 =	vld.idx.msk [tilespmem:v6+s13+$0x0], $0xffff  }
0x92: {  	v18 =	vadd.s32 s29, v2;
	s18 =	sor.u32 $0x50, s11;
	v4 =	vld.idx.msk [tilespmem:v17+s13+$0x0], $0xffff;
	[tilespmem:s10+$0x8300] =	vst v7  }
0x93: {  	s0 =	simm.s32 $0x8;
	v15 =	vadd.s32 s6, v3;
	[tilespmem:s18+$0x8300] =	vst v10;
	v7 =	vld.idx.msk [tilespmem:v11+s13+$0x0], $0xffff  }
0x94: {  	v14 =	vadd.s32 s0, v0;
	[tilespmem:s9+$0x20] =	vst v5;
	v8 =	vld.idx.msk [tilespmem:v8+s13+$0x0], $0xffff  }
0x95: {  	[tilespmem:s25+$0xFFFFFFF0] =	vst v12;
	v12 =	vadd.s32 s8, v3;
	v9 =	vld.idx.msk [tilespmem:v9+s13+$0x0], $0xffff  }
0x96: {  	s31 =	simm.s32 $0x8420;
	s6 =	simm.s32 $0xC0;
	v10 =	vld.idx.msk [tilespmem:v13+s13+$0x0], $0xffff;
	v13 =	vadd.s32 s26, v2  }
0x97: {  	s1 =	simm.s32 $0x9;
	s8 =	sor.u32 $0x70, s5;
	v5 =	vld.idx.msk [tilespmem:v18+s13+$0x0], $0xffff;
	s10 =	simm.s32 $0xA;
	[tilespmem:s28+$0x0] =	vst v16;
	v11 =	vadd.s32 s30, v1  }
.LBB2_6:
0x98: {  	p0 =	slt.u32 s10, $0x7E;
	v16 =	vadd.s32 s1, v0;
	s5 =	sor.u32 $0x60, s11;
	s6 =	sadd.s32 $0x80, s6;
	v17 =	vld.idx.msk [tilespmem:v15+s13+$0x0], $0xffff;
	[tilespmem:s8+$0x8300] =	vst v7  }
0x99: {  	v19 =	vadd.s32 s24, v1;
	v18 =	vld.idx.msk [tilespmem:v14+s13+$0x0], $0xffff;
	s8 =	sor.u32 $0x50, s6;
	[tilespmem:s5+$0x8300] =	vst v8;
	s5 =	smov.u32 s11;
	s11 =	smov.u32 s6  }
0x9a: {  	v20 =	vadd.s32 s23, v2;
	s9 =	sadd.s32 $0x80, s9;
	s18 =	smov.u32 s28;
	s28 =	smov.u32 s25;
	[tilespmem:s8+$0x8300] =	vst v9;
	v7 =	vld.idx.msk [tilespmem:v12+s13+$0x0], $0xffff  }
.Ltmp6:
0x9b: {  	v15 =	vadd.s32 s29, v3;
	s25 =	smov.u32 s31;
	s31 =	smov.u32 s9;
	[tilespmem:s9+$0x20] =	vst v10;
	v8 =	vld.idx.msk [tilespmem:v13+s13+$0x0], $0xffff;
	(pc) =	sbr.rel @p0 .LBB2_6-.Ltmp6, $4  }
0x9c: {  	s29 =	smov.u32 s23;
	s23 =	smov.u32 s24;
	s24 =	smov.u32 s0;
	v14 =	vadd.s32 s10, v0;
	[tilespmem:s9+$0xFFFFFFE0] =	vst v6;
	v9 =	vld.idx.msk [tilespmem:v11+s13+$0x0], $0xffff  }
0x9d: {  	s0 =	smov.u32 s10;
	v12 =	vadd.s32 s26, v3;
	s26 =	smov.u32 s30;
	s30 =	smov.u32 s1;
	v10 =	vld.idx.msk [tilespmem:v16+s13+$0x0], $0xffff;
	[tilespmem:s25+$0xFFFFFFF0] =	vst v4  }
0x9e: {  	v13 =	vadd.s32 s26, v2;
	v4 =	vld.idx.msk [tilespmem:v19+s13+$0x0], $0xffff;
	[tilespmem:s28+$0x0] =	vst v5  }
0x9f: {  	s10 =	sadd.s32 $0x2, s10;
	s1 =	sadd.s32 $0x1, s0;
	s8 =	sor.u32 $0x70, s5;
	v11 =	vadd.s32 s30, v1;
	v6 =	vmov v18;
	v5 =	vld.idx.msk [tilespmem:v20+s13+$0x0], $0xffff;
	[tilespmem:s18+$0x10] =	vst v17  }
0xa0: {  	_ = 	snop  }
0xa1: {  	v16 =	vadd.s32 s1, v0  }
0xa2: {  	s5 =	sor.u32 $0x60, s11;
	[tilespmem:s8+$0x8300] =	vst v7  }
0xa3: {  	s10 =	sadd.s32 $0x80, s6;
	s9 =	sadd.s32 $0x80, s9;
	[tilespmem:s5+$0x8300] =	vst v8  }
0xa4: {  	v45 =	vld.idx.msk [tilespmem:v15+s13+$0x0], $0xffff;
	s6 =	sor.u32 $0x50, s10;
	[tilespmem:s9+$0xFFFFFFE0] =	vst v6  }
0xa5: {  	v46 =	vadd.s32 s24, v1;
	v48 =	vld.idx.msk [tilespmem:v14+s13+$0x0], $0xffff;
	[tilespmem:s6+$0x8300] =	vst v9  }
0xa6: {  	[tilespmem:s31+$0xFFFFFFF0] =	vst v4;
	v4 =	vadd.s32 s0, v1;
	v47 =	vld.idx.msk [tilespmem:v16+s13+$0x0], $0xffff  }
0xa7: {  	v49 =	vadd.s32 s1, v1;
	[tilespmem:s9+$0x20] =	vst v10;
	v12 =	vld.idx.msk [tilespmem:v12+s13+$0x0], $0xffff  }
0xa8: {  	v13 =	vld.idx.msk [tilespmem:v13+s13+$0x0], $0xffff;
	[tilespmem:s25+$0x0] =	vst v5;
	v5 =	vadd.s32 s29, v3  }
0xa9: {  	v50 =	vadd.s32 s23, v2;
	s5 =	sadd.s32 $0x80, s9;
	v11 =	vld.idx.msk [tilespmem:v11+s13+$0x0], $0xffff;
	[tilespmem:s28+$0x10] =	vst v45  }
0xaa: {  	v52 =	vadd.s32 s30, v2;
	v51 =	vld.idx.msk [tilespmem:v46+s13+$0x0], $0xffff;
	[tilespmem:s5+$0xFFFFFFE0] =	vst v48  }
0xab: {  	s18 =	sor.u32 $0x70, s11;
	v53 =	vadd.s32 s24, v2;
	v4 =	vld.idx.msk [tilespmem:v4+s13+$0x0], $0xffff;
	[tilespmem:s5+$0x20] =	vst v47  }
0xac: {  	v56 =	vadd.s32 s0, v2;
	s11 =	sadd.s32 $0x80, s10;
	s28 =	sor.u32 $0x60, s10;
	[tilespmem:s18+$0x8300] =	vst v12;
	v6 =	vld.idx.msk [tilespmem:v49+s13+$0x0], $0xffff  }
0xad: {  	v54 =	vadd.s32 s1, v2;
	s29 =	sor.u32 $0x50, s11;
	[tilespmem:s28+$0x8300] =	vst v13;
	v5 =	vld.idx.msk [tilespmem:v5+s13+$0x0], $0xffff  }
0xae: {  	v57 =	vadd.s32 s26, v3;
	v55 =	vld.idx.msk [tilespmem:v50+s13+$0x0], $0xffff;
	[tilespmem:s29+$0x8300] =	vst v11  }
0xaf: {  	v58 =	vadd.s32 s23, v3;
	s18 =	sadd.s32 $0x80, s11;
	v8 =	vld.idx.msk [tilespmem:v52+s13+$0x0], $0xffff;
	[tilespmem:s9+$0xFFFFFFF0] =	vst v51  }
0xb0: {  	v59 =	vadd.s32 s30, v3;
	s23 =	sor.u32 $0x50, s18;
	v9 =	vld.idx.msk [tilespmem:v53+s13+$0x0], $0xffff;
	[tilespmem:s5+$0xFFFFFFF0] =	vst v4  }
0xb1: {  	v60 =	vadd.s32 s24, v3;
	v61 =	vld.idx.msk [tilespmem:v56+s13+$0x0], $0xffff;
	[tilespmem:s23+$0x8300] =	vst v6  }
0xb2: {  	[tilespmem:s25+$0x10] =	vst v5;
	v5 =	vadd.s32 s0, v3;
	v6 =	vld.idx.msk [tilespmem:v54+s13+$0x0], $0xffff  }
0xb3: {  	v62 =	vld.idx.msk [tilespmem:v57+s13+$0x0], $0xffff;
	[tilespmem:s31+$0x0] =	vst v55;
	v4 =	vadd.s32 s1, v3;
	s25 =	sor.u32 $0x60, s11  }
0xb4: {  	v11 =	vld.idx.msk [tilespmem:v58+s13+$0x0], $0xffff;
	[tilespmem:s25+$0x8300] =	vst v8  }
0xb5: {  	v7 =	vld.idx.msk [tilespmem:v59+s13+$0x0], $0xffff;
	[tilespmem:s9+$0x0] =	vst v9  }
0xb6: {  	s26 =	sor.u32 $0x60, s18;
	v63 =	vld.idx.msk [tilespmem:v60+s13+$0x0], $0xffff;
	[tilespmem:s5+$0x0] =	vst v61  }
0xb7: {  	s28 =	sor.u32 $0x70, s10;
	v5 =	vld.idx.msk [tilespmem:v5+s13+$0x0], $0xffff;
	[tilespmem:s26+$0x8300] =	vst v6  }
0xb8: {  	[tilespmem:s28+$0x8300] =	vst v62;
	v4 =	vld.idx.msk [tilespmem:v4+s13+$0x0], $0xffff  }
0xb9: {  	s29 =	sor.u32 $0x70, s11;
	[tilespmem:s31+$0x10] =	vst v11  }
0xba: {  	[tilespmem:s29+$0x8300] =	vst v7  }
0xbb: {  	[tilespmem:s9+$0x10] =	vst v63  }
0xbc: {  	s30 =	sor.u32 $0x70, s18;
	s31 =	sshll.u32 s22, $0xA;
	[tilespmem:s5+$0x10] =	vst v5  }
0xbd: {  	s0 =	sadd.s32 s4, s31;
	[tilespmem:s30+$0x8300] =	vst v4  }
0xbe: {  	[hbm4b:s0+s2] =	stream.linear.scatter [tilespmem:s14], [sflag:$0x3], $0x2000, $0x38;
	[tilespmem:$0xC300] =	vst v63  }
.LBB2_8:
0xbf: {  	s22 =	sor.u32 $0x20, s22  }
0xc0: {  	p0 =	sgt.u32 s22, $0x1E83  }
.Ltmp7:
0xc1: {  	_ = 	snop;
	(pc) =	sbr.rel @p0 .LBB2_14-.Ltmp7, $1  }
0xc2: {  	_ =	sdelay $0x3  }
0xc3: {  	_ =	swait.ge [sflag:s15], $0x2000  }
0xc4: {  	[sflag:s15] =	ssyncset.done $0x0  }
0xc5: {  	s1 =	simm.s32 $0x2080;
	[sflag:s15] =	ssyncadd.s32 $0xFFFFE000  }
0xc6: {  	v4 =	vld [tilespmem:s1+$0x0]  }
0xc7: {  	v5 =	vld [tilespmem:s1+$0xFFFFFF80];
	_ =	sdelay $0x2  }
0xc8: {  	s23 =	simm.s32 $0x6205  }
0xc9: {  	[tilespmem:s23+$0x0] =	vst v4  }
0xca: {  	[tilespmem:s23+$0xFFFFFF7B] =	vst v5;
	v4 =	vld [tilespmem:s1+$0x10]  }
0xcb: {  	v5 =	vld [tilespmem:s1+$0xFFFFFF90];
	_ =	sdelay $0x3  }
0xcc: {  	[tilespmem:s23+$0x10] =	vst v4  }
0xcd: {  	[tilespmem:s23+$0xFFFFFF8B] =	vst v5;
	v4 =	vld [tilespmem:s1+$0x20]  }
0xce: {  	v5 =	vld [tilespmem:s1+$0xFFFFFFA0];
	_ =	sdelay $0x1  }
0xcf: {  	s25 =	simm.s32 $0x2180  }
0xd0: {  	v6 =	vld [tilespmem:s25+$0x0]  }
0xd1: {  	v7 =	vld [tilespmem:s25+$0xFFFFFF80];
	[tilespmem:s23+$0x20] =	vst v4  }
0xd2: {  	[tilespmem:s23+$0xFFFFFF9B] =	vst v5;
	v4 =	vld [tilespmem:s1+$0x30]  }
0xd3: {  	v5 =	vld [tilespmem:s1+$0xFFFFFFB0]  }
0xd4: {  	s24 =	simm.s32 $0x630F  }
0xd5: {  	[tilespmem:s24+$0x0] =	vst v6  }
0xd6: {  	[tilespmem:s24+$0xFFFFFF7B] =	vst v7;
	v6 =	vld [tilespmem:s25+$0x10]  }
0xd7: {  	v7 =	vld [tilespmem:s25+$0xFFFFFF90];
	[tilespmem:s23+$0x30] =	vst v4  }
0xd8: {  	[tilespmem:s23+$0xFFFFFFAB] =	vst v5;
	v4 =	vld [tilespmem:s1+$0x40]  }
0xd9: {  	v5 =	vld [tilespmem:s1+$0xFFFFFFC0];
	_ =	sdelay $0x1  }
0xda: {  	[tilespmem:s24+$0x10] =	vst v6  }
0xdb: {  	[tilespmem:s24+$0xFFFFFF8B] =	vst v7;
	v6 =	vld [tilespmem:s25+$0x20]  }
0xdc: {  	v7 =	vld [tilespmem:s25+$0xFFFFFFA0];
	[tilespmem:s23+$0x40] =	vst v4  }
0xdd: {  	[tilespmem:s23+$0xFFFFFFBB] =	vst v5;
	v4 =	vld [tilespmem:s1+$0x50]  }
0xde: {  	s0 =	simm.s32 $0x2280;
	v5 =	vld [tilespmem:s1+$0xFFFFFFD0]  }
0xdf: {  	v8 =	vld [tilespmem:s0+$0x0]  }
0xe0: {  	v9 =	vld [tilespmem:s0+$0xFFFFFF80];
	[tilespmem:s24+$0x20] =	vst v6  }
0xe1: {  	[tilespmem:s24+$0xFFFFFF9B] =	vst v7;
	v6 =	vld [tilespmem:s25+$0x30]  }
0xe2: {  	v7 =	vld [tilespmem:s25+$0xFFFFFFB0];
	[tilespmem:s23+$0x50] =	vst v4  }
0xe3: {  	s26 =	simm.s32 $0x6419;
	[tilespmem:s23+$0xFFFFFFCB] =	vst v5;
	v4 =	vld [tilespmem:s1+$0x60]  }
0xe4: {  	[tilespmem:s26+$0x0] =	vst v8;
	v5 =	vld [tilespmem:s1+$0xFFFFFFE0]  }
0xe5: {  	[tilespmem:s26+$0xFFFFFF7B] =	vst v9;
	v8 =	vld [tilespmem:s0+$0x10]  }
0xe6: {  	v9 =	vld [tilespmem:s0+$0xFFFFFF90];
	[tilespmem:s24+$0x30] =	vst v6  }
0xe7: {  	[tilespmem:s24+$0xFFFFFFAB] =	vst v7;
	v6 =	vld [tilespmem:s25+$0x40]  }
0xe8: {  	v10 =	vld [tilespmem:s25+$0xFFFFFFC0];
	[tilespmem:s23+$0x60] =	vst v4  }
0xe9: {  	[tilespmem:s23+$0xFFFFFFDB] =	vst v5;
	v11 =	vld [tilespmem:s1+$0x70]  }
0xea: {  	[tilespmem:s26+$0x10] =	vst v8;
	v4 =	vld [tilespmem:s1+$0xFFFFFFF0]  }
0xeb: {  	[tilespmem:s26+$0xFFFFFF8B] =	vst v9;
	v7 =	vld [tilespmem:s0+$0x20]  }
0xec: {  	v8 =	vld [tilespmem:s0+$0xFFFFFFA0];
	[tilespmem:s24+$0x40] =	vst v6  }
0xed: {  	[tilespmem:s24+$0xFFFFFFBB] =	vst v10;
	v5 =	vld [tilespmem:s25+$0x50]  }
0xee: {  	s9 =	simm.s32 $0x2380;
	v6 =	vld [tilespmem:s25+$0xFFFFFFD0];
	s1 =	simm.s32 $0x4;
	[tilespmem:s23+$0x70] =	vst v11  }
.LBB2_10:
0xef: {  	v9 =	vld [tilespmem:s9+$0x0];
	s1 =	sadd.s32 $0x2, s1;
	[tilespmem:s23+$0xFFFFFFEB] =	vst v4;
	s23 =	smov.u32 s24;
	s24 =	smov.u32 s26  }
0xf0: {  	v4 =	vld [tilespmem:s9+$0xFFFFFF80];
	p0 =	slt.u32 s1, $0x3E;
	[tilespmem:s26+$0x20] =	vst v7  }
0xf1: {  	[tilespmem:s26+$0xFFFFFF9B] =	vst v8;
	v7 =	vld [tilespmem:s0+$0x30]  }
0xf2: {  	v8 =	vld [tilespmem:s0+$0xFFFFFFB0];
	[tilespmem:s23+$0x50] =	vst v5  }
0xf3: {  	s26 =	sadd.s32 $0x10A, s26;
	[tilespmem:s23+$0xFFFFFFCB] =	vst v6;
	v5 =	vld [tilespmem:s25+$0x60]  }
0xf4: {  	[tilespmem:s26+$0x0] =	vst v9;
	v6 =	vld [tilespmem:s25+$0xFFFFFFE0]  }
0xf5: {  	[tilespmem:s26+$0xFFFFFF7B] =	vst v4;
	v4 =	vld [tilespmem:s9+$0x10]  }
0xf6: {  	v9 =	vld [tilespmem:s9+$0xFFFFFF90];
	[tilespmem:s24+$0x30] =	vst v7  }
0xf7: {  	[tilespmem:s24+$0xFFFFFFAB] =	vst v8;
	v10 =	vld [tilespmem:s0+$0x40]  }
0xf8: {  	v11 =	vld [tilespmem:s0+$0xFFFFFFC0];
	[tilespmem:s23+$0x60] =	vst v5  }
0xf9: {  	[tilespmem:s23+$0xFFFFFFDB] =	vst v6;
	v12 =	vld [tilespmem:s25+$0x70]  }
.Ltmp8:
0xfa: {  	[tilespmem:s26+$0x10] =	vst v4;
	v4 =	vld [tilespmem:s25+$0xFFFFFFF0];
	s25 =	smov.u32 s0;
	s0 =	smov.u32 s9;
	(pc) =	sbr.rel @p0 .LBB2_10-.Ltmp8, $4  }
0xfb: {  	[tilespmem:s26+$0xFFFFFF8B] =	vst v9;
	v7 =	vld [tilespmem:s9+$0x20]  }
0xfc: {  	v8 =	vld [tilespmem:s9+$0xFFFFFFA0];
	[tilespmem:s24+$0x40] =	vst v10  }
0xfd: {  	[tilespmem:s24+$0xFFFFFFBB] =	vst v11;
	v5 =	vld [tilespmem:s25+$0x50]  }
0xfe: {  	s9 =	sadd.s32 $0x100, s9;
	v6 =	vld [tilespmem:s25+$0xFFFFFFD0];
	[tilespmem:s23+$0x70] =	vst v12  }
0xff: {  	_ = 	snop  }
0x100: {  	[tilespmem:s26+$0x20] =	vst v7  }
0x101: {  	[tilespmem:s26+$0xFFFFFF9B] =	vst v8;
	v7 =	vld [tilespmem:s0+$0x30]  }
0x102: {  	v8 =	vld [tilespmem:s0+$0xFFFFFFB0];
	_ =	sdelay $0x3  }
0x103: {  	[tilespmem:s26+$0x30] =	vst v7  }
0x104: {  	[tilespmem:s26+$0xFFFFFFAB] =	vst v8;
	v7 =	vld [tilespmem:s0+$0x40]  }
0x105: {  	v8 =	vld [tilespmem:s0+$0xFFFFFFC0];
	_ =	sdelay $0x3  }
0x106: {  	[tilespmem:s26+$0x40] =	vst v7  }
0x107: {  	[tilespmem:s26+$0xFFFFFFBB] =	vst v8;
	v7 =	vld [tilespmem:s0+$0x50]  }
0x108: {  	v8 =	vld [tilespmem:s0+$0xFFFFFFD0];
	_ =	sdelay $0x1  }
0x109: {  	[tilespmem:s24+$0x50] =	vst v5  }
0x10a: {  	[tilespmem:s24+$0xFFFFFFCB] =	vst v6;
	v5 =	vld [tilespmem:s25+$0x60]  }
0x10b: {  	v6 =	vld [tilespmem:s25+$0xFFFFFFE0];
	[tilespmem:s26+$0x50] =	vst v7  }
0x10c: {  	[tilespmem:s26+$0xFFFFFFCB] =	vst v8;
	v7 =	vld [tilespmem:s0+$0x60]  }
0x10d: {  	v8 =	vld [tilespmem:s0+$0xFFFFFFE0];
	_ =	sdelay $0x1  }
0x10e: {  	[tilespmem:s24+$0x60] =	vst v5  }
0x10f: {  	[tilespmem:s24+$0xFFFFFFDB] =	vst v6;
	v5 =	vld [tilespmem:s25+$0x70]  }
0x110: {  	v6 =	vld [tilespmem:s25+$0xFFFFFFF0];
	[tilespmem:s26+$0x60] =	vst v7  }
0x111: {  	[tilespmem:s26+$0xFFFFFFDB] =	vst v8;
	v7 =	vld [tilespmem:s0+$0x70]  }
0x112: {  	v8 =	vld [tilespmem:s0+$0xFFFFFFF0]  }
0x113: {  	[tilespmem:s23+$0xFFFFFFEB] =	vst v4  }
0x114: {  	[tilespmem:s24+$0x70] =	vst v5  }
0x115: {  	p0 =	sgt.u32 s22, $0x1E43;
	[tilespmem:s24+$0xFFFFFFEB] =	vst v6  }
0x116: {  	s9 =	simm.s32 $0x1;
	s1 =	simm.s32 @!p0 $0x400;
	s0 =	sshll.u32 @!p0 s22, $0x7;
	[tilespmem:s26+$0x70] =	vst v7  }
0x117: {  	s5 =	simm.s32 @!p0 $0x7A1400;
	s6 =	simm.s32 @!p0 $0x2000;
	s0 =	sadd.s32 @!p0 s0, s7;
	[tilespmem:s26+$0xFFFFFFEB] =	vst v8  }
0x118: {  	[tilespmem:s6], [sflag:$0x2] =	stream.strided.gather @!p0 [hbm4b:s0+s1], $0x2000, s5, s1, $0x38;
	[tilespmem:$0xC300] =	vst v63  }
0x119: {  	v4 =	vadd.s32 s9, v0;
	p0 =	seq.s32 s21, $0x0  }
0x11a: {  	s1 =	simm.s32 @!p0 $0x4  }
0x11b: {  	s5 =	simm.s32 $0x0;
	_ =	swait.ge @!p0 [sflag:s1], $0x2000  }
0x11c: {  	s29 =	simm.s32 $0x2;
	v5 =	vadd.s32 s5, v0;
	[sflag:s1] =	ssyncset.done @!p0 $0x0  }
0x11d: {  	v8 =	vadd.s32 s29, v0;
	[sflag:s1] =	ssyncadd.s32 @!p0 $0xFFFFE000  }
0x11e: {  	v4 =	vld.idx.msk [tilespmem:v4+s16+$0x0], $0xffff  }
0x11f: {  	v6 =	vadd.s32 s9, v1;
	s1 =	simm.s32 $0x3  }
0x120: {  	v7 =	vadd.s32 s1, v0  }
0x121: {  	v5 =	vld.idx.msk [tilespmem:v5+s16+$0x0], $0xffff  }
0x122: {  	s28 =	simm.s32 $0xA320;
	v9 =	vadd.s32 s5, v1;
	v8 =	vld.idx.msk [tilespmem:v8+s16+$0x0], $0xffff  }
0x123: {  	s23 =	simm.s32 $0x4;
	v12 =	vadd.s32 s29, v1;
	[tilespmem:s28+$0x20] =	vst v4  }
0x124: {  	v4 =	vadd.s32 s23, v0;
	v6 =	vld.idx.msk [tilespmem:v6+s16+$0x0], $0xffff  }
0x125: {  	v10 =	vadd.s32 s9, v2;
	v7 =	vld.idx.msk [tilespmem:v7+s16+$0x0], $0xffff  }
0x126: {  	s25 =	simm.s32 $0xA3A0;
	s26 =	simm.s32 $0x5;
	v11 =	vadd.s32 s1, v1;
	[tilespmem:s28+$0xFFFFFFE0] =	vst v5  }
0x127: {  	s6 =	simm.s32 $0x40;
	[tilespmem:s25+$0xFFFFFFE0] =	vst v8;
	v5 =	vadd.s32 s26, v0;
	v9 =	vld.idx.msk [tilespmem:v9+s16+$0x0], $0xffff  }
0x128: {  	s24 =	simm.s32 $0x6;
	s8 =	sor.u32 $0x50, s6;
	v13 =	vadd.s32 s5, v2;
	v12 =	vld.idx.msk [tilespmem:v12+s16+$0x0], $0xffff  }
0x129: {  	v4 =	vld.idx.msk [tilespmem:v4+s16+$0x0], $0xffff;
	[tilespmem:s8+$0xA300] =	vst v6;
	v6 =	vadd.s32 s24, v0  }
0x12a: {  	v17 =	vadd.s32 s23, v1;
	[tilespmem:s25+$0x20] =	vst v7;
	v7 =	vld.idx.msk [tilespmem:v10+s16+$0x0], $0xffff  }
0x12b: {  	v10 =	vld.idx.msk [tilespmem:v11+s16+$0x0], $0xffff;
	v11 =	vadd.s32 s9, v3  }
0x12c: {  	v8 =	vadd.s32 s1, v2;
	v5 =	vld.idx.msk [tilespmem:v5+s16+$0x0], $0xffff;
	[tilespmem:s28+$0xFFFFFFF0] =	vst v9  }
0x12d: {  	s30 =	simm.s32 $0x7;
	v9 =	vadd.s32 s26, v1;
	s9 =	simm.s32 $0xA420;
	v16 =	vld.idx.msk [tilespmem:v13+s16+$0x0], $0xffff  }
0x12e: {  	s11 =	simm.s32 $0xC0;
	s10 =	sor.u32 $0x60, s6;
	v13 =	vadd.s32 s30, v0;
	[tilespmem:s9+$0xFFFFFFE0] =	vst v4;
	v6 =	vld.idx.msk [tilespmem:v6+s16+$0x0], $0xffff  }
0x12f: {  	s18 =	sor.u32 $0x50, s11;
	v18 =	vadd.s32 s29, v2;
	v4 =	vld.idx.msk [tilespmem:v17+s16+$0x0], $0xffff;
	[tilespmem:s10+$0xA300] =	vst v7  }
0x130: {  	s0 =	simm.s32 $0x8;
	v15 =	vadd.s32 s5, v3;
	[tilespmem:s18+$0xA300] =	vst v10;
	v7 =	vld.idx.msk [tilespmem:v11+s16+$0x0], $0xffff  }
0x131: {  	v14 =	vadd.s32 s0, v0;
	[tilespmem:s9+$0x20] =	vst v5;
	v8 =	vld.idx.msk [tilespmem:v8+s16+$0x0], $0xffff  }
0x132: {  	[tilespmem:s25+$0xFFFFFFF0] =	vst v12;
	v12 =	vadd.s32 s1, v3;
	v9 =	vld.idx.msk [tilespmem:v9+s16+$0x0], $0xffff  }
0x133: {  	s31 =	simm.s32 $0xA420;
	s1 =	simm.s32 $0x9;
	v10 =	vld.idx.msk [tilespmem:v13+s16+$0x0], $0xffff;
	v13 =	vadd.s32 s26, v2  }
0x134: {  	s8 =	sor.u32 $0x70, s6;
	s6 =	simm.s32 $0xC0;
	v5 =	vld.idx.msk [tilespmem:v18+s16+$0x0], $0xffff;
	s10 =	simm.s32 $0xA;
	[tilespmem:s28+$0x0] =	vst v16;
	v11 =	vadd.s32 s30, v1  }
.LBB2_12:
0x135: {  	p0 =	slt.u32 s10, $0x7E;
	v16 =	vadd.s32 s1, v0;
	s5 =	sor.u32 $0x60, s11;
	s6 =	sadd.s32 $0x80, s6;
	v17 =	vld.idx.msk [tilespmem:v15+s16+$0x0], $0xffff;
	[tilespmem:s8+$0xA300] =	vst v7  }
0x136: {  	v19 =	vadd.s32 s24, v1;
	v18 =	vld.idx.msk [tilespmem:v14+s16+$0x0], $0xffff;
	s8 =	sor.u32 $0x50, s6;
	[tilespmem:s5+$0xA300] =	vst v8;
	s5 =	smov.u32 s11;
	s11 =	smov.u32 s6  }
0x137: {  	v20 =	vadd.s32 s23, v2;
	s9 =	sadd.s32 $0x80, s9;
	s18 =	smov.u32 s28;
	s28 =	smov.u32 s25;
	[tilespmem:s8+$0xA300] =	vst v9;
	v7 =	vld.idx.msk [tilespmem:v12+s16+$0x0], $0xffff  }
.Ltmp9:
0x138: {  	v15 =	vadd.s32 s29, v3;
	s25 =	smov.u32 s31;
	s31 =	smov.u32 s9;
	[tilespmem:s9+$0x20] =	vst v10;
	v8 =	vld.idx.msk [tilespmem:v13+s16+$0x0], $0xffff;
	(pc) =	sbr.rel @p0 .LBB2_12-.Ltmp9, $4  }
0x139: {  	s29 =	smov.u32 s23;
	s23 =	smov.u32 s24;
	s24 =	smov.u32 s0;
	v14 =	vadd.s32 s10, v0;
	[tilespmem:s9+$0xFFFFFFE0] =	vst v6;
	v9 =	vld.idx.msk [tilespmem:v11+s16+$0x0], $0xffff  }
0x13a: {  	s0 =	smov.u32 s10;
	v12 =	vadd.s32 s26, v3;
	s26 =	smov.u32 s30;
	s30 =	smov.u32 s1;
	v10 =	vld.idx.msk [tilespmem:v16+s16+$0x0], $0xffff;
	[tilespmem:s25+$0xFFFFFFF0] =	vst v4  }
0x13b: {  	v13 =	vadd.s32 s26, v2;
	v4 =	vld.idx.msk [tilespmem:v19+s16+$0x0], $0xffff;
	[tilespmem:s28+$0x0] =	vst v5  }
0x13c: {  	s10 =	sadd.s32 $0x2, s10;
	s1 =	sadd.s32 $0x1, s0;
	s8 =	sor.u32 $0x70, s5;
	v11 =	vadd.s32 s30, v1;
	v6 =	vmov v18;
	v5 =	vld.idx.msk [tilespmem:v20+s16+$0x0], $0xffff;
	[tilespmem:s18+$0x10] =	vst v17  }
0x13d: {  	_ = 	snop  }
0x13e: {  	v16 =	vadd.s32 s1, v0  }
0x13f: {  	s5 =	sor.u32 $0x60, s11;
	[tilespmem:s8+$0xA300] =	vst v7  }
0x140: {  	s10 =	sadd.s32 $0x80, s6;
	s9 =	sadd.s32 $0x80, s9;
	[tilespmem:s5+$0xA300] =	vst v8  }
0x141: {  	v45 =	vld.idx.msk [tilespmem:v15+s16+$0x0], $0xffff;
	s6 =	sor.u32 $0x50, s10;
	[tilespmem:s9+$0xFFFFFFE0] =	vst v6  }
0x142: {  	v46 =	vadd.s32 s24, v1;
	v48 =	vld.idx.msk [tilespmem:v14+s16+$0x0], $0xffff;
	[tilespmem:s6+$0xA300] =	vst v9  }
0x143: {  	[tilespmem:s31+$0xFFFFFFF0] =	vst v4;
	v4 =	vadd.s32 s0, v1;
	v47 =	vld.idx.msk [tilespmem:v16+s16+$0x0], $0xffff  }
0x144: {  	v49 =	vadd.s32 s1, v1;
	[tilespmem:s9+$0x20] =	vst v10;
	v12 =	vld.idx.msk [tilespmem:v12+s16+$0x0], $0xffff  }
0x145: {  	v13 =	vld.idx.msk [tilespmem:v13+s16+$0x0], $0xffff;
	[tilespmem:s25+$0x0] =	vst v5;
	v5 =	vadd.s32 s29, v3  }
0x146: {  	v50 =	vadd.s32 s23, v2;
	s5 =	sadd.s32 $0x80, s9;
	v11 =	vld.idx.msk [tilespmem:v11+s16+$0x0], $0xffff;
	[tilespmem:s28+$0x10] =	vst v45  }
0x147: {  	v52 =	vadd.s32 s30, v2;
	v51 =	vld.idx.msk [tilespmem:v46+s16+$0x0], $0xffff;
	[tilespmem:s5+$0xFFFFFFE0] =	vst v48  }
0x148: {  	s18 =	sor.u32 $0x70, s11;
	v53 =	vadd.s32 s24, v2;
	v4 =	vld.idx.msk [tilespmem:v4+s16+$0x0], $0xffff;
	[tilespmem:s5+$0x20] =	vst v47  }
0x149: {  	v56 =	vadd.s32 s0, v2;
	s11 =	sadd.s32 $0x80, s10;
	s28 =	sor.u32 $0x60, s10;
	[tilespmem:s18+$0xA300] =	vst v12;
	v6 =	vld.idx.msk [tilespmem:v49+s16+$0x0], $0xffff  }
0x14a: {  	v54 =	vadd.s32 s1, v2;
	s29 =	sor.u32 $0x50, s11;
	[tilespmem:s28+$0xA300] =	vst v13;
	v5 =	vld.idx.msk [tilespmem:v5+s16+$0x0], $0xffff  }
0x14b: {  	v57 =	vadd.s32 s26, v3;
	v55 =	vld.idx.msk [tilespmem:v50+s16+$0x0], $0xffff;
	[tilespmem:s29+$0xA300] =	vst v11  }
0x14c: {  	v58 =	vadd.s32 s23, v3;
	s18 =	sadd.s32 $0x80, s11;
	v8 =	vld.idx.msk [tilespmem:v52+s16+$0x0], $0xffff;
	[tilespmem:s9+$0xFFFFFFF0] =	vst v51  }
0x14d: {  	v59 =	vadd.s32 s30, v3;
	s23 =	sor.u32 $0x50, s18;
	v9 =	vld.idx.msk [tilespmem:v53+s16+$0x0], $0xffff;
	[tilespmem:s5+$0xFFFFFFF0] =	vst v4  }
0x14e: {  	v60 =	vadd.s32 s24, v3;
	v61 =	vld.idx.msk [tilespmem:v56+s16+$0x0], $0xffff;
	[tilespmem:s23+$0xA300] =	vst v6  }
0x14f: {  	[tilespmem:s25+$0x10] =	vst v5;
	v5 =	vadd.s32 s0, v3;
	v6 =	vld.idx.msk [tilespmem:v54+s16+$0x0], $0xffff  }
0x150: {  	v62 =	vld.idx.msk [tilespmem:v57+s16+$0x0], $0xffff;
	[tilespmem:s31+$0x0] =	vst v55;
	v4 =	vadd.s32 s1, v3;
	s25 =	sor.u32 $0x60, s11  }
0x151: {  	v11 =	vld.idx.msk [tilespmem:v58+s16+$0x0], $0xffff;
	[tilespmem:s25+$0xA300] =	vst v8  }
0x152: {  	v7 =	vld.idx.msk [tilespmem:v59+s16+$0x0], $0xffff;
	[tilespmem:s9+$0x0] =	vst v9  }
0x153: {  	s26 =	sor.u32 $0x60, s18;
	v63 =	vld.idx.msk [tilespmem:v60+s16+$0x0], $0xffff;
	[tilespmem:s5+$0x0] =	vst v61  }
0x154: {  	s28 =	sor.u32 $0x70, s10;
	v5 =	vld.idx.msk [tilespmem:v5+s16+$0x0], $0xffff;
	[tilespmem:s26+$0xA300] =	vst v6  }
0x155: {  	[tilespmem:s28+$0xA300] =	vst v62;
	v4 =	vld.idx.msk [tilespmem:v4+s16+$0x0], $0xffff  }
0x156: {  	s29 =	sor.u32 $0x70, s11;
	[tilespmem:s31+$0x10] =	vst v11  }
.Ltmp10:
0x157: {  	[tilespmem:s29+$0xA300] =	vst v7;
	(pc) =	sbr.rel .LBB2_14-.Ltmp10, $4  }
0x158: {  	[tilespmem:s9+$0x10] =	vst v63  }
0x159: {  	s30 =	sor.u32 $0x70, s18;
	s31 =	sshll.u32 s22, $0xA;
	[tilespmem:s5+$0x10] =	vst v5  }
0x15a: {  	s0 =	sadd.s32 s4, s31;
	[tilespmem:s30+$0xA300] =	vst v4  }
0x15b: {  	[hbm4b:s0+s2] =	stream.linear.scatter [tilespmem:s17], [sflag:$0x4], $0x2000, $0x38;
	[tilespmem:$0xC300] =	vst v63  }
.LBB2_16:
0x15c: {  	_ =	sfence.sel $0x180000  }
0x15d: {  	[bflag:$0x0] =	sbarrier.arrive $0xFFFF  }
0x15e: {  	_ =	strace $0x90000047  }
0x15f: {  	s0 =	stileid.u32;
	[bflag:$0x2] =	sbarrier.arrive $0xFFFF  }
0x160: {  	p0 =	sne.s32 s0, $0x0;
	s0 =	rddreg [dreg:$0x2]  }
0x161: {  	s0 =	sadd.s32 @!p0 $0x100000, s0  }
0x162: {  	[sflag:s0] =	ssyncadd.tile.s32 @!p0 $0x1;
	_ =	shalt  }
.Lfunc_end2:
_tile_overlayer_lowered:
.L_overlay_start_2:
0x163: {  	(tag) =	ssettag $0x2  }
0x164: {  	s0 =	rddreg [dreg:$0x0];
	s2 =	stileid.u32  }
0x165: {  	s1 =	rddreg [dreg:$0x1];
	p0 =	sne.s32 s2, $0x0  }
0x166: {  	s3 =	rddreg [dreg:$0x2];
	[bflag:$0x3] =	sbarrier.arrive $0xFFFF;
	s2 =	simm.s32 @!p0 $0x1C05  }
0x167: {  	[timem:s3], [sflag:s2] =	dma.local @!p0 [hbm:s0], s1  }
0x168: {  	s0 =	simm.s32 @!p0 $0x5  }
0x169: {  	_ =	swait.ge @!p0 [sflag:s0], s1  }
0x16a: {  	s1 =	ssub.s32 @!p0 $0x0, s1;
	[sflag:s0] =	ssyncset.done @!p0 $0x0  }
0x16b: {  	[sflag:s0] =	ssyncadd.s32 @!p0 s1  }
0x16c: {  	[bflag:$0x3] =	sbarrier.arrive $0xFFFF  }
0x16d: {  	_ =	shalt  }

// kernel: kernel.7.cloned.1.call-start
scs
__scs_entry_jumppad:
0x0: {  	(pc) =	sbr.rel $0x88, $3  }
0x1: {  	(tag) =	ssettag $0x0;
	lr =	simm.s32 $0x1  }
0x2: {  	[smem:$0x3F9F] =	sst lr;
	_ =	strace $0xD0000000  }
0x3: {  	_ = 	snop  }
0x4: {  	_ = 	snop  }
0x5: {  	_ = 	snop  }
0x6: {  	_ = 	snop  }
0x7: {  	_ = 	snop  }
__scs_overlays_trampoline_lowered:
0x8: {  	[smem:$0x3FAE] =	sst s0  }
0x9: {  	[smem:$0x3FAF] =	sst s1  }
0xa: {  	[smem:$0x3FB0] =	sst s2  }
0xb: {  	[smem:$0x3FB1] =	sst s3  }
0xc: {  	[smem:$0x3FB2] =	sst s4  }
0xd: {  	[smem:$0x3FB3] =	sst s5  }
0xe: {  	[smem:$0x3FB4] =	sst s6  }
0xf: {  	[smem:$0x3FB5] =	sst s7  }
0x10: {  	[smem:$0x3FB6] =	sst s8  }
0x11: {  	[smem:$0x3FB7] =	sst s9;
	s0 =	simm.s32 @!p0 $0x0  }
0x12: {  	s1 =	sld [smem:$0x3F9D];
	s0 =	simm.s32 @p0 $0x1  }
0x13: {  	[smem:$0x3FB8] =	sst s0;
	s0 =	simm.s32 @!p1 $0x0  }
0x14: {  	s2 =	sld [smem:$0x3F9C];
	s0 =	simm.s32 @p1 $0x1  }
0x15: {  	[smem:$0x3FB9] =	sst s0;
	s0 =	simm.s32 @!p2 $0x0  }
0x16: {  	s3 =	sld [smem:$0x3FDB];
	s0 =	simm.s32 @p2 $0x1  }
0x17: {  	s4 =	simm.s32 $0x1BF5;
	[smem:$0x3FBB] =	sst s0  }
0x18: {  	s0 =	sld [smem:$0x3F9E];
	_ =	swait.ge [sflag:s4], $0x0  }
0x19: {  	s7 =	sld [smem:$0x3F9F]  }
0x1a: {  	s8 =	sadd.s32 $0xFFFFE003, lr  }
0x1b: {  	s9 =	sadd.s32 $0xFFFFFEF7, lr;
	s5 =	simm.s32 $0xFFFFFFFF;
	p2 =	slt.u32 s8, $0xFFFFF086  }
0x1c: {  	p1 =	slt.u32 s9, $0xF7A;
	s5 =	simm.s32 @!p2 $0x0  }
0x1d: {  	s5 =	simm.s32 @p1 $0x1;
	p0 =	seq.s32 s7, s2  }
0x1e: {  	s7 =	smul.u32 @!p0 $0xF7A, s2;
	p2 =	seq.s32 @!p0 s5, $0x0  }
0x1f: {  	s9 =	smul.u32 $0xF7A, s1;
	s8 =	simm.s32 @!p0 $0x1BF5;
	p2 =	por !p2, p0  }
0x20: {  	[sflag:s8] =	ssyncset.s32 @!p0 $0xFFFFF086;
	s6 =	sadd.s32 @!p0 s3, s7;
	s7 =	simm.s32 @!p0 $0x108  }
0x21: {  	s3 =	sadd.s32 s3, s9;
	s6 =	sadd.s32 @!p0 $0x88, s6;
	s7 =	simm.s32 @p2 $0x1082  }
0x22: {  	[simem:s7], [sflag:s8] =	dma.local @!p0 [hbm:s6], $0xF7A  }
0x23: {  	s9 =	sor.u32 $0xD0000000, s2;
	s6 =	simm.s32 $0x108;
	_ =	swait.ge @!p0 [sflag:s8], $0x0  }
0x24: {  	s3 =	sadd.s32 $0x88, s3;
	s6 =	simm.s32 @!p1 $0x1082;
	[sflag:s4] =	ssyncset.s32 $0xFFFFF086  }
0x25: {  	[simem:s6], [sflag:s4] =	dma.local [hbm:s3], $0xF7A  }
0x26: {  	[smem:$0x3F9F] =	sst s1;
	(tag) =	ssettag s2;
	_ =	strace s9  }
0x27: {  	s1 =	sld [smem:$0x3FAF]  }
0x28: {  	s2 =	sld [smem:$0x3FB0]  }
0x29: {  	s4 =	sld [smem:$0x3FB2]  }
0x2a: {  	p0 =	seq.s32 s5, $0x0;
	s5 =	sld [smem:$0x3FB3]  }
0x2b: {  	s6 =	sld [smem:$0x3FB4]  }
0x2c: {  	s7 =	sld [smem:$0x3FB5]  }
0x2d: {  	s3 =	simm.s32 $0x108;
	s8 =	sld [smem:$0x3FB6]  }
0x2e: {  	s3 =	simm.s32 @!p0 $0x1082;
	s9 =	sld [smem:$0x3FB7]  }
0x2f: {  	lr =	sadd.s32 s0, s3;
	s0 =	sld [smem:$0x3FAE]  }
0x30: {  	s3 =	sld [smem:$0x3FB1]  }
0x31: {  	[smem:$0x3FBA] =	sst s10  }
0x32: {  	s10 =	sld [smem:$0x3FB8];
	_ =	sdelay $0x3  }
0x33: {  	p0 =	seq.s32 s10, $0x1;
	s10 =	sld [smem:$0x3FBA];
	_ =	sdelay $0x3  }
0x34: {  	[smem:$0x3FBA] =	sst s10  }
0x35: {  	s10 =	sld [smem:$0x3FB9];
	_ =	sdelay $0x3  }
0x36: {  	p1 =	seq.s32 s10, $0x1;
	s10 =	sld [smem:$0x3FBA];
	_ =	sdelay $0x3  }
0x37: {  	[smem:$0x3FBA] =	sst s10  }
0x38: {  	s10 =	sld [smem:$0x3FBB]  }
0x39: {  	_ = 	snop;
	(pc) =	sbr.ind lr, $3  }
0x3a: {  	_ = 	snop  }
0x3b: {  	_ = 	snop  }
0x3c: {  	p2 =	seq.s32 s10, $0x1;
	s10 =	sld [smem:$0x3FBA]  }
0x3d: {  	_ =	shalt  }
0x3e: {  	_ =	shalt  }
0x3f: {  	_ =	shalt  }
0x40: {  	_ =	shalt  }
0x41: {  	_ =	shalt  }
0x42: {  	_ =	shalt  }
0x43: {  	_ =	shalt  }
0x44: {  	_ =	shalt  }
0x45: {  	_ =	shalt  }
0x46: {  	_ =	shalt  }
0x47: {  	_ =	shalt  }
0x48: {  	_ =	shalt  }
0x49: {  	_ =	shalt  }
0x4a: {  	_ =	shalt  }
0x4b: {  	_ =	shalt  }
0x4c: {  	_ =	shalt  }
0x4d: {  	_ =	shalt  }
0x4e: {  	_ =	shalt  }
0x4f: {  	_ =	shalt  }
0x50: {  	_ =	shalt  }
0x51: {  	_ =	shalt  }
0x52: {  	_ =	shalt  }
0x53: {  	_ =	shalt  }
0x54: {  	_ =	shalt  }
0x55: {  	_ =	shalt  }
0x56: {  	_ =	shalt  }
0x57: {  	_ =	shalt  }
0x58: {  	_ =	shalt  }
0x59: {  	_ =	shalt  }
0x5a: {  	_ =	shalt  }
0x5b: {  	_ =	shalt  }
0x5c: {  	_ =	shalt  }
0x5d: {  	_ =	shalt  }
0x5e: {  	_ =	shalt  }
0x5f: {  	_ =	shalt  }
0x60: {  	_ =	shalt  }
0x61: {  	_ =	shalt  }
0x62: {  	_ =	shalt  }
0x63: {  	_ =	shalt  }
0x64: {  	_ =	shalt  }
0x65: {  	_ =	shalt  }
0x66: {  	_ =	shalt  }
0x67: {  	_ =	shalt  }
0x68: {  	_ =	shalt  }
0x69: {  	_ =	shalt  }
0x6a: {  	_ =	shalt  }
0x6b: {  	_ =	shalt  }
0x6c: {  	_ =	shalt  }
0x6d: {  	_ =	shalt  }
0x6e: {  	_ =	shalt  }
0x6f: {  	_ =	shalt  }
0x70: {  	_ =	shalt  }
0x71: {  	_ =	shalt  }
0x72: {  	_ =	shalt  }
0x73: {  	_ =	shalt  }
0x74: {  	_ =	shalt  }
0x75: {  	_ =	shalt  }
0x76: {  	_ =	shalt  }
0x77: {  	_ =	shalt  }
0x78: {  	_ =	shalt  }
0x79: {  	_ =	shalt  }
0x7a: {  	_ =	shalt  }
0x7b: {  	_ =	shalt  }
0x7c: {  	_ =	shalt  }
0x7d: {  	_ =	shalt  }
0x7e: {  	_ =	shalt  }
0x7f: {  	_ =	shalt  }
0x80: {  	_ =	shalt  }
0x81: {  	_ =	shalt  }
0x82: {  	_ =	shalt  }
0x83: {  	_ =	shalt  }
0x84: {  	_ =	shalt  }
0x85: {  	_ =	shalt  }
0x86: {  	_ =	shalt  }
0x87: {  	_ =	shalt  }
.Lfunc_end0:
.L_simem_size_0:
called_computation.1_lowered:
.L_overlay_start_0:
0x88: {  	s2 =	sld [smem:$0x3FD9]  }
0x89: {  	s3 =	sld [smem:$0x3FFE];
	_ =	sdelay $0x1  }
0x8a: {  	s1 =	srdreg.scid  }
0x8b: {  	s0 =	sand.u32 $0x1, s1  }
0x8c: {  	s17 =	sshll.u32 s0, $0xA;
	s2 =	sadd.s32 s3, s2  }
0x8d: {  	s2 =	sadd.s32 s2, s17  }
0x8e: {  	[smem:$0x3FC6] =	sst s2  }
0x8f: {  	_ = 	snop  }
0x90: {  	s2 =	sld [smem:$0x3FD0];
	(tm) =	ssettm $0x1  }
0x91: {  	s18 =	sld [smem:$0x3FFB];
	_ =	sdelay $0x3  }
0x92: {  	_ =	strace s18  }
0x93: {  	s3 =	sld [smem:$0x3FFC];
	_ =	sdelay $0x3  }
0x94: {  	_ =	strace s3  }
0x95: {  	s3 =	sld [smem:$0x3FFD];
	_ =	sdelay $0x3  }
0x96: {  	_ =	strace s3  }
0x97: {  	_ =	strace $0x8FFFFFFF  }
0x98: {  	s19 =	sld [smem:$0x3FDB];
	_ =	sdelay $0x1  }
0x99: {  	s4 =	simm.s32 $_scs_section_size  }
0x9a: {  	s5 =	simm.s32 $_size__tile_overlayer_lowered;
	s6 =	simm.s32 $_tile_overlayer_lowered  }
0x9b: {  	s22 =	simm.s32 $0x1BFF;
	s21 =	sshll.u32 s6, $0x1;
	s3 =	sadd.s32 s4, s19  }
0x9c: {  	s7 =	simm.s32 $0x0;
	s20 =	sshll.u32 s5, $0x1;
	s5 =	sadd.s32 s21, s3  }
0x9d: {  	[timem:s7], [sflag:s22] =	dma.local [hbm:s5], s20  }
0x9e: {  	_ =	swait.ge [sflag:s22], s20  }
0x9f: {  	s4 =	ssub.s32 $0x0, s20;
	[sflag:s22] =	ssyncset.done $0x0  }
0xa0: {  	[sflag:s22] =	ssyncadd.s32 s4;
	_ =	sdelay $0x1  }
0xa1: {  	s23 =	simm.s32 $0x1B8B  }
0xa2: {  	_ =	swait.ge [sflag:s23], $0x1  }
0xa3: {  	[sflag:s23] =	ssyncset.done $0x0  }
0xa4: {  	s25 =	simm.s32 $0x1B8E;
	s24 =	sld [smem:$0x3FFE];
	[sflag:s23] =	ssyncadd.s32 $0xFFFFFFFF  }
0xa5: {  	s26 =	simm.s32 $execute0_lowered;
	[smem:$0x3FD2] =	sst s25  }
0xa6: {  	s5 =	sshll.u32 s26, $0x1;
	_ =	strace $0x80000049;
	[dreg:$0x1] =	wrdreg $0xFFFFFFFF  }
0xa7: {  	s28 =	simm.s32 $_size_execute0_lowered;
	s3 =	sadd.s32 s3, s5;
	[dreg:$0x0] =	wrdreg $0x0  }
0xa8: {  	s5 =	sshll.u32 s28, $0x1;
	[dreg:$0x2] =	wrdreg s3  }
0xa9: {  	[dreg:$0x3] =	wrdreg s5  }
0xaa: {  	[dreg:$0x4] =	wrdreg $0xC0  }
0xab: {  	_ =	task [dreg:s7], $0x5FFFF  }
0xac: {  	[dreg:$0x1] =	wrdreg $0xFFFFFFFF  }
0xad: {  	[dreg:$0x0] =	wrdreg $0x60  }
0xae: {  	[dreg:$0x2] =	wrdreg s24  }
0xaf: {  	[dreg:$0x3] =	wrdreg s2  }
0xb0: {  	[dreg:$0x4] =	wrdreg $0x9  }
0xb1: {  	_ =	task.clear_ibuf [dreg:s7], $0x5FFFF;
	_ =	strace $0x90000049  }
0xb2: {  	s29 =	simm.s32 $0x9;
	_ =	strace $0x8000004B  }
0xb3: {  	_ =	swait.ge [sflag:s29], $0x1  }
0xb4: {  	[sflag:s29] =	ssyncadd.s32 $0xFFFFFFFF  }
0xb5: {  	_ =	strace $0x9000004B  }
0xb6: {  	_ =	sfence  }
0xb7: {  	s30 =	sld [smem:$0x0];
	_ =	sdelay $0x2  }
0xb8: {  	s31 =	sshll.u32 s1, $0xD;
	s1 =	sshrl.u32 s1, $0x2  }
0xb9: {  	s3 =	sand.u32 $0x4000, s31;
	s1 =	sadd.s32 s1, s30  }
0xba: {  	s0 =	sor.u32 s3, s0;
	s1 =	sshll.u32 s1, $0x11  }
0xbb: {  	s0 =	sor.u32 s1, s0  }
0xbc: {  	s0 =	sadd.s32 $0x8F2B, s0  }
0xbd: {  	[sflag:s0] =	ssyncadd.remote.s32 $0x1  }
0xbe: {  	_ =	sfence.sel $0xFFFF  }
0xbf: {  	[dreg:$0x0] =	wrdreg $0xFFFFFFFF;
	(pc) =	sbr.abs _section_cstart, $3  }
0xc0: {  	[dreg:$0x1] =	wrdreg $0xFFFFFFFF  }
0xc1: {  	_ =	task.clear_ibuf [dreg:s7], $0x2FFFF;
	_ =	strace $0x9FFFFFFF  }
0xc2: {  	(tm) =	ssettm $0x7FFFFFFF  }
0xc3: {  	_ =	shalt  }
tec
execute0_lowered:
.L_overlay_start_1:
0x0: {  	(tag) =	ssettag $0x1  }
0x1: {  	s0 =	rddreg [dreg:$0x0];
	s1 =	srdreg.scid  }
0x2: {  	s3 =	stileid.u32;
	s2 =	rddreg [dreg:$0x1];
	s20 =	simm.s32 $0x2  }
0x3: {  	s21 =	simm.s32 $0xC800;
	s28 =	simm.s32 $0xE5C0;
	s29 =	simm.s32 $0xE648  }
0x4: {  	s30 =	simm.s32 $0xE6D0;
	s31 =	simm.s32 $0xE758;
	s17 =	simm.s32 $0xE8F0  }
0x5: {  	s18 =	simm.s32 $0xE978;
	s15 =	simm.s32 $0x0;
	s1 =	sand.u32 $0x1, s1  }
0x6: {  	s4 =	sshll.u32 s3, $0x1;
	s3 =	simm.s32 $0x0;
	s8 =	sadd.s32 $0x2000, s2  }
0x7: {  	s9 =	sadd.s32 $0x3000, s2;
	s10 =	sadd.s32 $0x4000, s2;
	s11 =	sadd.s32 $0x5000, s2  }
0x8: {  	s12 =	sadd.s32 $0x6000, s2;
	s13 =	sadd.s32 $0x7000, s2;
	s5 =	sor.u32 s1, s4  }
0x9: {  	[smem:$0x7FF] =	sst s3;
	s1 =	ssub.s32 $0x2, s1;
	s4 =	smul.u32 $0xC80, s5  }
0xa: {  	_ =	strace $0x8000004A;
	s6 =	sshrl.u32 s1, $0x1;
	s5 =	smul.u32 $0xC8, s5  }
0xb: {  	v0 =	vlaneseq.u32;
	s25 =	ssub.s32 s1, s6;
	s1 =	simm.s32 $0xE7E0;
	s7 =	sadd.s32 s4, s0  }
0xc: {  	v0 =	vmul.u32 $0x88, v0;
	s4 =	sadd.s32 $0xA00, s0;
	s0 =	smax.u32 s25, $0x1;
	s25 =	simm.s32 $0x1  }
0xd: {  	s26 =	sadd.s32 $0x7A1C00, s7;
	s7 =	sadd.s32 $0x1000, s2;
	[dreg:$0x4] =	wrdreg s0  }
0xe: {  	v1 =	vadd.s32 $0x880, v0;
	v2 =	vadd.s32 $0x1100, v0;
	v3 =	vadd.s32 $0x1980, v0;
	s0 =	simm.s32 $0xE868;
	[dreg:$0x3] =	wrdreg s26;
	s26 =	simm.s32 $0xA600  }
.LBB2_1:
0xf: {  	[dreg:$0x5] =	wrdreg s15  }
0x10: {  	s6 =	rddreg [dreg:$0x3];
	s23 =	simm.s32 $0x5  }
0x11: {  	[tilespmem:s3], [sflag:$0x5] =	stream.linear.gather [hbm4b:s6+s3], $0x6400, $0x38;
	[tilespmem:$0xEA00] =	vst v63  }
0x12: {  	_ =	swait.ge [sflag:s23], $0x6400  }
0x13: {  	[sflag:s23] =	ssyncset.done $0x0  }
0x14: {  	[sflag:s23] =	ssyncadd.s32 $0xFFFF9C00  }
0x15: {  	v4 =	vld [tilespmem:$0x0];
	_ =	sdelay $0x1  }
0x16: {  	v5 =	vld [tilespmem:$0x10];
	_ =	sdelay $0x1  }
0x17: {  	v6 =	vld [tilespmem:$0x20]  }
0x18: {  	v4 =	vshll.u32 v4, $0x1  }
0x19: {  	v7 =	vld [tilespmem:$0x30];
	[tilespmem:$0xA400] =	vst v4;
	v4 =	vor.u32 $0x1, v4  }
0x1a: {  	[tilespmem:$0xA480] =	vst v4;
	v4 =	vshll.u32 v5, $0x1  }
0x1b: {  	v5 =	vld [tilespmem:$0x40];
	[tilespmem:$0xA410] =	vst v4;
	v4 =	vor.u32 $0x1, v4  }
0x1c: {  	[tilespmem:$0xA490] =	vst v4;
	v4 =	vshll.u32 v6, $0x1  }
0x1d: {  	v58 =	vld [tilespmem:$0x50];
	[tilespmem:$0xA420] =	vst v4;
	v4 =	vor.u32 $0x1, v4  }
0x1e: {  	[tilespmem:$0xA4A0] =	vst v4;
	v4 =	vshll.u32 v7, $0x1  }
0x1f: {  	v59 =	vld [tilespmem:$0x60];
	[tilespmem:$0xA430] =	vst v4;
	v4 =	vor.u32 $0x1, v4  }
0x20: {  	[tilespmem:$0xA4B0] =	vst v4;
	v4 =	vshll.u32 v5, $0x1  }
0x21: {  	v5 =	vld [tilespmem:$0x70];
	[tilespmem:$0xA440] =	vst v4;
	v4 =	vor.u32 $0x1, v4  }
0x22: {  	[tilespmem:$0xA4C0] =	vst v4;
	v4 =	vshll.u32 v58, $0x1  }
0x23: {  	[tilespmem:$0xA450] =	vst v4;
	v4 =	vor.u32 $0x1, v4  }
0x24: {  	[tilespmem:$0xA4D0] =	vst v4;
	v4 =	vshll.u32 v59, $0x1  }
0x25: {  	[tilespmem:$0xA460] =	vst v4;
	v4 =	vor.u32 $0x1, v4  }
0x26: {  	[tilespmem:$0xA4E0] =	vst v4;
	v4 =	vshll.u32 v5, $0x1  }
0x27: {  	[tilespmem:$0xA470] =	vst v4;
	v4 =	vor.u32 $0x1, v4  }
0x28: {  	s14 =	simm.s32 $0xA400;
	s24 =	simm.s32 $0x6400;
	s6 =	simm.s32 $0x80;
	[tilespmem:$0xA4F0] =	vst v4  }
0x29: {  	[tilespmem:s24], [sflag:$0x1] =	stream.indirect.gather [hbm4b:s4+s6], $0x20, s14, s6, $0xb8;
	[tilespmem:$0xEA00] =	vst v63  }
0x2a: {  	s15 =	simm.s32 $0xA480;
	s16 =	simm.s32 $0x7400  }
0x2b: {  	[tilespmem:s16], [sflag:$0x1] =	stream.indirect.gather [hbm4b:s4+s6], $0x20, s15, s6, $0xb8;
	[tilespmem:$0xEA00] =	vst v63  }
0x2c: {  	v4 =	vld [tilespmem:$0x80];
	_ =	sdelay $0x1  }
0x2d: {  	v5 =	vld [tilespmem:$0x90];
	_ =	sdelay $0x1  }
0x2e: {  	v60 =	vld [tilespmem:$0xA0]  }
0x2f: {  	v4 =	vshll.u32 v4, $0x1  }
0x30: {  	v61 =	vld [tilespmem:$0xB0];
	[tilespmem:$0xA500] =	vst v4;
	v4 =	vor.u32 $0x1, v4  }
0x31: {  	[tilespmem:$0xA580] =	vst v4;
	v4 =	vshll.u32 v5, $0x1  }
0x32: {  	v5 =	vld [tilespmem:$0xC0];
	[tilespmem:$0xA510] =	vst v4;
	v4 =	vor.u32 $0x1, v4  }
0x33: {  	[tilespmem:$0xA590] =	vst v4;
	v4 =	vshll.u32 v60, $0x1  }
0x34: {  	v62 =	vld [tilespmem:$0xD0];
	[tilespmem:$0xA520] =	vst v4;
	v4 =	vor.u32 $0x1, v4  }
0x35: {  	[tilespmem:$0xA5A0] =	vst v4;
	v4 =	vshll.u32 v61, $0x1  }
0x36: {  	v63 =	vld [tilespmem:$0xE0];
	[tilespmem:$0xA530] =	vst v4;
	v4 =	vor.u32 $0x1, v4  }
0x37: {  	[tilespmem:$0xA5B0] =	vst v4;
	v4 =	vshll.u32 v5, $0x1  }
0x38: {  	v5 =	vld [tilespmem:$0xF0];
	[tilespmem:$0xA540] =	vst v4;
	v4 =	vor.u32 $0x1, v4  }
0x39: {  	[tilespmem:$0xA5C0] =	vst v4;
	v4 =	vshll.u32 v62, $0x1  }
0x3a: {  	[tilespmem:$0xA550] =	vst v4;
	v4 =	vor.u32 $0x1, v4  }
0x3b: {  	[tilespmem:$0xA5D0] =	vst v4;
	v4 =	vshll.u32 v63, $0x1  }
0x3c: {  	[tilespmem:$0xA560] =	vst v4;
	v4 =	vor.u32 $0x1, v4  }
0x3d: {  	[tilespmem:$0xA5E0] =	vst v4;
	v4 =	vshll.u32 v5, $0x1  }
0x3e: {  	[tilespmem:$0xA570] =	vst v4;
	v4 =	vor.u32 $0x1, v4  }
0x3f: {  	s19 =	simm.s32 $0xA500;
	s22 =	simm.s32 $0x8400;
	[tilespmem:$0xA5F0] =	vst v4  }
0x40: {  	[tilespmem:s22], [sflag:$0x2] =	stream.indirect.gather [hbm4b:s4+s6], $0x20, s19, s6, $0xb8;
	[tilespmem:$0xEA00] =	vst v63  }
0x41: {  	s23 =	simm.s32 $0xA580;
	s24 =	simm.s32 $0x9400;
	s19 =	simm.s32 $0x0  }
0x42: {  	[tilespmem:s24], [sflag:$0x2] =	stream.indirect.gather [hbm4b:s4+s6], $0x20, s23, s6, $0xb8;
	[tilespmem:$0xEA00] =	vst v63  }
.LBB2_2:
0x43: {  	_ =	swait.ge [sflag:s25], $0x1000  }
0x44: {  	[sflag:s25] =	ssyncset.done $0x0  }
0x45: {  	[sflag:s25] =	ssyncadd.s32 $0xFFFFF000  }
0x46: {  	_ =	swait.ge [sflag:s25], $0x1000  }
0x47: {  	p1 =	seq.s32 s19, $0x0;
	[sflag:s25] =	ssyncset.done $0x0  }
0x48: {  	s6 =	simm.s32 @!p1 $0x3;
	[sflag:s25] =	ssyncadd.s32 $0xFFFFF000  }
0x49: {  	_ =	swait.ge @!p1 [sflag:s6], $0x400  }
0x4a: {  	[sflag:s6] =	ssyncset.done @!p1 $0x0  }
0x4b: {  	[sflag:s6] =	ssyncadd.s32 @!p1 $0xFFFFFC00  }
0x4c: {  	_ =	swait.ge @!p1 [sflag:s6], $0x400  }
0x4d: {  	[sflag:s6] =	ssyncset.done @!p1 $0x0  }
0x4e: {  	[sflag:s6] =	ssyncadd.s32 @!p1 $0xFFFFFC00  }
0x4f: {  	_ =	swait.ge @!p1 [sflag:s6], $0x400  }
0x50: {  	[sflag:s6] =	ssyncset.done @!p1 $0x0  }
0x51: {  	[sflag:s6] =	ssyncadd.s32 @!p1 $0xFFFFFC00  }
0x52: {  	_ =	swait.ge @!p1 [sflag:s6], $0x400  }
0x53: {  	[sflag:s6] =	ssyncset.done @!p1 $0x0  }
0x54: {  	[sflag:s6] =	ssyncadd.s32 @!p1 $0xFFFFFC00  }
0x55: {  	_ =	swait.ge @!p1 [sflag:s6], $0x400  }
0x56: {  	[sflag:s6] =	ssyncset.done @!p1 $0x0  }
0x57: {  	[sflag:s6] =	ssyncadd.s32 @!p1 $0xFFFFFC00  }
0x58: {  	_ =	swait.ge @!p1 [sflag:s6], $0x400  }
0x59: {  	[sflag:s6] =	ssyncset.done @!p1 $0x0  }
0x5a: {  	[sflag:s6] =	ssyncadd.s32 @!p1 $0xFFFFFC00  }
0x5b: {  	_ =	swait.ge @!p1 [sflag:s6], $0x400  }
0x5c: {  	[sflag:s6] =	ssyncset.done @!p1 $0x0  }
0x5d: {  	[sflag:s6] =	ssyncadd.s32 @!p1 $0xFFFFFC00  }
0x5e: {  	_ =	swait.ge @!p1 [sflag:s6], $0x400  }
0x5f: {  	[sflag:s6] =	ssyncset.done @!p1 $0x0  }
0x60: {  	s14 =	simm.s32 $0x7400;
	s22 =	simm.s32 $0x3;
	[sflag:s6] =	ssyncadd.s32 @!p1 $0xFFFFFC00  }
0x61: {  	v4 =	vmov s22;
	v5 =	vld [tilespmem:s14+$0xFFFFF060]  }
0x62: {  	v9 =	vand.u32 $0x7F, v4  }
0x63: {  	s23 =	simm.s32 $0x0;
	v4 =	vadd.s32 v0, v9  }
0x64: {  	s24 =	simm.s32 $0x1;
	s15 =	simm.s32 $0x2;
	v6 =	vmov s23;
	v7 =	vld [tilespmem:s14+$0xFFFFF000]  }
0x65: {  	v11 =	vmov s15;
	v8 =	vand.u32 $0x7C, v6;
	v6 =	vmov s24;
	v10 =	vld [tilespmem:s14+$0xFFFFF020]  }
0x66: {  	v12 =	vadd.s32 v0, v8;
	v15 =	vand.u32 $0x7D, v6;
	v6 =	vld [tilespmem:s14+$0xFFFFF040];
	v5 =	vmul.f32 $8.000000000e+00, v5  }
0x67: {  	v17 =	vand.u32 $0x7E, v11;
	v13 =	vadd.s32 v0, v15  }
0x68: {  	v11 =	vadd.s32 v0, v17;
	[tilespmem:v4+s26+$0x0] =	vst.idx.msk $0xffff, v5  }
0x69: {  	v4 =	vmul.f32 $8.000000000e+00, v7;
	v5 =	vld [tilespmem:s14+$0xFFFFF070]  }
0x6a: {  	v7 =	vmul.f32 $8.000000000e+00, v10  }
0x6b: {  	[tilespmem:v12+s26+$0x0] =	vst.idx.msk $0xffff, v4;
	v4 =	vmul.f32 $8.000000000e+00, v6;
	v6 =	vadd.s32 v1, v9  }
0x6c: {  	[tilespmem:v13+s26+$0x0] =	vst.idx.msk $0xffff, v7;
	v10 =	vld [tilespmem:s14+$0xFFFFF010]  }
0x6d: {  	v7 =	vld [tilespmem:s14+$0xFFFFF030];
	[tilespmem:v11+s26+$0x0] =	vst.idx.msk $0xffff, v4  }
0x6e: {  	v11 =	vld [tilespmem:s14+$0xFFFFF050];
	v4 =	vmul.f32 $8.000000000e+00, v5  }
0x6f: {  	s16 =	simm.s32 $0x4;
	s23 =	simm.s32 $0x7;
	s22 =	simm.s32 $0x7480;
	v12 =	vadd.s32 v1, v15  }
0x70: {  	v14 =	vld [tilespmem:s22+$0xFFFFF060];
	v13 =	vadd.s32 v1, v17;
	v5 =	vmov s16;
	[tilespmem:v6+s26+$0x0] =	vst.idx.msk $0xffff, v4;
	v6 =	vmov s23  }
0x71: {  	v16 =	vadd.s32 v1, v8;
	v4 =	vand.u32 $0x7C, v5;
	v5 =	vand.u32 $0x7F, v6;
	v18 =	vld [tilespmem:s14+$0x60]  }
0x72: {  	s24 =	simm.s32 $0x5;
	v22 =	vadd.s32 v2, v9;
	v19 =	vld [tilespmem:s22+$0xFFFFF000];
	v6 =	vmul.f32 $8.000000000e+00, v7;
	v20 =	vadd.s32 v0, v5  }
0x73: {  	s15 =	simm.s32 $0x6;
	v21 =	vld [tilespmem:s22+$0xFFFFF020];
	v10 =	vmul.f32 $8.000000000e+00, v10;
	v7 =	vmul.f32 $8.000000000e+00, v11;
	v11 =	vmov s24  }
0x74: {  	v23 =	vadd.s32 v0, v4;
	[tilespmem:v12+s26+$0x0] =	vst.idx.msk $0xffff, v6;
	v12 =	vmov s15;
	v6 =	vand.u32 $0x7D, v11;
	v11 =	vld [tilespmem:s22+$0xFFFFF040]  }
0x75: {  	[tilespmem:v13+s26+$0x0] =	vst.idx.msk $0xffff, v7;
	v13 =	vadd.s32 v0, v6;
	v7 =	vand.u32 $0x7E, v12;
	v12 =	vmul.f32 $8.000000000e+00, v14;
	v14 =	vld [tilespmem:s14+$0x20]  }
0x76: {  	[tilespmem:v16+s26+$0x0] =	vst.idx.msk $0xffff, v10;
	v10 =	vadd.s32 v0, v7;
	v16 =	vld [tilespmem:s14+$0x40];
	v18 =	vmul.f32 $8.000000000e+00, v18  }
0x77: {  	v19 =	vmul.f32 $8.000000000e+00, v19;
	[tilespmem:v20+s26+$0x0] =	vst.idx.msk $0xffff, v12;
	v12 =	vld [tilespmem:s14+$0x0];
	v20 =	vadd.s32 v2, v15  }
0x78: {  	v25 =	vadd.s32 v2, v17;
	v21 =	vmul.f32 $8.000000000e+00, v21;
	v24 =	vld [tilespmem:s22+$0xFFFFF070];
	[tilespmem:v22+s26+$0x0] =	vst.idx.msk $0xffff, v18  }
0x79: {  	[tilespmem:v23+s26+$0x0] =	vst.idx.msk $0xffff, v19;
	v19 =	vadd.s32 v2, v8;
	v11 =	vmul.f32 $8.000000000e+00, v11;
	v22 =	vld [tilespmem:s14+$0x70]  }
0x7a: {  	v23 =	vld [tilespmem:s22+$0xFFFFF010];
	[tilespmem:v13+s26+$0x0] =	vst.idx.msk $0xffff, v21;
	v21 =	vadd.s32 v1, v5;
	v14 =	vmul.f32 $8.000000000e+00, v14  }
0x7b: {  	v27 =	vadd.s32 v3, v9;
	v26 =	vld [tilespmem:s22+$0xFFFFF030];
	[tilespmem:v10+s26+$0x0] =	vst.idx.msk $0xffff, v11;
	v10 =	vmul.f32 $8.000000000e+00, v16  }
0x7c: {  	v18 =	vadd.s32 v1, v4;
	v13 =	vld [tilespmem:s22+$0xFFFFF050];
	v9 =	vmul.f32 $8.000000000e+00, v12;
	[tilespmem:v20+s26+$0x0] =	vst.idx.msk $0xffff, v14  }
0x7d: {  	s6 =	simm.s32 $0x8;
	v16 =	vadd.s32 v1, v6;
	[tilespmem:v25+s26+$0x0] =	vst.idx.msk $0xffff, v10;
	v14 =	vmul.f32 $8.000000000e+00, v24;
	v12 =	vld [tilespmem:s14+$0x30]  }
0x7e: {  	v20 =	vmov s6;
	v10 =	vadd.s32 v1, v7;
	v11 =	vld [tilespmem:s14+$0x50];
	[tilespmem:v19+s26+$0x0] =	vst.idx.msk $0xffff, v9;
	v63 =	vmul.f32 $8.000000000e+00, v22  }
0x7f: {  	s16 =	simm.s32 $0xB;
	s24 =	simm.s32 $0x7500;
	v15 =	vadd.s32 v3, v15;
	v9 =	vand.u32 $0x7C, v20;
	v20 =	vmul.f32 $8.000000000e+00, v23;
	[tilespmem:v21+s26+$0x0] =	vst.idx.msk $0xffff, v14;
	v14 =	vld [tilespmem:s14+$0x10]  }
0x80: {  	v17 =	vadd.s32 v3, v17;
	s23 =	sshll.u32 s19, $0x1;
	v22 =	vmov s16;
	v19 =	vld [tilespmem:s24+$0xFFFFF060];
	s14 =	simm.s32 $0xC;
	v21 =	vmul.f32 $8.000000000e+00, v26;
	[tilespmem:v27+s26+$0x0] =	vst.idx.msk $0xffff, v63  }
.LBB2_3:
0x81: {  	p0 =	slt.u32 s14, $0x7C;
	s15 =	sadd.s32 $0x1, s6;
	v22 =	vand.u32 $0x7F, v22;
	[tilespmem:v18+s26+$0x0] =	vst.idx.msk $0xffff, v20;
	v13 =	vmul.f32 $8.000000000e+00, v13;
	v18 =	vld [tilespmem:s22+$0x60];
	v20 =	vadd.s32 v3, v8;
	v8 =	vmovc v4  }
0x82: {  	v4 =	vmovc v9;
	v23 =	vld [tilespmem:s24+$0xFFFFF000];
	v24 =	vmov s15;
	s15 =	sadd.s32 $0x2, s6;
	v25 =	vadd.s32 v0, v22;
	[tilespmem:v16+s26+$0x0] =	vst.idx.msk $0xffff, v21;
	v12 =	vmul.f32 $8.000000000e+00, v12;
	s6 =	smov.u32 s14  }
0x83: {  	v9 =	vld [tilespmem:s24+$0xFFFFF020];
	v16 =	vmov s15;
	[tilespmem:v10+s26+$0x0] =	vst.idx.msk $0xffff, v13;
	v10 =	vadd.s32 v2, v5;
	v11 =	vmul.f32 $8.000000000e+00, v11  }
0x84: {  	v13 =	vadd.s32 v0, v4;
	v21 =	vand.u32 $0x7D, v24;
	v24 =	vld [tilespmem:s24+$0xFFFFF040];
	v14 =	vmul.f32 $8.000000000e+00, v14;
	[tilespmem:v15+s26+$0x0] =	vst.idx.msk $0xffff, v12  }
0x85: {  	v12 =	vadd.s32 v0, v21;
	v26 =	vand.u32 $0x7E, v16;
	v15 =	vmul.f32 $8.000000000e+00, v19;
	v16 =	vld [tilespmem:s22+$0x20];
	[tilespmem:v17+s26+$0x0] =	vst.idx.msk $0xffff, v11  }
0x86: {  	v11 =	vadd.s32 v0, v26;
	v17 =	vld [tilespmem:s22+$0x40];
	v18 =	vmul.f32 $8.000000000e+00, v18;
	[tilespmem:v20+s26+$0x0] =	vst.idx.msk $0xffff, v14  }
0x87: {  	v19 =	vadd.s32 v2, v6;
	v14 =	vmul.f32 $8.000000000e+00, v23;
	[tilespmem:v25+s26+$0x0] =	vst.idx.msk $0xffff, v15;
	v15 =	vld [tilespmem:s22+$0x0]  }
0x88: {  	v23 =	vadd.s32 v2, v7;
	v9 =	vmul.f32 $8.000000000e+00, v9;
	v20 =	vld [tilespmem:s24+$0xFFFFF070];
	[tilespmem:v10+s26+$0x0] =	vst.idx.msk $0xffff, v18  }
0x89: {  	[tilespmem:v13+s26+$0x0] =	vst.idx.msk $0xffff, v14;
	v10 =	vmul.f32 $8.000000000e+00, v24;
	v14 =	vadd.s32 v2, v8;
	v24 =	vld [tilespmem:s22+$0x70]  }
0x8a: {  	v27 =	vadd.s32 v1, v22;
	v25 =	vld [tilespmem:s24+$0xFFFFF010];
	[tilespmem:v12+s26+$0x0] =	vst.idx.msk $0xffff, v9;
	v9 =	vmul.f32 $8.000000000e+00, v16  }
0x8b: {  	v29 =	vadd.s32 v3, v5;
	v5 =	vmov v22;
	v28 =	vld [tilespmem:s24+$0xFFFFF030];
	[tilespmem:v11+s26+$0x0] =	vst.idx.msk $0xffff, v10;
	v10 =	vmul.f32 $8.000000000e+00, v17  }
.Ltmp0:
0x8c: {  	v18 =	vadd.s32 v1, v4;
	v13 =	vld [tilespmem:s24+$0xFFFFF050];
	v11 =	vmul.f32 $8.000000000e+00, v15;
	[tilespmem:v19+s26+$0x0] =	vst.idx.msk $0xffff, v9;
	(pc) =	sbr.rel @p0 .LBB2_3-.Ltmp0, $4  }
0x8d: {  	v16 =	vadd.s32 v1, v21;
	v15 =	vmul.f32 $8.000000000e+00, v20;
	v12 =	vld [tilespmem:s22+$0x30];
	[tilespmem:v23+s26+$0x0] =	vst.idx.msk $0xffff, v10  }
0x8e: {  	v9 =	vmov s14;
	v10 =	vadd.s32 v1, v26;
	[tilespmem:v14+s26+$0x0] =	vst.idx.msk $0xffff, v11;
	v11 =	vld [tilespmem:s22+$0x50];
	v23 =	vmul.f32 $8.000000000e+00, v24  }
0x8f: {  	s15 =	sadd.s32 $0x3, s14;
	v9 =	vand.u32 $0x7C, v9;
	v20 =	vmul.f32 $8.000000000e+00, v25;
	[tilespmem:v27+s26+$0x0] =	vst.idx.msk $0xffff, v15;
	v14 =	vld [tilespmem:s22+$0x10];
	v15 =	vadd.s32 v3, v6;
	v6 =	vmovc v21;
	s22 =	smov.u32 s24;
	s24 =	sadd.s32 $0x80, s24  }
0x90: {  	v22 =	vmov s15;
	v17 =	vadd.s32 v3, v7;
	v7 =	vmovc v26;
	s14 =	sadd.s32 $0x4, s14;
	v19 =	vld [tilespmem:s24+$0xFFFFF060];
	v21 =	vmul.f32 $8.000000000e+00, v28;
	[tilespmem:v29+s26+$0x0] =	vst.idx.msk $0xffff, v23  }
0x91: {  	s14 =	sadd.s32 $0x1, s6  }
0x92: {  	v22 =	vand.u32 $0x7F, v22;
	v24 =	vld [tilespmem:s24+$0xFFFFF020];
	v23 =	vmov s14;
	s14 =	sadd.s32 $0x2, s6  }
0x93: {  	v27 =	vld [tilespmem:s24+$0xFFFFF040];
	v25 =	vadd.s32 v0, v22;
	v26 =	vmov s14;
	v23 =	vand.u32 $0x7D, v23  }
0x94: {  	v28 =	vld [tilespmem:s24+$0xFFFFF000];
	v29 =	vadd.s32 v0, v23;
	v26 =	vand.u32 $0x7E, v26  }
0x95: {  	v30 =	vadd.s32 v0, v26  }
0x96: {  	[tilespmem:v18+s26+$0x0] =	vst.idx.msk $0xffff, v20;
	v18 =	vadd.s32 v0, v9;
	v19 =	vmul.f32 $8.000000000e+00, v19  }
0x97: {  	[tilespmem:v16+s26+$0x0] =	vst.idx.msk $0xffff, v21;
	v16 =	vmul.f32 $8.000000000e+00, v24  }
0x98: {  	[tilespmem:v25+s26+$0x0] =	vst.idx.msk $0xffff, v19;
	v19 =	vmul.f32 $8.000000000e+00, v27  }
0x99: {  	v20 =	vmul.f32 $8.000000000e+00, v28;
	[tilespmem:v29+s26+$0x0] =	vst.idx.msk $0xffff, v16;
	v16 =	vld [tilespmem:s24+$0xFFFFF070]  }
0x9a: {  	v13 =	vmul.f32 $8.000000000e+00, v13;
	v8 =	vadd.s32 v3, v8;
	v21 =	vld [tilespmem:s24+$0xFFFFF030];
	[tilespmem:v30+s26+$0x0] =	vst.idx.msk $0xffff, v19  }
0x9b: {  	v12 =	vmul.f32 $8.000000000e+00, v12;
	[tilespmem:v18+s26+$0x0] =	vst.idx.msk $0xffff, v20;
	v18 =	vadd.s32 v1, v22;
	v19 =	vld [tilespmem:s24+$0xFFFFF050]  }
0x9c: {  	[tilespmem:v10+s26+$0x0] =	vst.idx.msk $0xffff, v13;
	v10 =	vmul.f32 $8.000000000e+00, v11;
	v13 =	vadd.s32 v1, v23;
	v11 =	vld [tilespmem:s24+$0xFFFFF010]  }
0x9d: {  	v14 =	vmul.f32 $8.000000000e+00, v14;
	[tilespmem:v15+s26+$0x0] =	vst.idx.msk $0xffff, v12;
	v12 =	vadd.s32 v1, v26;
	v20 =	vld [tilespmem:s22+$0x60]  }
0x9e: {  	v15 =	vld [tilespmem:s22+$0x20];
	[tilespmem:v17+s26+$0x0] =	vst.idx.msk $0xffff, v10;
	v10 =	vadd.s32 v1, v9;
	v16 =	vmul.f32 $8.000000000e+00, v16  }
0x9f: {  	v58 =	vld [tilespmem:s22+$0x40];
	v17 =	vadd.s32 v2, v5;
	[tilespmem:v8+s26+$0x0] =	vst.idx.msk $0xffff, v14;
	v8 =	vmul.f32 $8.000000000e+00, v21  }
0xa0: {  	v14 =	vld [tilespmem:s22+$0x0];
	v21 =	vadd.s32 v2, v6;
	[tilespmem:v18+s26+$0x0] =	vst.idx.msk $0xffff, v16;
	v16 =	vmul.f32 $8.000000000e+00, v19  }
0xa1: {  	v11 =	vmul.f32 $8.000000000e+00, v11;
	v18 =	vadd.s32 v2, v7;
	v19 =	vld [tilespmem:s24+$0x60];
	[tilespmem:v13+s26+$0x0] =	vst.idx.msk $0xffff, v8  }
0xa2: {  	v8 =	vmul.f32 $8.000000000e+00, v20;
	v13 =	vadd.s32 v2, v4;
	[tilespmem:v12+s26+$0x0] =	vst.idx.msk $0xffff, v16;
	v12 =	vld [tilespmem:s24+$0x20]  }
0xa3: {  	v15 =	vmul.f32 $8.000000000e+00, v15;
	[tilespmem:v10+s26+$0x0] =	vst.idx.msk $0xffff, v11;
	v10 =	vadd.s32 v2, v22;
	v11 =	vld [tilespmem:s24+$0x40]  }
0xa4: {  	v16 =	vld [tilespmem:s24+$0x0];
	[tilespmem:v17+s26+$0x0] =	vst.idx.msk $0xffff, v8;
	v8 =	vmul.f32 $8.000000000e+00, v58;
	v17 =	vadd.s32 v2, v23  }
0xa5: {  	v14 =	vmul.f32 $8.000000000e+00, v14;
	v20 =	vld [tilespmem:s22+$0x70];
	[tilespmem:v21+s26+$0x0] =	vst.idx.msk $0xffff, v15;
	v15 =	vadd.s32 v2, v26  }
0xa6: {  	v21 =	vld [tilespmem:s22+$0x30];
	[tilespmem:v18+s26+$0x0] =	vst.idx.msk $0xffff, v8;
	v18 =	vadd.s32 v2, v9;
	v8 =	vmul.f32 $8.000000000e+00, v19  }
0xa7: {  	v5 =	vadd.s32 v3, v5;
	[tilespmem:v13+s26+$0x0] =	vst.idx.msk $0xffff, v14;
	v13 =	vld [tilespmem:s22+$0x50];
	v12 =	vmul.f32 $8.000000000e+00, v12  }
0xa8: {  	v6 =	vadd.s32 v3, v6;
	v14 =	vld [tilespmem:s22+$0x10];
	[tilespmem:v10+s26+$0x0] =	vst.idx.msk $0xffff, v8;
	v8 =	vmul.f32 $8.000000000e+00, v11  }
0xa9: {  	v7 =	vadd.s32 v3, v7;
	v11 =	vmul.f32 $8.000000000e+00, v16;
	v10 =	vld [tilespmem:s24+$0x70];
	[tilespmem:v17+s26+$0x0] =	vst.idx.msk $0xffff, v12  }
0xaa: {  	v4 =	vadd.s32 v3, v4;
	v12 =	vmul.f32 $8.000000000e+00, v20;
	v16 =	vld [tilespmem:s24+$0x30];
	[tilespmem:v15+s26+$0x0] =	vst.idx.msk $0xffff, v8  }
0xab: {  	v8 =	vmul.f32 $8.000000000e+00, v21;
	v15 =	vadd.s32 v3, v22;
	[tilespmem:v18+s26+$0x0] =	vst.idx.msk $0xffff, v11;
	v11 =	vld [tilespmem:s24+$0x50]  }
0xac: {  	[tilespmem:v5+s26+$0x0] =	vst.idx.msk $0xffff, v12;
	v5 =	vmul.f32 $8.000000000e+00, v13;
	v12 =	vld [tilespmem:s24+$0x10];
	v13 =	vadd.s32 v3, v23  }
0xad: {  	v14 =	vmul.f32 $8.000000000e+00, v14;
	[tilespmem:v6+s26+$0x0] =	vst.idx.msk $0xffff, v8;
	v6 =	vadd.s32 v3, v26  }
0xae: {  	[tilespmem:v7+s26+$0x0] =	vst.idx.msk $0xffff, v5;
	v7 =	vadd.s32 v3, v9;
	v5 =	vmul.f32 $8.000000000e+00, v10  }
0xaf: {  	[tilespmem:v4+s26+$0x0] =	vst.idx.msk $0xffff, v14;
	v4 =	vmul.f32 $8.000000000e+00, v16  }
0xb0: {  	[tilespmem:v15+s26+$0x0] =	vst.idx.msk $0xffff, v5;
	v5 =	vmul.f32 $8.000000000e+00, v11  }
0xb1: {  	p0 =	seq.s32 s19, $0x63;
	v8 =	vmul.f32 $8.000000000e+00, v12;
	[tilespmem:v13+s26+$0x0] =	vst.idx.msk $0xffff, v4  }
0xb2: {  	s6 =	sshll.u32 @!p0 s19, $0x8;
	[tilespmem:v6+s26+$0x0] =	vst.idx.msk $0xffff, v5  }
0xb3: {  	s22 =	sand.u32 @!p0 $0x3FFFFF00, s6;
	[tilespmem:v7+s26+$0x0] =	vst.idx.msk $0xffff, v8  }
0xb4: {  	v4 =	vld @!p0 [tilespmem:s22+$0x100];
	_ =	sdelay $0x4  }
0xb5: {  	v4 =	vshll.u32 @!p0 v4, $0x1  }
0xb6: {  	[tilespmem:$0xA400] =	vst @!p0 v4;
	v4 =	vor.u32 @!p0 $0x1, v4  }
0xb7: {  	[tilespmem:$0xA480] =	vst @!p0 v4  }
0xb8: {  	v4 =	vld @!p0 [tilespmem:s22+$0x110];
	_ =	sdelay $0x4  }
0xb9: {  	v4 =	vshll.u32 @!p0 v4, $0x1  }
0xba: {  	[tilespmem:$0xA410] =	vst @!p0 v4;
	v4 =	vor.u32 @!p0 $0x1, v4  }
0xbb: {  	[tilespmem:$0xA490] =	vst @!p0 v4  }
0xbc: {  	v4 =	vld @!p0 [tilespmem:s22+$0x120];
	_ =	sdelay $0x4  }
0xbd: {  	v4 =	vshll.u32 @!p0 v4, $0x1  }
0xbe: {  	[tilespmem:$0xA420] =	vst @!p0 v4;
	v4 =	vor.u32 @!p0 $0x1, v4  }
0xbf: {  	[tilespmem:$0xA4A0] =	vst @!p0 v4  }
0xc0: {  	v4 =	vld @!p0 [tilespmem:s22+$0x130];
	_ =	sdelay $0x4  }
0xc1: {  	v4 =	vshll.u32 @!p0 v4, $0x1  }
0xc2: {  	[tilespmem:$0xA430] =	vst @!p0 v4;
	v4 =	vor.u32 @!p0 $0x1, v4  }
0xc3: {  	[tilespmem:$0xA4B0] =	vst @!p0 v4  }
0xc4: {  	v4 =	vld @!p0 [tilespmem:s22+$0x140];
	_ =	sdelay $0x4  }
0xc5: {  	v4 =	vshll.u32 @!p0 v4, $0x1  }
0xc6: {  	[tilespmem:$0xA440] =	vst @!p0 v4;
	v4 =	vor.u32 @!p0 $0x1, v4  }
0xc7: {  	[tilespmem:$0xA4C0] =	vst @!p0 v4  }
0xc8: {  	v4 =	vld @!p0 [tilespmem:s22+$0x150];
	_ =	sdelay $0x4  }
0xc9: {  	v4 =	vshll.u32 @!p0 v4, $0x1  }
0xca: {  	[tilespmem:$0xA450] =	vst @!p0 v4;
	v4 =	vor.u32 @!p0 $0x1, v4  }
0xcb: {  	[tilespmem:$0xA4D0] =	vst @!p0 v4  }
0xcc: {  	v4 =	vld @!p0 [tilespmem:s22+$0x160];
	_ =	sdelay $0x4  }
0xcd: {  	v4 =	vshll.u32 @!p0 v4, $0x1  }
0xce: {  	[tilespmem:$0xA460] =	vst @!p0 v4;
	v4 =	vor.u32 @!p0 $0x1, v4  }
0xcf: {  	[tilespmem:$0xA4E0] =	vst @!p0 v4  }
0xd0: {  	v4 =	vld @!p0 [tilespmem:s22+$0x170];
	_ =	sdelay $0x4  }
0xd1: {  	v4 =	vshll.u32 @!p0 v4, $0x1  }
0xd2: {  	[tilespmem:$0xA470] =	vst @!p0 v4;
	v4 =	vor.u32 @!p0 $0x1, v4  }
0xd3: {  	s15 =	simm.s32 @!p0 $0x6400;
	s14 =	simm.s32 @!p0 $0xA400;
	s6 =	simm.s32 @!p0 $0x80;
	[tilespmem:$0xA4F0] =	vst @!p0 v4  }
0xd4: {  	[tilespmem:s15], [sflag:$0x1] =	stream.indirect.gather @!p0 [hbm4b:s4+s6], $0x20, s14, s6, $0xb8;
	[tilespmem:$0xEA00] =	vst v63  }
0xd5: {  	s14 =	simm.s32 @!p0 $0xA480;
	s15 =	simm.s32 @!p0 $0x7400  }
0xd6: {  	[tilespmem:s15], [sflag:$0x1] =	stream.indirect.gather @!p0 [hbm4b:s4+s6], $0x20, s14, s6, $0xb8;
	[tilespmem:$0xEA00] =	vst v63  }
0xd7: {  	s15 =	sadd.s32 s5, s23  }
0xd8: {  	s16 =	sshll.u32 s15, $0xA;
	s6 =	sshll.u32 s15, $0x7  }
0xd9: {  	s14 =	sand.u32 $0xFFF8000, s16;
	s6 =	sand.u32 $0xF00, s6  }
0xda: {  	s6 =	sor.u32 s6, s14  }
0xdb: {  	s14 =	sadd.s32 s2, s6  }
0xdc: {  	[hbm4b:s14+s3] =	stream.linear.scatter [tilespmem:s26], [sflag:$0x3], $0x80, $0x38;
	[tilespmem:$0xEA00] =	vst v63  }
0xdd: {  	s16 =	simm.s32 $0xA688;
	s24 =	sadd.s32 $0x10, s14  }
0xde: {  	[hbm4b:s24+s3] =	stream.linear.scatter [tilespmem:s16], [sflag:$0x3], $0x80, $0x38;
	[tilespmem:$0xEA00] =	vst v63  }
0xdf: {  	s16 =	sadd.s32 $0x20, s14;
	s24 =	simm.s32 $0xA710  }
0xe0: {  	[hbm4b:s16+s3] =	stream.linear.scatter [tilespmem:s24], [sflag:$0x3], $0x80, $0x38;
	[tilespmem:$0xEA00] =	vst v63  }
0xe1: {  	s16 =	sadd.s32 $0x30, s14;
	s24 =	simm.s32 $0xA798  }
0xe2: {  	[hbm4b:s16+s3] =	stream.linear.scatter [tilespmem:s24], [sflag:$0x3], $0x80, $0x38;
	[tilespmem:$0xEA00] =	vst v63  }
0xe3: {  	s16 =	sadd.s32 $0x40, s14;
	s24 =	simm.s32 $0xA820  }
0xe4: {  	[hbm4b:s16+s3] =	stream.linear.scatter [tilespmem:s24], [sflag:$0x3], $0x80, $0x38;
	[tilespmem:$0xEA00] =	vst v63  }
0xe5: {  	s16 =	sadd.s32 $0x50, s14;
	s24 =	simm.s32 $0xA8A8  }
0xe6: {  	[hbm4b:s16+s3] =	stream.linear.scatter [tilespmem:s24], [sflag:$0x3], $0x80, $0x38;
	[tilespmem:$0xEA00] =	vst v63  }
0xe7: {  	s16 =	sadd.s32 $0x60, s14;
	s24 =	simm.s32 $0xA930  }
0xe8: {  	[hbm4b:s16+s3] =	stream.linear.scatter [tilespmem:s24], [sflag:$0x3], $0x80, $0x38;
	[tilespmem:$0xEA00] =	vst v63  }
0xe9: {  	s14 =	sadd.s32 $0x70, s14;
	s16 =	simm.s32 $0xA9B8  }
0xea: {  	[hbm4b:s14+s3] =	stream.linear.scatter [tilespmem:s16], [sflag:$0x3], $0x80, $0x38;
	[tilespmem:$0xEA00] =	vst v63  }
0xeb: {  	s24 =	simm.s32 $0xAA40;
	s14 =	sadd.s32 s6, s7  }
0xec: {  	[hbm4b:s14+s3] =	stream.linear.scatter [tilespmem:s24], [sflag:$0x3], $0x80, $0x38;
	[tilespmem:$0xEA00] =	vst v63  }
0xed: {  	s16 =	sadd.s32 $0x10, s14;
	s24 =	simm.s32 $0xAAC8  }
0xee: {  	[hbm4b:s16+s3] =	stream.linear.scatter [tilespmem:s24], [sflag:$0x3], $0x80, $0x38;
	[tilespmem:$0xEA00] =	vst v63  }
0xef: {  	s16 =	sadd.s32 $0x20, s14;
	s24 =	simm.s32 $0xAB50  }
0xf0: {  	[hbm4b:s16+s3] =	stream.linear.scatter [tilespmem:s24], [sflag:$0x3], $0x80, $0x38;
	[tilespmem:$0xEA00] =	vst v63  }
0xf1: {  	s16 =	sadd.s32 $0x30, s14;
	s24 =	simm.s32 $0xABD8  }
0xf2: {  	[hbm4b:s16+s3] =	stream.linear.scatter [tilespmem:s24], [sflag:$0x3], $0x80, $0x38;
	[tilespmem:$0xEA00] =	vst v63  }
0xf3: {  	s16 =	sadd.s32 $0x40, s14;
	s24 =	simm.s32 $0xAC60  }
0xf4: {  	[hbm4b:s16+s3] =	stream.linear.scatter [tilespmem:s24], [sflag:$0x3], $0x80, $0x38;
	[tilespmem:$0xEA00] =	vst v63  }
0xf5: {  	s16 =	sadd.s32 $0x50, s14;
	s24 =	simm.s32 $0xACE8  }
0xf6: {  	[hbm4b:s16+s3] =	stream.linear.scatter [tilespmem:s24], [sflag:$0x3], $0x80, $0x38;
	[tilespmem:$0xEA00] =	vst v63  }
0xf7: {  	s16 =	sadd.s32 $0x60, s14;
	s24 =	simm.s32 $0xAD70  }
0xf8: {  	[hbm4b:s16+s3] =	stream.linear.scatter [tilespmem:s24], [sflag:$0x3], $0x80, $0x38;
	[tilespmem:$0xEA00] =	vst v63  }
0xf9: {  	s14 =	sadd.s32 $0x70, s14;
	s16 =	simm.s32 $0xADF8  }
0xfa: {  	[hbm4b:s14+s3] =	stream.linear.scatter [tilespmem:s16], [sflag:$0x3], $0x80, $0x38;
	[tilespmem:$0xEA00] =	vst v63  }
0xfb: {  	s24 =	simm.s32 $0xAE80;
	s14 =	sadd.s32 s6, s8  }
0xfc: {  	[hbm4b:s14+s3] =	stream.linear.scatter [tilespmem:s24], [sflag:$0x3], $0x80, $0x38;
	[tilespmem:$0xEA00] =	vst v63  }
0xfd: {  	s16 =	sadd.s32 $0x10, s14;
	s24 =	simm.s32 $0xAF08  }
0xfe: {  	[hbm4b:s16+s3] =	stream.linear.scatter [tilespmem:s24], [sflag:$0x3], $0x80, $0x38;
	[tilespmem:$0xEA00] =	vst v63  }
0xff: {  	s16 =	sadd.s32 $0x20, s14;
	s24 =	simm.s32 $0xAF90  }
0x100: {  	[hbm4b:s16+s3] =	stream.linear.scatter [tilespmem:s24], [sflag:$0x3], $0x80, $0x38;
	[tilespmem:$0xEA00] =	vst v63  }
0x101: {  	s16 =	sadd.s32 $0x30, s14;
	s24 =	simm.s32 $0xB018  }
0x102: {  	[hbm4b:s16+s3] =	stream.linear.scatter [tilespmem:s24], [sflag:$0x3], $0x80, $0x38;
	[tilespmem:$0xEA00] =	vst v63  }
0x103: {  	s16 =	sadd.s32 $0x40, s14;
	s24 =	simm.s32 $0xB0A0  }
0x104: {  	[hbm4b:s16+s3] =	stream.linear.scatter [tilespmem:s24], [sflag:$0x3], $0x80, $0x38;
	[tilespmem:$0xEA00] =	vst v63  }
0x105: {  	s16 =	sadd.s32 $0x50, s14;
	s24 =	simm.s32 $0xB128  }
0x106: {  	[hbm4b:s16+s3] =	stream.linear.scatter [tilespmem:s24], [sflag:$0x3], $0x80, $0x38;
	[tilespmem:$0xEA00] =	vst v63  }
0x107: {  	s16 =	sadd.s32 $0x60, s14;
	s24 =	simm.s32 $0xB1B0  }
0x108: {  	[hbm4b:s16+s3] =	stream.linear.scatter [tilespmem:s24], [sflag:$0x3], $0x80, $0x38;
	[tilespmem:$0xEA00] =	vst v63  }
0x109: {  	s14 =	sadd.s32 $0x70, s14;
	s16 =	simm.s32 $0xB238  }
0x10a: {  	[hbm4b:s14+s3] =	stream.linear.scatter [tilespmem:s16], [sflag:$0x3], $0x80, $0x38;
	[tilespmem:$0xEA00] =	vst v63  }
0x10b: {  	s24 =	simm.s32 $0xB2C0;
	s14 =	sadd.s32 s6, s9  }
0x10c: {  	[hbm4b:s14+s3] =	stream.linear.scatter [tilespmem:s24], [sflag:$0x3], $0x80, $0x38;
	[tilespmem:$0xEA00] =	vst v63  }
0x10d: {  	s16 =	sadd.s32 $0x10, s14;
	s24 =	simm.s32 $0xB348  }
0x10e: {  	[hbm4b:s16+s3] =	stream.linear.scatter [tilespmem:s24], [sflag:$0x3], $0x80, $0x38;
	[tilespmem:$0xEA00] =	vst v63  }
0x10f: {  	s16 =	sadd.s32 $0x20, s14;
	s24 =	simm.s32 $0xB3D0  }
0x110: {  	[hbm4b:s16+s3] =	stream.linear.scatter [tilespmem:s24], [sflag:$0x3], $0x80, $0x38;
	[tilespmem:$0xEA00] =	vst v63  }
0x111: {  	s16 =	sadd.s32 $0x30, s14;
	s24 =	simm.s32 $0xB458  }
0x112: {  	[hbm4b:s16+s3] =	stream.linear.scatter [tilespmem:s24], [sflag:$0x3], $0x80, $0x38;
	[tilespmem:$0xEA00] =	vst v63  }
0x113: {  	s16 =	sadd.s32 $0x40, s14;
	s24 =	simm.s32 $0xB4E0  }
0x114: {  	[hbm4b:s16+s3] =	stream.linear.scatter [tilespmem:s24], [sflag:$0x3], $0x80, $0x38;
	[tilespmem:$0xEA00] =	vst v63  }
0x115: {  	s16 =	sadd.s32 $0x50, s14;
	s24 =	simm.s32 $0xB568  }
0x116: {  	[hbm4b:s16+s3] =	stream.linear.scatter [tilespmem:s24], [sflag:$0x3], $0x80, $0x38;
	[tilespmem:$0xEA00] =	vst v63  }
0x117: {  	s16 =	sadd.s32 $0x60, s14;
	s24 =	simm.s32 $0xB5F0  }
0x118: {  	[hbm4b:s16+s3] =	stream.linear.scatter [tilespmem:s24], [sflag:$0x3], $0x80, $0x38;
	[tilespmem:$0xEA00] =	vst v63  }
0x119: {  	s14 =	sadd.s32 $0x70, s14;
	s16 =	simm.s32 $0xB678  }
0x11a: {  	[hbm4b:s14+s3] =	stream.linear.scatter [tilespmem:s16], [sflag:$0x3], $0x80, $0x38;
	[tilespmem:$0xEA00] =	vst v63  }
0x11b: {  	s24 =	simm.s32 $0xB700;
	s14 =	sadd.s32 s6, s10  }
0x11c: {  	[hbm4b:s14+s3] =	stream.linear.scatter [tilespmem:s24], [sflag:$0x3], $0x80, $0x38;
	[tilespmem:$0xEA00] =	vst v63  }
0x11d: {  	s16 =	sadd.s32 $0x10, s14;
	s24 =	simm.s32 $0xB788  }
0x11e: {  	[hbm4b:s16+s3] =	stream.linear.scatter [tilespmem:s24], [sflag:$0x3], $0x80, $0x38;
	[tilespmem:$0xEA00] =	vst v63  }
0x11f: {  	s16 =	sadd.s32 $0x20, s14;
	s24 =	simm.s32 $0xB810  }
0x120: {  	[hbm4b:s16+s3] =	stream.linear.scatter [tilespmem:s24], [sflag:$0x3], $0x80, $0x38;
	[tilespmem:$0xEA00] =	vst v63  }
0x121: {  	s16 =	sadd.s32 $0x30, s14;
	s24 =	simm.s32 $0xB898  }
0x122: {  	[hbm4b:s16+s3] =	stream.linear.scatter [tilespmem:s24], [sflag:$0x3], $0x80, $0x38;
	[tilespmem:$0xEA00] =	vst v63  }
0x123: {  	s16 =	sadd.s32 $0x40, s14;
	s24 =	simm.s32 $0xB920  }
0x124: {  	[hbm4b:s16+s3] =	stream.linear.scatter [tilespmem:s24], [sflag:$0x3], $0x80, $0x38;
	[tilespmem:$0xEA00] =	vst v63  }
0x125: {  	s16 =	sadd.s32 $0x50, s14;
	s24 =	simm.s32 $0xB9A8  }
0x126: {  	[hbm4b:s16+s3] =	stream.linear.scatter [tilespmem:s24], [sflag:$0x3], $0x80, $0x38;
	[tilespmem:$0xEA00] =	vst v63  }
0x127: {  	s16 =	sadd.s32 $0x60, s14;
	s24 =	simm.s32 $0xBA30  }
0x128: {  	[hbm4b:s16+s3] =	stream.linear.scatter [tilespmem:s24], [sflag:$0x3], $0x80, $0x38;
	[tilespmem:$0xEA00] =	vst v63  }
0x129: {  	s14 =	sadd.s32 $0x70, s14;
	s16 =	simm.s32 $0xBAB8  }
0x12a: {  	[hbm4b:s14+s3] =	stream.linear.scatter [tilespmem:s16], [sflag:$0x3], $0x80, $0x38;
	[tilespmem:$0xEA00] =	vst v63  }
0x12b: {  	s24 =	simm.s32 $0xBB40;
	s14 =	sadd.s32 s6, s11  }
0x12c: {  	[hbm4b:s14+s3] =	stream.linear.scatter [tilespmem:s24], [sflag:$0x3], $0x80, $0x38;
	[tilespmem:$0xEA00] =	vst v63  }
0x12d: {  	s16 =	sadd.s32 $0x10, s14;
	s24 =	simm.s32 $0xBBC8  }
0x12e: {  	[hbm4b:s16+s3] =	stream.linear.scatter [tilespmem:s24], [sflag:$0x3], $0x80, $0x38;
	[tilespmem:$0xEA00] =	vst v63  }
0x12f: {  	s16 =	sadd.s32 $0x20, s14;
	s24 =	simm.s32 $0xBC50  }
0x130: {  	[hbm4b:s16+s3] =	stream.linear.scatter [tilespmem:s24], [sflag:$0x3], $0x80, $0x38;
	[tilespmem:$0xEA00] =	vst v63  }
0x131: {  	s16 =	sadd.s32 $0x30, s14;
	s24 =	simm.s32 $0xBCD8  }
0x132: {  	[hbm4b:s16+s3] =	stream.linear.scatter [tilespmem:s24], [sflag:$0x3], $0x80, $0x38;
	[tilespmem:$0xEA00] =	vst v63  }
0x133: {  	s16 =	sadd.s32 $0x40, s14;
	s24 =	simm.s32 $0xBD60  }
0x134: {  	[hbm4b:s16+s3] =	stream.linear.scatter [tilespmem:s24], [sflag:$0x3], $0x80, $0x38;
	[tilespmem:$0xEA00] =	vst v63  }
0x135: {  	s16 =	sadd.s32 $0x50, s14;
	s24 =	simm.s32 $0xBDE8  }
0x136: {  	[hbm4b:s16+s3] =	stream.linear.scatter [tilespmem:s24], [sflag:$0x3], $0x80, $0x38;
	[tilespmem:$0xEA00] =	vst v63  }
0x137: {  	s16 =	sadd.s32 $0x60, s14;
	s24 =	simm.s32 $0xBE70  }
0x138: {  	[hbm4b:s16+s3] =	stream.linear.scatter [tilespmem:s24], [sflag:$0x3], $0x80, $0x38;
	[tilespmem:$0xEA00] =	vst v63  }
0x139: {  	s14 =	sadd.s32 $0x70, s14;
	s16 =	simm.s32 $0xBEF8  }
0x13a: {  	[hbm4b:s14+s3] =	stream.linear.scatter [tilespmem:s16], [sflag:$0x3], $0x80, $0x38;
	[tilespmem:$0xEA00] =	vst v63  }
0x13b: {  	s24 =	simm.s32 $0xBF80;
	s14 =	sadd.s32 s6, s12  }
0x13c: {  	[hbm4b:s14+s3] =	stream.linear.scatter [tilespmem:s24], [sflag:$0x3], $0x80, $0x38;
	[tilespmem:$0xEA00] =	vst v63  }
0x13d: {  	s16 =	sadd.s32 $0x10, s14;
	s24 =	simm.s32 $0xC008  }
0x13e: {  	[hbm4b:s16+s3] =	stream.linear.scatter [tilespmem:s24], [sflag:$0x3], $0x80, $0x38;
	[tilespmem:$0xEA00] =	vst v63  }
0x13f: {  	s16 =	sadd.s32 $0x20, s14;
	s24 =	simm.s32 $0xC090  }
0x140: {  	[hbm4b:s16+s3] =	stream.linear.scatter [tilespmem:s24], [sflag:$0x3], $0x80, $0x38;
	[tilespmem:$0xEA00] =	vst v63  }
0x141: {  	s16 =	sadd.s32 $0x30, s14;
	s24 =	simm.s32 $0xC118  }
0x142: {  	[hbm4b:s16+s3] =	stream.linear.scatter [tilespmem:s24], [sflag:$0x3], $0x80, $0x38;
	[tilespmem:$0xEA00] =	vst v63  }
0x143: {  	s16 =	sadd.s32 $0x40, s14;
	s24 =	simm.s32 $0xC1A0  }
0x144: {  	[hbm4b:s16+s3] =	stream.linear.scatter [tilespmem:s24], [sflag:$0x3], $0x80, $0x38;
	[tilespmem:$0xEA00] =	vst v63  }
0x145: {  	s16 =	sadd.s32 $0x50, s14;
	s24 =	simm.s32 $0xC228  }
0x146: {  	[hbm4b:s16+s3] =	stream.linear.scatter [tilespmem:s24], [sflag:$0x3], $0x80, $0x38;
	[tilespmem:$0xEA00] =	vst v63  }
0x147: {  	s16 =	sadd.s32 $0x60, s14;
	s24 =	simm.s32 $0xC2B0  }
0x148: {  	[hbm4b:s16+s3] =	stream.linear.scatter [tilespmem:s24], [sflag:$0x3], $0x80, $0x38;
	[tilespmem:$0xEA00] =	vst v63  }
0x149: {  	s14 =	sadd.s32 $0x70, s14;
	s24 =	simm.s32 $0xC338  }
0x14a: {  	[hbm4b:s14+s3] =	stream.linear.scatter [tilespmem:s24], [sflag:$0x3], $0x80, $0x38;
	[tilespmem:$0xEA00] =	vst v63  }
0x14b: {  	s15 =	simm.s32 $0xC3C0;
	s6 =	sadd.s32 s6, s13  }
0x14c: {  	[hbm4b:s6+s3] =	stream.linear.scatter [tilespmem:s15], [sflag:$0x3], $0x80, $0x38;
	[tilespmem:$0xEA00] =	vst v63  }
0x14d: {  	s16 =	sadd.s32 $0x10, s6;
	s24 =	simm.s32 $0xC448  }
0x14e: {  	[hbm4b:s16+s3] =	stream.linear.scatter [tilespmem:s24], [sflag:$0x3], $0x80, $0x38;
	[tilespmem:$0xEA00] =	vst v63  }
0x14f: {  	s16 =	sadd.s32 $0x20, s6;
	s24 =	simm.s32 $0xC4D0  }
0x150: {  	[hbm4b:s16+s3] =	stream.linear.scatter [tilespmem:s24], [sflag:$0x3], $0x80, $0x38;
	[tilespmem:$0xEA00] =	vst v63  }
0x151: {  	s16 =	sadd.s32 $0x30, s6;
	s24 =	simm.s32 $0xC558  }
0x152: {  	[hbm4b:s16+s3] =	stream.linear.scatter [tilespmem:s24], [sflag:$0x3], $0x80, $0x38;
	[tilespmem:$0xEA00] =	vst v63  }
0x153: {  	s16 =	sadd.s32 $0x40, s6;
	s24 =	simm.s32 $0xC5E0  }
0x154: {  	[hbm4b:s16+s3] =	stream.linear.scatter [tilespmem:s24], [sflag:$0x3], $0x80, $0x38;
	[tilespmem:$0xEA00] =	vst v63  }
0x155: {  	s16 =	sadd.s32 $0x50, s6;
	s24 =	simm.s32 $0xC668  }
0x156: {  	[hbm4b:s16+s3] =	stream.linear.scatter [tilespmem:s24], [sflag:$0x3], $0x80, $0x38;
	[tilespmem:$0xEA00] =	vst v63  }
0x157: {  	s16 =	sadd.s32 $0x60, s6;
	s24 =	simm.s32 $0xC6F0  }
0x158: {  	[hbm4b:s16+s3] =	stream.linear.scatter [tilespmem:s24], [sflag:$0x3], $0x80, $0x38;
	[tilespmem:$0xEA00] =	vst v63  }
0x159: {  	s6 =	sadd.s32 $0x70, s6;
	s16 =	simm.s32 $0xC778  }
0x15a: {  	[hbm4b:s6+s3] =	stream.linear.scatter [tilespmem:s16], [sflag:$0x3], $0x80, $0x38;
	[tilespmem:$0xEA00] =	vst v63  }
0x15b: {  	_ =	swait.ge [sflag:s20], $0x1000  }
0x15c: {  	[sflag:s20] =	ssyncset.done $0x0  }
0x15d: {  	[sflag:s20] =	ssyncadd.s32 $0xFFFFF000  }
0x15e: {  	_ =	swait.ge [sflag:s20], $0x1000  }
0x15f: {  	[sflag:s20] =	ssyncset.done $0x0  }
0x160: {  	s6 =	simm.s32 @!p1 $0x4;
	[sflag:s20] =	ssyncadd.s32 $0xFFFFF000  }
0x161: {  	_ =	swait.ge @!p1 [sflag:s6], $0x400  }
0x162: {  	[sflag:s6] =	ssyncset.done @!p1 $0x0  }
0x163: {  	[sflag:s6] =	ssyncadd.s32 @!p1 $0xFFFFFC00  }
0x164: {  	_ =	swait.ge @!p1 [sflag:s6], $0x400  }
0x165: {  	[sflag:s6] =	ssyncset.done @!p1 $0x0  }
0x166: {  	[sflag:s6] =	ssyncadd.s32 @!p1 $0xFFFFFC00  }
0x167: {  	_ =	swait.ge @!p1 [sflag:s6], $0x400  }
0x168: {  	[sflag:s6] =	ssyncset.done @!p1 $0x0  }
0x169: {  	[sflag:s6] =	ssyncadd.s32 @!p1 $0xFFFFFC00  }
0x16a: {  	_ =	swait.ge @!p1 [sflag:s6], $0x400  }
0x16b: {  	[sflag:s6] =	ssyncset.done @!p1 $0x0  }
0x16c: {  	[sflag:s6] =	ssyncadd.s32 @!p1 $0xFFFFFC00  }
0x16d: {  	_ =	swait.ge @!p1 [sflag:s6], $0x400  }
0x16e: {  	[sflag:s6] =	ssyncset.done @!p1 $0x0  }
0x16f: {  	[sflag:s6] =	ssyncadd.s32 @!p1 $0xFFFFFC00  }
0x170: {  	_ =	swait.ge @!p1 [sflag:s6], $0x400  }
0x171: {  	[sflag:s6] =	ssyncset.done @!p1 $0x0  }
0x172: {  	[sflag:s6] =	ssyncadd.s32 @!p1 $0xFFFFFC00  }
0x173: {  	_ =	swait.ge @!p1 [sflag:s6], $0x400  }
0x174: {  	[sflag:s6] =	ssyncset.done @!p1 $0x0  }
0x175: {  	[sflag:s6] =	ssyncadd.s32 @!p1 $0xFFFFFC00  }
0x176: {  	_ =	swait.ge @!p1 [sflag:s6], $0x400  }
0x177: {  	[sflag:s6] =	ssyncset.done @!p1 $0x0  }
0x178: {  	s24 =	simm.s32 $0x3;
	[sflag:s6] =	ssyncadd.s32 @!p1 $0xFFFFFC00;
	s6 =	simm.s32 $0x9470  }
0x179: {  	v4 =	vmov s24;
	v5 =	vld [tilespmem:s6+$0xFFFFEFF0]  }
0x17a: {  	s15 =	simm.s32 $0x0;
	v9 =	vand.u32 $0x7F, v4  }
0x17b: {  	v6 =	vmov s15;
	v4 =	vadd.s32 v0, v9  }
0x17c: {  	v8 =	vand.u32 $0x7C, v6;
	s16 =	simm.s32 $0x1;
	v7 =	vld [tilespmem:s6+$0xFFFFEF90]  }
0x17d: {  	v12 =	vadd.s32 v0, v8;
	s24 =	simm.s32 $0x2;
	v6 =	vmov s16;
	v10 =	vld [tilespmem:s6+$0xFFFFEFB0]  }
0x17e: {  	v11 =	vmov s24;
	v15 =	vand.u32 $0x7D, v6;
	v6 =	vld [tilespmem:s6+$0xFFFFEFD0];
	v5 =	vmul.f32 $8.000000000e+00, v5  }
0x17f: {  	v17 =	vand.u32 $0x7E, v11;
	v13 =	vadd.s32 v0, v15  }
0x180: {  	v11 =	vadd.s32 v0, v17;
	[tilespmem:v4+s21+$0x0] =	vst.idx.msk $0xffff, v5  }
0x181: {  	v4 =	vmul.f32 $8.000000000e+00, v7;
	v5 =	vld [tilespmem:s6+$0xFFFFF000]  }
0x182: {  	v7 =	vmul.f32 $8.000000000e+00, v10  }
0x183: {  	[tilespmem:v12+s21+$0x0] =	vst.idx.msk $0xffff, v4;
	v4 =	vmul.f32 $8.000000000e+00, v6;
	v6 =	vadd.s32 v1, v9  }
0x184: {  	[tilespmem:v13+s21+$0x0] =	vst.idx.msk $0xffff, v7;
	v10 =	vld [tilespmem:s6+$0xFFFFEFA0]  }
0x185: {  	v7 =	vld [tilespmem:s6+$0xFFFFEFC0];
	[tilespmem:v11+s21+$0x0] =	vst.idx.msk $0xffff, v4  }
0x186: {  	v11 =	vld [tilespmem:s6+$0xFFFFEFE0];
	v4 =	vmul.f32 $8.000000000e+00, v5  }
0x187: {  	s15 =	simm.s32 $0x4;
	s24 =	simm.s32 $0x94F0;
	s16 =	simm.s32 $0x7;
	v12 =	vadd.s32 v1, v15  }
0x188: {  	v14 =	vld [tilespmem:s24+$0xFFFFEFF0];
	v13 =	vadd.s32 v1, v17;
	v5 =	vmov s15;
	[tilespmem:v6+s21+$0x0] =	vst.idx.msk $0xffff, v4;
	v6 =	vmov s16  }
0x189: {  	v16 =	vadd.s32 v1, v8;
	v4 =	vand.u32 $0x7C, v5;
	v5 =	vand.u32 $0x7F, v6;
	v18 =	vld [tilespmem:s6+$0xFFFFFFF0]  }
0x18a: {  	v22 =	vadd.s32 v2, v9;
	v19 =	vld [tilespmem:s24+$0xFFFFEF90];
	s16 =	simm.s32 $0x5;
	v6 =	vmul.f32 $8.000000000e+00, v7;
	v20 =	vadd.s32 v0, v5  }
0x18b: {  	v21 =	vld [tilespmem:s24+$0xFFFFEFB0];
	s15 =	simm.s32 $0x6;
	v10 =	vmul.f32 $8.000000000e+00, v10;
	v7 =	vmul.f32 $8.000000000e+00, v11;
	v11 =	vmov s16  }
0x18c: {  	v23 =	vadd.s32 v0, v4;
	[tilespmem:v12+s21+$0x0] =	vst.idx.msk $0xffff, v6;
	v12 =	vmov s15;
	v6 =	vand.u32 $0x7D, v11;
	v11 =	vld [tilespmem:s24+$0xFFFFEFD0]  }
0x18d: {  	[tilespmem:v13+s21+$0x0] =	vst.idx.msk $0xffff, v7;
	v13 =	vadd.s32 v0, v6;
	v7 =	vand.u32 $0x7E, v12;
	v12 =	vmul.f32 $8.000000000e+00, v14;
	v14 =	vld [tilespmem:s6+$0xFFFFFFB0]  }
0x18e: {  	[tilespmem:v16+s21+$0x0] =	vst.idx.msk $0xffff, v10;
	v10 =	vadd.s32 v0, v7;
	v16 =	vld [tilespmem:s6+$0xFFFFFFD0];
	v18 =	vmul.f32 $8.000000000e+00, v18  }
0x18f: {  	v19 =	vmul.f32 $8.000000000e+00, v19;
	[tilespmem:v20+s21+$0x0] =	vst.idx.msk $0xffff, v12;
	v12 =	vld [tilespmem:s6+$0xFFFFFF90];
	v20 =	vadd.s32 v2, v15  }
0x190: {  	v60 =	vadd.s32 v2, v17;
	v21 =	vmul.f32 $8.000000000e+00, v21;
	v59 =	vld [tilespmem:s24+$0xFFFFF000];
	[tilespmem:v22+s21+$0x0] =	vst.idx.msk $0xffff, v18  }
0x191: {  	[tilespmem:v23+s21+$0x0] =	vst.idx.msk $0xffff, v19;
	v19 =	vadd.s32 v2, v8;
	v11 =	vmul.f32 $8.000000000e+00, v11;
	v22 =	vld [tilespmem:s6+$0x0]  }
0x192: {  	v23 =	vld [tilespmem:s24+$0xFFFFEFA0];
	[tilespmem:v13+s21+$0x0] =	vst.idx.msk $0xffff, v21;
	v21 =	vadd.s32 v1, v5;
	v14 =	vmul.f32 $8.000000000e+00, v14  }
0x193: {  	v62 =	vadd.s32 v3, v9;
	v61 =	vld [tilespmem:s24+$0xFFFFEFC0];
	[tilespmem:v10+s21+$0x0] =	vst.idx.msk $0xffff, v11;
	v10 =	vmul.f32 $8.000000000e+00, v16  }
0x194: {  	v18 =	vadd.s32 v1, v4;
	v13 =	vld [tilespmem:s24+$0xFFFFEFE0];
	v9 =	vmul.f32 $8.000000000e+00, v12;
	[tilespmem:v20+s21+$0x0] =	vst.idx.msk $0xffff, v14  }
0x195: {  	s14 =	simm.s32 $0x8;
	v16 =	vadd.s32 v1, v6;
	[tilespmem:v60+s21+$0x0] =	vst.idx.msk $0xffff, v10;
	v14 =	vmul.f32 $8.000000000e+00, v59;
	v12 =	vld [tilespmem:s6+$0xFFFFFFC0]  }
0x196: {  	v20 =	vmov s14;
	v10 =	vadd.s32 v1, v7;
	v11 =	vld [tilespmem:s6+$0xFFFFFFE0];
	[tilespmem:v19+s21+$0x0] =	vst.idx.msk $0xffff, v9;
	v63 =	vmul.f32 $8.000000000e+00, v22  }
0x197: {  	s16 =	simm.s32 $0xB;
	v15 =	vadd.s32 v3, v15;
	v9 =	vand.u32 $0x7C, v20;
	v20 =	vmul.f32 $8.000000000e+00, v23;
	[tilespmem:v21+s21+$0x0] =	vst.idx.msk $0xffff, v14;
	v14 =	vld [tilespmem:s6+$0xFFFFFFA0];
	s6 =	simm.s32 $0x9570  }
0x198: {  	s23 =	sor.u32 $0x1, s23;
	v17 =	vadd.s32 v3, v17;
	s15 =	simm.s32 $0xC;
	v22 =	vmov s16;
	v21 =	vmul.f32 $8.000000000e+00, v61;
	v19 =	vld [tilespmem:s6+$0xFFFFEFF0];
	[tilespmem:v62+s21+$0x0] =	vst.idx.msk $0xffff, v63  }
.LBB2_5:
0x199: {  	p1 =	slt.u32 s15, $0x7C;
	s16 =	sadd.s32 $0x1, s14;
	v22 =	vand.u32 $0x7F, v22;
	[tilespmem:v18+s21+$0x0] =	vst.idx.msk $0xffff, v20;
	v13 =	vmul.f32 $8.000000000e+00, v13;
	v18 =	vld [tilespmem:s24+$0xFFFFFFF0];
	v20 =	vadd.s32 v3, v8;
	v8 =	vmovc v4  }
0x19a: {  	v4 =	vmovc v9;
	v23 =	vld [tilespmem:s6+$0xFFFFEF90];
	v24 =	vmov s16;
	s16 =	sadd.s32 $0x2, s14;
	v25 =	vadd.s32 v0, v22;
	[tilespmem:v16+s21+$0x0] =	vst.idx.msk $0xffff, v21;
	v12 =	vmul.f32 $8.000000000e+00, v12;
	s14 =	smov.u32 s15  }
0x19b: {  	v9 =	vld [tilespmem:s6+$0xFFFFEFB0];
	v16 =	vmov s16;
	[tilespmem:v10+s21+$0x0] =	vst.idx.msk $0xffff, v13;
	v10 =	vadd.s32 v2, v5;
	v11 =	vmul.f32 $8.000000000e+00, v11  }
0x19c: {  	v13 =	vadd.s32 v0, v4;
	v21 =	vand.u32 $0x7D, v24;
	v24 =	vld [tilespmem:s6+$0xFFFFEFD0];
	v14 =	vmul.f32 $8.000000000e+00, v14;
	[tilespmem:v15+s21+$0x0] =	vst.idx.msk $0xffff, v12  }
0x19d: {  	v12 =	vadd.s32 v0, v21;
	v26 =	vand.u32 $0x7E, v16;
	v15 =	vmul.f32 $8.000000000e+00, v19;
	v16 =	vld [tilespmem:s24+$0xFFFFFFB0];
	[tilespmem:v17+s21+$0x0] =	vst.idx.msk $0xffff, v11  }
0x19e: {  	v11 =	vadd.s32 v0, v26;
	v17 =	vld [tilespmem:s24+$0xFFFFFFD0];
	v18 =	vmul.f32 $8.000000000e+00, v18;
	[tilespmem:v20+s21+$0x0] =	vst.idx.msk $0xffff, v14  }
0x19f: {  	v19 =	vadd.s32 v2, v6;
	v14 =	vmul.f32 $8.000000000e+00, v23;
	[tilespmem:v25+s21+$0x0] =	vst.idx.msk $0xffff, v15;
	v15 =	vld [tilespmem:s24+$0xFFFFFF90]  }
0x1a0: {  	v23 =	vadd.s32 v2, v7;
	v9 =	vmul.f32 $8.000000000e+00, v9;
	v20 =	vld [tilespmem:s6+$0xFFFFF000];
	[tilespmem:v10+s21+$0x0] =	vst.idx.msk $0xffff, v18  }
0x1a1: {  	[tilespmem:v13+s21+$0x0] =	vst.idx.msk $0xffff, v14;
	v10 =	vmul.f32 $8.000000000e+00, v24;
	v14 =	vadd.s32 v2, v8;
	v24 =	vld [tilespmem:s24+$0x0]  }
0x1a2: {  	v27 =	vadd.s32 v1, v22;
	v25 =	vld [tilespmem:s6+$0xFFFFEFA0];
	[tilespmem:v12+s21+$0x0] =	vst.idx.msk $0xffff, v9;
	v9 =	vmul.f32 $8.000000000e+00, v16  }
0x1a3: {  	v29 =	vadd.s32 v3, v5;
	v5 =	vmov v22;
	v28 =	vld [tilespmem:s6+$0xFFFFEFC0];
	[tilespmem:v11+s21+$0x0] =	vst.idx.msk $0xffff, v10;
	v10 =	vmul.f32 $8.000000000e+00, v17  }
.Ltmp1:
0x1a4: {  	v18 =	vadd.s32 v1, v4;
	v13 =	vld [tilespmem:s6+$0xFFFFEFE0];
	v11 =	vmul.f32 $8.000000000e+00, v15;
	[tilespmem:v19+s21+$0x0] =	vst.idx.msk $0xffff, v9;
	(pc) =	sbr.rel @p1 .LBB2_5-.Ltmp1, $4  }
0x1a5: {  	v16 =	vadd.s32 v1, v21;
	v15 =	vmul.f32 $8.000000000e+00, v20;
	v12 =	vld [tilespmem:s24+$0xFFFFFFC0];
	[tilespmem:v23+s21+$0x0] =	vst.idx.msk $0xffff, v10  }
0x1a6: {  	v9 =	vmov s15;
	v10 =	vadd.s32 v1, v26;
	[tilespmem:v14+s21+$0x0] =	vst.idx.msk $0xffff, v11;
	v11 =	vld [tilespmem:s24+$0xFFFFFFE0];
	v23 =	vmul.f32 $8.000000000e+00, v24  }
0x1a7: {  	s16 =	sadd.s32 $0x3, s15;
	v9 =	vand.u32 $0x7C, v9;
	v20 =	vmul.f32 $8.000000000e+00, v25;
	[tilespmem:v27+s21+$0x0] =	vst.idx.msk $0xffff, v15;
	v14 =	vld [tilespmem:s24+$0xFFFFFFA0];
	v15 =	vadd.s32 v3, v6;
	v6 =	vmovc v21;
	s24 =	smov.u32 s6;
	s6 =	sadd.s32 $0x80, s6  }
0x1a8: {  	v22 =	vmov s16;
	v17 =	vadd.s32 v3, v7;
	v7 =	vmovc v26;
	s15 =	sadd.s32 $0x4, s15;
	v19 =	vld [tilespmem:s6+$0xFFFFEFF0];
	v21 =	vmul.f32 $8.000000000e+00, v28;
	[tilespmem:v29+s21+$0x0] =	vst.idx.msk $0xffff, v23  }
0x1a9: {  	s15 =	sadd.s32 $0x1, s14;
	v22 =	vand.u32 $0x7F, v22;
	v28 =	vld [tilespmem:s6+$0xFFFFEF90]  }
0x1aa: {  	s16 =	sadd.s32 $0x2, s14;
	v24 =	vld [tilespmem:s6+$0xFFFFEFB0];
	v23 =	vmov s15;
	v26 =	vadd.s32 v0, v22  }
0x1ab: {  	v27 =	vld [tilespmem:s6+$0xFFFFEFD0];
	v51 =	vadd.s32 v0, v9;
	v25 =	vmov s16;
	v23 =	vand.u32 $0x7D, v23  }
0x1ac: {  	v25 =	vand.u32 $0x7E, v25;
	v29 =	vadd.s32 v0, v23  }
0x1ad: {  	[tilespmem:v18+s21+$0x0] =	vst.idx.msk $0xffff, v20;
	v30 =	vadd.s32 v0, v25;
	v19 =	vmul.f32 $8.000000000e+00, v19  }
0x1ae: {  	[tilespmem:v16+s21+$0x0] =	vst.idx.msk $0xffff, v21;
	v54 =	vmul.f32 $8.000000000e+00, v28  }
0x1af: {  	v52 =	vmul.f32 $8.000000000e+00, v24;
	[tilespmem:v26+s21+$0x0] =	vst.idx.msk $0xffff, v19  }
0x1b0: {  	v53 =	vmul.f32 $8.000000000e+00, v27;
	v55 =	vld [tilespmem:s6+$0xFFFFF000];
	[tilespmem:v51+s21+$0x0] =	vst.idx.msk $0xffff, v54  }
0x1b1: {  	v13 =	vmul.f32 $8.000000000e+00, v13;
	v8 =	vadd.s32 v3, v8;
	[tilespmem:v29+s21+$0x0] =	vst.idx.msk $0xffff, v52;
	v59 =	vld [tilespmem:s6+$0xFFFFEFA0]  }
0x1b2: {  	v12 =	vmul.f32 $8.000000000e+00, v12;
	v57 =	vadd.s32 v1, v22;
	[tilespmem:v30+s21+$0x0] =	vst.idx.msk $0xffff, v53;
	v56 =	vld [tilespmem:s6+$0xFFFFEFC0]  }
0x1b3: {  	[tilespmem:v10+s21+$0x0] =	vst.idx.msk $0xffff, v13;
	v58 =	vmul.f32 $8.000000000e+00, v11;
	v28 =	vadd.s32 v1, v9;
	v19 =	vld [tilespmem:s6+$0xFFFFEFE0]  }
0x1b4: {  	v61 =	vld [tilespmem:s24+$0xFFFFFFF0];
	v60 =	vadd.s32 v1, v23;
	v14 =	vmul.f32 $8.000000000e+00, v14;
	[tilespmem:v15+s21+$0x0] =	vst.idx.msk $0xffff, v12  }
0x1b5: {  	v32 =	vld [tilespmem:s24+$0xFFFFFF90];
	v62 =	vadd.s32 v1, v25;
	[tilespmem:v17+s21+$0x0] =	vst.idx.msk $0xffff, v58;
	v16 =	vmul.f32 $8.000000000e+00, v55  }
0x1b6: {  	[tilespmem:v8+s21+$0x0] =	vst.idx.msk $0xffff, v14;
	v29 =	vadd.s32 v2, v5;
	v30 =	vld [tilespmem:s24+$0xFFFFFFD0];
	v11 =	vmul.f32 $8.000000000e+00, v59  }
0x1b7: {  	v38 =	vadd.s32 v2, v4;
	v63 =	vld [tilespmem:s24+$0xFFFFFFB0];
	v31 =	vmul.f32 $8.000000000e+00, v56;
	[tilespmem:v57+s21+$0x0] =	vst.idx.msk $0xffff, v16  }
0x1b8: {  	v35 =	vadd.s32 v2, v7;
	v34 =	vmul.f32 $8.000000000e+00, v19;
	v36 =	vld [tilespmem:s6+$0xFFFFFFF0];
	[tilespmem:v28+s21+$0x0] =	vst.idx.msk $0xffff, v11  }
0x1b9: {  	v33 =	vadd.s32 v2, v6;
	v37 =	vmul.f32 $8.000000000e+00, v61;
	[tilespmem:v60+s21+$0x0] =	vst.idx.msk $0xffff, v31;
	v43 =	vld [tilespmem:s6+$0xFFFFFF90]  }
0x1ba: {  	v40 =	vadd.s32 v2, v22;
	v14 =	vmul.f32 $8.000000000e+00, v32;
	[tilespmem:v62+s21+$0x0] =	vst.idx.msk $0xffff, v34;
	v39 =	vld [tilespmem:s6+$0xFFFFFFB0]  }
0x1bb: {  	v48 =	vadd.s32 v2, v9;
	[tilespmem:v29+s21+$0x0] =	vst.idx.msk $0xffff, v37;
	v42 =	vmul.f32 $8.000000000e+00, v30;
	v41 =	vld [tilespmem:s6+$0xFFFFFFD0]  }
0x1bc: {  	v44 =	vadd.s32 v2, v23;
	v15 =	vmul.f32 $8.000000000e+00, v63;
	[tilespmem:v38+s21+$0x0] =	vst.idx.msk $0xffff, v14;
	v45 =	vld [tilespmem:s24+$0x0]  }
0x1bd: {  	v46 =	vadd.s32 v2, v25;
	v14 =	vld [tilespmem:s24+$0xFFFFFFA0];
	[tilespmem:v35+s21+$0x0] =	vst.idx.msk $0xffff, v42;
	v47 =	vmul.f32 $8.000000000e+00, v36  }
0x1be: {  	v5 =	vadd.s32 v3, v5;
	[tilespmem:v33+s21+$0x0] =	vst.idx.msk $0xffff, v15;
	v49 =	vld [tilespmem:s24+$0xFFFFFFE0];
	v53 =	vmul.f32 $8.000000000e+00, v43  }
0x1bf: {  	v4 =	vadd.s32 v3, v4;
	v21 =	vld [tilespmem:s24+$0xFFFFFFC0];
	v12 =	vmul.f32 $8.000000000e+00, v39;
	[tilespmem:v40+s21+$0x0] =	vst.idx.msk $0xffff, v47  }
0x1c0: {  	v52 =	vadd.s32 v3, v7;
	v51 =	vmul.f32 $8.000000000e+00, v41;
	v10 =	vld [tilespmem:s6+$0x0];
	[tilespmem:v48+s21+$0x0] =	vst.idx.msk $0xffff, v53  }
0x1c1: {  	v50 =	vadd.s32 v3, v6;
	v54 =	vmul.f32 $8.000000000e+00, v45;
	[tilespmem:v44+s21+$0x0] =	vst.idx.msk $0xffff, v12;
	v59 =	vld [tilespmem:s6+$0xFFFFFFA0]  }
0x1c2: {  	v57 =	vadd.s32 v3, v22;
	v14 =	vmul.f32 $8.000000000e+00, v14;
	[tilespmem:v46+s21+$0x0] =	vst.idx.msk $0xffff, v51;
	v55 =	vld [tilespmem:s6+$0xFFFFFFC0]  }
0x1c3: {  	v62 =	vadd.s32 v3, v9;
	[tilespmem:v5+s21+$0x0] =	vst.idx.msk $0xffff, v54;
	v5 =	vmul.f32 $8.000000000e+00, v49;
	v58 =	vld [tilespmem:s6+$0xFFFFFFE0]  }
0x1c4: {  	v56 =	vmul.f32 $8.000000000e+00, v21;
	v60 =	vadd.s32 v3, v23;
	[tilespmem:v4+s21+$0x0] =	vst.idx.msk $0xffff, v14  }
0x1c5: {  	v61 =	vadd.s32 v3, v25;
	[tilespmem:v52+s21+$0x0] =	vst.idx.msk $0xffff, v5;
	v5 =	vmul.f32 $8.000000000e+00, v10  }
0x1c6: {  	[tilespmem:v50+s21+$0x0] =	vst.idx.msk $0xffff, v56;
	v63 =	vmul.f32 $8.000000000e+00, v59  }
0x1c7: {  	v4 =	vmul.f32 $8.000000000e+00, v55;
	[tilespmem:v57+s21+$0x0] =	vst.idx.msk $0xffff, v5  }
0x1c8: {  	v5 =	vmul.f32 $8.000000000e+00, v58;
	[tilespmem:v62+s21+$0x0] =	vst.idx.msk $0xffff, v63  }
0x1c9: {  	[tilespmem:v60+s21+$0x0] =	vst.idx.msk $0xffff, v4  }
0x1ca: {  	[tilespmem:v61+s21+$0x0] =	vst.idx.msk $0xffff, v5  }
0x1cb: {  	v4 =	vld @!p0 [tilespmem:s22+$0x180];
	_ =	sdelay $0x4  }
0x1cc: {  	v4 =	vshll.u32 @!p0 v4, $0x1  }
0x1cd: {  	[tilespmem:$0xA500] =	vst @!p0 v4;
	v4 =	vor.u32 @!p0 $0x1, v4  }
0x1ce: {  	[tilespmem:$0xA580] =	vst @!p0 v4  }
0x1cf: {  	v4 =	vld @!p0 [tilespmem:s22+$0x190];
	_ =	sdelay $0x4  }
0x1d0: {  	v4 =	vshll.u32 @!p0 v4, $0x1  }
0x1d1: {  	[tilespmem:$0xA510] =	vst @!p0 v4;
	v4 =	vor.u32 @!p0 $0x1, v4  }
0x1d2: {  	[tilespmem:$0xA590] =	vst @!p0 v4  }
0x1d3: {  	v4 =	vld @!p0 [tilespmem:s22+$0x1A0];
	_ =	sdelay $0x4  }
0x1d4: {  	v4 =	vshll.u32 @!p0 v4, $0x1  }
0x1d5: {  	[tilespmem:$0xA520] =	vst @!p0 v4;
	v4 =	vor.u32 @!p0 $0x1, v4  }
0x1d6: {  	[tilespmem:$0xA5A0] =	vst @!p0 v4  }
0x1d7: {  	v4 =	vld @!p0 [tilespmem:s22+$0x1B0];
	_ =	sdelay $0x4  }
0x1d8: {  	v4 =	vshll.u32 @!p0 v4, $0x1  }
0x1d9: {  	[tilespmem:$0xA530] =	vst @!p0 v4;
	v4 =	vor.u32 @!p0 $0x1, v4  }
0x1da: {  	[tilespmem:$0xA5B0] =	vst @!p0 v4  }
0x1db: {  	v4 =	vld @!p0 [tilespmem:s22+$0x1C0];
	_ =	sdelay $0x4  }
0x1dc: {  	v4 =	vshll.u32 @!p0 v4, $0x1  }
0x1dd: {  	[tilespmem:$0xA540] =	vst @!p0 v4;
	v4 =	vor.u32 @!p0 $0x1, v4  }
0x1de: {  	[tilespmem:$0xA5C0] =	vst @!p0 v4  }
0x1df: {  	v4 =	vld @!p0 [tilespmem:s22+$0x1D0];
	_ =	sdelay $0x4  }
0x1e0: {  	v4 =	vshll.u32 @!p0 v4, $0x1  }
0x1e1: {  	[tilespmem:$0xA550] =	vst @!p0 v4;
	v4 =	vor.u32 @!p0 $0x1, v4  }
0x1e2: {  	[tilespmem:$0xA5D0] =	vst @!p0 v4  }
0x1e3: {  	v4 =	vld @!p0 [tilespmem:s22+$0x1E0];
	_ =	sdelay $0x4  }
0x1e4: {  	v4 =	vshll.u32 @!p0 v4, $0x1  }
0x1e5: {  	[tilespmem:$0xA560] =	vst @!p0 v4;
	v4 =	vor.u32 @!p0 $0x1, v4  }
0x1e6: {  	[tilespmem:$0xA5E0] =	vst @!p0 v4  }
0x1e7: {  	v4 =	vld @!p0 [tilespmem:s22+$0x1F0];
	_ =	sdelay $0x4  }
0x1e8: {  	v4 =	vshll.u32 @!p0 v4, $0x1  }
0x1e9: {  	[tilespmem:$0xA570] =	vst @!p0 v4;
	v4 =	vor.u32 @!p0 $0x1, v4  }
0x1ea: {  	s14 =	simm.s32 @!p0 $0xA500;
	s15 =	simm.s32 @!p0 $0x8400;
	s6 =	simm.s32 @!p0 $0x80;
	[tilespmem:$0xA5F0] =	vst @!p0 v4  }
0x1eb: {  	[tilespmem:s15], [sflag:$0x2] =	stream.indirect.gather @!p0 [hbm4b:s4+s6], $0x20, s14, s6, $0xb8;
	[tilespmem:$0xEA00] =	vst v63  }
0x1ec: {  	s22 =	sadd.s32 s5, s23;
	s14 =	simm.s32 @!p0 $0xA580;
	s15 =	simm.s32 @!p0 $0x9400  }
0x1ed: {  	[tilespmem:s15], [sflag:$0x2] =	stream.indirect.gather @!p0 [hbm4b:s4+s6], $0x20, s14, s6, $0xb8;
	[tilespmem:$0xEA00] =	vst v63  }
0x1ee: {  	s23 =	sshll.u32 s22, $0xA;
	s6 =	sshll.u32 s22, $0x7  }
0x1ef: {  	s14 =	sand.u32 $0xFFF8000, s23;
	s6 =	sand.u32 $0xF80, s6  }
0x1f0: {  	s6 =	sor.u32 s6, s14  }
0x1f1: {  	s14 =	sadd.s32 s2, s6  }
0x1f2: {  	[hbm4b:s14+s3] =	stream.linear.scatter [tilespmem:s21], [sflag:$0x4], $0x80, $0x38;
	[tilespmem:$0xEA00] =	vst v63  }
0x1f3: {  	s16 =	simm.s32 $0xC888;
	s24 =	sadd.s32 $0x10, s14  }
0x1f4: {  	[hbm4b:s24+s3] =	stream.linear.scatter [tilespmem:s16], [sflag:$0x4], $0x80, $0x38;
	[tilespmem:$0xEA00] =	vst v63  }
0x1f5: {  	s22 =	simm.s32 $0xC910;
	s16 =	sadd.s32 $0x20, s14  }
0x1f6: {  	[hbm4b:s16+s3] =	stream.linear.scatter [tilespmem:s22], [sflag:$0x4], $0x80, $0x38;
	[tilespmem:$0xEA00] =	vst v63  }
0x1f7: {  	s23 =	sadd.s32 $0x30, s14;
	s24 =	simm.s32 $0xC998  }
0x1f8: {  	[hbm4b:s23+s3] =	stream.linear.scatter [tilespmem:s24], [sflag:$0x4], $0x80, $0x38;
	[tilespmem:$0xEA00] =	vst v63  }
0x1f9: {  	s16 =	sadd.s32 $0x40, s14;
	s22 =	simm.s32 $0xCA20  }
0x1fa: {  	[hbm4b:s16+s3] =	stream.linear.scatter [tilespmem:s22], [sflag:$0x4], $0x80, $0x38;
	[tilespmem:$0xEA00] =	vst v63  }
0x1fb: {  	s23 =	sadd.s32 $0x50, s14;
	s24 =	simm.s32 $0xCAA8  }
0x1fc: {  	[hbm4b:s23+s3] =	stream.linear.scatter [tilespmem:s24], [sflag:$0x4], $0x80, $0x38;
	[tilespmem:$0xEA00] =	vst v63  }
0x1fd: {  	s16 =	sadd.s32 $0x60, s14;
	s22 =	simm.s32 $0xCB30  }
0x1fe: {  	[hbm4b:s16+s3] =	stream.linear.scatter [tilespmem:s22], [sflag:$0x4], $0x80, $0x38;
	[tilespmem:$0xEA00] =	vst v63  }
0x1ff: {  	s14 =	sadd.s32 $0x70, s14;
	s23 =	simm.s32 $0xCBB8  }
0x200: {  	[hbm4b:s14+s3] =	stream.linear.scatter [tilespmem:s23], [sflag:$0x4], $0x80, $0x38;
	[tilespmem:$0xEA00] =	vst v63  }
0x201: {  	s24 =	simm.s32 $0xCC40;
	s14 =	sadd.s32 s6, s7  }
0x202: {  	[hbm4b:s14+s3] =	stream.linear.scatter [tilespmem:s24], [sflag:$0x4], $0x80, $0x38;
	[tilespmem:$0xEA00] =	vst v63  }
0x203: {  	s22 =	simm.s32 $0xCCC8;
	s16 =	sadd.s32 $0x10, s14  }
0x204: {  	[hbm4b:s16+s3] =	stream.linear.scatter [tilespmem:s22], [sflag:$0x4], $0x80, $0x38;
	[tilespmem:$0xEA00] =	vst v63  }
0x205: {  	s23 =	sadd.s32 $0x20, s14;
	s24 =	simm.s32 $0xCD50  }
0x206: {  	[hbm4b:s23+s3] =	stream.linear.scatter [tilespmem:s24], [sflag:$0x4], $0x80, $0x38;
	[tilespmem:$0xEA00] =	vst v63  }
0x207: {  	s16 =	sadd.s32 $0x30, s14;
	s22 =	simm.s32 $0xCDD8  }
0x208: {  	[hbm4b:s16+s3] =	stream.linear.scatter [tilespmem:s22], [sflag:$0x4], $0x80, $0x38;
	[tilespmem:$0xEA00] =	vst v63  }
0x209: {  	s23 =	sadd.s32 $0x40, s14;
	s24 =	simm.s32 $0xCE60  }
0x20a: {  	[hbm4b:s23+s3] =	stream.linear.scatter [tilespmem:s24], [sflag:$0x4], $0x80, $0x38;
	[tilespmem:$0xEA00] =	vst v63  }
0x20b: {  	s16 =	sadd.s32 $0x50, s14;
	s22 =	simm.s32 $0xCEE8  }
0x20c: {  	[hbm4b:s16+s3] =	stream.linear.scatter [tilespmem:s22], [sflag:$0x4], $0x80, $0x38;
	[tilespmem:$0xEA00] =	vst v63  }
0x20d: {  	s23 =	sadd.s32 $0x60, s14;
	s24 =	simm.s32 $0xCF70  }
0x20e: {  	[hbm4b:s23+s3] =	stream.linear.scatter [tilespmem:s24], [sflag:$0x4], $0x80, $0x38;
	[tilespmem:$0xEA00] =	vst v63  }
0x20f: {  	s14 =	sadd.s32 $0x70, s14;
	s16 =	simm.s32 $0xCFF8  }
0x210: {  	[hbm4b:s14+s3] =	stream.linear.scatter [tilespmem:s16], [sflag:$0x4], $0x80, $0x38;
	[tilespmem:$0xEA00] =	vst v63  }
0x211: {  	s22 =	simm.s32 $0xD080;
	s14 =	sadd.s32 s6, s8  }
0x212: {  	[hbm4b:s14+s3] =	stream.linear.scatter [tilespmem:s22], [sflag:$0x4], $0x80, $0x38;
	[tilespmem:$0xEA00] =	vst v63  }
0x213: {  	s24 =	simm.s32 $0xD108;
	s23 =	sadd.s32 $0x10, s14  }
0x214: {  	[hbm4b:s23+s3] =	stream.linear.scatter [tilespmem:s24], [sflag:$0x4], $0x80, $0x38;
	[tilespmem:$0xEA00] =	vst v63  }
0x215: {  	s16 =	sadd.s32 $0x20, s14;
	s22 =	simm.s32 $0xD190  }
0x216: {  	[hbm4b:s16+s3] =	stream.linear.scatter [tilespmem:s22], [sflag:$0x4], $0x80, $0x38;
	[tilespmem:$0xEA00] =	vst v63  }
0x217: {  	s23 =	sadd.s32 $0x30, s14;
	s24 =	simm.s32 $0xD218  }
0x218: {  	[hbm4b:s23+s3] =	stream.linear.scatter [tilespmem:s24], [sflag:$0x4], $0x80, $0x38;
	[tilespmem:$0xEA00] =	vst v63  }
0x219: {  	s16 =	sadd.s32 $0x40, s14;
	s22 =	simm.s32 $0xD2A0  }
0x21a: {  	[hbm4b:s16+s3] =	stream.linear.scatter [tilespmem:s22], [sflag:$0x4], $0x80, $0x38;
	[tilespmem:$0xEA00] =	vst v63  }
0x21b: {  	s23 =	sadd.s32 $0x50, s14;
	s24 =	simm.s32 $0xD328  }
0x21c: {  	[hbm4b:s23+s3] =	stream.linear.scatter [tilespmem:s24], [sflag:$0x4], $0x80, $0x38;
	[tilespmem:$0xEA00] =	vst v63  }
0x21d: {  	s16 =	sadd.s32 $0x60, s14;
	s22 =	simm.s32 $0xD3B0  }
0x21e: {  	[hbm4b:s16+s3] =	stream.linear.scatter [tilespmem:s22], [sflag:$0x4], $0x80, $0x38;
	[tilespmem:$0xEA00] =	vst v63  }
0x21f: {  	s14 =	sadd.s32 $0x70, s14;
	s23 =	simm.s32 $0xD438  }
0x220: {  	[hbm4b:s14+s3] =	stream.linear.scatter [tilespmem:s23], [sflag:$0x4], $0x80, $0x38;
	[tilespmem:$0xEA00] =	vst v63  }
0x221: {  	s24 =	simm.s32 $0xD4C0;
	s14 =	sadd.s32 s6, s9  }
0x222: {  	[hbm4b:s14+s3] =	stream.linear.scatter [tilespmem:s24], [sflag:$0x4], $0x80, $0x38;
	[tilespmem:$0xEA00] =	vst v63  }
0x223: {  	s22 =	simm.s32 $0xD548;
	s16 =	sadd.s32 $0x10, s14  }
0x224: {  	[hbm4b:s16+s3] =	stream.linear.scatter [tilespmem:s22], [sflag:$0x4], $0x80, $0x38;
	[tilespmem:$0xEA00] =	vst v63  }
0x225: {  	s23 =	sadd.s32 $0x20, s14;
	s24 =	simm.s32 $0xD5D0  }
0x226: {  	[hbm4b:s23+s3] =	stream.linear.scatter [tilespmem:s24], [sflag:$0x4], $0x80, $0x38;
	[tilespmem:$0xEA00] =	vst v63  }
0x227: {  	s16 =	sadd.s32 $0x30, s14;
	s22 =	simm.s32 $0xD658  }
0x228: {  	[hbm4b:s16+s3] =	stream.linear.scatter [tilespmem:s22], [sflag:$0x4], $0x80, $0x38;
	[tilespmem:$0xEA00] =	vst v63  }
0x229: {  	s23 =	sadd.s32 $0x40, s14;
	s24 =	simm.s32 $0xD6E0  }
0x22a: {  	[hbm4b:s23+s3] =	stream.linear.scatter [tilespmem:s24], [sflag:$0x4], $0x80, $0x38;
	[tilespmem:$0xEA00] =	vst v63  }
0x22b: {  	s16 =	sadd.s32 $0x50, s14;
	s22 =	simm.s32 $0xD768  }
0x22c: {  	[hbm4b:s16+s3] =	stream.linear.scatter [tilespmem:s22], [sflag:$0x4], $0x80, $0x38;
	[tilespmem:$0xEA00] =	vst v63  }
0x22d: {  	s23 =	sadd.s32 $0x60, s14;
	s24 =	simm.s32 $0xD7F0  }
0x22e: {  	[hbm4b:s23+s3] =	stream.linear.scatter [tilespmem:s24], [sflag:$0x4], $0x80, $0x38;
	[tilespmem:$0xEA00] =	vst v63  }
0x22f: {  	s14 =	sadd.s32 $0x70, s14;
	s16 =	simm.s32 $0xD878  }
0x230: {  	[hbm4b:s14+s3] =	stream.linear.scatter [tilespmem:s16], [sflag:$0x4], $0x80, $0x38;
	[tilespmem:$0xEA00] =	vst v63  }
0x231: {  	s22 =	simm.s32 $0xD900;
	s14 =	sadd.s32 s6, s10  }
0x232: {  	[hbm4b:s14+s3] =	stream.linear.scatter [tilespmem:s22], [sflag:$0x4], $0x80, $0x38;
	[tilespmem:$0xEA00] =	vst v63  }
0x233: {  	s24 =	simm.s32 $0xD988;
	s23 =	sadd.s32 $0x10, s14  }
0x234: {  	[hbm4b:s23+s3] =	stream.linear.scatter [tilespmem:s24], [sflag:$0x4], $0x80, $0x38;
	[tilespmem:$0xEA00] =	vst v63  }
0x235: {  	s16 =	sadd.s32 $0x20, s14;
	s22 =	simm.s32 $0xDA10  }
0x236: {  	[hbm4b:s16+s3] =	stream.linear.scatter [tilespmem:s22], [sflag:$0x4], $0x80, $0x38;
	[tilespmem:$0xEA00] =	vst v63  }
0x237: {  	s23 =	sadd.s32 $0x30, s14;
	s24 =	simm.s32 $0xDA98  }
0x238: {  	[hbm4b:s23+s3] =	stream.linear.scatter [tilespmem:s24], [sflag:$0x4], $0x80, $0x38;
	[tilespmem:$0xEA00] =	vst v63  }
0x239: {  	s16 =	sadd.s32 $0x40, s14;
	s22 =	simm.s32 $0xDB20  }
0x23a: {  	[hbm4b:s16+s3] =	stream.linear.scatter [tilespmem:s22], [sflag:$0x4], $0x80, $0x38;
	[tilespmem:$0xEA00] =	vst v63  }
0x23b: {  	s23 =	sadd.s32 $0x50, s14;
	s24 =	simm.s32 $0xDBA8  }
0x23c: {  	[hbm4b:s23+s3] =	stream.linear.scatter [tilespmem:s24], [sflag:$0x4], $0x80, $0x38;
	[tilespmem:$0xEA00] =	vst v63  }
0x23d: {  	s16 =	sadd.s32 $0x60, s14;
	s22 =	simm.s32 $0xDC30  }
0x23e: {  	[hbm4b:s16+s3] =	stream.linear.scatter [tilespmem:s22], [sflag:$0x4], $0x80, $0x38;
	[tilespmem:$0xEA00] =	vst v63  }
0x23f: {  	s14 =	sadd.s32 $0x70, s14;
	s23 =	simm.s32 $0xDCB8  }
0x240: {  	[hbm4b:s14+s3] =	stream.linear.scatter [tilespmem:s23], [sflag:$0x4], $0x80, $0x38;
	[tilespmem:$0xEA00] =	vst v63  }
0x241: {  	s24 =	simm.s32 $0xDD40;
	s14 =	sadd.s32 s6, s11  }
0x242: {  	[hbm4b:s14+s3] =	stream.linear.scatter [tilespmem:s24], [sflag:$0x4], $0x80, $0x38;
	[tilespmem:$0xEA00] =	vst v63  }
0x243: {  	s22 =	simm.s32 $0xDDC8;
	s16 =	sadd.s32 $0x10, s14  }
0x244: {  	[hbm4b:s16+s3] =	stream.linear.scatter [tilespmem:s22], [sflag:$0x4], $0x80, $0x38;
	[tilespmem:$0xEA00] =	vst v63  }
0x245: {  	s23 =	sadd.s32 $0x20, s14;
	s24 =	simm.s32 $0xDE50  }
0x246: {  	[hbm4b:s23+s3] =	stream.linear.scatter [tilespmem:s24], [sflag:$0x4], $0x80, $0x38;
	[tilespmem:$0xEA00] =	vst v63  }
0x247: {  	s16 =	sadd.s32 $0x30, s14;
	s22 =	simm.s32 $0xDED8  }
0x248: {  	[hbm4b:s16+s3] =	stream.linear.scatter [tilespmem:s22], [sflag:$0x4], $0x80, $0x38;
	[tilespmem:$0xEA00] =	vst v63  }
0x249: {  	s23 =	sadd.s32 $0x40, s14;
	s24 =	simm.s32 $0xDF60  }
0x24a: {  	[hbm4b:s23+s3] =	stream.linear.scatter [tilespmem:s24], [sflag:$0x4], $0x80, $0x38;
	[tilespmem:$0xEA00] =	vst v63  }
0x24b: {  	s16 =	sadd.s32 $0x50, s14;
	s22 =	simm.s32 $0xDFE8  }
0x24c: {  	[hbm4b:s16+s3] =	stream.linear.scatter [tilespmem:s22], [sflag:$0x4], $0x80, $0x38;
	[tilespmem:$0xEA00] =	vst v63  }
0x24d: {  	s23 =	sadd.s32 $0x60, s14;
	s24 =	simm.s32 $0xE070  }
0x24e: {  	[hbm4b:s23+s3] =	stream.linear.scatter [tilespmem:s24], [sflag:$0x4], $0x80, $0x38;
	[tilespmem:$0xEA00] =	vst v63  }
0x24f: {  	s14 =	sadd.s32 $0x70, s14;
	s16 =	simm.s32 $0xE0F8  }
0x250: {  	[hbm4b:s14+s3] =	stream.linear.scatter [tilespmem:s16], [sflag:$0x4], $0x80, $0x38;
	[tilespmem:$0xEA00] =	vst v63  }
0x251: {  	s22 =	simm.s32 $0xE180;
	s14 =	sadd.s32 s6, s12  }
0x252: {  	[hbm4b:s14+s3] =	stream.linear.scatter [tilespmem:s22], [sflag:$0x4], $0x80, $0x38;
	[tilespmem:$0xEA00] =	vst v63  }
0x253: {  	s24 =	simm.s32 $0xE208;
	s23 =	sadd.s32 $0x10, s14  }
0x254: {  	[hbm4b:s23+s3] =	stream.linear.scatter [tilespmem:s24], [sflag:$0x4], $0x80, $0x38;
	[tilespmem:$0xEA00] =	vst v63  }
0x255: {  	s16 =	sadd.s32 $0x20, s14;
	s22 =	simm.s32 $0xE290  }
0x256: {  	[hbm4b:s16+s3] =	stream.linear.scatter [tilespmem:s22], [sflag:$0x4], $0x80, $0x38;
	[tilespmem:$0xEA00] =	vst v63  }
0x257: {  	s23 =	sadd.s32 $0x30, s14;
	s24 =	simm.s32 $0xE318  }
0x258: {  	[hbm4b:s23+s3] =	stream.linear.scatter [tilespmem:s24], [sflag:$0x4], $0x80, $0x38;
	[tilespmem:$0xEA00] =	vst v63  }
0x259: {  	s16 =	sadd.s32 $0x40, s14;
	s22 =	simm.s32 $0xE3A0  }
0x25a: {  	[hbm4b:s16+s3] =	stream.linear.scatter [tilespmem:s22], [sflag:$0x4], $0x80, $0x38;
	[tilespmem:$0xEA00] =	vst v63  }
0x25b: {  	s23 =	sadd.s32 $0x50, s14;
	s24 =	simm.s32 $0xE428  }
0x25c: {  	[hbm4b:s23+s3] =	stream.linear.scatter [tilespmem:s24], [sflag:$0x4], $0x80, $0x38;
	[tilespmem:$0xEA00] =	vst v63  }
0x25d: {  	s16 =	sadd.s32 $0x60, s14;
	s22 =	simm.s32 $0xE4B0  }
0x25e: {  	[hbm4b:s16+s3] =	stream.linear.scatter [tilespmem:s22], [sflag:$0x4], $0x80, $0x38;
	[tilespmem:$0xEA00] =	vst v63  }
0x25f: {  	s14 =	sadd.s32 $0x70, s14;
	s23 =	simm.s32 $0xE538  }
0x260: {  	[hbm4b:s14+s3] =	stream.linear.scatter [tilespmem:s23], [sflag:$0x4], $0x80, $0x38;
	[tilespmem:$0xEA00] =	vst v63  }
0x261: {  	s6 =	sadd.s32 s6, s13  }
0x262: {  	[hbm4b:s6+s3] =	stream.linear.scatter [tilespmem:s28], [sflag:$0x4], $0x80, $0x38;
	[tilespmem:$0xEA00] =	vst v63  }
0x263: {  	s24 =	sadd.s32 $0x10, s6  }
0x264: {  	[hbm4b:s24+s3] =	stream.linear.scatter [tilespmem:s29], [sflag:$0x4], $0x80, $0x38;
	[tilespmem:$0xEA00] =	vst v63  }
0x265: {  	s15 =	sadd.s32 $0x20, s6  }
0x266: {  	[hbm4b:s15+s3] =	stream.linear.scatter [tilespmem:s30], [sflag:$0x4], $0x80, $0x38;
	[tilespmem:$0xEA00] =	vst v63  }
0x267: {  	s16 =	sadd.s32 $0x30, s6  }
0x268: {  	[hbm4b:s16+s3] =	stream.linear.scatter [tilespmem:s31], [sflag:$0x4], $0x80, $0x38;
	[tilespmem:$0xEA00] =	vst v63  }
0x269: {  	s19 =	sadd.s32 $0x1, s19;
	s22 =	sadd.s32 $0x40, s6  }
0x26a: {  	[hbm4b:s22+s3] =	stream.linear.scatter [tilespmem:s1], [sflag:$0x4], $0x80, $0x38;
	[tilespmem:$0xEA00] =	vst v63  }
0x26b: {  	p0 =	sne.s32 s19, $0x64;
	s23 =	sadd.s32 $0x50, s6  }
0x26c: {  	[hbm4b:s23+s3] =	stream.linear.scatter [tilespmem:s0], [sflag:$0x4], $0x80, $0x38;
	[tilespmem:$0xEA00] =	vst v63  }
.Ltmp2:
0x26d: {  	_ = 	snop;
	(pc) =	sbr.rel @p0 .LBB2_2-.Ltmp2, $4  }
0x26e: {  	s24 =	sadd.s32 $0x60, s6  }
0x26f: {  	[hbm4b:s24+s3] =	stream.linear.scatter [tilespmem:s17], [sflag:$0x4], $0x80, $0x38;
	[tilespmem:$0xEA00] =	vst v63  }
0x270: {  	s6 =	sadd.s32 $0x70, s6  }
0x271: {  	[hbm4b:s6+s3] =	stream.linear.scatter [tilespmem:s18], [sflag:$0x4], $0x80, $0x38;
	[tilespmem:$0xEA00] =	vst v63  }
0x272: {  	s6 =	simm.s32 $0x3  }
0x273: {  	_ =	swait.ge [sflag:s6], $0x400  }
0x274: {  	[sflag:s6] =	ssyncset.done $0x0  }
0x275: {  	[sflag:s6] =	ssyncadd.s32 $0xFFFFFC00  }
0x276: {  	_ =	swait.ge [sflag:s6], $0x400  }
0x277: {  	[sflag:s6] =	ssyncset.done $0x0  }
0x278: {  	[sflag:s6] =	ssyncadd.s32 $0xFFFFFC00  }
0x279: {  	_ =	swait.ge [sflag:s6], $0x400  }
0x27a: {  	[sflag:s6] =	ssyncset.done $0x0  }
0x27b: {  	[sflag:s6] =	ssyncadd.s32 $0xFFFFFC00  }
0x27c: {  	_ =	swait.ge [sflag:s6], $0x400  }
0x27d: {  	[sflag:s6] =	ssyncset.done $0x0  }
0x27e: {  	[sflag:s6] =	ssyncadd.s32 $0xFFFFFC00  }
0x27f: {  	_ =	swait.ge [sflag:s6], $0x400  }
0x280: {  	[sflag:s6] =	ssyncset.done $0x0  }
0x281: {  	[sflag:s6] =	ssyncadd.s32 $0xFFFFFC00  }
0x282: {  	_ =	swait.ge [sflag:s6], $0x400  }
0x283: {  	[sflag:s6] =	ssyncset.done $0x0  }
0x284: {  	[sflag:s6] =	ssyncadd.s32 $0xFFFFFC00  }
0x285: {  	_ =	swait.ge [sflag:s6], $0x400  }
0x286: {  	[sflag:s6] =	ssyncset.done $0x0  }
0x287: {  	[sflag:s6] =	ssyncadd.s32 $0xFFFFFC00  }
0x288: {  	_ =	swait.ge [sflag:s6], $0x400  }
0x289: {  	[sflag:s6] =	ssyncset.done $0x0  }
0x28a: {  	s14 =	simm.s32 $0x4;
	[sflag:s6] =	ssyncadd.s32 $0xFFFFFC00  }
0x28b: {  	_ =	swait.ge [sflag:s14], $0x400  }
0x28c: {  	[sflag:s14] =	ssyncset.done $0x0  }
0x28d: {  	[sflag:s14] =	ssyncadd.s32 $0xFFFFFC00  }
0x28e: {  	_ =	swait.ge [sflag:s14], $0x400  }
0x28f: {  	[sflag:s14] =	ssyncset.done $0x0  }
0x290: {  	[sflag:s14] =	ssyncadd.s32 $0xFFFFFC00  }
0x291: {  	_ =	swait.ge [sflag:s14], $0x400  }
0x292: {  	[sflag:s14] =	ssyncset.done $0x0  }
0x293: {  	[sflag:s14] =	ssyncadd.s32 $0xFFFFFC00  }
0x294: {  	_ =	swait.ge [sflag:s14], $0x400  }
0x295: {  	[sflag:s14] =	ssyncset.done $0x0  }
0x296: {  	[sflag:s14] =	ssyncadd.s32 $0xFFFFFC00  }
0x297: {  	_ =	swait.ge [sflag:s14], $0x400  }
0x298: {  	[sflag:s14] =	ssyncset.done $0x0  }
0x299: {  	[sflag:s14] =	ssyncadd.s32 $0xFFFFFC00  }
0x29a: {  	_ =	swait.ge [sflag:s14], $0x400  }
0x29b: {  	[sflag:s14] =	ssyncset.done $0x0  }
0x29c: {  	[sflag:s14] =	ssyncadd.s32 $0xFFFFFC00  }
0x29d: {  	_ =	swait.ge [sflag:s14], $0x400  }
0x29e: {  	[sflag:s14] =	ssyncset.done $0x0  }
0x29f: {  	[sflag:s14] =	ssyncadd.s32 $0xFFFFFC00  }
0x2a0: {  	_ =	swait.ge [sflag:s14], $0x400  }
0x2a1: {  	s15 =	rddreg [dreg:$0x5]  }
0x2a2: {  	s24 =	rddreg [dreg:$0x4];
	s15 =	sadd.s32 $0x1, s15  }
0x2a3: {  	p0 =	sne.s32 s15, s24  }
.Ltmp3:
0x2a4: {  	_ = 	snop;
	(pc) =	sbr.rel @p0 .LBB2_1-.Ltmp3, $3  }
0x2a5: {  	_ =	sdelay $0x1  }
0x2a6: {  	[sflag:s14] =	ssyncset.done $0x0  }
0x2a7: {  	[sflag:s14] =	ssyncadd.s32 $0xFFFFFC00  }
0x2a8: {  	_ =	sfence.sel $0x180000  }
0x2a9: {  	[bflag:$0x0] =	sbarrier.arrive $0xFFFF  }
0x2aa: {  	_ =	strace $0x9000004A  }
0x2ab: {  	s0 =	stileid.u32;
	[bflag:$0x2] =	sbarrier.arrive $0xFFFF  }
0x2ac: {  	p0 =	sne.s32 s0, $0x0;
	s0 =	rddreg [dreg:$0x2]  }
0x2ad: {  	s0 =	sadd.s32 @!p0 $0x100000, s0  }
0x2ae: {  	[sflag:s0] =	ssyncadd.tile.s32 @!p0 $0x1;
	_ =	shalt  }
.Lfunc_end2:
_tile_overlayer_lowered:
.L_overlay_start_2:
0x2af: {  	(tag) =	ssettag $0x2  }
0x2b0: {  	s0 =	rddreg [dreg:$0x0];
	s2 =	stileid.u32  }
0x2b1: {  	s1 =	rddreg [dreg:$0x1];
	p0 =	sne.s32 s2, $0x0  }
0x2b2: {  	s3 =	rddreg [dreg:$0x2];
	[bflag:$0x3] =	sbarrier.arrive $0xFFFF;
	s2 =	simm.s32 @!p0 $0x1C05  }
0x2b3: {  	[timem:s3], [sflag:s2] =	dma.local @!p0 [hbm:s0], s1  }
0x2b4: {  	s0 =	simm.s32 @!p0 $0x5  }
0x2b5: {  	_ =	swait.ge @!p0 [sflag:s0], s1  }
0x2b6: {  	s1 =	ssub.s32 @!p0 $0x0, s1;
	[sflag:s0] =	ssyncset.done @!p0 $0x0  }
0x2b7: {  	[sflag:s0] =	ssyncadd.s32 @!p0 s1  }
0x2b8: {  	[bflag:$0x3] =	sbarrier.arrive $0xFFFF  }
0x2b9: {  	_ =	shalt  }

</sc_bundles>
